<compile_context>
chip_gen: v7x
topology: tpu7x:2x2x1
jax: 0.10.2.dev20260603
libtpu: 0.0.44.dev20260713+nightly
codegen_flags: <defaults>
</compile_context>

<pallas_src>
import dataclasses
import functools

import jax
import jax.numpy as jnp
from jax import lax
from jax.experimental import pallas as pl
from jax.experimental.pallas import tpu as pltpu
from jax.experimental.pallas import tpu_sc as plsc

MASKB = float(2 << 19)
EPS = 1e-5
NG = 2
BIGF = 3.0e38

_NC, _NS, _L = 2, 16, 16
_NW = _NC * _NS


def _leaky(v):
    return jnp.where(v >= 0, v, 0.2 * v)



def _dist_kernel(xa_ref, ya_ref, xb_ref, yb_ref, sqx_ref, sqy_ref,
                 d2_ref, bm_ref, *, kk):
    dot = jnp.dot(xa_ref[...], ya_ref[...],
                  preferred_element_type=jnp.float32)
    sq = sqx_ref[...] + sqy_ref[0:1, :]
    neq = xb_ref[...] != yb_ref[0:1, :]
    dd = sq - 2.0 * dot + jnp.where(neq, MASKB, 0.0)
    d2_ref[...] = dd

    rb, cp = dd.shape
    ns = cp // 128
    dv = dd.reshape(rb, ns, 128)
    lm = jnp.min(dv, axis=1)
    for _ in range(kk - 1):
        m = jnp.min(lm, axis=1, keepdims=True)
        lm = jnp.where(lm == m, BIGF, lm)
    tau = jnp.min(lm, axis=1, keepdims=True)

    ns_pad = ((ns + 15) // 16) * 16
    for g in range(ns_pad // 16):
        acc = jnp.zeros((rb, 128), jnp.float32)
        for j in range(16):
            sidx = g * 16 + j
            if sidx < ns:
                acc = acc + jnp.where(dv[:, sidx, :] <= tau,
                                      float(1 << j), 0.0)
        bm_ref[:, g * 128:(g + 1) * 128] = acc



def _make_select(np_, cp, nwords, nk):
    rows_per_w = np_ // _NW
    ch = 16
    nch = rows_per_w // ch
    ncap = 48
    wcap = 80
    nwc = nwords // 16
    gpr = cp // 16
    mesh = plsc.VectorSubcoreMesh(core_axis_name="c", subcore_axis_name="s")
    cparams = pltpu.CompilerParams()
    if "needs_layout_passes" in pltpu.CompilerParams.__dataclass_fields__:
        cparams = dataclasses.replace(cparams, needs_layout_passes=False)
    if "use_tc_tiling_on_sc" in pltpu.CompilerParams.__dataclass_fields__:
        cparams = dataclasses.replace(cparams, use_tc_tiling_on_sc=False)

    def body(bm_hbm, d2g_hbm, y_hbm, x_hbm, idx_hbm, dst_hbm,
             bmc, xc, wval, widx, cand, gidx, ncb, grows, ygath,
             oidx, odst, tmpk, tmpv, sem_g, sem_y):
        w = lax.axis_index("s") * _NC + lax.axis_index("c")
        row0 = w * rows_per_w
        iota = lax.iota(jnp.int32, _L)
        zi = jnp.zeros((_L,), jnp.int32)

        @pl.loop(0, ch)
        def _init(i):
            for b in range(ncap // 16):
                cand[i, pl.ds(16 * b, 16)] = zi

        @pl.loop(0, nch)
        def _chunk(ci):
            r0 = row0 + ci * ch
            pltpu.sync_copy(bm_hbm.at[pl.ds(r0, ch)], bmc)
            pltpu.sync_copy(x_hbm.at[pl.ds(r0, ch)], xc)

            @pl.loop(0, ch)
            def _l1(i):
                r = r0 + i
                nw = 0
                for wc in range(nwc):
                    wv = bmc[i, pl.ds(wc * 16, 16)]
                    m = wv != 0.0
                    nws = jnp.minimum(nw, wcap - 16)
                    plsc.store_compressed(wval.at[pl.ds(nws, 16)], wv, mask=m)
                    plsc.store_compressed(
                        widx.at[pl.ds(nws, 16)],
                        jnp.full((_L,), wc * 16, jnp.int32) + iota, mask=m)
                    nw = nw + jnp.sum(m.astype(jnp.int32))

                def decw(j, nc):
                    jj = jnp.full((_L,), j, jnp.int32)
                    wvi = plsc.load_gather(wval, [jj]).astype(jnp.int32)
                    wj = plsc.load_gather(widx, [jj])
                    msk = ((wvi >> iota) & 1) == 1
                    cols = ((wj // 128) * 16 + iota) * 128 + (wj % 128)
                    ncs = jnp.minimum(nc, ncap - 16)
                    plsc.store_compressed(cand.at[i].at[pl.ds(ncs, 16)],
                                          cols, mask=msk)
                    return nc + jnp.sum(msk.astype(jnp.int32))

                nc = lax.fori_loop(0, jnp.minimum(nw, wcap - 16), decw, 0)
                ncb[i, pl.ds(0, 16)] = jnp.full((_L,), nc, jnp.int32)
                for b in range(ncap // 16):
                    cv = cand[i, pl.ds(16 * b, 16)]
                    gidx[i, pl.ds(16 * b, 16)] = r * gpr + cv // 16
                pltpu.async_copy(d2g_hbm.at[gidx.at[i]], grows.at[i], sem_g)

            @pl.loop(0, ch)
            def _d1(i):
                pltpu.make_async_copy(
                    d2g_hbm.at[gidx.at[i]], grows.at[i], sem_g).wait()

            @pl.loop(0, ch)
            def _l2(i):
                ncv = ncb[i, pl.ds(0, 16)]
                ks, vs = [], []
                for b in range(ncap // 16):
                    cv = cand[i, pl.ds(16 * b, 16)]
                    ri = iota + 16 * b
                    vals = plsc.load_gather(grows.at[i], [ri, cv % 16])
                    vals = jnp.where(ri < ncv, vals, BIGF)
                    sk, sv = plsc.sort_key_val(vals, cv)
                    ks.append(sk)
                    vs.append(sv)

                def merge(ka, va, kb, vb):
                    rk = lax.rev(kb, (0,))
                    rv = lax.rev(vb, (0,))
                    sel = ka <= rk
                    lk, lv = plsc.sort_key_val(
                        jnp.minimum(ka, rk), jnp.where(sel, va, rv))
                    hk, hv = plsc.sort_key_val(
                        jnp.maximum(ka, rk), jnp.where(sel, rv, va))
                    return lk, lv, hk, hv

                l1k, l1v, h1k, h1v = merge(ks[0], vs[0], ks[1], vs[1])
                l2k, l2v, h2k, h2v = merge(l1k, l1v, ks[2], vs[2])
                is0 = iota == 0
                m1 = jnp.min(jnp.where(is0, h1k, BIGF))
                m2 = jnp.min(jnp.where(is0, h2k, BIGF))
                c1 = jnp.max(jnp.where(is0, h1v, -1))
                c2 = jnp.max(jnp.where(is0, h2v, -1))
                k17 = jnp.where(m2 <= m1, m2, m1)
                c17 = jnp.where(m2 <= m1, c2, c1)
                tmpk[pl.ds(0, 16)] = l2k
                tmpv[pl.ds(0, 16)] = l2v
                sh = jnp.minimum(iota + 1, 15)
                fk = jnp.where(iota == 15, k17, plsc.load_gather(tmpk, [sh]))
                fv = jnp.where(iota == 15, c17, plsc.load_gather(tmpv, [sh]))
                oidx[i, pl.ds(0, 16)] = fv
                odst[i, pl.ds(0, 16)] = fk
                pltpu.async_copy(y_hbm.at[fv], ygath.at[i], sem_y)

            @pl.loop(0, ch)
            def _d2l(i):
                pltpu.make_async_copy(
                    y_hbm.at[oidx.at[i]], ygath.at[i], sem_y).wait()

            @pl.loop(0, ch)
            def _l3(i):
                ii = jnp.full((_L,), i, jnp.int32)
                acc = None
                for c in range(3):
                    cc = jnp.full((_L,), c, jnp.int32)
                    xcb = plsc.load_gather(xc, [ii, cc])
                    yc = plsc.load_gather(ygath, [ii, iota, cc])
                    delta = xcb - yc
                    sqd = delta * delta
                    acc = sqd if acc is None else acc + sqd
                odst[i, pl.ds(0, 16)] = acc

            pltpu.sync_copy(oidx, idx_hbm.at[pl.ds(r0, ch)])
            pltpu.sync_copy(odst, dst_hbm.at[pl.ds(r0, ch)])

    return pl.kernel(
        body,
        out_type=[jax.ShapeDtypeStruct((np_, 16), jnp.int32),
                  jax.ShapeDtypeStruct((np_, 16), jnp.float32)],
        mesh=mesh,
        scratch_types=[
            pltpu.VMEM((ch, nwords), jnp.float32),
            pltpu.VMEM((ch, 16), jnp.float32),
            pltpu.VMEM((wcap,), jnp.float32),
            pltpu.VMEM((wcap,), jnp.int32),
            pltpu.VMEM((ch, ncap), jnp.int32),
            pltpu.VMEM((ch, ncap), jnp.int32),
            pltpu.VMEM((ch, 16), jnp.int32),
            pltpu.VMEM((ch, ncap, 16), jnp.float32),
            pltpu.VMEM((ch, 16, 16), jnp.float32),
            pltpu.VMEM((ch, 16), jnp.int32),
            pltpu.VMEM((ch, 16), jnp.float32),
            pltpu.VMEM((16,), jnp.float32),
            pltpu.VMEM((16,), jnp.int32),
            pltpu.SemaphoreType.DMA,
            pltpu.SemaphoreType.DMA,
        ],
        compiler_params=cparams)



def _make_gather(e, wp):
    per_w = e // _NW
    chg = 128
    nch = per_w // chg
    mesh = plsc.VectorSubcoreMesh(core_axis_name="c", subcore_axis_name="s")

    def body(t_hbm, i_hbm, o_hbm, idxv, rows, semg, semo):
        w = lax.axis_index("s") * _NC + lax.axis_index("c")
        base = w * per_w
        pltpu.sync_copy(i_hbm.at[pl.ds(base, per_w)], idxv)

        @pl.loop(0, nch)
        def _c(j):
            off = j * chg
            pltpu.async_copy(
                t_hbm.at[idxv.at[pl.ds(off, chg)]], rows.at[0], semg).wait()
            pltpu.sync_copy(rows.at[0], o_hbm.at[pl.ds(base + off, chg)])

    return pl.kernel(
        body,
        out_type=jax.ShapeDtypeStruct((e, wp), jnp.float32),
        mesh=mesh,
        scratch_types=[
            pltpu.VMEM((per_w,), jnp.int32),
            pltpu.VMEM((1, chg, wp), jnp.float32),
            pltpu.SemaphoreType.DMA,
            pltpu.SemaphoreType.DMA,
        ])



def _ab_kernel(out_ref, w_ref, b1_ref, a_ref, b_ref):
    ab = jnp.dot(out_ref[...], w_ref[...], preferred_element_type=jnp.float32,
                 precision=jax.lax.Precision.HIGHEST)
    wp = a_ref.shape[-1]
    a_ref[...] = ab[:, :wp] + b1_ref[...]
    b_ref[...] = ab[:, wp:]


def _agg_kernel(a_ref, bg_ref, d2s_ref, wd_ref, w2_ref, b2_ref, g_ref,
                bt_ref, prev_ref, out_ref, *, nk):
    rb = a_ref.shape[0]
    wp = a_ref.shape[1]
    bg = bg_ref[...].reshape(rb, nk, wp)
    feat = (a_ref[...][:, None, :] + bg
            + d2s_ref[...][:, :, None] * wd_ref[...][None, :, :])
    s = jnp.sum(_leaky(feat), axis=1)
    msg = (jnp.dot(s, w2_ref[...], preferred_element_type=jnp.float32,
                   precision=jax.lax.Precision.HIGHEST)
           + float(nk) * b2_ref[...])
    d = msg.shape[1]
    g = d // NG
    lane = jax.lax.broadcasted_iota(jnp.int32, msg.shape, 1)
    in0 = lane < g
    m0 = jnp.sum(jnp.where(in0, msg, 0.0), axis=1, keepdims=True) / g
    m1 = jnp.sum(jnp.where(in0, 0.0, msg), axis=1, keepdims=True) / g
    mean = jnp.where(in0, m0, m1)
    dev = msg - mean
    v0 = jnp.sum(jnp.where(in0, dev * dev, 0.0), axis=1, keepdims=True) / g
    v1 = jnp.sum(jnp.where(in0, 0.0, dev * dev), axis=1, keepdims=True) / g
    var = jnp.where(in0, v0, v1)
    xn = dev / jnp.sqrt(var + EPS)
    gn = xn * g_ref[...] + bt_ref[...]
    out_ref[...] = prev_ref[...] + _leaky(gn)


def kernel(x, y, y_atomtypes, x_batch, y_batch, W1, b1, W2, b2, gamma, beta):
    n, d = y_atomtypes.shape
    kk = 17
    nk = kk - 1
    nl, h, _ = W1.shape
    wp = ((h + 127) // 128) * 128
    rb = 256
    np_ = ((n + 511) // 512) * 512
    cp = ((n + 127) // 128) * 128
    nwords = (((cp // 128) + 15) // 16) * 16 * 8

    xb = x_batch.astype(jnp.float32)
    yb = y_batch.astype(jnp.float32)
    sqx = jnp.sum(x * x, axis=1)
    sqy = jnp.sum(y * y, axis=1)

    zero = jnp.zeros((n,), jnp.float32)
    xa = jnp.stack([x[:, 0], x[:, 1], x[:, 2],
                    zero, zero, zero, zero, zero], axis=1)
    ya = jnp.stack([y[:, 0], y[:, 1], y[:, 2],
                    zero, zero, zero, zero, zero], axis=1)
    xa = jnp.zeros((np_, 8), jnp.float32).at[:n].set(xa)
    yap = jnp.zeros((cp, 8), jnp.float32).at[:n].set(ya)
    yat = yap.T
    xbf = jnp.zeros((np_, 1), jnp.float32).at[:n, 0].set(xb)
    ybf = jnp.broadcast_to(
        jnp.full((cp,), -1.0, jnp.float32).at[:n].set(yb), (8, cp))
    sqxc = jnp.zeros((np_, 1), jnp.float32).at[:n, 0].set(sqx)
    sqyr = jnp.broadcast_to(
        jnp.zeros((cp,), jnp.float32).at[:n].set(sqy), (8, cp))

    d2, bm = pl.pallas_call(
        functools.partial(_dist_kernel, kk=kk),
        grid=(np_ // rb,),
        in_specs=[pl.BlockSpec((rb, 8), lambda i: (i, 0)),
                  pl.BlockSpec((8, cp), lambda i: (0, 0)),
                  pl.BlockSpec((rb, 1), lambda i: (i, 0)),
                  pl.BlockSpec((8, cp), lambda i: (0, 0)),
                  pl.BlockSpec((rb, 1), lambda i: (i, 0)),
                  pl.BlockSpec((8, cp), lambda i: (0, 0))],
        out_specs=[pl.BlockSpec((rb, cp), lambda i: (i, 0)),
                   pl.BlockSpec((rb, nwords), lambda i: (i, 0))],
        out_shape=[jax.ShapeDtypeStruct((np_, cp), jnp.float32),
                   jax.ShapeDtypeStruct((np_, nwords), jnp.float32)],
    )(xa, yat, xbf, ybf, sqxc, sqyr)

    d2g = d2.reshape(np_ * (cp // 16), 16)
    ypadg = jnp.zeros((cp, 16), jnp.float32).at[:n, :3].set(y)
    xpadg = jnp.zeros((np_, 16), jnp.float32).at[:n, :3].set(x)
    idx2, d2s = _make_select(np_, cp, nwords, nk)(bm, d2g, ypadg, xpadg)

    out = jnp.zeros((np_, d), jnp.float32).at[:n].set(y_atomtypes)
    arb = 256
    flat_idx = idx2.reshape(-1)
    e = np_ * nk

    for i in range(nl):
        w1cat = jnp.zeros((d, 2 * wp), jnp.float32)
        w1cat = w1cat.at[:, :h].set(W1[i][:d, :])
        w1cat = w1cat.at[:, wp:wp + h].set(W1[i][d:2 * d, :])
        b1p = jnp.zeros((1, wp), jnp.float32).at[0, :h].set(b1[i])
        wdp = jnp.zeros((1, wp), jnp.float32).at[0, :h].set(W1[i][2 * d, :])
        w2p = jnp.zeros((wp, d), jnp.float32).at[:h, :].set(W2[i])

        a_arr, b_arr = pl.pallas_call(
            _ab_kernel,
            grid=(np_ // rb,),
            in_specs=[pl.BlockSpec((rb, d), lambda i_: (i_, 0)),
                      pl.BlockSpec((d, 2 * wp), lambda i_: (0, 0)),
                      pl.BlockSpec((1, wp), lambda i_: (0, 0))],
            out_specs=[pl.BlockSpec((rb, wp), lambda i_: (i_, 0)),
                       pl.BlockSpec((rb, wp), lambda i_: (i_, 0))],
            out_shape=[jax.ShapeDtypeStruct((np_, wp), jnp.float32),
                       jax.ShapeDtypeStruct((np_, wp), jnp.float32)],
        )(out, w1cat, b1p)

        bg = _make_gather(e, wp)(b_arr, flat_idx)

        out = pl.pallas_call(
            functools.partial(_agg_kernel, nk=nk),
            grid=(np_ // arb,),
            in_specs=[pl.BlockSpec((arb, wp), lambda i_: (i_, 0)),
                      pl.BlockSpec((arb * nk, wp), lambda i_: (i_, 0)),
                      pl.BlockSpec((arb, nk), lambda i_: (i_, 0)),
                      pl.BlockSpec((1, wp), lambda i_: (0, 0)),
                      pl.BlockSpec((wp, d), lambda i_: (0, 0)),
                      pl.BlockSpec((1, d), lambda i_: (0, 0)),
                      pl.BlockSpec((1, d), lambda i_: (0, 0)),
                      pl.BlockSpec((1, d), lambda i_: (0, 0)),
                      pl.BlockSpec((arb, d), lambda i_: (i_, 0))],
            out_specs=pl.BlockSpec((arb, d), lambda i_: (i_, 0)),
            out_shape=jax.ShapeDtypeStruct((np_, d), jnp.float32),
        )(a_arr, bg, d2s, wdp, w2p,
          b2[i][None, :], gamma[i][None, :], beta[i][None, :], out)

    return out[:n]

# --- scband reference (transcript-rebuilt; emitter-appended) ---
"""Pipeline reference for scband-atom-atom-embedding-mp-19988777795863 (READ-ONLY COPY).

The authoritative reference and input builder live on the scoring server;
editing this copy changes nothing except your own understanding.
"""

import jax, jax.numpy as jnp
import numpy as np

N = 10000
D = 128
K = 17
NL = 3
NG = 2
EPS = 1e-5


def _leaky(x):
    return jnp.where(x >= 0, x, 0.2 * x)


def _group_norm(x, gamma, beta):
    n, c = x.shape
    xg = x.reshape(n, NG, c // NG)
    mean = xg.mean(axis=-1, keepdims=True)
    var = xg.var(axis=-1, keepdims=True)
    xn = ((xg - mean) / jnp.sqrt(var + EPS)).reshape(n, c)
    return xn * gamma + beta


def setup_inputs(seed: int = 0):
    key = jax.random.key(seed)
    ks = jax.random.split(key, 10)
    x = jax.random.normal(ks[0], (N, 3), dtype=jnp.float32)
    y = jax.random.normal(ks[1], (N, 3), dtype=jnp.float32)
    y_atomtypes = jax.random.normal(ks[2], (N, D), dtype=jnp.float32)
    batch = jnp.sort(jax.random.randint(ks[3], (N,), 0, 4)).astype(jnp.int32)
    h = 2 * D + 1
    W1 = jax.random.normal(ks[4], (NL, h, h), dtype=jnp.float32) * 0.05
    b1 = jnp.zeros((NL, h), dtype=jnp.float32)
    W2 = jax.random.normal(ks[5], (NL, h, D), dtype=jnp.float32) * 0.05
    b2 = jnp.zeros((NL, D), dtype=jnp.float32)
    gamma = jnp.ones((NL, D), dtype=jnp.float32)
    beta = jnp.zeros((NL, D), dtype=jnp.float32)
    return {"x": x, "y": y, "y_atomtypes": y_atomtypes, "x_batch": batch, "y_batch": batch,
            "W1": W1, "b1": b1, "W2": W2, "b2": b2, "gamma": gamma, "beta": beta}


def reference(x, y, y_atomtypes, x_batch, y_batch, W1, b1, W2, b2, gamma, beta):
    # knn_atoms: batched argKmin over squared euclidean distances (keops LazyTensor equivalent)
    d2 = (x ** 2).sum(1)[:, None] + (y ** 2).sum(1)[None, :] - 2.0 * (x @ y.T)
    mask = x_batch[:, None] != y_batch[None, :]
    d2m = jnp.where(mask, jnp.inf, d2)
    _, idx = jax.lax.top_k(-d2m, K)  # [N, K] nearest neighbor indices
    x_ik = y[idx.reshape(-1)].reshape(N, K, 3)
    dists = ((x[:, None, :] - x_ik) ** 2).sum(-1)
    idx2 = idx[:, 1:]
    dists2 = dists[:, 1:]
    k = K - 1
    out = y_atomtypes
    for i in range(NL):
        feat = out[idx2.reshape(-1), :]
        feat = jnp.concatenate([feat, dists2.reshape(-1, 1)], axis=1).reshape(N, k, D + 1)
        feat = jnp.concatenate([jnp.repeat(out[:, None, :], k, axis=1), feat], axis=-1)
        hmid = _leaky(feat @ W1[i] + b1[i])
        msgs = hmid @ W2[i] + b2[i]  # dropout is identity in eval mode
        msg = msgs.sum(axis=1)
        out = out + _leaky(_group_norm(msg, gamma[i], beta[i]))
    return out

if __name__ == "__main__":
    import jax
    _d = setup_inputs()
    print(jax.jit(kernel)(*tuple(_d.values())))

</pallas_src>

<mosaic_0001>
#map = affine_map<(d0, d1) -> (0, 0)>
#map1 = affine_map<(d0, d1) -> (0)>
module attributes {stable_mosaic.version = 14 : i64} {
  func.func @body(%arg0: i32, %arg1: i32, %arg2: memref<10240x384xf32, #tpu.memory_space<hbm>>, %arg3: memref<163840xi32, #tpu.memory_space<hbm>>, %arg4: memref<163840x384xf32, #tpu.memory_space<hbm>>, %arg5: memref<5120xi32, #tpu.memory_space<vmem>>, %arg6: memref<1x128x384xf32, #tpu.memory_space<vmem>>, %arg7: memref<!tpu.dma_semaphore, #tpu.memory_space<semaphore_mem>>, %arg8: memref<!tpu.dma_semaphore, #tpu.memory_space<semaphore_mem>>) attributes {dimension_semantics = [#tpu.dimension_semantics<core_parallel>, #tpu.dimension_semantics<subcore_parallel>], iteration_bounds = array<i64: 2, 16>, scalar_prefetch = 0 : i64, scratch_operands = 4 : i64, tpu.core_type = #tpu.core_type<sc_vector_subcore>, window_params = [{transform_indices = #map}, {transform_indices = #map1}, {transform_indices = #map}]} {
    %mul3A = arith.constant 2 : i32
    %mul3A_0 = arith.muli %arg1, %mul3A : i32
    %add3A = arith.addi %mul3A_0, %arg0 : i32
    %mul3A_1 = arith.constant 5120 : i32
    %mul3A_2 = arith.muli %add3A, %mul3A_1 : i32
    "tpu.region"() ({
      %run_scoped3A = tpu.sem_alloc : memref<!tpu.dma_semaphore, #tpu.memory_space<semaphore_mem>>
      %dma_start3A = tpu.memref_slice %arg3[%mul3A_2] : memref<163840xi32, #tpu.memory_space<hbm>> -> memref<5120xi32, #tpu.memory_space<hbm>>
      %dma_start3A_7 = tpu.memref_slice %arg3[%mul3A_2] : memref<163840xi32, #tpu.memory_space<hbm>> -> memref<5120xi32, #tpu.memory_space<hbm>>
      tpu.enqueue_dma source(%dma_start3A_7 : memref<5120xi32, #tpu.memory_space<hbm>>) target(%arg5 : memref<5120xi32, #tpu.memory_space<vmem>>) target_semaphore(%run_scoped3A : memref<!tpu.dma_semaphore, #tpu.memory_space<semaphore_mem>>)
      %dma_wait3A = tpu.memref_slice %arg3[%mul3A_2] : memref<163840xi32, #tpu.memory_space<hbm>> -> memref<5120xi32, #tpu.memory_space<hbm>>
      %dma_wait3A_8 = tpu.memref_slice %arg3[%mul3A_2] : memref<163840xi32, #tpu.memory_space<hbm>> -> memref<5120xi32, #tpu.memory_space<hbm>>
      tpu.wait_dma2 semaphore(%run_scoped3A : memref<!tpu.dma_semaphore, #tpu.memory_space<semaphore_mem>>) src(%dma_wait3A_8 : memref<5120xi32, #tpu.memory_space<hbm>>) dst(%arg5 : memref<5120xi32, #tpu.memory_space<vmem>>)
      tpu.yield
    }) : () -> ()
    %scan3A = arith.constant 0 : i32
    %scan3A_3 = arith.constant 40 : i32
    %scan3A_4 = arith.addi %scan3A, %scan3A_3 : i32
    %scan3A_5 = arith.constant 1 : i32
    scf.for %scan3A_7 = %scan3A to %scan3A_4 step %scan3A_5  : i32 {
      %mul3A_8 = arith.constant 1 : i32
      %mul3A_9 = arith.muli %scan3A_7, %mul3A_8 : i32
      %add3A_10 = arith.constant 0 : i32
      %add3A_11 = arith.addi %add3A_10, %mul3A_9 : i32
      %mul3A_12 = arith.constant 128 : i32
      %mul3A_13 = arith.muli %add3A_11, %mul3A_12 : i32
      %dma_start3A = arith.constant 0 : i32
      %dma_start3A_14 = arith.constant 0 : i32
      %dma_start3A_15 = arith.constant 0 : i32
      %dma_start3A_16 = tpu.memref_slice %arg6[%dma_start3A, %dma_start3A_14, %dma_start3A_15] : memref<1x128x384xf32, #tpu.memory_space<vmem>> -> memref<1x128x384xf32, #tpu.memory_space<vmem>>
      %dma_start3A_17 = tpu.memref_squeeze %dma_start3A_16 : memref<1x128x384xf32, #tpu.memory_space<vmem>> -> memref<128x384xf32, #tpu.memory_space<vmem>>
      %dma_start3A_18 = tpu.memref_slice %arg5[%mul3A_13] : memref<5120xi32, #tpu.memory_space<vmem>> -> memref<128xi32, #tpu.memory_space<vmem>>
      %dma_start3A_19 = arith.constant 0 : i32
      %dma_start3A_20 = arith.constant 0 : i32
      %dma_start3A_21 = tpu.memref_slice %arg2[%dma_start3A_19, %dma_start3A_20] : memref<10240x384xf32, #tpu.memory_space<hbm>> -> memref<10240x384xf32, #tpu.memory_space<hbm>>
      tpu.enqueue_indirect_dma source(%dma_start3A_21 : memref<10240x384xf32, #tpu.memory_space<hbm>>) target(%dma_start3A_17 : memref<128x384xf32, #tpu.memory_space<vmem>>) offsets(%dma_start3A_18 : memref<128xi32, #tpu.memory_space<vmem>>) semaphore(%arg7 : memref<!tpu.dma_semaphore, #tpu.memory_space<semaphore_mem>>)
      %dma_wait3A = arith.constant 0 : i32
      %dma_wait3A_22 = arith.constant 0 : i32
      %dma_wait3A_23 = arith.constant 0 : i32
      %dma_wait3A_24 = tpu.memref_slice %arg6[%dma_wait3A, %dma_wait3A_22, %dma_wait3A_23] : memref<1x128x384xf32, #tpu.memory_space<vmem>> -> memref<1x128x384xf32, #tpu.memory_space<vmem>>
      %dma_wait3A_25 = tpu.memref_squeeze %dma_wait3A_24 : memref<1x128x384xf32, #tpu.memory_space<vmem>> -> memref<128x384xf32, #tpu.memory_space<vmem>>
      %dma_wait3A_26 = tpu.memref_slice %arg5[%mul3A_13] : memref<5120xi32, #tpu.memory_space<vmem>> -> memref<128xi32, #tpu.memory_space<vmem>>
      %dma_wait3A_27 = arith.constant 0 : i32
      %dma_wait3A_28 = arith.constant 0 : i32
      %dma_wait3A_29 = tpu.memref_slice %arg2[%dma_wait3A_27, %dma_wait3A_28] : memref<10240x384xf32, #tpu.memory_space<hbm>> -> memref<10240x384xf32, #tpu.memory_space<hbm>>
      tpu.wait_indirect_dma semaphore(%arg7 : memref<!tpu.dma_semaphore, #tpu.memory_space<semaphore_mem>>) src(%dma_wait3A_29 : memref<10240x384xf32, #tpu.memory_space<hbm>>) dst(%dma_wait3A_25 : memref<128x384xf32, #tpu.memory_space<vmem>>)
      %add3A_30 = arith.addi %mul3A_2, %mul3A_13 : i32
      %run_scoped3A = arith.constant 0 : i32
      "tpu.region"() ({
        %run_scoped3A_31 = tpu.sem_alloc : memref<!tpu.dma_semaphore, #tpu.memory_space<semaphore_mem>>
        %dma_start3A_32 = arith.constant 0 : i32
        %dma_start3A_33 = arith.constant 0 : i32
        %dma_start3A_34 = tpu.memref_slice %arg6[%run_scoped3A, %dma_start3A_32, %dma_start3A_33] : memref<1x128x384xf32, #tpu.memory_space<vmem>> -> memref<1x128x384xf32, #tpu.memory_space<vmem>>
        %dma_start3A_35 = tpu.memref_squeeze %dma_start3A_34 : memref<1x128x384xf32, #tpu.memory_space<vmem>> -> memref<128x384xf32, #tpu.memory_space<vmem>>
        %dma_start3A_36 = arith.constant 0 : i32
        %dma_start3A_37 = tpu.memref_slice %arg4[%add3A_30, %dma_start3A_36] : memref<163840x384xf32, #tpu.memory_space<hbm>> -> memref<128x384xf32, #tpu.memory_space<hbm>>
        %dma_start3A_38 = arith.constant 0 : i32
        %dma_start3A_39 = tpu.memref_slice %arg4[%add3A_30, %dma_start3A_38] : memref<163840x384xf32, #tpu.memory_space<hbm>> -> memref<128x384xf32, #tpu.memory_space<hbm>>
        %dma_start3A_40 = arith.constant 0 : i32
        %dma_start3A_41 = arith.constant 0 : i32
        %dma_start3A_42 = tpu.memref_slice %arg6[%run_scoped3A, %dma_start3A_40, %dma_start3A_41] : memref<1x128x384xf32, #tpu.memory_space<vmem>> -> memref<1x128x384xf32, #tpu.memory_space<vmem>>
        %dma_start3A_43 = tpu.memref_squeeze %dma_start3A_42 : memref<1x128x384xf32, #tpu.memory_space<vmem>> -> memref<128x384xf32, #tpu.memory_space<vmem>>
        tpu.enqueue_dma source(%dma_start3A_43 : memref<128x384xf32, #tpu.memory_space<vmem>>) target(%dma_start3A_39 : memref<128x384xf32, #tpu.memory_space<hbm>>) target_semaphore(%run_scoped3A_31 : memref<!tpu.dma_semaphore, #tpu.memory_space<semaphore_mem>>)
        %dma_wait3A_44 = arith.constant 0 : i32
        %dma_wait3A_45 = arith.constant 0 : i32
        %dma_wait3A_46 = tpu.memref_slice %arg6[%run_scoped3A, %dma_wait3A_44, %dma_wait3A_45] : memref<1x128x384xf32, #tpu.memory_space<vmem>> -> memref<1x128x384xf32, #tpu.memory_space<vmem>>
        %dma_wait3A_47 = tpu.memref_squeeze %dma_wait3A_46 : memref<1x128x384xf32, #tpu.memory_space<vmem>> -> memref<128x384xf32, #tpu.memory_space<vmem>>
        %dma_wait3A_48 = arith.constant 0 : i32
        %dma_wait3A_49 = tpu.memref_slice %arg4[%add3A_30, %dma_wait3A_48] : memref<163840x384xf32, #tpu.memory_space<hbm>> -> memref<128x384xf32, #tpu.memory_space<hbm>>
        %dma_wait3A_50 = arith.constant 0 : i32
        %dma_wait3A_51 = tpu.memref_slice %arg4[%add3A_30, %dma_wait3A_50] : memref<163840x384xf32, #tpu.memory_space<hbm>> -> memref<128x384xf32, #tpu.memory_space<hbm>>
        %dma_wait3A_52 = arith.constant 0 : i32
        %dma_wait3A_53 = arith.constant 0 : i32
        %dma_wait3A_54 = tpu.memref_slice %arg6[%run_scoped3A, %dma_wait3A_52, %dma_wait3A_53] : memref<1x128x384xf32, #tpu.memory_space<vmem>> -> memref<1x128x384xf32, #tpu.memory_space<vmem>>
        %dma_wait3A_55 = tpu.memref_squeeze %dma_wait3A_54 : memref<1x128x384xf32, #tpu.memory_space<vmem>> -> memref<128x384xf32, #tpu.memory_space<vmem>>
        tpu.wait_dma2 semaphore(%run_scoped3A_31 : memref<!tpu.dma_semaphore, #tpu.memory_space<semaphore_mem>>) src(%dma_wait3A_55 : memref<128x384xf32, #tpu.memory_space<vmem>>) dst(%dma_wait3A_51 : memref<128x384xf32, #tpu.memory_space<hbm>>)
        tpu.yield
      }) : () -> ()
    }
    %scan3A_6 = arith.constant 40 : i32
    return
  }
}

#map = affine_map<(d0, d1) -> (0, 0)>
module attributes {stable_mosaic.version = 14 : i64} {
  func.func @body(%arg0: i32, %arg1: i32, %arg2: memref<10240x640xf32, #tpu.memory_space<hbm>>, %arg3: memref<6471680x16xf32, #tpu.memory_space<hbm>>, %arg4: memref<10112x16xf32, #tpu.memory_space<hbm>>, %arg5: memref<10240x16xf32, #tpu.memory_space<hbm>>, %arg6: memref<10240x16xi32, #tpu.memory_space<hbm>>, %arg7: memref<10240x16xf32, #tpu.memory_space<hbm>>, %arg8: memref<16x640xf32, #tpu.memory_space<vmem>>, %arg9: memref<16x16xf32, #tpu.memory_space<vmem>>, %arg10: memref<80xf32, #tpu.memory_space<vmem>>, %arg11: memref<80xi32, #tpu.memory_space<vmem>>, %arg12: memref<16x48xi32, #tpu.memory_space<vmem>>, %arg13: memref<16x48xi32, #tpu.memory_space<vmem>>, %arg14: memref<16x16xi32, #tpu.memory_space<vmem>>, %arg15: memref<16x48x16xf32, #tpu.memory_space<vmem>>, %arg16: memref<16x16x16xf32, #tpu.memory_space<vmem>>, %arg17: memref<16x16xi32, #tpu.memory_space<vmem>>, %arg18: memref<16x16xf32, #tpu.memory_space<vmem>>, %arg19: memref<16xf32, #tpu.memory_space<vmem>>, %arg20: memref<16xi32, #tpu.memory_space<vmem>>, %arg21: memref<!tpu.dma_semaphore, #tpu.memory_space<semaphore_mem>>, %arg22: memref<!tpu.dma_semaphore, #tpu.memory_space<semaphore_mem>>) attributes {dimension_semantics = [#tpu.dimension_semantics<core_parallel>, #tpu.dimension_semantics<subcore_parallel>], iteration_bounds = array<i64: 2, 16>, scalar_prefetch = 0 : i64, scratch_operands = 15 : i64, tpu.core_type = #tpu.core_type<sc_vector_subcore>, window_params = [{transform_indices = #map}, {transform_indices = #map}, {transform_indices = #map}, {transform_indices = #map}, {transform_indices = #map}, {transform_indices = #map}]} {
    %mul3A = arith.constant 2 : i32
    %mul3A_0 = arith.muli %arg1, %mul3A : i32
    %add3A = arith.addi %mul3A_0, %arg0 : i32
    %mul3A_1 = arith.constant 320 : i32
    %mul3A_2 = arith.muli %add3A, %mul3A_1 : i32
    %iota3A = tpu.iota {dimensions = array<i32: 0>} : vector<16xi32>
    %broadcast_in_dim3A = arith.constant 0 : i32
    %broadcast_in_dim3A_3 = vector.broadcast %broadcast_in_dim3A : i32 to vector<16xi32>
    %scan3A = arith.constant 0 : i32
    %scan3A_4 = arith.constant 16 : i32
    %scan3A_5 = arith.addi %scan3A, %scan3A_4 : i32
    %scan3A_6 = arith.constant 1 : i32
    scf.for %scan3A_13 = %scan3A to %scan3A_5 step %scan3A_6  : i32 {
      %mul3A_14 = arith.constant 1 : i32
      %mul3A_15 = arith.muli %scan3A_13, %mul3A_14 : i32
      %add3A_16 = arith.constant 0 : i32
      %add3A_17 = arith.addi %add3A_16, %mul3A_15 : i32
      %swap3A = arith.index_cast %add3A_17 : i32 to index
      %swap3A_18 = arith.constant 0 : index
      %swap3A_19 = tpu.vector_load %arg12[%swap3A, %swap3A_18] {strides = array<i32>} : memref<16x48xi32, #tpu.memory_space<vmem>>, vector<16xi32>,
      tpu.vector_store %arg12[%swap3A, %swap3A_18], %broadcast_in_dim3A_3 {strides = array<i32>} : memref<16x48xi32, #tpu.memory_space<vmem>>, vector<16xi32>,
      %swap3A_20 = arith.index_cast %add3A_17 : i32 to index
      %swap3A_21 = arith.constant 16 : index
      %swap3A_22 = tpu.vector_load %arg12[%swap3A_20, %swap3A_21] {strides = array<i32>} : memref<16x48xi32, #tpu.memory_space<vmem>>, vector<16xi32>,
      tpu.vector_store %arg12[%swap3A_20, %swap3A_21], %broadcast_in_dim3A_3 {strides = array<i32>} : memref<16x48xi32, #tpu.memory_space<vmem>>, vector<16xi32>,
      %swap3A_23 = arith.index_cast %add3A_17 : i32 to index
      %swap3A_24 = arith.constant 32 : index
      %swap3A_25 = tpu.vector_load %arg12[%swap3A_23, %swap3A_24] {strides = array<i32>} : memref<16x48xi32, #tpu.memory_space<vmem>>, vector<16xi32>,
      tpu.vector_store %arg12[%swap3A_23, %swap3A_24], %broadcast_in_dim3A_3 {strides = array<i32>} : memref<16x48xi32, #tpu.memory_space<vmem>>, vector<16xi32>,
    }
    %scan3A_7 = arith.constant 16 : i32
    %scan3A_8 = arith.constant 0 : i32
    %scan3A_9 = arith.constant 20 : i32
    %scan3A_10 = arith.addi %scan3A_8, %scan3A_9 : i32
    %scan3A_11 = arith.constant 1 : i32
    scf.for %scan3A_13 = %scan3A_8 to %scan3A_10 step %scan3A_11  : i32 {
      %mul3A_14 = arith.constant 1 : i32
      %mul3A_15 = arith.muli %scan3A_13, %mul3A_14 : i32
      %add3A_16 = arith.constant 0 : i32
      %add3A_17 = arith.addi %add3A_16, %mul3A_15 : i32
      %mul3A_18 = arith.constant 16 : i32
      %mul3A_19 = arith.muli %add3A_17, %mul3A_18 : i32
      %add3A_20 = arith.addi %mul3A_2, %mul3A_19 : i32
      "tpu.region"() ({
        %run_scoped3A = tpu.sem_alloc : memref<!tpu.dma_semaphore, #tpu.memory_space<semaphore_mem>>
        %dma_start3A = arith.constant 0 : i32
        %dma_start3A_46 = tpu.memref_slice %arg2[%add3A_20, %dma_start3A] : memref<10240x640xf32, #tpu.memory_space<hbm>> -> memref<16x640xf32, #tpu.memory_space<hbm>>
        %dma_start3A_47 = arith.constant 0 : i32
        %dma_start3A_48 = tpu.memref_slice %arg2[%add3A_20, %dma_start3A_47] : memref<10240x640xf32, #tpu.memory_space<hbm>> -> memref<16x640xf32, #tpu.memory_space<hbm>>
        tpu.enqueue_dma source(%dma_start3A_48 : memref<16x640xf32, #tpu.memory_space<hbm>>) target(%arg8 : memref<16x640xf32, #tpu.memory_space<vmem>>) target_semaphore(%run_scoped3A : memref<!tpu.dma_semaphore, #tpu.memory_space<semaphore_mem>>)
        %dma_wait3A = arith.constant 0 : i32
        %dma_wait3A_49 = tpu.memref_slice %arg2[%add3A_20, %dma_wait3A] : memref<10240x640xf32, #tpu.memory_space<hbm>> -> memref<16x640xf32, #tpu.memory_space<hbm>>
        %dma_wait3A_50 = arith.constant 0 : i32
        %dma_wait3A_51 = tpu.memref_slice %arg2[%add3A_20, %dma_wait3A_50] : memref<10240x640xf32, #tpu.memory_space<hbm>> -> memref<16x640xf32, #tpu.memory_space<hbm>>
        tpu.wait_dma2 semaphore(%run_scoped3A : memref<!tpu.dma_semaphore, #tpu.memory_space<semaphore_mem>>) src(%dma_wait3A_51 : memref<16x640xf32, #tpu.memory_space<hbm>>) dst(%arg8 : memref<16x640xf32, #tpu.memory_space<vmem>>)
        tpu.yield
      }) : () -> ()
      "tpu.region"() ({
        %run_scoped3A = tpu.sem_alloc : memref<!tpu.dma_semaphore, #tpu.memory_space<semaphore_mem>>
        %dma_start3A = arith.constant 0 : i32
        %dma_start3A_46 = tpu.memref_slice %arg5[%add3A_20, %dma_start3A] : memref<10240x16xf32, #tpu.memory_space<hbm>> -> memref<16x16xf32, #tpu.memory_space<hbm>>
        %dma_start3A_47 = arith.constant 0 : i32
        %dma_start3A_48 = tpu.memref_slice %arg5[%add3A_20, %dma_start3A_47] : memref<10240x16xf32, #tpu.memory_space<hbm>> -> memref<16x16xf32, #tpu.memory_space<hbm>>
        tpu.enqueue_dma source(%dma_start3A_48 : memref<16x16xf32, #tpu.memory_space<hbm>>) target(%arg9 : memref<16x16xf32, #tpu.memory_space<vmem>>) target_semaphore(%run_scoped3A : memref<!tpu.dma_semaphore, #tpu.memory_space<semaphore_mem>>)
        %dma_wait3A = arith.constant 0 : i32
        %dma_wait3A_49 = tpu.memref_slice %arg5[%add3A_20, %dma_wait3A] : memref<10240x16xf32, #tpu.memory_space<hbm>> -> memref<16x16xf32, #tpu.memory_space<hbm>>
        %dma_wait3A_50 = arith.constant 0 : i32
        %dma_wait3A_51 = tpu.memref_slice %arg5[%add3A_20, %dma_wait3A_50] : memref<10240x16xf32, #tpu.memory_space<hbm>> -> memref<16x16xf32, #tpu.memory_space<hbm>>
        tpu.wait_dma2 semaphore(%run_scoped3A : memref<!tpu.dma_semaphore, #tpu.memory_space<semaphore_mem>>) src(%dma_wait3A_51 : memref<16x16xf32, #tpu.memory_space<hbm>>) dst(%arg9 : memref<16x16xf32, #tpu.memory_space<vmem>>)
        tpu.yield
      }) : () -> ()
      %scan3A_21 = arith.constant 0 : i32
      %scan3A_22 = arith.constant 16 : i32
      %scan3A_23 = arith.addi %scan3A_21, %scan3A_22 : i32
      %scan3A_24 = arith.constant 1 : i32
      scf.for %scan3A_46 = %scan3A_21 to %scan3A_23 step %scan3A_24  : i32 {
        %mul3A_47 = arith.constant 1 : i32
        %mul3A_48 = arith.muli %scan3A_46, %mul3A_47 : i32
        %add3A_49 = arith.constant 0 : i32
        %add3A_50 = arith.addi %add3A_49, %mul3A_48 : i32
        %add3A_51 = arith.addi %add3A_20, %add3A_50 : i32
        %get3A = arith.index_cast %add3A_50 : i32 to index
        %get3A_52 = arith.constant 0 : index
        %get3A_53 = tpu.vector_load %arg8[%get3A, %get3A_52] {strides = array<i32>} : memref<16x640xf32, #tpu.memory_space<vmem>>, vector<16xf32>,
        %ne3A = arith.constant 0.000000e+00 : f32
        %ne3A_54 = vector.broadcast %ne3A : f32 to vector<16xf32>
        %ne3A_55 = arith.cmpf one, %get3A_53, %ne3A_54 : vector<16xf32>
        %min3A = arith.constant 0 : i32
        %min3A_56 = arith.constant 64 : i32
        %min3A_57 = arith.minsi %min3A, %min3A_56 : i32
        %swap3A = arith.index_cast %min3A_57 : i32 to index
        %swap3A_58 = tpu.vector_load %arg10[%swap3A] masked %ne3A_55 {strides = array<i32>} : memref<80xf32, #tpu.memory_space<vmem>>, vector<16xf32>, vector<16xi1>
        tpu.vector_store %arg10[%swap3A], %get3A_53 masked %ne3A_55 {strides = array<i32>} : memref<80xf32, #tpu.memory_space<vmem>>, vector<16xf32>, vector<16xi1>
        %broadcast_in_dim3A_59 = arith.constant 0 : i32
        %broadcast_in_dim3A_60 = vector.broadcast %broadcast_in_dim3A_59 : i32 to vector<16xi32>
        %add3A_61 = arith.addi %broadcast_in_dim3A_60, %iota3A : vector<16xi32>
        %swap3A_62 = arith.index_cast %min3A_57 : i32 to index
        %swap3A_63 = tpu.vector_load %arg11[%swap3A_62] masked %ne3A_55 {strides = array<i32>} : memref<80xi32, #tpu.memory_space<vmem>>, vector<16xi32>, vector<16xi1>
        tpu.vector_store %arg11[%swap3A_62], %add3A_61 masked %ne3A_55 {strides = array<i32>} : memref<80xi32, #tpu.memory_space<vmem>>, vector<16xi32>, vector<16xi1>
        %convert_element_type3A = arith.extui %ne3A_55 : vector<16xi1> to vector<16xi32>
        %reduce_sum3A = arith.constant true
        %reduce_sum3A_64 = vector.broadcast %reduce_sum3A : i1 to vector<16xi1>
        %reduce_sum3A_65 = tpu.scan <sum>, %convert_element_type3A masked %reduce_sum3A_64 : vector<16xi32>, vector<16xi1> -> vector<16xi32>
        %reduce_sum3A_66 = vector.extract %reduce_sum3A_65[15] : i32 from vector<16xi32>
        %add3A_67 = arith.constant 0 : i32
        %add3A_68 = arith.addi %add3A_67, %reduce_sum3A_66 : i32
        %get3A_69 = arith.index_cast %add3A_50 : i32 to index
        %get3A_70 = arith.constant 16 : index
        %get3A_71 = tpu.vector_load %arg8[%get3A_69, %get3A_70] {strides = array<i32>} : memref<16x640xf32, #tpu.memory_space<vmem>>, vector<16xf32>,
        %ne3A_72 = arith.constant 0.000000e+00 : f32
        %ne3A_73 = vector.broadcast %ne3A_72 : f32 to vector<16xf32>
        %ne3A_74 = arith.cmpf one, %get3A_71, %ne3A_73 : vector<16xf32>
        %min3A_75 = arith.constant 64 : i32
        %min3A_76 = arith.minsi %add3A_68, %min3A_75 : i32
        %swap3A_77 = arith.index_cast %min3A_76 : i32 to index
        %swap3A_78 = tpu.vector_load %arg10[%swap3A_77] masked %ne3A_74 {strides = array<i32>} : memref<80xf32, #tpu.memory_space<vmem>>, vector<16xf32>, vector<16xi1>
        tpu.vector_store %arg10[%swap3A_77], %get3A_71 masked %ne3A_74 {strides = array<i32>} : memref<80xf32, #tpu.memory_space<vmem>>, vector<16xf32>, vector<16xi1>
        %broadcast_in_dim3A_79 = arith.constant 16 : i32
        %broadcast_in_dim3A_80 = vector.broadcast %broadcast_in_dim3A_79 : i32 to vector<16xi32>
        %add3A_81 = arith.addi %broadcast_in_dim3A_80, %iota3A : vector<16xi32>
        %swap3A_82 = arith.index_cast %min3A_76 : i32 to index
        %swap3A_83 = tpu.vector_load %arg11[%swap3A_82] masked %ne3A_74 {strides = array<i32>} : memref<80xi32, #tpu.memory_space<vmem>>, vector<16xi32>, vector<16xi1>
        tpu.vector_store %arg11[%swap3A_82], %add3A_81 masked %ne3A_74 {strides = array<i32>} : memref<80xi32, #tpu.memory_space<vmem>>, vector<16xi32>, vector<16xi1>
        %convert_element_type3A_84 = arith.extui %ne3A_74 : vector<16xi1> to vector<16xi32>
        %reduce_sum3A_85 = arith.constant true
        %reduce_sum3A_86 = vector.broadcast %reduce_sum3A_85 : i1 to vector<16xi1>
        %reduce_sum3A_87 = tpu.scan <sum>, %convert_element_type3A_84 masked %reduce_sum3A_86 : vector<16xi32>, vector<16xi1> -> vector<16xi32>
        %reduce_sum3A_88 = vector.extract %reduce_sum3A_87[15] : i32 from vector<16xi32>
        %add3A_89 = arith.addi %add3A_68, %reduce_sum3A_88 : i32
        %get3A_90 = arith.index_cast %add3A_50 : i32 to index
        %get3A_91 = arith.constant 32 : index
        %get3A_92 = tpu.vector_load %arg8[%get3A_90, %get3A_91] {strides = array<i32>} : memref<16x640xf32, #tpu.memory_space<vmem>>, vector<16xf32>,
        %ne3A_93 = arith.constant 0.000000e+00 : f32
        %ne3A_94 = vector.broadcast %ne3A_93 : f32 to vector<16xf32>
        %ne3A_95 = arith.cmpf one, %get3A_92, %ne3A_94 : vector<16xf32>
        %min3A_96 = arith.constant 64 : i32
        %min3A_97 = arith.minsi %add3A_89, %min3A_96 : i32
        %swap3A_98 = arith.index_cast %min3A_97 : i32 to index
        %swap3A_99 = tpu.vector_load %arg10[%swap3A_98] masked %ne3A_95 {strides = array<i32>} : memref<80xf32, #tpu.memory_space<vmem>>, vector<16xf32>, vector<16xi1>
        tpu.vector_store %arg10[%swap3A_98], %get3A_92 masked %ne3A_95 {strides = array<i32>} : memref<80xf32, #tpu.memory_space<vmem>>, vector<16xf32>, vector<16xi1>
        %broadcast_in_dim3A_100 = arith.constant 32 : i32
        %broadcast_in_dim3A_101 = vector.broadcast %broadcast_in_dim3A_100 : i32 to vector<16xi32>
        %add3A_102 = arith.addi %broadcast_in_dim3A_101, %iota3A : vector<16xi32>
        %swap3A_103 = arith.index_cast %min3A_97 : i32 to index
        %swap3A_104 = tpu.vector_load %arg11[%swap3A_103] masked %ne3A_95 {strides = array<i32>} : memref<80xi32, #tpu.memory_space<vmem>>, vector<16xi32>, vector<16xi1>
        tpu.vector_store %arg11[%swap3A_103], %add3A_102 masked %ne3A_95 {strides = array<i32>} : memref<80xi32, #tpu.memory_space<vmem>>, vector<16xi32>, vector<16xi1>
        %convert_element_type3A_105 = arith.extui %ne3A_95 : vector<16xi1> to vector<16xi32>
        %reduce_sum3A_106 = arith.constant true
        %reduce_sum3A_107 = vector.broadcast %reduce_sum3A_106 : i1 to vector<16xi1>
        %reduce_sum3A_108 = tpu.scan <sum>, %convert_element_type3A_105 masked %reduce_sum3A_107 : vector<16xi32>, vector<16xi1> -> vector<16xi32>
        %reduce_sum3A_109 = vector.extract %reduce_sum3A_108[15] : i32 from vector<16xi32>
        %add3A_110 = arith.addi %add3A_89, %reduce_sum3A_109 : i32
        %get3A_111 = arith.index_cast %add3A_50 : i32 to index
        %get3A_112 = arith.constant 48 : index
        %get3A_113 = tpu.vector_load %arg8[%get3A_111, %get3A_112] {strides = array<i32>} : memref<16x640xf32, #tpu.memory_space<vmem>>, vector<16xf32>,
        %ne3A_114 = arith.constant 0.000000e+00 : f32
        %ne3A_115 = vector.broadcast %ne3A_114 : f32 to vector<16xf32>
        %ne3A_116 = arith.cmpf one, %get3A_113, %ne3A_115 : vector<16xf32>
        %min3A_117 = arith.constant 64 : i32
        %min3A_118 = arith.minsi %add3A_110, %min3A_117 : i32
        %swap3A_119 = arith.index_cast %min3A_118 : i32 to index
        %swap3A_120 = tpu.vector_load %arg10[%swap3A_119] masked %ne3A_116 {strides = array<i32>} : memref<80xf32, #tpu.memory_space<vmem>>, vector<16xf32>, vector<16xi1>
        tpu.vector_store %arg10[%swap3A_119], %get3A_113 masked %ne3A_116 {strides = array<i32>} : memref<80xf32, #tpu.memory_space<vmem>>, vector<16xf32>, vector<16xi1>
        %broadcast_in_dim3A_121 = arith.constant 48 : i32
        %broadcast_in_dim3A_122 = vector.broadcast %broadcast_in_dim3A_121 : i32 to vector<16xi32>
        %add3A_123 = arith.addi %broadcast_in_dim3A_122, %iota3A : vector<16xi32>
        %swap3A_124 = arith.index_cast %min3A_118 : i32 to index
        %swap3A_125 = tpu.vector_load %arg11[%swap3A_124] masked %ne3A_116 {strides = array<i32>} : memref<80xi32, #tpu.memory_space<vmem>>, vector<16xi32>, vector<16xi1>
        tpu.vector_store %arg11[%swap3A_124], %add3A_123 masked %ne3A_116 {strides = array<i32>} : memref<80xi32, #tpu.memory_space<vmem>>, vector<16xi32>, vector<16xi1>
        %convert_element_type3A_126 = arith.extui %ne3A_116 : vector<16xi1> to vector<16xi32>
        %reduce_sum3A_127 = arith.constant true
        %reduce_sum3A_128 = vector.broadcast %reduce_sum3A_127 : i1 to vector<16xi1>
        %reduce_sum3A_129 = tpu.scan <sum>, %convert_element_type3A_126 masked %reduce_sum3A_128 : vector<16xi32>, vector<16xi1> -> vector<16xi32>
        %reduce_sum3A_130 = vector.extract %reduce_sum3A_129[15] : i32 from vector<16xi32>
        %add3A_131 = arith.addi %add3A_110, %reduce_sum3A_130 : i32
        %get3A_132 = arith.index_cast %add3A_50 : i32 to index
        %get3A_133 = arith.constant 64 : index
        %get3A_134 = tpu.vector_load %arg8[%get3A_132, %get3A_133] {strides = array<i32>} : memref<16x640xf32, #tpu.memory_space<vmem>>, vector<16xf32>,
        %ne3A_135 = arith.constant 0.000000e+00 : f32
        %ne3A_136 = vector.broadcast %ne3A_135 : f32 to vector<16xf32>
        %ne3A_137 = arith.cmpf one, %get3A_134, %ne3A_136 : vector<16xf32>
        %min3A_138 = arith.constant 64 : i32
        %min3A_139 = arith.minsi %add3A_131, %min3A_138 : i32
        %swap3A_140 = arith.index_cast %min3A_139 : i32 to index
        %swap3A_141 = tpu.vector_load %arg10[%swap3A_140] masked %ne3A_137 {strides = array<i32>} : memref<80xf32, #tpu.memory_space<vmem>>, vector<16xf32>, vector<16xi1>
        tpu.vector_store %arg10[%swap3A_140], %get3A_134 masked %ne3A_137 {strides = array<i32>} : memref<80xf32, #tpu.memory_space<vmem>>, vector<16xf32>, vector<16xi1>
        %broadcast_in_dim3A_142 = arith.constant 64 : i32
        %broadcast_in_dim3A_143 = vector.broadcast %broadcast_in_dim3A_142 : i32 to vector<16xi32>
        %add3A_144 = arith.addi %broadcast_in_dim3A_143, %iota3A : vector<16xi32>
        %swap3A_145 = arith.index_cast %min3A_139 : i32 to index
        %swap3A_146 = tpu.vector_load %arg11[%swap3A_145] masked %ne3A_137 {strides = array<i32>} : memref<80xi32, #tpu.memory_space<vmem>>, vector<16xi32>, vector<16xi1>
        tpu.vector_store %arg11[%swap3A_145], %add3A_144 masked %ne3A_137 {strides = array<i32>} : memref<80xi32, #tpu.memory_space<vmem>>, vector<16xi32>, vector<16xi1>
        %convert_element_type3A_147 = arith.extui %ne3A_137 : vector<16xi1> to vector<16xi32>
        %reduce_sum3A_148 = arith.constant true
        %reduce_sum3A_149 = vector.broadcast %reduce_sum3A_148 : i1 to vector<16xi1>
        %reduce_sum3A_150 = tpu.scan <sum>, %convert_element_type3A_147 masked %reduce_sum3A_149 : vector<16xi32>, vector<16xi1> -> vector<16xi32>
        %reduce_sum3A_151 = vector.extract %reduce_sum3A_150[15] : i32 from vector<16xi32>
        %add3A_152 = arith.addi %add3A_131, %reduce_sum3A_151 : i32
        %get3A_153 = arith.index_cast %add3A_50 : i32 to index
        %get3A_154 = arith.constant 80 : index
        %get3A_155 = tpu.vector_load %arg8[%get3A_153, %get3A_154] {strides = array<i32>} : memref<16x640xf32, #tpu.memory_space<vmem>>, vector<16xf32>,
        %ne3A_156 = arith.constant 0.000000e+00 : f32
        %ne3A_157 = vector.broadcast %ne3A_156 : f32 to vector<16xf32>
        %ne3A_158 = arith.cmpf one, %get3A_155, %ne3A_157 : vector<16xf32>
        %min3A_159 = arith.constant 64 : i32
        %min3A_160 = arith.minsi %add3A_152, %min3A_159 : i32
        %swap3A_161 = arith.index_cast %min3A_160 : i32 to index
        %swap3A_162 = tpu.vector_load %arg10[%swap3A_161] masked %ne3A_158 {strides = array<i32>} : memref<80xf32, #tpu.memory_space<vmem>>, vector<16xf32>, vector<16xi1>
        tpu.vector_store %arg10[%swap3A_161], %get3A_155 masked %ne3A_158 {strides = array<i32>} : memref<80xf32, #tpu.memory_space<vmem>>, vector<16xf32>, vector<16xi1>
        %broadcast_in_dim3A_163 = arith.constant 80 : i32
        %broadcast_in_dim3A_164 = vector.broadcast %broadcast_in_dim3A_163 : i32 to vector<16xi32>
        %add3A_165 = arith.addi %broadcast_in_dim3A_164, %iota3A : vector<16xi32>
        %swap3A_166 = arith.index_cast %min3A_160 : i32 to index
        %swap3A_167 = tpu.vector_load %arg11[%swap3A_166] masked %ne3A_158 {strides = array<i32>} : memref<80xi32, #tpu.memory_space<vmem>>, vector<16xi32>, vector<16xi1>
        tpu.vector_store %arg11[%swap3A_166], %add3A_165 masked %ne3A_158 {strides = array<i32>} : memref<80xi32, #tpu.memory_space<vmem>>, vector<16xi32>, vector<16xi1>
        %convert_element_type3A_168 = arith.extui %ne3A_158 : vector<16xi1> to vector<16xi32>
        %reduce_sum3A_169 = arith.constant true
        %reduce_sum3A_170 = vector.broadcast %reduce_sum3A_169 : i1 to vector<16xi1>
        %reduce_sum3A_171 = tpu.scan <sum>, %convert_element_type3A_168 masked %reduce_sum3A_170 : vector<16xi32>, vector<16xi1> -> vector<16xi32>
        %reduce_sum3A_172 = vector.extract %reduce_sum3A_171[15] : i32 from vector<16xi32>
        %add3A_173 = arith.addi %add3A_152, %reduce_sum3A_172 : i32
        %get3A_174 = arith.index_cast %add3A_50 : i32 to index
        %get3A_175 = arith.constant 96 : index
        %get3A_176 = tpu.vector_load %arg8[%get3A_174, %get3A_175] {strides = array<i32>} : memref<16x640xf32, #tpu.memory_space<vmem>>, vector<16xf32>,
        %ne3A_177 = arith.constant 0.000000e+00 : f32
        %ne3A_178 = vector.broadcast %ne3A_177 : f32 to vector<16xf32>
        %ne3A_179 = arith.cmpf one, %get3A_176, %ne3A_178 : vector<16xf32>
        %min3A_180 = arith.constant 64 : i32
        %min3A_181 = arith.minsi %add3A_173, %min3A_180 : i32
        %swap3A_182 = arith.index_cast %min3A_181 : i32 to index
        %swap3A_183 = tpu.vector_load %arg10[%swap3A_182] masked %ne3A_179 {strides = array<i32>} : memref<80xf32, #tpu.memory_space<vmem>>, vector<16xf32>, vector<16xi1>
        tpu.vector_store %arg10[%swap3A_182], %get3A_176 masked %ne3A_179 {strides = array<i32>} : memref<80xf32, #tpu.memory_space<vmem>>, vector<16xf32>, vector<16xi1>
        %broadcast_in_dim3A_184 = arith.constant 96 : i32
        %broadcast_in_dim3A_185 = vector.broadcast %broadcast_in_dim3A_184 : i32 to vector<16xi32>
        %add3A_186 = arith.addi %broadcast_in_dim3A_185, %iota3A : vector<16xi32>
        %swap3A_187 = arith.index_cast %min3A_181 : i32 to index
        %swap3A_188 = tpu.vector_load %arg11[%swap3A_187] masked %ne3A_179 {strides = array<i32>} : memref<80xi32, #tpu.memory_space<vmem>>, vector<16xi32>, vector<16xi1>
        tpu.vector_store %arg11[%swap3A_187], %add3A_186 masked %ne3A_179 {strides = array<i32>} : memref<80xi32, #tpu.memory_space<vmem>>, vector<16xi32>, vector<16xi1>
        %convert_element_type3A_189 = arith.extui %ne3A_179 : vector<16xi1> to vector<16xi32>
        %reduce_sum3A_190 = arith.constant true
        %reduce_sum3A_191 = vector.broadcast %reduce_sum3A_190 : i1 to vector<16xi1>
        %reduce_sum3A_192 = tpu.scan <sum>, %convert_element_type3A_189 masked %reduce_sum3A_191 : vector<16xi32>, vector<16xi1> -> vector<16xi32>
        %reduce_sum3A_193 = vector.extract %reduce_sum3A_192[15] : i32 from vector<16xi32>
        %add3A_194 = arith.addi %add3A_173, %reduce_sum3A_193 : i32
        %get3A_195 = arith.index_cast %add3A_50 : i32 to index
        %get3A_196 = arith.constant 112 : index
        %get3A_197 = tpu.vector_load %arg8[%get3A_195, %get3A_196] {strides = array<i32>} : memref<16x640xf32, #tpu.memory_space<vmem>>, vector<16xf32>,
        %ne3A_198 = arith.constant 0.000000e+00 : f32
        %ne3A_199 = vector.broadcast %ne3A_198 : f32 to vector<16xf32>
        %ne3A_200 = arith.cmpf one, %get3A_197, %ne3A_199 : vector<16xf32>
        %min3A_201 = arith.constant 64 : i32
        %min3A_202 = arith.minsi %add3A_194, %min3A_201 : i32
        %swap3A_203 = arith.index_cast %min3A_202 : i32 to index
        %swap3A_204 = tpu.vector_load %arg10[%swap3A_203] masked %ne3A_200 {strides = array<i32>} : memref<80xf32, #tpu.memory_space<vmem>>, vector<16xf32>, vector<16xi1>
        tpu.vector_store %arg10[%swap3A_203], %get3A_197 masked %ne3A_200 {strides = array<i32>} : memref<80xf32, #tpu.memory_space<vmem>>, vector<16xf32>, vector<16xi1>
        %broadcast_in_dim3A_205 = arith.constant 112 : i32
        %broadcast_in_dim3A_206 = vector.broadcast %broadcast_in_dim3A_205 : i32 to vector<16xi32>
        %add3A_207 = arith.addi %broadcast_in_dim3A_206, %iota3A : vector<16xi32>
        %swap3A_208 = arith.index_cast %min3A_202 : i32 to index
        %swap3A_209 = tpu.vector_load %arg11[%swap3A_208] masked %ne3A_200 {strides = array<i32>} : memref<80xi32, #tpu.memory_space<vmem>>, vector<16xi32>, vector<16xi1>
        tpu.vector_store %arg11[%swap3A_208], %add3A_207 masked %ne3A_200 {strides = array<i32>} : memref<80xi32, #tpu.memory_space<vmem>>, vector<16xi32>, vector<16xi1>
        %convert_element_type3A_210 = arith.extui %ne3A_200 : vector<16xi1> to vector<16xi32>
        %reduce_sum3A_211 = arith.constant true
        %reduce_sum3A_212 = vector.broadcast %reduce_sum3A_211 : i1 to vector<16xi1>
        %reduce_sum3A_213 = tpu.scan <sum>, %convert_element_type3A_210 masked %reduce_sum3A_212 : vector<16xi32>, vector<16xi1> -> vector<16xi32>
        %reduce_sum3A_214 = vector.extract %reduce_sum3A_213[15] : i32 from vector<16xi32>
        %add3A_215 = arith.addi %add3A_194, %reduce_sum3A_214 : i32
        %get3A_216 = arith.index_cast %add3A_50 : i32 to index
        %get3A_217 = arith.constant 128 : index
        %get3A_218 = tpu.vector_load %arg8[%get3A_216, %get3A_217] {strides = array<i32>} : memref<16x640xf32, #tpu.memory_space<vmem>>, vector<16xf32>,
        %ne3A_219 = arith.constant 0.000000e+00 : f32
        %ne3A_220 = vector.broadcast %ne3A_219 : f32 to vector<16xf32>
        %ne3A_221 = arith.cmpf one, %get3A_218, %ne3A_220 : vector<16xf32>
        %min3A_222 = arith.constant 64 : i32
        %min3A_223 = arith.minsi %add3A_215, %min3A_222 : i32
        %swap3A_224 = arith.index_cast %min3A_223 : i32 to index
        %swap3A_225 = tpu.vector_load %arg10[%swap3A_224] masked %ne3A_221 {strides = array<i32>} : memref<80xf32, #tpu.memory_space<vmem>>, vector<16xf32>, vector<16xi1>
        tpu.vector_store %arg10[%swap3A_224], %get3A_218 masked %ne3A_221 {strides = array<i32>} : memref<80xf32, #tpu.memory_space<vmem>>, vector<16xf32>, vector<16xi1>
        %broadcast_in_dim3A_226 = arith.constant 128 : i32
        %broadcast_in_dim3A_227 = vector.broadcast %broadcast_in_dim3A_226 : i32 to vector<16xi32>
        %add3A_228 = arith.addi %broadcast_in_dim3A_227, %iota3A : vector<16xi32>
        %swap3A_229 = arith.index_cast %min3A_223 : i32 to index
        %swap3A_230 = tpu.vector_load %arg11[%swap3A_229] masked %ne3A_221 {strides = array<i32>} : memref<80xi32, #tpu.memory_space<vmem>>, vector<16xi32>, vector<16xi1>
        tpu.vector_store %arg11[%swap3A_229], %add3A_228 masked %ne3A_221 {strides = array<i32>} : memref<80xi32, #tpu.memory_space<vmem>>, vector<16xi32>, vector<16xi1>
        %convert_element_type3A_231 = arith.extui %ne3A_221 : vector<16xi1> to vector<16xi32>
        %reduce_sum3A_232 = arith.constant true
        %reduce_sum3A_233 = vector.broadcast %reduce_sum3A_232 : i1 to vector<16xi1>
        %reduce_sum3A_234 = tpu.scan <sum>, %convert_element_type3A_231 masked %reduce_sum3A_233 : vector<16xi32>, vector<16xi1> -> vector<16xi32>
        %reduce_sum3A_235 = vector.extract %reduce_sum3A_234[15] : i32 from vector<16xi32>
        %add3A_236 = arith.addi %add3A_215, %reduce_sum3A_235 : i32
        %get3A_237 = arith.index_cast %add3A_50 : i32 to index
        %get3A_238 = arith.constant 144 : index
        %get3A_239 = tpu.vector_load %arg8[%get3A_237, %get3A_238] {strides = array<i32>} : memref<16x640xf32, #tpu.memory_space<vmem>>, vector<16xf32>,
        %ne3A_240 = arith.constant 0.000000e+00 : f32
        %ne3A_241 = vector.broadcast %ne3A_240 : f32 to vector<16xf32>
        %ne3A_242 = arith.cmpf one, %get3A_239, %ne3A_241 : vector<16xf32>
        %min3A_243 = arith.constant 64 : i32
        %min3A_244 = arith.minsi %add3A_236, %min3A_243 : i32
        %swap3A_245 = arith.index_cast %min3A_244 : i32 to index
        %swap3A_246 = tpu.vector_load %arg10[%swap3A_245] masked %ne3A_242 {strides = array<i32>} : memref<80xf32, #tpu.memory_space<vmem>>, vector<16xf32>, vector<16xi1>
        tpu.vector_store %arg10[%swap3A_245], %get3A_239 masked %ne3A_242 {strides = array<i32>} : memref<80xf32, #tpu.memory_space<vmem>>, vector<16xf32>, vector<16xi1>
        %broadcast_in_dim3A_247 = arith.constant 144 : i32
        %broadcast_in_dim3A_248 = vector.broadcast %broadcast_in_dim3A_247 : i32 to vector<16xi32>
        %add3A_249 = arith.addi %broadcast_in_dim3A_248, %iota3A : vector<16xi32>
        %swap3A_250 = arith.index_cast %min3A_244 : i32 to index
        %swap3A_251 = tpu.vector_load %arg11[%swap3A_250] masked %ne3A_242 {strides = array<i32>} : memref<80xi32, #tpu.memory_space<vmem>>, vector<16xi32>, vector<16xi1>
        tpu.vector_store %arg11[%swap3A_250], %add3A_249 masked %ne3A_242 {strides = array<i32>} : memref<80xi32, #tpu.memory_space<vmem>>, vector<16xi32>, vector<16xi1>
        %convert_element_type3A_252 = arith.extui %ne3A_242 : vector<16xi1> to vector<16xi32>
        %reduce_sum3A_253 = arith.constant true
        %reduce_sum3A_254 = vector.broadcast %reduce_sum3A_253 : i1 to vector<16xi1>
        %reduce_sum3A_255 = tpu.scan <sum>, %convert_element_type3A_252 masked %reduce_sum3A_254 : vector<16xi32>, vector<16xi1> -> vector<16xi32>
        %reduce_sum3A_256 = vector.extract %reduce_sum3A_255[15] : i32 from vector<16xi32>
        %add3A_257 = arith.addi %add3A_236, %reduce_sum3A_256 : i32
        %get3A_258 = arith.index_cast %add3A_50 : i32 to index
        %get3A_259 = arith.constant 160 : index
        %get3A_260 = tpu.vector_load %arg8[%get3A_258, %get3A_259] {strides = array<i32>} : memref<16x640xf32, #tpu.memory_space<vmem>>, vector<16xf32>,
        %ne3A_261 = arith.constant 0.000000e+00 : f32
        %ne3A_262 = vector.broadcast %ne3A_261 : f32 to vector<16xf32>
        %ne3A_263 = arith.cmpf one, %get3A_260, %ne3A_262 : vector<16xf32>
        %min3A_264 = arith.constant 64 : i32
        %min3A_265 = arith.minsi %add3A_257, %min3A_264 : i32
        %swap3A_266 = arith.index_cast %min3A_265 : i32 to index
        %swap3A_267 = tpu.vector_load %arg10[%swap3A_266] masked %ne3A_263 {strides = array<i32>} : memref<80xf32, #tpu.memory_space<vmem>>, vector<16xf32>, vector<16xi1>
        tpu.vector_store %arg10[%swap3A_266], %get3A_260 masked %ne3A_263 {strides = array<i32>} : memref<80xf32, #tpu.memory_space<vmem>>, vector<16xf32>, vector<16xi1>
        %broadcast_in_dim3A_268 = arith.constant 160 : i32
        %broadcast_in_dim3A_269 = vector.broadcast %broadcast_in_dim3A_268 : i32 to vector<16xi32>
        %add3A_270 = arith.addi %broadcast_in_dim3A_269, %iota3A : vector<16xi32>
        %swap3A_271 = arith.index_cast %min3A_265 : i32 to index
        %swap3A_272 = tpu.vector_load %arg11[%swap3A_271] masked %ne3A_263 {strides = array<i32>} : memref<80xi32, #tpu.memory_space<vmem>>, vector<16xi32>, vector<16xi1>
        tpu.vector_store %arg11[%swap3A_271], %add3A_270 masked %ne3A_263 {strides = array<i32>} : memref<80xi32, #tpu.memory_space<vmem>>, vector<16xi32>, vector<16xi1>
        %convert_element_type3A_273 = arith.extui %ne3A_263 : vector<16xi1> to vector<16xi32>
        %reduce_sum3A_274 = arith.constant true
        %reduce_sum3A_275 = vector.broadcast %reduce_sum3A_274 : i1 to vector<16xi1>
        %reduce_sum3A_276 = tpu.scan <sum>, %convert_element_type3A_273 masked %reduce_sum3A_275 : vector<16xi32>, vector<16xi1> -> vector<16xi32>
        %reduce_sum3A_277 = vector.extract %reduce_sum3A_276[15] : i32 from vector<16xi32>
        %add3A_278 = arith.addi %add3A_257, %reduce_sum3A_277 : i32
        %get3A_279 = arith.index_cast %add3A_50 : i32 to index
        %get3A_280 = arith.constant 176 : index
        %get3A_281 = tpu.vector_load %arg8[%get3A_279, %get3A_280] {strides = array<i32>} : memref<16x640xf32, #tpu.memory_space<vmem>>, vector<16xf32>,
        %ne3A_282 = arith.constant 0.000000e+00 : f32
        %ne3A_283 = vector.broadcast %ne3A_282 : f32 to vector<16xf32>
        %ne3A_284 = arith.cmpf one, %get3A_281, %ne3A_283 : vector<16xf32>
        %min3A_285 = arith.constant 64 : i32
        %min3A_286 = arith.minsi %add3A_278, %min3A_285 : i32
        %swap3A_287 = arith.index_cast %min3A_286 : i32 to index
        %swap3A_288 = tpu.vector_load %arg10[%swap3A_287] masked %ne3A_284 {strides = array<i32>} : memref<80xf32, #tpu.memory_space<vmem>>, vector<16xf32>, vector<16xi1>
        tpu.vector_store %arg10[%swap3A_287], %get3A_281 masked %ne3A_284 {strides = array<i32>} : memref<80xf32, #tpu.memory_space<vmem>>, vector<16xf32>, vector<16xi1>
        %broadcast_in_dim3A_289 = arith.constant 176 : i32
        %broadcast_in_dim3A_290 = vector.broadcast %broadcast_in_dim3A_289 : i32 to vector<16xi32>
        %add3A_291 = arith.addi %broadcast_in_dim3A_290, %iota3A : vector<16xi32>
        %swap3A_292 = arith.index_cast %min3A_286 : i32 to index
        %swap3A_293 = tpu.vector_load %arg11[%swap3A_292] masked %ne3A_284 {strides = array<i32>} : memref<80xi32, #tpu.memory_space<vmem>>, vector<16xi32>, vector<16xi1>
        tpu.vector_store %arg11[%swap3A_292], %add3A_291 masked %ne3A_284 {strides = array<i32>} : memref<80xi32, #tpu.memory_space<vmem>>, vector<16xi32>, vector<16xi1>
        %convert_element_type3A_294 = arith.extui %ne3A_284 : vector<16xi1> to vector<16xi32>
        %reduce_sum3A_295 = arith.constant true
        %reduce_sum3A_296 = vector.broadcast %reduce_sum3A_295 : i1 to vector<16xi1>
        %reduce_sum3A_297 = tpu.scan <sum>, %convert_element_type3A_294 masked %reduce_sum3A_296 : vector<16xi32>, vector<16xi1> -> vector<16xi32>
        %reduce_sum3A_298 = vector.extract %reduce_sum3A_297[15] : i32 from vector<16xi32>
        %add3A_299 = arith.addi %add3A_278, %reduce_sum3A_298 : i32
        %get3A_300 = arith.index_cast %add3A_50 : i32 to index
        %get3A_301 = arith.constant 192 : index
        %get3A_302 = tpu.vector_load %arg8[%get3A_300, %get3A_301] {strides = array<i32>} : memref<16x640xf32, #tpu.memory_space<vmem>>, vector<16xf32>,
        %ne3A_303 = arith.constant 0.000000e+00 : f32
        %ne3A_304 = vector.broadcast %ne3A_303 : f32 to vector<16xf32>
        %ne3A_305 = arith.cmpf one, %get3A_302, %ne3A_304 : vector<16xf32>
        %min3A_306 = arith.constant 64 : i32
        %min3A_307 = arith.minsi %add3A_299, %min3A_306 : i32
        %swap3A_308 = arith.index_cast %min3A_307 : i32 to index
        %swap3A_309 = tpu.vector_load %arg10[%swap3A_308] masked %ne3A_305 {strides = array<i32>} : memref<80xf32, #tpu.memory_space<vmem>>, vector<16xf32>, vector<16xi1>
        tpu.vector_store %arg10[%swap3A_308], %get3A_302 masked %ne3A_305 {strides = array<i32>} : memref<80xf32, #tpu.memory_space<vmem>>, vector<16xf32>, vector<16xi1>
        %broadcast_in_dim3A_310 = arith.constant 192 : i32
        %broadcast_in_dim3A_311 = vector.broadcast %broadcast_in_dim3A_310 : i32 to vector<16xi32>
        %add3A_312 = arith.addi %broadcast_in_dim3A_311, %iota3A : vector<16xi32>
        %swap3A_313 = arith.index_cast %min3A_307 : i32 to index
        %swap3A_314 = tpu.vector_load %arg11[%swap3A_313] masked %ne3A_305 {strides = array<i32>} : memref<80xi32, #tpu.memory_space<vmem>>, vector<16xi32>, vector<16xi1>
        tpu.vector_store %arg11[%swap3A_313], %add3A_312 masked %ne3A_305 {strides = array<i32>} : memref<80xi32, #tpu.memory_space<vmem>>, vector<16xi32>, vector<16xi1>
        %convert_element_type3A_315 = arith.extui %ne3A_305 : vector<16xi1> to vector<16xi32>
        %reduce_sum3A_316 = arith.constant true
        %reduce_sum3A_317 = vector.broadcast %reduce_sum3A_316 : i1 to vector<16xi1>
        %reduce_sum3A_318 = tpu.scan <sum>, %convert_element_type3A_315 masked %reduce_sum3A_317 : vector<16xi32>, vector<16xi1> -> vector<16xi32>
        %reduce_sum3A_319 = vector.extract %reduce_sum3A_318[15] : i32 from vector<16xi32>
        %add3A_320 = arith.addi %add3A_299, %reduce_sum3A_319 : i32
        %get3A_321 = arith.index_cast %add3A_50 : i32 to index
        %get3A_322 = arith.constant 208 : index
        %get3A_323 = tpu.vector_load %arg8[%get3A_321, %get3A_322] {strides = array<i32>} : memref<16x640xf32, #tpu.memory_space<vmem>>, vector<16xf32>,
        %ne3A_324 = arith.constant 0.000000e+00 : f32
        %ne3A_325 = vector.broadcast %ne3A_324 : f32 to vector<16xf32>
        %ne3A_326 = arith.cmpf one, %get3A_323, %ne3A_325 : vector<16xf32>
        %min3A_327 = arith.constant 64 : i32
        %min3A_328 = arith.minsi %add3A_320, %min3A_327 : i32
        %swap3A_329 = arith.index_cast %min3A_328 : i32 to index
        %swap3A_330 = tpu.vector_load %arg10[%swap3A_329] masked %ne3A_326 {strides = array<i32>} : memref<80xf32, #tpu.memory_space<vmem>>, vector<16xf32>, vector<16xi1>
        tpu.vector_store %arg10[%swap3A_329], %get3A_323 masked %ne3A_326 {strides = array<i32>} : memref<80xf32, #tpu.memory_space<vmem>>, vector<16xf32>, vector<16xi1>
        %broadcast_in_dim3A_331 = arith.constant 208 : i32
        %broadcast_in_dim3A_332 = vector.broadcast %broadcast_in_dim3A_331 : i32 to vector<16xi32>
        %add3A_333 = arith.addi %broadcast_in_dim3A_332, %iota3A : vector<16xi32>
        %swap3A_334 = arith.index_cast %min3A_328 : i32 to index
        %swap3A_335 = tpu.vector_load %arg11[%swap3A_334] masked %ne3A_326 {strides = array<i32>} : memref<80xi32, #tpu.memory_space<vmem>>, vector<16xi32>, vector<16xi1>
        tpu.vector_store %arg11[%swap3A_334], %add3A_333 masked %ne3A_326 {strides = array<i32>} : memref<80xi32, #tpu.memory_space<vmem>>, vector<16xi32>, vector<16xi1>
        %convert_element_type3A_336 = arith.extui %ne3A_326 : vector<16xi1> to vector<16xi32>
        %reduce_sum3A_337 = arith.constant true
        %reduce_sum3A_338 = vector.broadcast %reduce_sum3A_337 : i1 to vector<16xi1>
        %reduce_sum3A_339 = tpu.scan <sum>, %convert_element_type3A_336 masked %reduce_sum3A_338 : vector<16xi32>, vector<16xi1> -> vector<16xi32>
        %reduce_sum3A_340 = vector.extract %reduce_sum3A_339[15] : i32 from vector<16xi32>
        %add3A_341 = arith.addi %add3A_320, %reduce_sum3A_340 : i32
        %get3A_342 = arith.index_cast %add3A_50 : i32 to index
        %get3A_343 = arith.constant 224 : index
        %get3A_344 = tpu.vector_load %arg8[%get3A_342, %get3A_343] {strides = array<i32>} : memref<16x640xf32, #tpu.memory_space<vmem>>, vector<16xf32>,
        %ne3A_345 = arith.constant 0.000000e+00 : f32
        %ne3A_346 = vector.broadcast %ne3A_345 : f32 to vector<16xf32>
        %ne3A_347 = arith.cmpf one, %get3A_344, %ne3A_346 : vector<16xf32>
        %min3A_348 = arith.constant 64 : i32
        %min3A_349 = arith.minsi %add3A_341, %min3A_348 : i32
        %swap3A_350 = arith.index_cast %min3A_349 : i32 to index
        %swap3A_351 = tpu.vector_load %arg10[%swap3A_350] masked %ne3A_347 {strides = array<i32>} : memref<80xf32, #tpu.memory_space<vmem>>, vector<16xf32>, vector<16xi1>
        tpu.vector_store %arg10[%swap3A_350], %get3A_344 masked %ne3A_347 {strides = array<i32>} : memref<80xf32, #tpu.memory_space<vmem>>, vector<16xf32>, vector<16xi1>
        %broadcast_in_dim3A_352 = arith.constant 224 : i32
        %broadcast_in_dim3A_353 = vector.broadcast %broadcast_in_dim3A_352 : i32 to vector<16xi32>
        %add3A_354 = arith.addi %broadcast_in_dim3A_353, %iota3A : vector<16xi32>
        %swap3A_355 = arith.index_cast %min3A_349 : i32 to index
        %swap3A_356 = tpu.vector_load %arg11[%swap3A_355] masked %ne3A_347 {strides = array<i32>} : memref<80xi32, #tpu.memory_space<vmem>>, vector<16xi32>, vector<16xi1>
        tpu.vector_store %arg11[%swap3A_355], %add3A_354 masked %ne3A_347 {strides = array<i32>} : memref<80xi32, #tpu.memory_space<vmem>>, vector<16xi32>, vector<16xi1>
        %convert_element_type3A_357 = arith.extui %ne3A_347 : vector<16xi1> to vector<16xi32>
        %reduce_sum3A_358 = arith.constant true
        %reduce_sum3A_359 = vector.broadcast %reduce_sum3A_358 : i1 to vector<16xi1>
        %reduce_sum3A_360 = tpu.scan <sum>, %convert_element_type3A_357 masked %reduce_sum3A_359 : vector<16xi32>, vector<16xi1> -> vector<16xi32>
        %reduce_sum3A_361 = vector.extract %reduce_sum3A_360[15] : i32 from vector<16xi32>
        %add3A_362 = arith.addi %add3A_341, %reduce_sum3A_361 : i32
        %get3A_363 = arith.index_cast %add3A_50 : i32 to index
        %get3A_364 = arith.constant 240 : index
        %get3A_365 = tpu.vector_load %arg8[%get3A_363, %get3A_364] {strides = array<i32>} : memref<16x640xf32, #tpu.memory_space<vmem>>, vector<16xf32>,
        %ne3A_366 = arith.constant 0.000000e+00 : f32
        %ne3A_367 = vector.broadcast %ne3A_366 : f32 to vector<16xf32>
        %ne3A_368 = arith.cmpf one, %get3A_365, %ne3A_367 : vector<16xf32>
        %min3A_369 = arith.constant 64 : i32
        %min3A_370 = arith.minsi %add3A_362, %min3A_369 : i32
        %swap3A_371 = arith.index_cast %min3A_370 : i32 to index
        %swap3A_372 = tpu.vector_load %arg10[%swap3A_371] masked %ne3A_368 {strides = array<i32>} : memref<80xf32, #tpu.memory_space<vmem>>, vector<16xf32>, vector<16xi1>
        tpu.vector_store %arg10[%swap3A_371], %get3A_365 masked %ne3A_368 {strides = array<i32>} : memref<80xf32, #tpu.memory_space<vmem>>, vector<16xf32>, vector<16xi1>
        %broadcast_in_dim3A_373 = arith.constant 240 : i32
        %broadcast_in_dim3A_374 = vector.broadcast %broadcast_in_dim3A_373 : i32 to vector<16xi32>
        %add3A_375 = arith.addi %broadcast_in_dim3A_374, %iota3A : vector<16xi32>
        %swap3A_376 = arith.index_cast %min3A_370 : i32 to index
        %swap3A_377 = tpu.vector_load %arg11[%swap3A_376] masked %ne3A_368 {strides = array<i32>} : memref<80xi32, #tpu.memory_space<vmem>>, vector<16xi32>, vector<16xi1>
        tpu.vector_store %arg11[%swap3A_376], %add3A_375 masked %ne3A_368 {strides = array<i32>} : memref<80xi32, #tpu.memory_space<vmem>>, vector<16xi32>, vector<16xi1>
        %convert_element_type3A_378 = arith.extui %ne3A_368 : vector<16xi1> to vector<16xi32>
        %reduce_sum3A_379 = arith.constant true
        %reduce_sum3A_380 = vector.broadcast %reduce_sum3A_379 : i1 to vector<16xi1>
        %reduce_sum3A_381 = tpu.scan <sum>, %convert_element_type3A_378 masked %reduce_sum3A_380 : vector<16xi32>, vector<16xi1> -> vector<16xi32>
        %reduce_sum3A_382 = vector.extract %reduce_sum3A_381[15] : i32 from vector<16xi32>
        %add3A_383 = arith.addi %add3A_362, %reduce_sum3A_382 : i32
        %get3A_384 = arith.index_cast %add3A_50 : i32 to index
        %get3A_385 = arith.constant 256 : index
        %get3A_386 = tpu.vector_load %arg8[%get3A_384, %get3A_385] {strides = array<i32>} : memref<16x640xf32, #tpu.memory_space<vmem>>, vector<16xf32>,
        %ne3A_387 = arith.constant 0.000000e+00 : f32
        %ne3A_388 = vector.broadcast %ne3A_387 : f32 to vector<16xf32>
        %ne3A_389 = arith.cmpf one, %get3A_386, %ne3A_388 : vector<16xf32>
        %min3A_390 = arith.constant 64 : i32
        %min3A_391 = arith.minsi %add3A_383, %min3A_390 : i32
        %swap3A_392 = arith.index_cast %min3A_391 : i32 to index
        %swap3A_393 = tpu.vector_load %arg10[%swap3A_392] masked %ne3A_389 {strides = array<i32>} : memref<80xf32, #tpu.memory_space<vmem>>, vector<16xf32>, vector<16xi1>
        tpu.vector_store %arg10[%swap3A_392], %get3A_386 masked %ne3A_389 {strides = array<i32>} : memref<80xf32, #tpu.memory_space<vmem>>, vector<16xf32>, vector<16xi1>
        %broadcast_in_dim3A_394 = arith.constant 256 : i32
        %broadcast_in_dim3A_395 = vector.broadcast %broadcast_in_dim3A_394 : i32 to vector<16xi32>
        %add3A_396 = arith.addi %broadcast_in_dim3A_395, %iota3A : vector<16xi32>
        %swap3A_397 = arith.index_cast %min3A_391 : i32 to index
        %swap3A_398 = tpu.vector_load %arg11[%swap3A_397] masked %ne3A_389 {strides = array<i32>} : memref<80xi32, #tpu.memory_space<vmem>>, vector<16xi32>, vector<16xi1>
        tpu.vector_store %arg11[%swap3A_397], %add3A_396 masked %ne3A_389 {strides = array<i32>} : memref<80xi32, #tpu.memory_space<vmem>>, vector<16xi32>, vector<16xi1>
        %convert_element_type3A_399 = arith.extui %ne3A_389 : vector<16xi1> to vector<16xi32>
        %reduce_sum3A_400 = arith.constant true
        %reduce_sum3A_401 = vector.broadcast %reduce_sum3A_400 : i1 to vector<16xi1>
        %reduce_sum3A_402 = tpu.scan <sum>, %convert_element_type3A_399 masked %reduce_sum3A_401 : vector<16xi32>, vector<16xi1> -> vector<16xi32>
        %reduce_sum3A_403 = vector.extract %reduce_sum3A_402[15] : i32 from vector<16xi32>
        %add3A_404 = arith.addi %add3A_383, %reduce_sum3A_403 : i32
        %get3A_405 = arith.index_cast %add3A_50 : i32 to index
        %get3A_406 = arith.constant 272 : index
        %get3A_407 = tpu.vector_load %arg8[%get3A_405, %get3A_406] {strides = array<i32>} : memref<16x640xf32, #tpu.memory_space<vmem>>, vector<16xf32>,
        %ne3A_408 = arith.constant 0.000000e+00 : f32
        %ne3A_409 = vector.broadcast %ne3A_408 : f32 to vector<16xf32>
        %ne3A_410 = arith.cmpf one, %get3A_407, %ne3A_409 : vector<16xf32>
        %min3A_411 = arith.constant 64 : i32
        %min3A_412 = arith.minsi %add3A_404, %min3A_411 : i32
        %swap3A_413 = arith.index_cast %min3A_412 : i32 to index
        %swap3A_414 = tpu.vector_load %arg10[%swap3A_413] masked %ne3A_410 {strides = array<i32>} : memref<80xf32, #tpu.memory_space<vmem>>, vector<16xf32>, vector<16xi1>
        tpu.vector_store %arg10[%swap3A_413], %get3A_407 masked %ne3A_410 {strides = array<i32>} : memref<80xf32, #tpu.memory_space<vmem>>, vector<16xf32>, vector<16xi1>
        %broadcast_in_dim3A_415 = arith.constant 272 : i32
        %broadcast_in_dim3A_416 = vector.broadcast %broadcast_in_dim3A_415 : i32 to vector<16xi32>
        %add3A_417 = arith.addi %broadcast_in_dim3A_416, %iota3A : vector<16xi32>
        %swap3A_418 = arith.index_cast %min3A_412 : i32 to index
        %swap3A_419 = tpu.vector_load %arg11[%swap3A_418] masked %ne3A_410 {strides = array<i32>} : memref<80xi32, #tpu.memory_space<vmem>>, vector<16xi32>, vector<16xi1>
        tpu.vector_store %arg11[%swap3A_418], %add3A_417 masked %ne3A_410 {strides = array<i32>} : memref<80xi32, #tpu.memory_space<vmem>>, vector<16xi32>, vector<16xi1>
        %convert_element_type3A_420 = arith.extui %ne3A_410 : vector<16xi1> to vector<16xi32>
        %reduce_sum3A_421 = arith.constant true
        %reduce_sum3A_422 = vector.broadcast %reduce_sum3A_421 : i1 to vector<16xi1>
        %reduce_sum3A_423 = tpu.scan <sum>, %convert_element_type3A_420 masked %reduce_sum3A_422 : vector<16xi32>, vector<16xi1> -> vector<16xi32>
        %reduce_sum3A_424 = vector.extract %reduce_sum3A_423[15] : i32 from vector<16xi32>
        %add3A_425 = arith.addi %add3A_404, %reduce_sum3A_424 : i32
        %get3A_426 = arith.index_cast %add3A_50 : i32 to index
        %get3A_427 = arith.constant 288 : index
        %get3A_428 = tpu.vector_load %arg8[%get3A_426, %get3A_427] {strides = array<i32>} : memref<16x640xf32, #tpu.memory_space<vmem>>, vector<16xf32>,
        %ne3A_429 = arith.constant 0.000000e+00 : f32
        %ne3A_430 = vector.broadcast %ne3A_429 : f32 to vector<16xf32>
        %ne3A_431 = arith.cmpf one, %get3A_428, %ne3A_430 : vector<16xf32>
        %min3A_432 = arith.constant 64 : i32
        %min3A_433 = arith.minsi %add3A_425, %min3A_432 : i32
        %swap3A_434 = arith.index_cast %min3A_433 : i32 to index
        %swap3A_435 = tpu.vector_load %arg10[%swap3A_434] masked %ne3A_431 {strides = array<i32>} : memref<80xf32, #tpu.memory_space<vmem>>, vector<16xf32>, vector<16xi1>
        tpu.vector_store %arg10[%swap3A_434], %get3A_428 masked %ne3A_431 {strides = array<i32>} : memref<80xf32, #tpu.memory_space<vmem>>, vector<16xf32>, vector<16xi1>
        %broadcast_in_dim3A_436 = arith.constant 288 : i32
        %broadcast_in_dim3A_437 = vector.broadcast %broadcast_in_dim3A_436 : i32 to vector<16xi32>
        %add3A_438 = arith.addi %broadcast_in_dim3A_437, %iota3A : vector<16xi32>
        %swap3A_439 = arith.index_cast %min3A_433 : i32 to index
        %swap3A_440 = tpu.vector_load %arg11[%swap3A_439] masked %ne3A_431 {strides = array<i32>} : memref<80xi32, #tpu.memory_space<vmem>>, vector<16xi32>, vector<16xi1>
        tpu.vector_store %arg11[%swap3A_439], %add3A_438 masked %ne3A_431 {strides = array<i32>} : memref<80xi32, #tpu.memory_space<vmem>>, vector<16xi32>, vector<16xi1>
        %convert_element_type3A_441 = arith.extui %ne3A_431 : vector<16xi1> to vector<16xi32>
        %reduce_sum3A_442 = arith.constant true
        %reduce_sum3A_443 = vector.broadcast %reduce_sum3A_442 : i1 to vector<16xi1>
        %reduce_sum3A_444 = tpu.scan <sum>, %convert_element_type3A_441 masked %reduce_sum3A_443 : vector<16xi32>, vector<16xi1> -> vector<16xi32>
        %reduce_sum3A_445 = vector.extract %reduce_sum3A_444[15] : i32 from vector<16xi32>
        %add3A_446 = arith.addi %add3A_425, %reduce_sum3A_445 : i32
        %get3A_447 = arith.index_cast %add3A_50 : i32 to index
        %get3A_448 = arith.constant 304 : index
        %get3A_449 = tpu.vector_load %arg8[%get3A_447, %get3A_448] {strides = array<i32>} : memref<16x640xf32, #tpu.memory_space<vmem>>, vector<16xf32>,
        %ne3A_450 = arith.constant 0.000000e+00 : f32
        %ne3A_451 = vector.broadcast %ne3A_450 : f32 to vector<16xf32>
        %ne3A_452 = arith.cmpf one, %get3A_449, %ne3A_451 : vector<16xf32>
        %min3A_453 = arith.constant 64 : i32
        %min3A_454 = arith.minsi %add3A_446, %min3A_453 : i32
        %swap3A_455 = arith.index_cast %min3A_454 : i32 to index
        %swap3A_456 = tpu.vector_load %arg10[%swap3A_455] masked %ne3A_452 {strides = array<i32>} : memref<80xf32, #tpu.memory_space<vmem>>, vector<16xf32>, vector<16xi1>
        tpu.vector_store %arg10[%swap3A_455], %get3A_449 masked %ne3A_452 {strides = array<i32>} : memref<80xf32, #tpu.memory_space<vmem>>, vector<16xf32>, vector<16xi1>
        %broadcast_in_dim3A_457 = arith.constant 304 : i32
        %broadcast_in_dim3A_458 = vector.broadcast %broadcast_in_dim3A_457 : i32 to vector<16xi32>
        %add3A_459 = arith.addi %broadcast_in_dim3A_458, %iota3A : vector<16xi32>
        %swap3A_460 = arith.index_cast %min3A_454 : i32 to index
        %swap3A_461 = tpu.vector_load %arg11[%swap3A_460] masked %ne3A_452 {strides = array<i32>} : memref<80xi32, #tpu.memory_space<vmem>>, vector<16xi32>, vector<16xi1>
        tpu.vector_store %arg11[%swap3A_460], %add3A_459 masked %ne3A_452 {strides = array<i32>} : memref<80xi32, #tpu.memory_space<vmem>>, vector<16xi32>, vector<16xi1>
        %convert_element_type3A_462 = arith.extui %ne3A_452 : vector<16xi1> to vector<16xi32>
        %reduce_sum3A_463 = arith.constant true
        %reduce_sum3A_464 = vector.broadcast %reduce_sum3A_463 : i1 to vector<16xi1>
        %reduce_sum3A_465 = tpu.scan <sum>, %convert_element_type3A_462 masked %reduce_sum3A_464 : vector<16xi32>, vector<16xi1> -> vector<16xi32>
        %reduce_sum3A_466 = vector.extract %reduce_sum3A_465[15] : i32 from vector<16xi32>
        %add3A_467 = arith.addi %add3A_446, %reduce_sum3A_466 : i32
        %get3A_468 = arith.index_cast %add3A_50 : i32 to index
        %get3A_469 = arith.constant 320 : index
        %get3A_470 = tpu.vector_load %arg8[%get3A_468, %get3A_469] {strides = array<i32>} : memref<16x640xf32, #tpu.memory_space<vmem>>, vector<16xf32>,
        %ne3A_471 = arith.constant 0.000000e+00 : f32
        %ne3A_472 = vector.broadcast %ne3A_471 : f32 to vector<16xf32>
        %ne3A_473 = arith.cmpf one, %get3A_470, %ne3A_472 : vector<16xf32>
        %min3A_474 = arith.constant 64 : i32
        %min3A_475 = arith.minsi %add3A_467, %min3A_474 : i32
        %swap3A_476 = arith.index_cast %min3A_475 : i32 to index
        %swap3A_477 = tpu.vector_load %arg10[%swap3A_476] masked %ne3A_473 {strides = array<i32>} : memref<80xf32, #tpu.memory_space<vmem>>, vector<16xf32>, vector<16xi1>
        tpu.vector_store %arg10[%swap3A_476], %get3A_470 masked %ne3A_473 {strides = array<i32>} : memref<80xf32, #tpu.memory_space<vmem>>, vector<16xf32>, vector<16xi1>
        %broadcast_in_dim3A_478 = arith.constant 320 : i32
        %broadcast_in_dim3A_479 = vector.broadcast %broadcast_in_dim3A_478 : i32 to vector<16xi32>
        %add3A_480 = arith.addi %broadcast_in_dim3A_479, %iota3A : vector<16xi32>
        %swap3A_481 = arith.index_cast %min3A_475 : i32 to index
        %swap3A_482 = tpu.vector_load %arg11[%swap3A_481] masked %ne3A_473 {strides = array<i32>} : memref<80xi32, #tpu.memory_space<vmem>>, vector<16xi32>, vector<16xi1>
        tpu.vector_store %arg11[%swap3A_481], %add3A_480 masked %ne3A_473 {strides = array<i32>} : memref<80xi32, #tpu.memory_space<vmem>>, vector<16xi32>, vector<16xi1>
        %convert_element_type3A_483 = arith.extui %ne3A_473 : vector<16xi1> to vector<16xi32>
        %reduce_sum3A_484 = arith.constant true
        %reduce_sum3A_485 = vector.broadcast %reduce_sum3A_484 : i1 to vector<16xi1>
        %reduce_sum3A_486 = tpu.scan <sum>, %convert_element_type3A_483 masked %reduce_sum3A_485 : vector<16xi32>, vector<16xi1> -> vector<16xi32>
        %reduce_sum3A_487 = vector.extract %reduce_sum3A_486[15] : i32 from vector<16xi32>
        %add3A_488 = arith.addi %add3A_467, %reduce_sum3A_487 : i32
        %get3A_489 = arith.index_cast %add3A_50 : i32 to index
        %get3A_490 = arith.constant 336 : index
        %get3A_491 = tpu.vector_load %arg8[%get3A_489, %get3A_490] {strides = array<i32>} : memref<16x640xf32, #tpu.memory_space<vmem>>, vector<16xf32>,
        %ne3A_492 = arith.constant 0.000000e+00 : f32
        %ne3A_493 = vector.broadcast %ne3A_492 : f32 to vector<16xf32>
        %ne3A_494 = arith.cmpf one, %get3A_491, %ne3A_493 : vector<16xf32>
        %min3A_495 = arith.constant 64 : i32
        %min3A_496 = arith.minsi %add3A_488, %min3A_495 : i32
        %swap3A_497 = arith.index_cast %min3A_496 : i32 to index
        %swap3A_498 = tpu.vector_load %arg10[%swap3A_497] masked %ne3A_494 {strides = array<i32>} : memref<80xf32, #tpu.memory_space<vmem>>, vector<16xf32>, vector<16xi1>
        tpu.vector_store %arg10[%swap3A_497], %get3A_491 masked %ne3A_494 {strides = array<i32>} : memref<80xf32, #tpu.memory_space<vmem>>, vector<16xf32>, vector<16xi1>
        %broadcast_in_dim3A_499 = arith.constant 336 : i32
        %broadcast_in_dim3A_500 = vector.broadcast %broadcast_in_dim3A_499 : i32 to vector<16xi32>
        %add3A_501 = arith.addi %broadcast_in_dim3A_500, %iota3A : vector<16xi32>
        %swap3A_502 = arith.index_cast %min3A_496 : i32 to index
        %swap3A_503 = tpu.vector_load %arg11[%swap3A_502] masked %ne3A_494 {strides = array<i32>} : memref<80xi32, #tpu.memory_space<vmem>>, vector<16xi32>, vector<16xi1>
        tpu.vector_store %arg11[%swap3A_502], %add3A_501 masked %ne3A_494 {strides = array<i32>} : memref<80xi32, #tpu.memory_space<vmem>>, vector<16xi32>, vector<16xi1>
        %convert_element_type3A_504 = arith.extui %ne3A_494 : vector<16xi1> to vector<16xi32>
        %reduce_sum3A_505 = arith.constant true
        %reduce_sum3A_506 = vector.broadcast %reduce_sum3A_505 : i1 to vector<16xi1>
        %reduce_sum3A_507 = tpu.scan <sum>, %convert_element_type3A_504 masked %reduce_sum3A_506 : vector<16xi32>, vector<16xi1> -> vector<16xi32>
        %reduce_sum3A_508 = vector.extract %reduce_sum3A_507[15] : i32 from vector<16xi32>
        %add3A_509 = arith.addi %add3A_488, %reduce_sum3A_508 : i32
        %get3A_510 = arith.index_cast %add3A_50 : i32 to index
        %get3A_511 = arith.constant 352 : index
        %get3A_512 = tpu.vector_load %arg8[%get3A_510, %get3A_511] {strides = array<i32>} : memref<16x640xf32, #tpu.memory_space<vmem>>, vector<16xf32>,
        %ne3A_513 = arith.constant 0.000000e+00 : f32
        %ne3A_514 = vector.broadcast %ne3A_513 : f32 to vector<16xf32>
        %ne3A_515 = arith.cmpf one, %get3A_512, %ne3A_514 : vector<16xf32>
        %min3A_516 = arith.constant 64 : i32
        %min3A_517 = arith.minsi %add3A_509, %min3A_516 : i32
        %swap3A_518 = arith.index_cast %min3A_517 : i32 to index
        %swap3A_519 = tpu.vector_load %arg10[%swap3A_518] masked %ne3A_515 {strides = array<i32>} : memref<80xf32, #tpu.memory_space<vmem>>, vector<16xf32>, vector<16xi1>
        tpu.vector_store %arg10[%swap3A_518], %get3A_512 masked %ne3A_515 {strides = array<i32>} : memref<80xf32, #tpu.memory_space<vmem>>, vector<16xf32>, vector<16xi1>
        %broadcast_in_dim3A_520 = arith.constant 352 : i32
        %broadcast_in_dim3A_521 = vector.broadcast %broadcast_in_dim3A_520 : i32 to vector<16xi32>
        %add3A_522 = arith.addi %broadcast_in_dim3A_521, %iota3A : vector<16xi32>
        %swap3A_523 = arith.index_cast %min3A_517 : i32 to index
        %swap3A_524 = tpu.vector_load %arg11[%swap3A_523] masked %ne3A_515 {strides = array<i32>} : memref<80xi32, #tpu.memory_space<vmem>>, vector<16xi32>, vector<16xi1>
        tpu.vector_store %arg11[%swap3A_523], %add3A_522 masked %ne3A_515 {strides = array<i32>} : memref<80xi32, #tpu.memory_space<vmem>>, vector<16xi32>, vector<16xi1>
        %convert_element_type3A_525 = arith.extui %ne3A_515 : vector<16xi1> to vector<16xi32>
        %reduce_sum3A_526 = arith.constant true
        %reduce_sum3A_527 = vector.broadcast %reduce_sum3A_526 : i1 to vector<16xi1>
        %reduce_sum3A_528 = tpu.scan <sum>, %convert_element_type3A_525 masked %reduce_sum3A_527 : vector<16xi32>, vector<16xi1> -> vector<16xi32>
        %reduce_sum3A_529 = vector.extract %reduce_sum3A_528[15] : i32 from vector<16xi32>
        %add3A_530 = arith.addi %add3A_509, %reduce_sum3A_529 : i32
        %get3A_531 = arith.index_cast %add3A_50 : i32 to index
        %get3A_532 = arith.constant 368 : index
        %get3A_533 = tpu.vector_load %arg8[%get3A_531, %get3A_532] {strides = array<i32>} : memref<16x640xf32, #tpu.memory_space<vmem>>, vector<16xf32>,
        %ne3A_534 = arith.constant 0.000000e+00 : f32
        %ne3A_535 = vector.broadcast %ne3A_534 : f32 to vector<16xf32>
        %ne3A_536 = arith.cmpf one, %get3A_533, %ne3A_535 : vector<16xf32>
        %min3A_537 = arith.constant 64 : i32
        %min3A_538 = arith.minsi %add3A_530, %min3A_537 : i32
        %swap3A_539 = arith.index_cast %min3A_538 : i32 to index
        %swap3A_540 = tpu.vector_load %arg10[%swap3A_539] masked %ne3A_536 {strides = array<i32>} : memref<80xf32, #tpu.memory_space<vmem>>, vector<16xf32>, vector<16xi1>
        tpu.vector_store %arg10[%swap3A_539], %get3A_533 masked %ne3A_536 {strides = array<i32>} : memref<80xf32, #tpu.memory_space<vmem>>, vector<16xf32>, vector<16xi1>
        %broadcast_in_dim3A_541 = arith.constant 368 : i32
        %broadcast_in_dim3A_542 = vector.broadcast %broadcast_in_dim3A_541 : i32 to vector<16xi32>
        %add3A_543 = arith.addi %broadcast_in_dim3A_542, %iota3A : vector<16xi32>
        %swap3A_544 = arith.index_cast %min3A_538 : i32 to index
        %swap3A_545 = tpu.vector_load %arg11[%swap3A_544] masked %ne3A_536 {strides = array<i32>} : memref<80xi32, #tpu.memory_space<vmem>>, vector<16xi32>, vector<16xi1>
        tpu.vector_store %arg11[%swap3A_544], %add3A_543 masked %ne3A_536 {strides = array<i32>} : memref<80xi32, #tpu.memory_space<vmem>>, vector<16xi32>, vector<16xi1>
        %convert_element_type3A_546 = arith.extui %ne3A_536 : vector<16xi1> to vector<16xi32>
        %reduce_sum3A_547 = arith.constant true
        %reduce_sum3A_548 = vector.broadcast %reduce_sum3A_547 : i1 to vector<16xi1>
        %reduce_sum3A_549 = tpu.scan <sum>, %convert_element_type3A_546 masked %reduce_sum3A_548 : vector<16xi32>, vector<16xi1> -> vector<16xi32>
        %reduce_sum3A_550 = vector.extract %reduce_sum3A_549[15] : i32 from vector<16xi32>
        %add3A_551 = arith.addi %add3A_530, %reduce_sum3A_550 : i32
        %get3A_552 = arith.index_cast %add3A_50 : i32 to index
        %get3A_553 = arith.constant 384 : index
        %get3A_554 = tpu.vector_load %arg8[%get3A_552, %get3A_553] {strides = array<i32>} : memref<16x640xf32, #tpu.memory_space<vmem>>, vector<16xf32>,
        %ne3A_555 = arith.constant 0.000000e+00 : f32
        %ne3A_556 = vector.broadcast %ne3A_555 : f32 to vector<16xf32>
        %ne3A_557 = arith.cmpf one, %get3A_554, %ne3A_556 : vector<16xf32>
        %min3A_558 = arith.constant 64 : i32
        %min3A_559 = arith.minsi %add3A_551, %min3A_558 : i32
        %swap3A_560 = arith.index_cast %min3A_559 : i32 to index
        %swap3A_561 = tpu.vector_load %arg10[%swap3A_560] masked %ne3A_557 {strides = array<i32>} : memref<80xf32, #tpu.memory_space<vmem>>, vector<16xf32>, vector<16xi1>
        tpu.vector_store %arg10[%swap3A_560], %get3A_554 masked %ne3A_557 {strides = array<i32>} : memref<80xf32, #tpu.memory_space<vmem>>, vector<16xf32>, vector<16xi1>
        %broadcast_in_dim3A_562 = arith.constant 384 : i32
        %broadcast_in_dim3A_563 = vector.broadcast %broadcast_in_dim3A_562 : i32 to vector<16xi32>
        %add3A_564 = arith.addi %broadcast_in_dim3A_563, %iota3A : vector<16xi32>
        %swap3A_565 = arith.index_cast %min3A_559 : i32 to index
        %swap3A_566 = tpu.vector_load %arg11[%swap3A_565] masked %ne3A_557 {strides = array<i32>} : memref<80xi32, #tpu.memory_space<vmem>>, vector<16xi32>, vector<16xi1>
        tpu.vector_store %arg11[%swap3A_565], %add3A_564 masked %ne3A_557 {strides = array<i32>} : memref<80xi32, #tpu.memory_space<vmem>>, vector<16xi32>, vector<16xi1>
        %convert_element_type3A_567 = arith.extui %ne3A_557 : vector<16xi1> to vector<16xi32>
        %reduce_sum3A_568 = arith.constant true
        %reduce_sum3A_569 = vector.broadcast %reduce_sum3A_568 : i1 to vector<16xi1>
        %reduce_sum3A_570 = tpu.scan <sum>, %convert_element_type3A_567 masked %reduce_sum3A_569 : vector<16xi32>, vector<16xi1> -> vector<16xi32>
        %reduce_sum3A_571 = vector.extract %reduce_sum3A_570[15] : i32 from vector<16xi32>
        %add3A_572 = arith.addi %add3A_551, %reduce_sum3A_571 : i32
        %get3A_573 = arith.index_cast %add3A_50 : i32 to index
        %get3A_574 = arith.constant 400 : index
        %get3A_575 = tpu.vector_load %arg8[%get3A_573, %get3A_574] {strides = array<i32>} : memref<16x640xf32, #tpu.memory_space<vmem>>, vector<16xf32>,
        %ne3A_576 = arith.constant 0.000000e+00 : f32
        %ne3A_577 = vector.broadcast %ne3A_576 : f32 to vector<16xf32>
        %ne3A_578 = arith.cmpf one, %get3A_575, %ne3A_577 : vector<16xf32>
        %min3A_579 = arith.constant 64 : i32
        %min3A_580 = arith.minsi %add3A_572, %min3A_579 : i32
        %swap3A_581 = arith.index_cast %min3A_580 : i32 to index
        %swap3A_582 = tpu.vector_load %arg10[%swap3A_581] masked %ne3A_578 {strides = array<i32>} : memref<80xf32, #tpu.memory_space<vmem>>, vector<16xf32>, vector<16xi1>
        tpu.vector_store %arg10[%swap3A_581], %get3A_575 masked %ne3A_578 {strides = array<i32>} : memref<80xf32, #tpu.memory_space<vmem>>, vector<16xf32>, vector<16xi1>
        %broadcast_in_dim3A_583 = arith.constant 400 : i32
        %broadcast_in_dim3A_584 = vector.broadcast %broadcast_in_dim3A_583 : i32 to vector<16xi32>
        %add3A_585 = arith.addi %broadcast_in_dim3A_584, %iota3A : vector<16xi32>
        %swap3A_586 = arith.index_cast %min3A_580 : i32 to index
        %swap3A_587 = tpu.vector_load %arg11[%swap3A_586] masked %ne3A_578 {strides = array<i32>} : memref<80xi32, #tpu.memory_space<vmem>>, vector<16xi32>, vector<16xi1>
        tpu.vector_store %arg11[%swap3A_586], %add3A_585 masked %ne3A_578 {strides = array<i32>} : memref<80xi32, #tpu.memory_space<vmem>>, vector<16xi32>, vector<16xi1>
        %convert_element_type3A_588 = arith.extui %ne3A_578 : vector<16xi1> to vector<16xi32>
        %reduce_sum3A_589 = arith.constant true
        %reduce_sum3A_590 = vector.broadcast %reduce_sum3A_589 : i1 to vector<16xi1>
        %reduce_sum3A_591 = tpu.scan <sum>, %convert_element_type3A_588 masked %reduce_sum3A_590 : vector<16xi32>, vector<16xi1> -> vector<16xi32>
        %reduce_sum3A_592 = vector.extract %reduce_sum3A_591[15] : i32 from vector<16xi32>
        %add3A_593 = arith.addi %add3A_572, %reduce_sum3A_592 : i32
        %get3A_594 = arith.index_cast %add3A_50 : i32 to index
        %get3A_595 = arith.constant 416 : index
        %get3A_596 = tpu.vector_load %arg8[%get3A_594, %get3A_595] {strides = array<i32>} : memref<16x640xf32, #tpu.memory_space<vmem>>, vector<16xf32>,
        %ne3A_597 = arith.constant 0.000000e+00 : f32
        %ne3A_598 = vector.broadcast %ne3A_597 : f32 to vector<16xf32>
        %ne3A_599 = arith.cmpf one, %get3A_596, %ne3A_598 : vector<16xf32>
        %min3A_600 = arith.constant 64 : i32
        %min3A_601 = arith.minsi %add3A_593, %min3A_600 : i32
        %swap3A_602 = arith.index_cast %min3A_601 : i32 to index
        %swap3A_603 = tpu.vector_load %arg10[%swap3A_602] masked %ne3A_599 {strides = array<i32>} : memref<80xf32, #tpu.memory_space<vmem>>, vector<16xf32>, vector<16xi1>
        tpu.vector_store %arg10[%swap3A_602], %get3A_596 masked %ne3A_599 {strides = array<i32>} : memref<80xf32, #tpu.memory_space<vmem>>, vector<16xf32>, vector<16xi1>
        %broadcast_in_dim3A_604 = arith.constant 416 : i32
        %broadcast_in_dim3A_605 = vector.broadcast %broadcast_in_dim3A_604 : i32 to vector<16xi32>
        %add3A_606 = arith.addi %broadcast_in_dim3A_605, %iota3A : vector<16xi32>
        %swap3A_607 = arith.index_cast %min3A_601 : i32 to index
        %swap3A_608 = tpu.vector_load %arg11[%swap3A_607] masked %ne3A_599 {strides = array<i32>} : memref<80xi32, #tpu.memory_space<vmem>>, vector<16xi32>, vector<16xi1>
        tpu.vector_store %arg11[%swap3A_607], %add3A_606 masked %ne3A_599 {strides = array<i32>} : memref<80xi32, #tpu.memory_space<vmem>>, vector<16xi32>, vector<16xi1>
        %convert_element_type3A_609 = arith.extui %ne3A_599 : vector<16xi1> to vector<16xi32>
        %reduce_sum3A_610 = arith.constant true
        %reduce_sum3A_611 = vector.broadcast %reduce_sum3A_610 : i1 to vector<16xi1>
        %reduce_sum3A_612 = tpu.scan <sum>, %convert_element_type3A_609 masked %reduce_sum3A_611 : vector<16xi32>, vector<16xi1> -> vector<16xi32>
        %reduce_sum3A_613 = vector.extract %reduce_sum3A_612[15] : i32 from vector<16xi32>
        %add3A_614 = arith.addi %add3A_593, %reduce_sum3A_613 : i32
        %get3A_615 = arith.index_cast %add3A_50 : i32 to index
        %get3A_616 = arith.constant 432 : index
        %get3A_617 = tpu.vector_load %arg8[%get3A_615, %get3A_616] {strides = array<i32>} : memref<16x640xf32, #tpu.memory_space<vmem>>, vector<16xf32>,
        %ne3A_618 = arith.constant 0.000000e+00 : f32
        %ne3A_619 = vector.broadcast %ne3A_618 : f32 to vector<16xf32>
        %ne3A_620 = arith.cmpf one, %get3A_617, %ne3A_619 : vector<16xf32>
        %min3A_621 = arith.constant 64 : i32
        %min3A_622 = arith.minsi %add3A_614, %min3A_621 : i32
        %swap3A_623 = arith.index_cast %min3A_622 : i32 to index
        %swap3A_624 = tpu.vector_load %arg10[%swap3A_623] masked %ne3A_620 {strides = array<i32>} : memref<80xf32, #tpu.memory_space<vmem>>, vector<16xf32>, vector<16xi1>
        tpu.vector_store %arg10[%swap3A_623], %get3A_617 masked %ne3A_620 {strides = array<i32>} : memref<80xf32, #tpu.memory_space<vmem>>, vector<16xf32>, vector<16xi1>
        %broadcast_in_dim3A_625 = arith.constant 432 : i32
        %broadcast_in_dim3A_626 = vector.broadcast %broadcast_in_dim3A_625 : i32 to vector<16xi32>
        %add3A_627 = arith.addi %broadcast_in_dim3A_626, %iota3A : vector<16xi32>
        %swap3A_628 = arith.index_cast %min3A_622 : i32 to index
        %swap3A_629 = tpu.vector_load %arg11[%swap3A_628] masked %ne3A_620 {strides = array<i32>} : memref<80xi32, #tpu.memory_space<vmem>>, vector<16xi32>, vector<16xi1>
        tpu.vector_store %arg11[%swap3A_628], %add3A_627 masked %ne3A_620 {strides = array<i32>} : memref<80xi32, #tpu.memory_space<vmem>>, vector<16xi32>, vector<16xi1>
        %convert_element_type3A_630 = arith.extui %ne3A_620 : vector<16xi1> to vector<16xi32>
        %reduce_sum3A_631 = arith.constant true
        %reduce_sum3A_632 = vector.broadcast %reduce_sum3A_631 : i1 to vector<16xi1>
        %reduce_sum3A_633 = tpu.scan <sum>, %convert_element_type3A_630 masked %reduce_sum3A_632 : vector<16xi32>, vector<16xi1> -> vector<16xi32>
        %reduce_sum3A_634 = vector.extract %reduce_sum3A_633[15] : i32 from vector<16xi32>
        %add3A_635 = arith.addi %add3A_614, %reduce_sum3A_634 : i32
        %get3A_636 = arith.index_cast %add3A_50 : i32 to index
        %get3A_637 = arith.constant 448 : index
        %get3A_638 = tpu.vector_load %arg8[%get3A_636, %get3A_637] {strides = array<i32>} : memref<16x640xf32, #tpu.memory_space<vmem>>, vector<16xf32>,
        %ne3A_639 = arith.constant 0.000000e+00 : f32
        %ne3A_640 = vector.broadcast %ne3A_639 : f32 to vector<16xf32>
        %ne3A_641 = arith.cmpf one, %get3A_638, %ne3A_640 : vector<16xf32>
        %min3A_642 = arith.constant 64 : i32
        %min3A_643 = arith.minsi %add3A_635, %min3A_642 : i32
        %swap3A_644 = arith.index_cast %min3A_643 : i32 to index
        %swap3A_645 = tpu.vector_load %arg10[%swap3A_644] masked %ne3A_641 {strides = array<i32>} : memref<80xf32, #tpu.memory_space<vmem>>, vector<16xf32>, vector<16xi1>
        tpu.vector_store %arg10[%swap3A_644], %get3A_638 masked %ne3A_641 {strides = array<i32>} : memref<80xf32, #tpu.memory_space<vmem>>, vector<16xf32>, vector<16xi1>
        %broadcast_in_dim3A_646 = arith.constant 448 : i32
        %broadcast_in_dim3A_647 = vector.broadcast %broadcast_in_dim3A_646 : i32 to vector<16xi32>
        %add3A_648 = arith.addi %broadcast_in_dim3A_647, %iota3A : vector<16xi32>
        %swap3A_649 = arith.index_cast %min3A_643 : i32 to index
        %swap3A_650 = tpu.vector_load %arg11[%swap3A_649] masked %ne3A_641 {strides = array<i32>} : memref<80xi32, #tpu.memory_space<vmem>>, vector<16xi32>, vector<16xi1>
        tpu.vector_store %arg11[%swap3A_649], %add3A_648 masked %ne3A_641 {strides = array<i32>} : memref<80xi32, #tpu.memory_space<vmem>>, vector<16xi32>, vector<16xi1>
        %convert_element_type3A_651 = arith.extui %ne3A_641 : vector<16xi1> to vector<16xi32>
        %reduce_sum3A_652 = arith.constant true
        %reduce_sum3A_653 = vector.broadcast %reduce_sum3A_652 : i1 to vector<16xi1>
        %reduce_sum3A_654 = tpu.scan <sum>, %convert_element_type3A_651 masked %reduce_sum3A_653 : vector<16xi32>, vector<16xi1> -> vector<16xi32>
        %reduce_sum3A_655 = vector.extract %reduce_sum3A_654[15] : i32 from vector<16xi32>
        %add3A_656 = arith.addi %add3A_635, %reduce_sum3A_655 : i32
        %get3A_657 = arith.index_cast %add3A_50 : i32 to index
        %get3A_658 = arith.constant 464 : index
        %get3A_659 = tpu.vector_load %arg8[%get3A_657, %get3A_658] {strides = array<i32>} : memref<16x640xf32, #tpu.memory_space<vmem>>, vector<16xf32>,
        %ne3A_660 = arith.constant 0.000000e+00 : f32
        %ne3A_661 = vector.broadcast %ne3A_660 : f32 to vector<16xf32>
        %ne3A_662 = arith.cmpf one, %get3A_659, %ne3A_661 : vector<16xf32>
        %min3A_663 = arith.constant 64 : i32
        %min3A_664 = arith.minsi %add3A_656, %min3A_663 : i32
        %swap3A_665 = arith.index_cast %min3A_664 : i32 to index
        %swap3A_666 = tpu.vector_load %arg10[%swap3A_665] masked %ne3A_662 {strides = array<i32>} : memref<80xf32, #tpu.memory_space<vmem>>, vector<16xf32>, vector<16xi1>
        tpu.vector_store %arg10[%swap3A_665], %get3A_659 masked %ne3A_662 {strides = array<i32>} : memref<80xf32, #tpu.memory_space<vmem>>, vector<16xf32>, vector<16xi1>
        %broadcast_in_dim3A_667 = arith.constant 464 : i32
        %broadcast_in_dim3A_668 = vector.broadcast %broadcast_in_dim3A_667 : i32 to vector<16xi32>
        %add3A_669 = arith.addi %broadcast_in_dim3A_668, %iota3A : vector<16xi32>
        %swap3A_670 = arith.index_cast %min3A_664 : i32 to index
        %swap3A_671 = tpu.vector_load %arg11[%swap3A_670] masked %ne3A_662 {strides = array<i32>} : memref<80xi32, #tpu.memory_space<vmem>>, vector<16xi32>, vector<16xi1>
        tpu.vector_store %arg11[%swap3A_670], %add3A_669 masked %ne3A_662 {strides = array<i32>} : memref<80xi32, #tpu.memory_space<vmem>>, vector<16xi32>, vector<16xi1>
        %convert_element_type3A_672 = arith.extui %ne3A_662 : vector<16xi1> to vector<16xi32>
        %reduce_sum3A_673 = arith.constant true
        %reduce_sum3A_674 = vector.broadcast %reduce_sum3A_673 : i1 to vector<16xi1>
        %reduce_sum3A_675 = tpu.scan <sum>, %convert_element_type3A_672 masked %reduce_sum3A_674 : vector<16xi32>, vector<16xi1> -> vector<16xi32>
        %reduce_sum3A_676 = vector.extract %reduce_sum3A_675[15] : i32 from vector<16xi32>
        %add3A_677 = arith.addi %add3A_656, %reduce_sum3A_676 : i32
        %get3A_678 = arith.index_cast %add3A_50 : i32 to index
        %get3A_679 = arith.constant 480 : index
        %get3A_680 = tpu.vector_load %arg8[%get3A_678, %get3A_679] {strides = array<i32>} : memref<16x640xf32, #tpu.memory_space<vmem>>, vector<16xf32>,
        %ne3A_681 = arith.constant 0.000000e+00 : f32
        %ne3A_682 = vector.broadcast %ne3A_681 : f32 to vector<16xf32>
        %ne3A_683 = arith.cmpf one, %get3A_680, %ne3A_682 : vector<16xf32>
        %min3A_684 = arith.constant 64 : i32
        %min3A_685 = arith.minsi %add3A_677, %min3A_684 : i32
        %swap3A_686 = arith.index_cast %min3A_685 : i32 to index
        %swap3A_687 = tpu.vector_load %arg10[%swap3A_686] masked %ne3A_683 {strides = array<i32>} : memref<80xf32, #tpu.memory_space<vmem>>, vector<16xf32>, vector<16xi1>
        tpu.vector_store %arg10[%swap3A_686], %get3A_680 masked %ne3A_683 {strides = array<i32>} : memref<80xf32, #tpu.memory_space<vmem>>, vector<16xf32>, vector<16xi1>
        %broadcast_in_dim3A_688 = arith.constant 480 : i32
        %broadcast_in_dim3A_689 = vector.broadcast %broadcast_in_dim3A_688 : i32 to vector<16xi32>
        %add3A_690 = arith.addi %broadcast_in_dim3A_689, %iota3A : vector<16xi32>
        %swap3A_691 = arith.index_cast %min3A_685 : i32 to index
        %swap3A_692 = tpu.vector_load %arg11[%swap3A_691] masked %ne3A_683 {strides = array<i32>} : memref<80xi32, #tpu.memory_space<vmem>>, vector<16xi32>, vector<16xi1>
        tpu.vector_store %arg11[%swap3A_691], %add3A_690 masked %ne3A_683 {strides = array<i32>} : memref<80xi32, #tpu.memory_space<vmem>>, vector<16xi32>, vector<16xi1>
        %convert_element_type3A_693 = arith.extui %ne3A_683 : vector<16xi1> to vector<16xi32>
        %reduce_sum3A_694 = arith.constant true
        %reduce_sum3A_695 = vector.broadcast %reduce_sum3A_694 : i1 to vector<16xi1>
        %reduce_sum3A_696 = tpu.scan <sum>, %convert_element_type3A_693 masked %reduce_sum3A_695 : vector<16xi32>, vector<16xi1> -> vector<16xi32>
        %reduce_sum3A_697 = vector.extract %reduce_sum3A_696[15] : i32 from vector<16xi32>
        %add3A_698 = arith.addi %add3A_677, %reduce_sum3A_697 : i32
        %get3A_699 = arith.index_cast %add3A_50 : i32 to index
        %get3A_700 = arith.constant 496 : index
        %get3A_701 = tpu.vector_load %arg8[%get3A_699, %get3A_700] {strides = array<i32>} : memref<16x640xf32, #tpu.memory_space<vmem>>, vector<16xf32>,
        %ne3A_702 = arith.constant 0.000000e+00 : f32
        %ne3A_703 = vector.broadcast %ne3A_702 : f32 to vector<16xf32>
        %ne3A_704 = arith.cmpf one, %get3A_701, %ne3A_703 : vector<16xf32>
        %min3A_705 = arith.constant 64 : i32
        %min3A_706 = arith.minsi %add3A_698, %min3A_705 : i32
        %swap3A_707 = arith.index_cast %min3A_706 : i32 to index
        %swap3A_708 = tpu.vector_load %arg10[%swap3A_707] masked %ne3A_704 {strides = array<i32>} : memref<80xf32, #tpu.memory_space<vmem>>, vector<16xf32>, vector<16xi1>
        tpu.vector_store %arg10[%swap3A_707], %get3A_701 masked %ne3A_704 {strides = array<i32>} : memref<80xf32, #tpu.memory_space<vmem>>, vector<16xf32>, vector<16xi1>
        %broadcast_in_dim3A_709 = arith.constant 496 : i32
        %broadcast_in_dim3A_710 = vector.broadcast %broadcast_in_dim3A_709 : i32 to vector<16xi32>
        %add3A_711 = arith.addi %broadcast_in_dim3A_710, %iota3A : vector<16xi32>
        %swap3A_712 = arith.index_cast %min3A_706 : i32 to index
        %swap3A_713 = tpu.vector_load %arg11[%swap3A_712] masked %ne3A_704 {strides = array<i32>} : memref<80xi32, #tpu.memory_space<vmem>>, vector<16xi32>, vector<16xi1>
        tpu.vector_store %arg11[%swap3A_712], %add3A_711 masked %ne3A_704 {strides = array<i32>} : memref<80xi32, #tpu.memory_space<vmem>>, vector<16xi32>, vector<16xi1>
        %convert_element_type3A_714 = arith.extui %ne3A_704 : vector<16xi1> to vector<16xi32>
        %reduce_sum3A_715 = arith.constant true
        %reduce_sum3A_716 = vector.broadcast %reduce_sum3A_715 : i1 to vector<16xi1>
        %reduce_sum3A_717 = tpu.scan <sum>, %convert_element_type3A_714 masked %reduce_sum3A_716 : vector<16xi32>, vector<16xi1> -> vector<16xi32>
        %reduce_sum3A_718 = vector.extract %reduce_sum3A_717[15] : i32 from vector<16xi32>
        %add3A_719 = arith.addi %add3A_698, %reduce_sum3A_718 : i32
        %get3A_720 = arith.index_cast %add3A_50 : i32 to index
        %get3A_721 = arith.constant 512 : index
        %get3A_722 = tpu.vector_load %arg8[%get3A_720, %get3A_721] {strides = array<i32>} : memref<16x640xf32, #tpu.memory_space<vmem>>, vector<16xf32>,
        %ne3A_723 = arith.constant 0.000000e+00 : f32
        %ne3A_724 = vector.broadcast %ne3A_723 : f32 to vector<16xf32>
        %ne3A_725 = arith.cmpf one, %get3A_722, %ne3A_724 : vector<16xf32>
        %min3A_726 = arith.constant 64 : i32
        %min3A_727 = arith.minsi %add3A_719, %min3A_726 : i32
        %swap3A_728 = arith.index_cast %min3A_727 : i32 to index
        %swap3A_729 = tpu.vector_load %arg10[%swap3A_728] masked %ne3A_725 {strides = array<i32>} : memref<80xf32, #tpu.memory_space<vmem>>, vector<16xf32>, vector<16xi1>
        tpu.vector_store %arg10[%swap3A_728], %get3A_722 masked %ne3A_725 {strides = array<i32>} : memref<80xf32, #tpu.memory_space<vmem>>, vector<16xf32>, vector<16xi1>
        %broadcast_in_dim3A_730 = arith.constant 512 : i32
        %broadcast_in_dim3A_731 = vector.broadcast %broadcast_in_dim3A_730 : i32 to vector<16xi32>
        %add3A_732 = arith.addi %broadcast_in_dim3A_731, %iota3A : vector<16xi32>
        %swap3A_733 = arith.index_cast %min3A_727 : i32 to index
        %swap3A_734 = tpu.vector_load %arg11[%swap3A_733] masked %ne3A_725 {strides = array<i32>} : memref<80xi32, #tpu.memory_space<vmem>>, vector<16xi32>, vector<16xi1>
        tpu.vector_store %arg11[%swap3A_733], %add3A_732 masked %ne3A_725 {strides = array<i32>} : memref<80xi32, #tpu.memory_space<vmem>>, vector<16xi32>, vector<16xi1>
        %convert_element_type3A_735 = arith.extui %ne3A_725 : vector<16xi1> to vector<16xi32>
        %reduce_sum3A_736 = arith.constant true
        %reduce_sum3A_737 = vector.broadcast %reduce_sum3A_736 : i1 to vector<16xi1>
        %reduce_sum3A_738 = tpu.scan <sum>, %convert_element_type3A_735 masked %reduce_sum3A_737 : vector<16xi32>, vector<16xi1> -> vector<16xi32>
        %reduce_sum3A_739 = vector.extract %reduce_sum3A_738[15] : i32 from vector<16xi32>
        %add3A_740 = arith.addi %add3A_719, %reduce_sum3A_739 : i32
        %get3A_741 = arith.index_cast %add3A_50 : i32 to index
        %get3A_742 = arith.constant 528 : index
        %get3A_743 = tpu.vector_load %arg8[%get3A_741, %get3A_742] {strides = array<i32>} : memref<16x640xf32, #tpu.memory_space<vmem>>, vector<16xf32>,
        %ne3A_744 = arith.constant 0.000000e+00 : f32
        %ne3A_745 = vector.broadcast %ne3A_744 : f32 to vector<16xf32>
        %ne3A_746 = arith.cmpf one, %get3A_743, %ne3A_745 : vector<16xf32>
        %min3A_747 = arith.constant 64 : i32
        %min3A_748 = arith.minsi %add3A_740, %min3A_747 : i32
        %swap3A_749 = arith.index_cast %min3A_748 : i32 to index
        %swap3A_750 = tpu.vector_load %arg10[%swap3A_749] masked %ne3A_746 {strides = array<i32>} : memref<80xf32, #tpu.memory_space<vmem>>, vector<16xf32>, vector<16xi1>
        tpu.vector_store %arg10[%swap3A_749], %get3A_743 masked %ne3A_746 {strides = array<i32>} : memref<80xf32, #tpu.memory_space<vmem>>, vector<16xf32>, vector<16xi1>
        %broadcast_in_dim3A_751 = arith.constant 528 : i32
        %broadcast_in_dim3A_752 = vector.broadcast %broadcast_in_dim3A_751 : i32 to vector<16xi32>
        %add3A_753 = arith.addi %broadcast_in_dim3A_752, %iota3A : vector<16xi32>
        %swap3A_754 = arith.index_cast %min3A_748 : i32 to index
        %swap3A_755 = tpu.vector_load %arg11[%swap3A_754] masked %ne3A_746 {strides = array<i32>} : memref<80xi32, #tpu.memory_space<vmem>>, vector<16xi32>, vector<16xi1>
        tpu.vector_store %arg11[%swap3A_754], %add3A_753 masked %ne3A_746 {strides = array<i32>} : memref<80xi32, #tpu.memory_space<vmem>>, vector<16xi32>, vector<16xi1>
        %convert_element_type3A_756 = arith.extui %ne3A_746 : vector<16xi1> to vector<16xi32>
        %reduce_sum3A_757 = arith.constant true
        %reduce_sum3A_758 = vector.broadcast %reduce_sum3A_757 : i1 to vector<16xi1>
        %reduce_sum3A_759 = tpu.scan <sum>, %convert_element_type3A_756 masked %reduce_sum3A_758 : vector<16xi32>, vector<16xi1> -> vector<16xi32>
        %reduce_sum3A_760 = vector.extract %reduce_sum3A_759[15] : i32 from vector<16xi32>
        %add3A_761 = arith.addi %add3A_740, %reduce_sum3A_760 : i32
        %get3A_762 = arith.index_cast %add3A_50 : i32 to index
        %get3A_763 = arith.constant 544 : index
        %get3A_764 = tpu.vector_load %arg8[%get3A_762, %get3A_763] {strides = array<i32>} : memref<16x640xf32, #tpu.memory_space<vmem>>, vector<16xf32>,
        %ne3A_765 = arith.constant 0.000000e+00 : f32
        %ne3A_766 = vector.broadcast %ne3A_765 : f32 to vector<16xf32>
        %ne3A_767 = arith.cmpf one, %get3A_764, %ne3A_766 : vector<16xf32>
        %min3A_768 = arith.constant 64 : i32
        %min3A_769 = arith.minsi %add3A_761, %min3A_768 : i32
        %swap3A_770 = arith.index_cast %min3A_769 : i32 to index
        %swap3A_771 = tpu.vector_load %arg10[%swap3A_770] masked %ne3A_767 {strides = array<i32>} : memref<80xf32, #tpu.memory_space<vmem>>, vector<16xf32>, vector<16xi1>
        tpu.vector_store %arg10[%swap3A_770], %get3A_764 masked %ne3A_767 {strides = array<i32>} : memref<80xf32, #tpu.memory_space<vmem>>, vector<16xf32>, vector<16xi1>
        %broadcast_in_dim3A_772 = arith.constant 544 : i32
        %broadcast_in_dim3A_773 = vector.broadcast %broadcast_in_dim3A_772 : i32 to vector<16xi32>
        %add3A_774 = arith.addi %broadcast_in_dim3A_773, %iota3A : vector<16xi32>
        %swap3A_775 = arith.index_cast %min3A_769 : i32 to index
        %swap3A_776 = tpu.vector_load %arg11[%swap3A_775] masked %ne3A_767 {strides = array<i32>} : memref<80xi32, #tpu.memory_space<vmem>>, vector<16xi32>, vector<16xi1>
        tpu.vector_store %arg11[%swap3A_775], %add3A_774 masked %ne3A_767 {strides = array<i32>} : memref<80xi32, #tpu.memory_space<vmem>>, vector<16xi32>, vector<16xi1>
        %convert_element_type3A_777 = arith.extui %ne3A_767 : vector<16xi1> to vector<16xi32>
        %reduce_sum3A_778 = arith.constant true
        %reduce_sum3A_779 = vector.broadcast %reduce_sum3A_778 : i1 to vector<16xi1>
        %reduce_sum3A_780 = tpu.scan <sum>, %convert_element_type3A_777 masked %reduce_sum3A_779 : vector<16xi32>, vector<16xi1> -> vector<16xi32>
        %reduce_sum3A_781 = vector.extract %reduce_sum3A_780[15] : i32 from vector<16xi32>
        %add3A_782 = arith.addi %add3A_761, %reduce_sum3A_781 : i32
        %get3A_783 = arith.index_cast %add3A_50 : i32 to index
        %get3A_784 = arith.constant 560 : index
        %get3A_785 = tpu.vector_load %arg8[%get3A_783, %get3A_784] {strides = array<i32>} : memref<16x640xf32, #tpu.memory_space<vmem>>, vector<16xf32>,
        %ne3A_786 = arith.constant 0.000000e+00 : f32
        %ne3A_787 = vector.broadcast %ne3A_786 : f32 to vector<16xf32>
        %ne3A_788 = arith.cmpf one, %get3A_785, %ne3A_787 : vector<16xf32>
        %min3A_789 = arith.constant 64 : i32
        %min3A_790 = arith.minsi %add3A_782, %min3A_789 : i32
        %swap3A_791 = arith.index_cast %min3A_790 : i32 to index
        %swap3A_792 = tpu.vector_load %arg10[%swap3A_791] masked %ne3A_788 {strides = array<i32>} : memref<80xf32, #tpu.memory_space<vmem>>, vector<16xf32>, vector<16xi1>
        tpu.vector_store %arg10[%swap3A_791], %get3A_785 masked %ne3A_788 {strides = array<i32>} : memref<80xf32, #tpu.memory_space<vmem>>, vector<16xf32>, vector<16xi1>
        %broadcast_in_dim3A_793 = arith.constant 560 : i32
        %broadcast_in_dim3A_794 = vector.broadcast %broadcast_in_dim3A_793 : i32 to vector<16xi32>
        %add3A_795 = arith.addi %broadcast_in_dim3A_794, %iota3A : vector<16xi32>
        %swap3A_796 = arith.index_cast %min3A_790 : i32 to index
        %swap3A_797 = tpu.vector_load %arg11[%swap3A_796] masked %ne3A_788 {strides = array<i32>} : memref<80xi32, #tpu.memory_space<vmem>>, vector<16xi32>, vector<16xi1>
        tpu.vector_store %arg11[%swap3A_796], %add3A_795 masked %ne3A_788 {strides = array<i32>} : memref<80xi32, #tpu.memory_space<vmem>>, vector<16xi32>, vector<16xi1>
        %convert_element_type3A_798 = arith.extui %ne3A_788 : vector<16xi1> to vector<16xi32>
        %reduce_sum3A_799 = arith.constant true
        %reduce_sum3A_800 = vector.broadcast %reduce_sum3A_799 : i1 to vector<16xi1>
        %reduce_sum3A_801 = tpu.scan <sum>, %convert_element_type3A_798 masked %reduce_sum3A_800 : vector<16xi32>, vector<16xi1> -> vector<16xi32>
        %reduce_sum3A_802 = vector.extract %reduce_sum3A_801[15] : i32 from vector<16xi32>
        %add3A_803 = arith.addi %add3A_782, %reduce_sum3A_802 : i32
        %get3A_804 = arith.index_cast %add3A_50 : i32 to index
        %get3A_805 = arith.constant 576 : index
        %get3A_806 = tpu.vector_load %arg8[%get3A_804, %get3A_805] {strides = array<i32>} : memref<16x640xf32, #tpu.memory_space<vmem>>, vector<16xf32>,
        %ne3A_807 = arith.constant 0.000000e+00 : f32
        %ne3A_808 = vector.broadcast %ne3A_807 : f32 to vector<16xf32>
        %ne3A_809 = arith.cmpf one, %get3A_806, %ne3A_808 : vector<16xf32>
        %min3A_810 = arith.constant 64 : i32
        %min3A_811 = arith.minsi %add3A_803, %min3A_810 : i32
        %swap3A_812 = arith.index_cast %min3A_811 : i32 to index
        %swap3A_813 = tpu.vector_load %arg10[%swap3A_812] masked %ne3A_809 {strides = array<i32>} : memref<80xf32, #tpu.memory_space<vmem>>, vector<16xf32>, vector<16xi1>
        tpu.vector_store %arg10[%swap3A_812], %get3A_806 masked %ne3A_809 {strides = array<i32>} : memref<80xf32, #tpu.memory_space<vmem>>, vector<16xf32>, vector<16xi1>
        %broadcast_in_dim3A_814 = arith.constant 576 : i32
        %broadcast_in_dim3A_815 = vector.broadcast %broadcast_in_dim3A_814 : i32 to vector<16xi32>
        %add3A_816 = arith.addi %broadcast_in_dim3A_815, %iota3A : vector<16xi32>
        %swap3A_817 = arith.index_cast %min3A_811 : i32 to index
        %swap3A_818 = tpu.vector_load %arg11[%swap3A_817] masked %ne3A_809 {strides = array<i32>} : memref<80xi32, #tpu.memory_space<vmem>>, vector<16xi32>, vector<16xi1>
        tpu.vector_store %arg11[%swap3A_817], %add3A_816 masked %ne3A_809 {strides = array<i32>} : memref<80xi32, #tpu.memory_space<vmem>>, vector<16xi32>, vector<16xi1>
        %convert_element_type3A_819 = arith.extui %ne3A_809 : vector<16xi1> to vector<16xi32>
        %reduce_sum3A_820 = arith.constant true
        %reduce_sum3A_821 = vector.broadcast %reduce_sum3A_820 : i1 to vector<16xi1>
        %reduce_sum3A_822 = tpu.scan <sum>, %convert_element_type3A_819 masked %reduce_sum3A_821 : vector<16xi32>, vector<16xi1> -> vector<16xi32>
        %reduce_sum3A_823 = vector.extract %reduce_sum3A_822[15] : i32 from vector<16xi32>
        %add3A_824 = arith.addi %add3A_803, %reduce_sum3A_823 : i32
        %get3A_825 = arith.index_cast %add3A_50 : i32 to index
        %get3A_826 = arith.constant 592 : index
        %get3A_827 = tpu.vector_load %arg8[%get3A_825, %get3A_826] {strides = array<i32>} : memref<16x640xf32, #tpu.memory_space<vmem>>, vector<16xf32>,
        %ne3A_828 = arith.constant 0.000000e+00 : f32
        %ne3A_829 = vector.broadcast %ne3A_828 : f32 to vector<16xf32>
        %ne3A_830 = arith.cmpf one, %get3A_827, %ne3A_829 : vector<16xf32>
        %min3A_831 = arith.constant 64 : i32
        %min3A_832 = arith.minsi %add3A_824, %min3A_831 : i32
        %swap3A_833 = arith.index_cast %min3A_832 : i32 to index
        %swap3A_834 = tpu.vector_load %arg10[%swap3A_833] masked %ne3A_830 {strides = array<i32>} : memref<80xf32, #tpu.memory_space<vmem>>, vector<16xf32>, vector<16xi1>
        tpu.vector_store %arg10[%swap3A_833], %get3A_827 masked %ne3A_830 {strides = array<i32>} : memref<80xf32, #tpu.memory_space<vmem>>, vector<16xf32>, vector<16xi1>
        %broadcast_in_dim3A_835 = arith.constant 592 : i32
        %broadcast_in_dim3A_836 = vector.broadcast %broadcast_in_dim3A_835 : i32 to vector<16xi32>
        %add3A_837 = arith.addi %broadcast_in_dim3A_836, %iota3A : vector<16xi32>
        %swap3A_838 = arith.index_cast %min3A_832 : i32 to index
        %swap3A_839 = tpu.vector_load %arg11[%swap3A_838] masked %ne3A_830 {strides = array<i32>} : memref<80xi32, #tpu.memory_space<vmem>>, vector<16xi32>, vector<16xi1>
        tpu.vector_store %arg11[%swap3A_838], %add3A_837 masked %ne3A_830 {strides = array<i32>} : memref<80xi32, #tpu.memory_space<vmem>>, vector<16xi32>, vector<16xi1>
        %convert_element_type3A_840 = arith.extui %ne3A_830 : vector<16xi1> to vector<16xi32>
        %reduce_sum3A_841 = arith.constant true
        %reduce_sum3A_842 = vector.broadcast %reduce_sum3A_841 : i1 to vector<16xi1>
        %reduce_sum3A_843 = tpu.scan <sum>, %convert_element_type3A_840 masked %reduce_sum3A_842 : vector<16xi32>, vector<16xi1> -> vector<16xi32>
        %reduce_sum3A_844 = vector.extract %reduce_sum3A_843[15] : i32 from vector<16xi32>
        %add3A_845 = arith.addi %add3A_824, %reduce_sum3A_844 : i32
        %get3A_846 = arith.index_cast %add3A_50 : i32 to index
        %get3A_847 = arith.constant 608 : index
        %get3A_848 = tpu.vector_load %arg8[%get3A_846, %get3A_847] {strides = array<i32>} : memref<16x640xf32, #tpu.memory_space<vmem>>, vector<16xf32>,
        %ne3A_849 = arith.constant 0.000000e+00 : f32
        %ne3A_850 = vector.broadcast %ne3A_849 : f32 to vector<16xf32>
        %ne3A_851 = arith.cmpf one, %get3A_848, %ne3A_850 : vector<16xf32>
        %min3A_852 = arith.constant 64 : i32
        %min3A_853 = arith.minsi %add3A_845, %min3A_852 : i32
        %swap3A_854 = arith.index_cast %min3A_853 : i32 to index
        %swap3A_855 = tpu.vector_load %arg10[%swap3A_854] masked %ne3A_851 {strides = array<i32>} : memref<80xf32, #tpu.memory_space<vmem>>, vector<16xf32>, vector<16xi1>
        tpu.vector_store %arg10[%swap3A_854], %get3A_848 masked %ne3A_851 {strides = array<i32>} : memref<80xf32, #tpu.memory_space<vmem>>, vector<16xf32>, vector<16xi1>
        %broadcast_in_dim3A_856 = arith.constant 608 : i32
        %broadcast_in_dim3A_857 = vector.broadcast %broadcast_in_dim3A_856 : i32 to vector<16xi32>
        %add3A_858 = arith.addi %broadcast_in_dim3A_857, %iota3A : vector<16xi32>
        %swap3A_859 = arith.index_cast %min3A_853 : i32 to index
        %swap3A_860 = tpu.vector_load %arg11[%swap3A_859] masked %ne3A_851 {strides = array<i32>} : memref<80xi32, #tpu.memory_space<vmem>>, vector<16xi32>, vector<16xi1>
        tpu.vector_store %arg11[%swap3A_859], %add3A_858 masked %ne3A_851 {strides = array<i32>} : memref<80xi32, #tpu.memory_space<vmem>>, vector<16xi32>, vector<16xi1>
        %convert_element_type3A_861 = arith.extui %ne3A_851 : vector<16xi1> to vector<16xi32>
        %reduce_sum3A_862 = arith.constant true
        %reduce_sum3A_863 = vector.broadcast %reduce_sum3A_862 : i1 to vector<16xi1>
        %reduce_sum3A_864 = tpu.scan <sum>, %convert_element_type3A_861 masked %reduce_sum3A_863 : vector<16xi32>, vector<16xi1> -> vector<16xi32>
        %reduce_sum3A_865 = vector.extract %reduce_sum3A_864[15] : i32 from vector<16xi32>
        %add3A_866 = arith.addi %add3A_845, %reduce_sum3A_865 : i32
        %get3A_867 = arith.index_cast %add3A_50 : i32 to index
        %get3A_868 = arith.constant 624 : index
        %get3A_869 = tpu.vector_load %arg8[%get3A_867, %get3A_868] {strides = array<i32>} : memref<16x640xf32, #tpu.memory_space<vmem>>, vector<16xf32>,
        %ne3A_870 = arith.constant 0.000000e+00 : f32
        %ne3A_871 = vector.broadcast %ne3A_870 : f32 to vector<16xf32>
        %ne3A_872 = arith.cmpf one, %get3A_869, %ne3A_871 : vector<16xf32>
        %min3A_873 = arith.constant 64 : i32
        %min3A_874 = arith.minsi %add3A_866, %min3A_873 : i32
        %swap3A_875 = arith.index_cast %min3A_874 : i32 to index
        %swap3A_876 = tpu.vector_load %arg10[%swap3A_875] masked %ne3A_872 {strides = array<i32>} : memref<80xf32, #tpu.memory_space<vmem>>, vector<16xf32>, vector<16xi1>
        tpu.vector_store %arg10[%swap3A_875], %get3A_869 masked %ne3A_872 {strides = array<i32>} : memref<80xf32, #tpu.memory_space<vmem>>, vector<16xf32>, vector<16xi1>
        %broadcast_in_dim3A_877 = arith.constant 624 : i32
        %broadcast_in_dim3A_878 = vector.broadcast %broadcast_in_dim3A_877 : i32 to vector<16xi32>
        %add3A_879 = arith.addi %broadcast_in_dim3A_878, %iota3A : vector<16xi32>
        %swap3A_880 = arith.index_cast %min3A_874 : i32 to index
        %swap3A_881 = tpu.vector_load %arg11[%swap3A_880] masked %ne3A_872 {strides = array<i32>} : memref<80xi32, #tpu.memory_space<vmem>>, vector<16xi32>, vector<16xi1>
        tpu.vector_store %arg11[%swap3A_880], %add3A_879 masked %ne3A_872 {strides = array<i32>} : memref<80xi32, #tpu.memory_space<vmem>>, vector<16xi32>, vector<16xi1>
        %convert_element_type3A_882 = arith.extui %ne3A_872 : vector<16xi1> to vector<16xi32>
        %reduce_sum3A_883 = arith.constant true
        %reduce_sum3A_884 = vector.broadcast %reduce_sum3A_883 : i1 to vector<16xi1>
        %reduce_sum3A_885 = tpu.scan <sum>, %convert_element_type3A_882 masked %reduce_sum3A_884 : vector<16xi32>, vector<16xi1> -> vector<16xi32>
        %reduce_sum3A_886 = vector.extract %reduce_sum3A_885[15] : i32 from vector<16xi32>
        %add3A_887 = arith.addi %add3A_866, %reduce_sum3A_886 : i32
        %min3A_888 = arith.constant 64 : i32
        %min3A_889 = arith.minsi %add3A_887, %min3A_888 : i32
        %while3A = arith.constant 0 : i32
        %while3A_890 = arith.constant 0 : i32
        %while3A_891 = arith.subi %min3A_889, %while3A : i32
        %while3A_892 = arith.addi %while3A, %while3A_891 : i32
        %while3A_893 = arith.constant 1 : i32
        %while3A_894 = arith.divsi %while3A_891, %while3A_893 : i32
        %while3A_895 = arith.muli %while3A_894, %while3A_893 : i32
        %while3A_896 = arith.addi %while3A, %while3A_895 : i32
        %while3A_897 = arith.constant 1 : i32
        %while3A_898 = scf.for %while3A_1030 = %while3A to %while3A_896 step %while3A_897 iter_args(%while3A_1031 = %while3A_890) -> (i32)  : i32 {
          %broadcast_in_dim3A_1032 = vector.broadcast %while3A_1030 : i32 to vector<16xi32>
          %gather3A = tpu.vector_load_idx %arg10[%broadcast_in_dim3A_1032] : memref<80xf32, #tpu.memory_space<vmem>>[vector<16xi32>], vector<16xf32>,
          %convert_element_type3A_1033 = arith.fptosi %gather3A : vector<16xf32> to vector<16xi32>
          %gather3A_1034 = tpu.vector_load_idx %arg11[%broadcast_in_dim3A_1032] : memref<80xi32, #tpu.memory_space<vmem>>[vector<16xi32>], vector<16xi32>,
          %shift_right_arithmetic3A = arith.shrsi %convert_element_type3A_1033, %iota3A : vector<16xi32>
          %and3A_1035 = arith.constant 1 : i32
          %and3A_1036 = vector.broadcast %and3A_1035 : i32 to vector<16xi32>
          %and3A_1037 = arith.andi %shift_right_arithmetic3A, %and3A_1036 : vector<16xi32>
          %eq3A = arith.constant 1 : i32
          %eq3A_1038 = vector.broadcast %eq3A : i32 to vector<16xi32>
          %eq3A_1039 = arith.cmpi eq, %and3A_1037, %eq3A_1038 : vector<16xi32>
          %jit3A_1040 = arith.constant 128 : i32
          %div3A_1041 = vector.broadcast %jit3A_1040 : i32 to vector<16xi32>
          %div3A_1042 = arith.divsi %gather3A_1034, %div3A_1041 : vector<16xi32>
          %sign3A_1043 = arith.constant 0 : i32
          %sign3A_1044 = vector.broadcast %sign3A_1043 : i32 to vector<16xi32>
          %sign3A_1045 = arith.cmpi sgt, %gather3A_1034, %sign3A_1044 : vector<16xi32>
          %sign3A_1046 = arith.extui %sign3A_1045 : vector<16xi1> to vector<16xi32>
          %sign3A_1047 = arith.constant 0 : i32
          %sign3A_1048 = vector.broadcast %sign3A_1047 : i32 to vector<16xi32>
          %sign3A_1049 = arith.cmpi slt, %gather3A_1034, %sign3A_1048 : vector<16xi32>
          %sign3A_1050 = arith.extui %sign3A_1049 : vector<16xi1> to vector<16xi32>
          %sign3A_1051 = arith.subi %sign3A_1046, %sign3A_1050 : vector<16xi32>
          %sign3A_1052 = arith.constant 0 : i32
          %sign3A_1053 = arith.cmpi sgt, %jit3A_1040, %sign3A_1052 : i32
          %sign3A_1054 = arith.extui %sign3A_1053 : i1 to i32
          %sign3A_1055 = arith.constant 0 : i32
          %sign3A_1056 = arith.cmpi slt, %jit3A_1040, %sign3A_1055 : i32
          %sign3A_1057 = arith.extui %sign3A_1056 : i1 to i32
          %sign3A_1058 = arith.subi %sign3A_1054, %sign3A_1057 : i32
          %ne3A_1059 = vector.broadcast %sign3A_1058 : i32 to vector<16xi32>
          %ne3A_1060 = arith.cmpi ne, %sign3A_1051, %ne3A_1059 : vector<16xi32>
          %rem3A_1061 = vector.broadcast %jit3A_1040 : i32 to vector<16xi32>
          %rem3A_1062 = arith.remsi %gather3A_1034, %rem3A_1061 : vector<16xi32>
          %ne3A_1063 = arith.constant 0 : i32
          %ne3A_1064 = vector.broadcast %ne3A_1063 : i32 to vector<16xi32>
          %ne3A_1065 = arith.cmpi ne, %rem3A_1062, %ne3A_1064 : vector<16xi32>
          %and3A_1066 = arith.andi %ne3A_1060, %ne3A_1065 : vector<16xi1>
          %sub3A_1067 = arith.constant 1 : i32
          %sub3A_1068 = vector.broadcast %sub3A_1067 : i32 to vector<16xi32>
          %sub3A_1069 = arith.subi %div3A_1042, %sub3A_1068 : vector<16xi32>
          %select_n3A_1070 = arith.select %and3A_1066, %sub3A_1069, %div3A_1042 : vector<16xi1>, vector<16xi32>
          %mul3A_1071 = arith.constant 16 : i32
          %mul3A_1072 = vector.broadcast %mul3A_1071 : i32 to vector<16xi32>
          %mul3A_1073 = arith.muli %select_n3A_1070, %mul3A_1072 : vector<16xi32>
          %add3A_1074 = arith.addi %mul3A_1073, %iota3A : vector<16xi32>
          %mul3A_1075 = arith.constant 128 : i32
          %mul3A_1076 = vector.broadcast %mul3A_1075 : i32 to vector<16xi32>
          %mul3A_1077 = arith.muli %add3A_1074, %mul3A_1076 : vector<16xi32>
          %jit3A_1078 = arith.constant 128 : i32
          %eq3A_1079 = arith.constant 0 : i32
          %eq3A_1080 = arith.cmpi eq, %jit3A_1078, %eq3A_1079 : i32
          %jit3A_1081 = arith.constant 1 : i32
          %select_n3A_1082 = arith.select %eq3A_1080, %jit3A_1081, %jit3A_1078 : i32
          %rem3A_1083 = vector.broadcast %select_n3A_1082 : i32 to vector<16xi32>
          %rem3A_1084 = arith.remsi %gather3A_1034, %rem3A_1083 : vector<16xi32>
          %ne3A_1085 = arith.constant 0 : i32
          %ne3A_1086 = vector.broadcast %ne3A_1085 : i32 to vector<16xi32>
          %ne3A_1087 = arith.cmpi ne, %rem3A_1084, %ne3A_1086 : vector<16xi32>
          %lt3A = arith.constant 0 : i32
          %lt3A_1088 = vector.broadcast %lt3A : i32 to vector<16xi32>
          %lt3A_1089 = arith.cmpi slt, %rem3A_1084, %lt3A_1088 : vector<16xi32>
          %lt3A_1090 = arith.constant 0 : i32
          %lt3A_1091 = arith.cmpi slt, %select_n3A_1082, %lt3A_1090 : i32
          %ne3A_1092 = vector.broadcast %lt3A_1091 : i1 to vector<16xi1>
          %ne3A_1093 = vector.broadcast %ne3A_1092 : vector<16xi1> to vector<16xi1>
          %ne3A_1094 = arith.xori %lt3A_1089, %ne3A_1093 : vector<16xi1>
          %and3A_1095 = arith.andi %ne3A_1094, %ne3A_1087 : vector<16xi1>
          %add3A_1096 = vector.broadcast %select_n3A_1082 : i32 to vector<16xi32>
          %add3A_1097 = arith.addi %rem3A_1084, %add3A_1096 : vector<16xi32>
          %select_n3A_1098 = arith.select %and3A_1095, %add3A_1097, %rem3A_1084 : vector<16xi1>, vector<16xi32>
          %add3A_1099 = arith.addi %mul3A_1077, %select_n3A_1098 : vector<16xi32>
          %min3A_1100 = arith.constant 32 : i32
          %min3A_1101 = arith.minsi %while3A_1031, %min3A_1100 : i32
          %swap3A_1102 = arith.constant 0 : i32
          %swap3A_1103 = tpu.memref_slice %arg12[%add3A_50, %swap3A_1102] : memref<16x48xi32, #tpu.memory_space<vmem>> -> memref<1x48xi32, #tpu.memory_space<vmem>>
          %swap3A_1104 = tpu.memref_squeeze %swap3A_1103 : memref<1x48xi32, #tpu.memory_space<vmem>> -> memref<48xi32, #tpu.memory_space<vmem>>
          %swap3A_1105 = arith.index_cast %min3A_1101 : i32 to index
          %swap3A_1106 = tpu.vector_load %swap3A_1104[%swap3A_1105] masked %eq3A_1039 {strides = array<i32>} : memref<48xi32, #tpu.memory_space<vmem>>, vector<16xi32>, vector<16xi1>
          tpu.vector_store %swap3A_1104[%swap3A_1105], %add3A_1099 masked %eq3A_1039 {strides = array<i32>} : memref<48xi32, #tpu.memory_space<vmem>>, vector<16xi32>, vector<16xi1>
          %convert_element_type3A_1107 = arith.extui %eq3A_1039 : vector<16xi1> to vector<16xi32>
          %reduce_sum3A_1108 = arith.constant true
          %reduce_sum3A_1109 = vector.broadcast %reduce_sum3A_1108 : i1 to vector<16xi1>
          %reduce_sum3A_1110 = tpu.scan <sum>, %convert_element_type3A_1107 masked %reduce_sum3A_1109 : vector<16xi32>, vector<16xi1> -> vector<16xi32>
          %reduce_sum3A_1111 = vector.extract %reduce_sum3A_1110[15] : i32 from vector<16xi32>
          %add3A_1112 = arith.addi %while3A_1031, %reduce_sum3A_1111 : i32
          scf.yield %add3A_1112 : i32
        }
        %while3A_899 = arith.constant 1 : i32
        %while3A_900 = scf.for %while3A_1030 = %while3A_896 to %while3A_892 step %while3A_899 iter_args(%while3A_1031 = %while3A_898) -> (i32)  : i32 {
          %broadcast_in_dim3A_1032 = vector.broadcast %while3A_1030 : i32 to vector<16xi32>
          %gather3A = tpu.vector_load_idx %arg10[%broadcast_in_dim3A_1032] : memref<80xf32, #tpu.memory_space<vmem>>[vector<16xi32>], vector<16xf32>,
          %convert_element_type3A_1033 = arith.fptosi %gather3A : vector<16xf32> to vector<16xi32>
          %gather3A_1034 = tpu.vector_load_idx %arg11[%broadcast_in_dim3A_1032] : memref<80xi32, #tpu.memory_space<vmem>>[vector<16xi32>], vector<16xi32>,
          %shift_right_arithmetic3A = arith.shrsi %convert_element_type3A_1033, %iota3A : vector<16xi32>
          %and3A_1035 = arith.constant 1 : i32
          %and3A_1036 = vector.broadcast %and3A_1035 : i32 to vector<16xi32>
          %and3A_1037 = arith.andi %shift_right_arithmetic3A, %and3A_1036 : vector<16xi32>
          %eq3A = arith.constant 1 : i32
          %eq3A_1038 = vector.broadcast %eq3A : i32 to vector<16xi32>
          %eq3A_1039 = arith.cmpi eq, %and3A_1037, %eq3A_1038 : vector<16xi32>
          %jit3A_1040 = arith.constant 128 : i32
          %div3A_1041 = vector.broadcast %jit3A_1040 : i32 to vector<16xi32>
          %div3A_1042 = arith.divsi %gather3A_1034, %div3A_1041 : vector<16xi32>
          %sign3A_1043 = arith.constant 0 : i32
          %sign3A_1044 = vector.broadcast %sign3A_1043 : i32 to vector<16xi32>
          %sign3A_1045 = arith.cmpi sgt, %gather3A_1034, %sign3A_1044 : vector<16xi32>
          %sign3A_1046 = arith.extui %sign3A_1045 : vector<16xi1> to vector<16xi32>
          %sign3A_1047 = arith.constant 0 : i32
          %sign3A_1048 = vector.broadcast %sign3A_1047 : i32 to vector<16xi32>
          %sign3A_1049 = arith.cmpi slt, %gather3A_1034, %sign3A_1048 : vector<16xi32>
          %sign3A_1050 = arith.extui %sign3A_1049 : vector<16xi1> to vector<16xi32>
          %sign3A_1051 = arith.subi %sign3A_1046, %sign3A_1050 : vector<16xi32>
          %sign3A_1052 = arith.constant 0 : i32
          %sign3A_1053 = arith.cmpi sgt, %jit3A_1040, %sign3A_1052 : i32
          %sign3A_1054 = arith.extui %sign3A_1053 : i1 to i32
          %sign3A_1055 = arith.constant 0 : i32
          %sign3A_1056 = arith.cmpi slt, %jit3A_1040, %sign3A_1055 : i32
          %sign3A_1057 = arith.extui %sign3A_1056 : i1 to i32
          %sign3A_1058 = arith.subi %sign3A_1054, %sign3A_1057 : i32
          %ne3A_1059 = vector.broadcast %sign3A_1058 : i32 to vector<16xi32>
          %ne3A_1060 = arith.cmpi ne, %sign3A_1051, %ne3A_1059 : vector<16xi32>
          %rem3A_1061 = vector.broadcast %jit3A_1040 : i32 to vector<16xi32>
          %rem3A_1062 = arith.remsi %gather3A_1034, %rem3A_1061 : vector<16xi32>
          %ne3A_1063 = arith.constant 0 : i32
          %ne3A_1064 = vector.broadcast %ne3A_1063 : i32 to vector<16xi32>
          %ne3A_1065 = arith.cmpi ne, %rem3A_1062, %ne3A_1064 : vector<16xi32>
          %and3A_1066 = arith.andi %ne3A_1060, %ne3A_1065 : vector<16xi1>
          %sub3A_1067 = arith.constant 1 : i32
          %sub3A_1068 = vector.broadcast %sub3A_1067 : i32 to vector<16xi32>
          %sub3A_1069 = arith.subi %div3A_1042, %sub3A_1068 : vector<16xi32>
          %select_n3A_1070 = arith.select %and3A_1066, %sub3A_1069, %div3A_1042 : vector<16xi1>, vector<16xi32>
          %mul3A_1071 = arith.constant 16 : i32
          %mul3A_1072 = vector.broadcast %mul3A_1071 : i32 to vector<16xi32>
          %mul3A_1073 = arith.muli %select_n3A_1070, %mul3A_1072 : vector<16xi32>
          %add3A_1074 = arith.addi %mul3A_1073, %iota3A : vector<16xi32>
          %mul3A_1075 = arith.constant 128 : i32
          %mul3A_1076 = vector.broadcast %mul3A_1075 : i32 to vector<16xi32>
          %mul3A_1077 = arith.muli %add3A_1074, %mul3A_1076 : vector<16xi32>
          %jit3A_1078 = arith.constant 128 : i32
          %eq3A_1079 = arith.constant 0 : i32
          %eq3A_1080 = arith.cmpi eq, %jit3A_1078, %eq3A_1079 : i32
          %jit3A_1081 = arith.constant 1 : i32
          %select_n3A_1082 = arith.select %eq3A_1080, %jit3A_1081, %jit3A_1078 : i32
          %rem3A_1083 = vector.broadcast %select_n3A_1082 : i32 to vector<16xi32>
          %rem3A_1084 = arith.remsi %gather3A_1034, %rem3A_1083 : vector<16xi32>
          %ne3A_1085 = arith.constant 0 : i32
          %ne3A_1086 = vector.broadcast %ne3A_1085 : i32 to vector<16xi32>
          %ne3A_1087 = arith.cmpi ne, %rem3A_1084, %ne3A_1086 : vector<16xi32>
          %lt3A = arith.constant 0 : i32
          %lt3A_1088 = vector.broadcast %lt3A : i32 to vector<16xi32>
          %lt3A_1089 = arith.cmpi slt, %rem3A_1084, %lt3A_1088 : vector<16xi32>
          %lt3A_1090 = arith.constant 0 : i32
          %lt3A_1091 = arith.cmpi slt, %select_n3A_1082, %lt3A_1090 : i32
          %ne3A_1092 = vector.broadcast %lt3A_1091 : i1 to vector<16xi1>
          %ne3A_1093 = vector.broadcast %ne3A_1092 : vector<16xi1> to vector<16xi1>
          %ne3A_1094 = arith.xori %lt3A_1089, %ne3A_1093 : vector<16xi1>
          %and3A_1095 = arith.andi %ne3A_1094, %ne3A_1087 : vector<16xi1>
          %add3A_1096 = vector.broadcast %select_n3A_1082 : i32 to vector<16xi32>
          %add3A_1097 = arith.addi %rem3A_1084, %add3A_1096 : vector<16xi32>
          %select_n3A_1098 = arith.select %and3A_1095, %add3A_1097, %rem3A_1084 : vector<16xi1>, vector<16xi32>
          %add3A_1099 = arith.addi %mul3A_1077, %select_n3A_1098 : vector<16xi32>
          %min3A_1100 = arith.constant 32 : i32
          %min3A_1101 = arith.minsi %while3A_1031, %min3A_1100 : i32
          %swap3A_1102 = arith.constant 0 : i32
          %swap3A_1103 = tpu.memref_slice %arg12[%add3A_50, %swap3A_1102] : memref<16x48xi32, #tpu.memory_space<vmem>> -> memref<1x48xi32, #tpu.memory_space<vmem>>
          %swap3A_1104 = tpu.memref_squeeze %swap3A_1103 : memref<1x48xi32, #tpu.memory_space<vmem>> -> memref<48xi32, #tpu.memory_space<vmem>>
          %swap3A_1105 = arith.index_cast %min3A_1101 : i32 to index
          %swap3A_1106 = tpu.vector_load %swap3A_1104[%swap3A_1105] masked %eq3A_1039 {strides = array<i32>} : memref<48xi32, #tpu.memory_space<vmem>>, vector<16xi32>, vector<16xi1>
          tpu.vector_store %swap3A_1104[%swap3A_1105], %add3A_1099 masked %eq3A_1039 {strides = array<i32>} : memref<48xi32, #tpu.memory_space<vmem>>, vector<16xi32>, vector<16xi1>
          %convert_element_type3A_1107 = arith.extui %eq3A_1039 : vector<16xi1> to vector<16xi32>
          %reduce_sum3A_1108 = arith.constant true
          %reduce_sum3A_1109 = vector.broadcast %reduce_sum3A_1108 : i1 to vector<16xi1>
          %reduce_sum3A_1110 = tpu.scan <sum>, %convert_element_type3A_1107 masked %reduce_sum3A_1109 : vector<16xi32>, vector<16xi1> -> vector<16xi32>
          %reduce_sum3A_1111 = vector.extract %reduce_sum3A_1110[15] : i32 from vector<16xi32>
          %add3A_1112 = arith.addi %while3A_1031, %reduce_sum3A_1111 : i32
          scf.yield %add3A_1112 : i32
        }
        %broadcast_in_dim3A_901 = vector.broadcast %while3A_900 : i32 to vector<16xi32>
        %swap3A_902 = arith.index_cast %add3A_50 : i32 to index
        %swap3A_903 = arith.constant 0 : index
        %swap3A_904 = tpu.vector_load %arg14[%swap3A_902, %swap3A_903] {strides = array<i32>} : memref<16x16xi32, #tpu.memory_space<vmem>>, vector<16xi32>,
        tpu.vector_store %arg14[%swap3A_902, %swap3A_903], %broadcast_in_dim3A_901 {strides = array<i32>} : memref<16x16xi32, #tpu.memory_space<vmem>>, vector<16xi32>,
        %get3A_905 = arith.index_cast %add3A_50 : i32 to index
        %get3A_906 = arith.constant 0 : index
        %get3A_907 = tpu.vector_load %arg12[%get3A_905, %get3A_906] {strides = array<i32>} : memref<16x48xi32, #tpu.memory_space<vmem>>, vector<16xi32>,
        %mul3A_908 = arith.constant 632 : i32
        %mul3A_909 = arith.muli %add3A_51, %mul3A_908 : i32
        %jit3A = arith.constant 16 : i32
        %div3A = vector.broadcast %jit3A : i32 to vector<16xi32>
        %div3A_910 = arith.divsi %get3A_907, %div3A : vector<16xi32>
        %sign3A = arith.constant 0 : i32
        %sign3A_911 = vector.broadcast %sign3A : i32 to vector<16xi32>
        %sign3A_912 = arith.cmpi sgt, %get3A_907, %sign3A_911 : vector<16xi32>
        %sign3A_913 = arith.extui %sign3A_912 : vector<16xi1> to vector<16xi32>
        %sign3A_914 = arith.constant 0 : i32
        %sign3A_915 = vector.broadcast %sign3A_914 : i32 to vector<16xi32>
        %sign3A_916 = arith.cmpi slt, %get3A_907, %sign3A_915 : vector<16xi32>
        %sign3A_917 = arith.extui %sign3A_916 : vector<16xi1> to vector<16xi32>
        %sign3A_918 = arith.subi %sign3A_913, %sign3A_917 : vector<16xi32>
        %sign3A_919 = arith.constant 0 : i32
        %sign3A_920 = arith.cmpi sgt, %jit3A, %sign3A_919 : i32
        %sign3A_921 = arith.extui %sign3A_920 : i1 to i32
        %sign3A_922 = arith.constant 0 : i32
        %sign3A_923 = arith.cmpi slt, %jit3A, %sign3A_922 : i32
        %sign3A_924 = arith.extui %sign3A_923 : i1 to i32
        %sign3A_925 = arith.subi %sign3A_921, %sign3A_924 : i32
        %ne3A_926 = vector.broadcast %sign3A_925 : i32 to vector<16xi32>
        %ne3A_927 = arith.cmpi ne, %sign3A_918, %ne3A_926 : vector<16xi32>
        %rem3A = vector.broadcast %jit3A : i32 to vector<16xi32>
        %rem3A_928 = arith.remsi %get3A_907, %rem3A : vector<16xi32>
        %ne3A_929 = arith.constant 0 : i32
        %ne3A_930 = vector.broadcast %ne3A_929 : i32 to vector<16xi32>
        %ne3A_931 = arith.cmpi ne, %rem3A_928, %ne3A_930 : vector<16xi32>
        %and3A = arith.andi %ne3A_927, %ne3A_931 : vector<16xi1>
        %sub3A = arith.constant 1 : i32
        %sub3A_932 = vector.broadcast %sub3A : i32 to vector<16xi32>
        %sub3A_933 = arith.subi %div3A_910, %sub3A_932 : vector<16xi32>
        %select_n3A = arith.select %and3A, %sub3A_933, %div3A_910 : vector<16xi1>, vector<16xi32>
        %add3A_934 = vector.broadcast %mul3A_909 : i32 to vector<16xi32>
        %add3A_935 = arith.addi %add3A_934, %select_n3A : vector<16xi32>
        %swap3A_936 = arith.index_cast %add3A_50 : i32 to index
        %swap3A_937 = arith.constant 0 : index
        %swap3A_938 = tpu.vector_load %arg13[%swap3A_936, %swap3A_937] {strides = array<i32>} : memref<16x48xi32, #tpu.memory_space<vmem>>, vector<16xi32>,
        tpu.vector_store %arg13[%swap3A_936, %swap3A_937], %add3A_935 {strides = array<i32>} : memref<16x48xi32, #tpu.memory_space<vmem>>, vector<16xi32>,
        %get3A_939 = arith.index_cast %add3A_50 : i32 to index
        %get3A_940 = arith.constant 16 : index
        %get3A_941 = tpu.vector_load %arg12[%get3A_939, %get3A_940] {strides = array<i32>} : memref<16x48xi32, #tpu.memory_space<vmem>>, vector<16xi32>,
        %mul3A_942 = arith.constant 632 : i32
        %mul3A_943 = arith.muli %add3A_51, %mul3A_942 : i32
        %jit3A_944 = arith.constant 16 : i32
        %div3A_945 = vector.broadcast %jit3A_944 : i32 to vector<16xi32>
        %div3A_946 = arith.divsi %get3A_941, %div3A_945 : vector<16xi32>
        %sign3A_947 = arith.constant 0 : i32
        %sign3A_948 = vector.broadcast %sign3A_947 : i32 to vector<16xi32>
        %sign3A_949 = arith.cmpi sgt, %get3A_941, %sign3A_948 : vector<16xi32>
        %sign3A_950 = arith.extui %sign3A_949 : vector<16xi1> to vector<16xi32>
        %sign3A_951 = arith.constant 0 : i32
        %sign3A_952 = vector.broadcast %sign3A_951 : i32 to vector<16xi32>
        %sign3A_953 = arith.cmpi slt, %get3A_941, %sign3A_952 : vector<16xi32>
        %sign3A_954 = arith.extui %sign3A_953 : vector<16xi1> to vector<16xi32>
        %sign3A_955 = arith.subi %sign3A_950, %sign3A_954 : vector<16xi32>
        %sign3A_956 = arith.constant 0 : i32
        %sign3A_957 = arith.cmpi sgt, %jit3A_944, %sign3A_956 : i32
        %sign3A_958 = arith.extui %sign3A_957 : i1 to i32
        %sign3A_959 = arith.constant 0 : i32
        %sign3A_960 = arith.cmpi slt, %jit3A_944, %sign3A_959 : i32
        %sign3A_961 = arith.extui %sign3A_960 : i1 to i32
        %sign3A_962 = arith.subi %sign3A_958, %sign3A_961 : i32
        %ne3A_963 = vector.broadcast %sign3A_962 : i32 to vector<16xi32>
        %ne3A_964 = arith.cmpi ne, %sign3A_955, %ne3A_963 : vector<16xi32>
        %rem3A_965 = vector.broadcast %jit3A_944 : i32 to vector<16xi32>
        %rem3A_966 = arith.remsi %get3A_941, %rem3A_965 : vector<16xi32>
        %ne3A_967 = arith.constant 0 : i32
        %ne3A_968 = vector.broadcast %ne3A_967 : i32 to vector<16xi32>
        %ne3A_969 = arith.cmpi ne, %rem3A_966, %ne3A_968 : vector<16xi32>
        %and3A_970 = arith.andi %ne3A_964, %ne3A_969 : vector<16xi1>
        %sub3A_971 = arith.constant 1 : i32
        %sub3A_972 = vector.broadcast %sub3A_971 : i32 to vector<16xi32>
        %sub3A_973 = arith.subi %div3A_946, %sub3A_972 : vector<16xi32>
        %select_n3A_974 = arith.select %and3A_970, %sub3A_973, %div3A_946 : vector<16xi1>, vector<16xi32>
        %add3A_975 = vector.broadcast %mul3A_943 : i32 to vector<16xi32>
        %add3A_976 = arith.addi %add3A_975, %select_n3A_974 : vector<16xi32>
        %swap3A_977 = arith.index_cast %add3A_50 : i32 to index
        %swap3A_978 = arith.constant 16 : index
        %swap3A_979 = tpu.vector_load %arg13[%swap3A_977, %swap3A_978] {strides = array<i32>} : memref<16x48xi32, #tpu.memory_space<vmem>>, vector<16xi32>,
        tpu.vector_store %arg13[%swap3A_977, %swap3A_978], %add3A_976 {strides = array<i32>} : memref<16x48xi32, #tpu.memory_space<vmem>>, vector<16xi32>,
        %get3A_980 = arith.index_cast %add3A_50 : i32 to index
        %get3A_981 = arith.constant 32 : index
        %get3A_982 = tpu.vector_load %arg12[%get3A_980, %get3A_981] {strides = array<i32>} : memref<16x48xi32, #tpu.memory_space<vmem>>, vector<16xi32>,
        %mul3A_983 = arith.constant 632 : i32
        %mul3A_984 = arith.muli %add3A_51, %mul3A_983 : i32
        %jit3A_985 = arith.constant 16 : i32
        %div3A_986 = vector.broadcast %jit3A_985 : i32 to vector<16xi32>
        %div3A_987 = arith.divsi %get3A_982, %div3A_986 : vector<16xi32>
        %sign3A_988 = arith.constant 0 : i32
        %sign3A_989 = vector.broadcast %sign3A_988 : i32 to vector<16xi32>
        %sign3A_990 = arith.cmpi sgt, %get3A_982, %sign3A_989 : vector<16xi32>
        %sign3A_991 = arith.extui %sign3A_990 : vector<16xi1> to vector<16xi32>
        %sign3A_992 = arith.constant 0 : i32
        %sign3A_993 = vector.broadcast %sign3A_992 : i32 to vector<16xi32>
        %sign3A_994 = arith.cmpi slt, %get3A_982, %sign3A_993 : vector<16xi32>
        %sign3A_995 = arith.extui %sign3A_994 : vector<16xi1> to vector<16xi32>
        %sign3A_996 = arith.subi %sign3A_991, %sign3A_995 : vector<16xi32>
        %sign3A_997 = arith.constant 0 : i32
        %sign3A_998 = arith.cmpi sgt, %jit3A_985, %sign3A_997 : i32
        %sign3A_999 = arith.extui %sign3A_998 : i1 to i32
        %sign3A_1000 = arith.constant 0 : i32
        %sign3A_1001 = arith.cmpi slt, %jit3A_985, %sign3A_1000 : i32
        %sign3A_1002 = arith.extui %sign3A_1001 : i1 to i32
        %sign3A_1003 = arith.subi %sign3A_999, %sign3A_1002 : i32
        %ne3A_1004 = vector.broadcast %sign3A_1003 : i32 to vector<16xi32>
        %ne3A_1005 = arith.cmpi ne, %sign3A_996, %ne3A_1004 : vector<16xi32>
        %rem3A_1006 = vector.broadcast %jit3A_985 : i32 to vector<16xi32>
        %rem3A_1007 = arith.remsi %get3A_982, %rem3A_1006 : vector<16xi32>
        %ne3A_1008 = arith.constant 0 : i32
        %ne3A_1009 = vector.broadcast %ne3A_1008 : i32 to vector<16xi32>
        %ne3A_1010 = arith.cmpi ne, %rem3A_1007, %ne3A_1009 : vector<16xi32>
        %and3A_1011 = arith.andi %ne3A_1005, %ne3A_1010 : vector<16xi1>
        %sub3A_1012 = arith.constant 1 : i32
        %sub3A_1013 = vector.broadcast %sub3A_1012 : i32 to vector<16xi32>
        %sub3A_1014 = arith.subi %div3A_987, %sub3A_1013 : vector<16xi32>
        %select_n3A_1015 = arith.select %and3A_1011, %sub3A_1014, %div3A_987 : vector<16xi1>, vector<16xi32>
        %add3A_1016 = vector.broadcast %mul3A_984 : i32 to vector<16xi32>
        %add3A_1017 = arith.addi %add3A_1016, %select_n3A_1015 : vector<16xi32>
        %swap3A_1018 = arith.index_cast %add3A_50 : i32 to index
        %swap3A_1019 = arith.constant 32 : index
        %swap3A_1020 = tpu.vector_load %arg13[%swap3A_1018, %swap3A_1019] {strides = array<i32>} : memref<16x48xi32, #tpu.memory_space<vmem>>, vector<16xi32>,
        tpu.vector_store %arg13[%swap3A_1018, %swap3A_1019], %add3A_1017 {strides = array<i32>} : memref<16x48xi32, #tpu.memory_space<vmem>>, vector<16xi32>,
        %dma_start3A = arith.constant 0 : i32
        %dma_start3A_1021 = arith.constant 0 : i32
        %dma_start3A_1022 = tpu.memref_slice %arg15[%add3A_50, %dma_start3A, %dma_start3A_1021] : memref<16x48x16xf32, #tpu.memory_space<vmem>> -> memref<1x48x16xf32, #tpu.memory_space<vmem>>
        %dma_start3A_1023 = tpu.memref_squeeze %dma_start3A_1022 : memref<1x48x16xf32, #tpu.memory_space<vmem>> -> memref<48x16xf32, #tpu.memory_space<vmem>>
        %dma_start3A_1024 = arith.constant 0 : i32
        %dma_start3A_1025 = tpu.memref_slice %arg13[%add3A_50, %dma_start3A_1024] : memref<16x48xi32, #tpu.memory_space<vmem>> -> memref<1x48xi32, #tpu.memory_space<vmem>>
        %dma_start3A_1026 = tpu.memref_squeeze %dma_start3A_1025 : memref<1x48xi32, #tpu.memory_space<vmem>> -> memref<48xi32, #tpu.memory_space<vmem>>
        %dma_start3A_1027 = arith.constant 0 : i32
        %dma_start3A_1028 = arith.constant 0 : i32
        %dma_start3A_1029 = tpu.memref_slice %arg3[%dma_start3A_1027, %dma_start3A_1028] : memref<6471680x16xf32, #tpu.memory_space<hbm>> -> memref<6471680x16xf32, #tpu.memory_space<hbm>>
        tpu.enqueue_indirect_dma source(%dma_start3A_1029 : memref<6471680x16xf32, #tpu.memory_space<hbm>>) target(%dma_start3A_1023 : memref<48x16xf32, #tpu.memory_space<vmem>>) offsets(%dma_start3A_1026 : memref<48xi32, #tpu.memory_space<vmem>>) semaphore(%arg21 : memref<!tpu.dma_semaphore, #tpu.memory_space<semaphore_mem>>)
      }
      %scan3A_25 = arith.constant 16 : i32
      %scan3A_26 = arith.constant 0 : i32
      %scan3A_27 = arith.constant 16 : i32
      %scan3A_28 = arith.addi %scan3A_26, %scan3A_27 : i32
      %scan3A_29 = arith.constant 1 : i32
      scf.for %scan3A_46 = %scan3A_26 to %scan3A_28 step %scan3A_29  : i32 {
        %mul3A_47 = arith.constant 1 : i32
        %mul3A_48 = arith.muli %scan3A_46, %mul3A_47 : i32
        %add3A_49 = arith.constant 0 : i32
        %add3A_50 = arith.addi %add3A_49, %mul3A_48 : i32
        %dma_wait3A = arith.constant 0 : i32
        %dma_wait3A_51 = arith.constant 0 : i32
        %dma_wait3A_52 = tpu.memref_slice %arg15[%add3A_50, %dma_wait3A, %dma_wait3A_51] : memref<16x48x16xf32, #tpu.memory_space<vmem>> -> memref<1x48x16xf32, #tpu.memory_space<vmem>>
        %dma_wait3A_53 = tpu.memref_squeeze %dma_wait3A_52 : memref<1x48x16xf32, #tpu.memory_space<vmem>> -> memref<48x16xf32, #tpu.memory_space<vmem>>
        %dma_wait3A_54 = arith.constant 0 : i32
        %dma_wait3A_55 = tpu.memref_slice %arg13[%add3A_50, %dma_wait3A_54] : memref<16x48xi32, #tpu.memory_space<vmem>> -> memref<1x48xi32, #tpu.memory_space<vmem>>
        %dma_wait3A_56 = tpu.memref_squeeze %dma_wait3A_55 : memref<1x48xi32, #tpu.memory_space<vmem>> -> memref<48xi32, #tpu.memory_space<vmem>>
        %dma_wait3A_57 = arith.constant 0 : i32
        %dma_wait3A_58 = arith.constant 0 : i32
        %dma_wait3A_59 = tpu.memref_slice %arg3[%dma_wait3A_57, %dma_wait3A_58] : memref<6471680x16xf32, #tpu.memory_space<hbm>> -> memref<6471680x16xf32, #tpu.memory_space<hbm>>
        tpu.wait_indirect_dma semaphore(%arg21 : memref<!tpu.dma_semaphore, #tpu.memory_space<semaphore_mem>>) src(%dma_wait3A_59 : memref<6471680x16xf32, #tpu.memory_space<hbm>>) dst(%dma_wait3A_53 : memref<48x16xf32, #tpu.memory_space<vmem>>)
      }
      %scan3A_30 = arith.constant 16 : i32
      %scan3A_31 = arith.constant 0 : i32
      %scan3A_32 = arith.constant 16 : i32
      %scan3A_33 = arith.addi %scan3A_31, %scan3A_32 : i32
      %scan3A_34 = arith.constant 1 : i32
      scf.for %scan3A_46 = %scan3A_31 to %scan3A_33 step %scan3A_34  : i32 {
        %mul3A_47 = arith.constant 1 : i32
        %mul3A_48 = arith.muli %scan3A_46, %mul3A_47 : i32
        %add3A_49 = arith.constant 0 : i32
        %add3A_50 = arith.addi %add3A_49, %mul3A_48 : i32
        %get3A = arith.index_cast %add3A_50 : i32 to index
        %get3A_51 = arith.constant 0 : index
        %get3A_52 = tpu.vector_load %arg14[%get3A, %get3A_51] {strides = array<i32>} : memref<16x16xi32, #tpu.memory_space<vmem>>, vector<16xi32>,
        %get3A_53 = arith.index_cast %add3A_50 : i32 to index
        %get3A_54 = arith.constant 0 : index
        %get3A_55 = tpu.vector_load %arg12[%get3A_53, %get3A_54] {strides = array<i32>} : memref<16x48xi32, #tpu.memory_space<vmem>>, vector<16xi32>,
        %add3A_56 = arith.constant 0 : i32
        %add3A_57 = vector.broadcast %add3A_56 : i32 to vector<16xi32>
        %add3A_58 = arith.addi %iota3A, %add3A_57 : vector<16xi32>
        %jit3A = arith.constant 16 : i32
        %eq3A = arith.constant 0 : i32
        %eq3A_59 = arith.cmpi eq, %jit3A, %eq3A : i32
        %jit3A_60 = arith.constant 1 : i32
        %select_n3A = arith.select %eq3A_59, %jit3A_60, %jit3A : i32
        %rem3A = vector.broadcast %select_n3A : i32 to vector<16xi32>
        %rem3A_61 = arith.remsi %get3A_55, %rem3A : vector<16xi32>
        %ne3A = arith.constant 0 : i32
        %ne3A_62 = vector.broadcast %ne3A : i32 to vector<16xi32>
        %ne3A_63 = arith.cmpi ne, %rem3A_61, %ne3A_62 : vector<16xi32>
        %lt3A = arith.constant 0 : i32
        %lt3A_64 = vector.broadcast %lt3A : i32 to vector<16xi32>
        %lt3A_65 = arith.cmpi slt, %rem3A_61, %lt3A_64 : vector<16xi32>
        %lt3A_66 = arith.constant 0 : i32
        %lt3A_67 = arith.cmpi slt, %select_n3A, %lt3A_66 : i32
        %ne3A_68 = vector.broadcast %lt3A_67 : i1 to vector<16xi1>
        %ne3A_69 = vector.broadcast %ne3A_68 : vector<16xi1> to vector<16xi1>
        %ne3A_70 = arith.xori %lt3A_65, %ne3A_69 : vector<16xi1>
        %and3A = arith.andi %ne3A_70, %ne3A_63 : vector<16xi1>
        %add3A_71 = vector.broadcast %select_n3A : i32 to vector<16xi32>
        %add3A_72 = arith.addi %rem3A_61, %add3A_71 : vector<16xi32>
        %select_n3A_73 = arith.select %and3A, %add3A_72, %rem3A_61 : vector<16xi1>, vector<16xi32>
        %gather3A = arith.constant 0 : i32
        %gather3A_74 = arith.constant 0 : i32
        %gather3A_75 = tpu.memref_slice %arg15[%add3A_50, %gather3A, %gather3A_74] : memref<16x48x16xf32, #tpu.memory_space<vmem>> -> memref<1x48x16xf32, #tpu.memory_space<vmem>>
        %gather3A_76 = tpu.memref_squeeze %gather3A_75 : memref<1x48x16xf32, #tpu.memory_space<vmem>> -> memref<48x16xf32, #tpu.memory_space<vmem>>
        %gather3A_77 = tpu.vector_load_idx %gather3A_76[%add3A_58, %select_n3A_73] : memref<48x16xf32, #tpu.memory_space<vmem>>[vector<16xi32>, vector<16xi32>], vector<16xf32>,
        %lt3A_78 = arith.cmpi slt, %add3A_58, %get3A_52 : vector<16xi32>
        %jit3A_79 = arith.constant 3.000000e+38 : f32
        %broadcast_in_dim3A_80 = vector.broadcast %jit3A_79 : f32 to vector<16xf32>
        %select_n3A_81 = arith.select %lt3A_78, %gather3A_77, %broadcast_in_dim3A_80 : vector<16xi1>, vector<16xf32>
        %masked_sort3A = arith.constant dense<true> : vector<16xi1>
        %masked_sort3A_82, %masked_sort3A_83, %masked_sort3A_84 = tpu.sort %select_n3A_81, %get3A_55 masked %masked_sort3A : (vector<16xf32>, vector<16xi32>, vector<16xi1>) -> (vector<16xi1>, vector<16xf32>, vector<16xi32>)
        %get3A_85 = arith.index_cast %add3A_50 : i32 to index
        %get3A_86 = arith.constant 16 : index
        %get3A_87 = tpu.vector_load %arg12[%get3A_85, %get3A_86] {strides = array<i32>} : memref<16x48xi32, #tpu.memory_space<vmem>>, vector<16xi32>,
        %add3A_88 = arith.constant 16 : i32
        %add3A_89 = vector.broadcast %add3A_88 : i32 to vector<16xi32>
        %add3A_90 = arith.addi %iota3A, %add3A_89 : vector<16xi32>
        %jit3A_91 = arith.constant 16 : i32
        %eq3A_92 = arith.constant 0 : i32
        %eq3A_93 = arith.cmpi eq, %jit3A_91, %eq3A_92 : i32
        %jit3A_94 = arith.constant 1 : i32
        %select_n3A_95 = arith.select %eq3A_93, %jit3A_94, %jit3A_91 : i32
        %rem3A_96 = vector.broadcast %select_n3A_95 : i32 to vector<16xi32>
        %rem3A_97 = arith.remsi %get3A_87, %rem3A_96 : vector<16xi32>
        %ne3A_98 = arith.constant 0 : i32
        %ne3A_99 = vector.broadcast %ne3A_98 : i32 to vector<16xi32>
        %ne3A_100 = arith.cmpi ne, %rem3A_97, %ne3A_99 : vector<16xi32>
        %lt3A_101 = arith.constant 0 : i32
        %lt3A_102 = vector.broadcast %lt3A_101 : i32 to vector<16xi32>
        %lt3A_103 = arith.cmpi slt, %rem3A_97, %lt3A_102 : vector<16xi32>
        %lt3A_104 = arith.constant 0 : i32
        %lt3A_105 = arith.cmpi slt, %select_n3A_95, %lt3A_104 : i32
        %ne3A_106 = vector.broadcast %lt3A_105 : i1 to vector<16xi1>
        %ne3A_107 = vector.broadcast %ne3A_106 : vector<16xi1> to vector<16xi1>
        %ne3A_108 = arith.xori %lt3A_103, %ne3A_107 : vector<16xi1>
        %and3A_109 = arith.andi %ne3A_108, %ne3A_100 : vector<16xi1>
        %add3A_110 = vector.broadcast %select_n3A_95 : i32 to vector<16xi32>
        %add3A_111 = arith.addi %rem3A_97, %add3A_110 : vector<16xi32>
        %select_n3A_112 = arith.select %and3A_109, %add3A_111, %rem3A_97 : vector<16xi1>, vector<16xi32>
        %gather3A_113 = arith.constant 0 : i32
        %gather3A_114 = arith.constant 0 : i32
        %gather3A_115 = tpu.memref_slice %arg15[%add3A_50, %gather3A_113, %gather3A_114] : memref<16x48x16xf32, #tpu.memory_space<vmem>> -> memref<1x48x16xf32, #tpu.memory_space<vmem>>
        %gather3A_116 = tpu.memref_squeeze %gather3A_115 : memref<1x48x16xf32, #tpu.memory_space<vmem>> -> memref<48x16xf32, #tpu.memory_space<vmem>>
        %gather3A_117 = tpu.vector_load_idx %gather3A_116[%add3A_90, %select_n3A_112] : memref<48x16xf32, #tpu.memory_space<vmem>>[vector<16xi32>, vector<16xi32>], vector<16xf32>,
        %lt3A_118 = arith.cmpi slt, %add3A_90, %get3A_52 : vector<16xi32>
        %jit3A_119 = arith.constant 3.000000e+38 : f32
        %broadcast_in_dim3A_120 = vector.broadcast %jit3A_119 : f32 to vector<16xf32>
        %select_n3A_121 = arith.select %lt3A_118, %gather3A_117, %broadcast_in_dim3A_120 : vector<16xi1>, vector<16xf32>
        %masked_sort3A_122 = arith.constant dense<true> : vector<16xi1>
        %masked_sort3A_123, %masked_sort3A_124, %masked_sort3A_125 = tpu.sort %select_n3A_121, %get3A_87 masked %masked_sort3A_122 : (vector<16xf32>, vector<16xi32>, vector<16xi1>) -> (vector<16xi1>, vector<16xf32>, vector<16xi32>)
        %get3A_126 = arith.index_cast %add3A_50 : i32 to index
        %get3A_127 = arith.constant 32 : index
        %get3A_128 = tpu.vector_load %arg12[%get3A_126, %get3A_127] {strides = array<i32>} : memref<16x48xi32, #tpu.memory_space<vmem>>, vector<16xi32>,
        %add3A_129 = arith.constant 32 : i32
        %add3A_130 = vector.broadcast %add3A_129 : i32 to vector<16xi32>
        %add3A_131 = arith.addi %iota3A, %add3A_130 : vector<16xi32>
        %jit3A_132 = arith.constant 16 : i32
        %eq3A_133 = arith.constant 0 : i32
        %eq3A_134 = arith.cmpi eq, %jit3A_132, %eq3A_133 : i32
        %jit3A_135 = arith.constant 1 : i32
        %select_n3A_136 = arith.select %eq3A_134, %jit3A_135, %jit3A_132 : i32
        %rem3A_137 = vector.broadcast %select_n3A_136 : i32 to vector<16xi32>
        %rem3A_138 = arith.remsi %get3A_128, %rem3A_137 : vector<16xi32>
        %ne3A_139 = arith.constant 0 : i32
        %ne3A_140 = vector.broadcast %ne3A_139 : i32 to vector<16xi32>
        %ne3A_141 = arith.cmpi ne, %rem3A_138, %ne3A_140 : vector<16xi32>
        %lt3A_142 = arith.constant 0 : i32
        %lt3A_143 = vector.broadcast %lt3A_142 : i32 to vector<16xi32>
        %lt3A_144 = arith.cmpi slt, %rem3A_138, %lt3A_143 : vector<16xi32>
        %lt3A_145 = arith.constant 0 : i32
        %lt3A_146 = arith.cmpi slt, %select_n3A_136, %lt3A_145 : i32
        %ne3A_147 = vector.broadcast %lt3A_146 : i1 to vector<16xi1>
        %ne3A_148 = vector.broadcast %ne3A_147 : vector<16xi1> to vector<16xi1>
        %ne3A_149 = arith.xori %lt3A_144, %ne3A_148 : vector<16xi1>
        %and3A_150 = arith.andi %ne3A_149, %ne3A_141 : vector<16xi1>
        %add3A_151 = vector.broadcast %select_n3A_136 : i32 to vector<16xi32>
        %add3A_152 = arith.addi %rem3A_138, %add3A_151 : vector<16xi32>
        %select_n3A_153 = arith.select %and3A_150, %add3A_152, %rem3A_138 : vector<16xi1>, vector<16xi32>
        %gather3A_154 = arith.constant 0 : i32
        %gather3A_155 = arith.constant 0 : i32
        %gather3A_156 = tpu.memref_slice %arg15[%add3A_50, %gather3A_154, %gather3A_155] : memref<16x48x16xf32, #tpu.memory_space<vmem>> -> memref<1x48x16xf32, #tpu.memory_space<vmem>>
        %gather3A_157 = tpu.memref_squeeze %gather3A_156 : memref<1x48x16xf32, #tpu.memory_space<vmem>> -> memref<48x16xf32, #tpu.memory_space<vmem>>
        %gather3A_158 = tpu.vector_load_idx %gather3A_157[%add3A_131, %select_n3A_153] : memref<48x16xf32, #tpu.memory_space<vmem>>[vector<16xi32>, vector<16xi32>], vector<16xf32>,
        %lt3A_159 = arith.cmpi slt, %add3A_131, %get3A_52 : vector<16xi32>
        %jit3A_160 = arith.constant 3.000000e+38 : f32
        %broadcast_in_dim3A_161 = vector.broadcast %jit3A_160 : f32 to vector<16xf32>
        %select_n3A_162 = arith.select %lt3A_159, %gather3A_158, %broadcast_in_dim3A_161 : vector<16xi1>, vector<16xf32>
        %masked_sort3A_163 = arith.constant dense<true> : vector<16xi1>
        %masked_sort3A_164, %masked_sort3A_165, %masked_sort3A_166 = tpu.sort %select_n3A_162, %get3A_128 masked %masked_sort3A_163 : (vector<16xf32>, vector<16xi32>, vector<16xi1>) -> (vector<16xi1>, vector<16xf32>, vector<16xi32>)
        %rev3A = arith.constant 15 : i32
        %rev3A_167 = vector.broadcast %rev3A : i32 to vector<16xi32>
        %rev3A_168 = tpu.iota {dimensions = array<i32: 0>} : vector<16xi32>
        %rev3A_169 = arith.subi %rev3A_167, %rev3A_168 : vector<16xi32>
        %rev3A_170 = tpu.dynamic_gather %masked_sort3A_124[%rev3A_169] in [0] : vector<16xf32>, vector<16xi32> -> vector<16xf32>
        %rev3A_171 = arith.constant 15 : i32
        %rev3A_172 = vector.broadcast %rev3A_171 : i32 to vector<16xi32>
        %rev3A_173 = tpu.iota {dimensions = array<i32: 0>} : vector<16xi32>
        %rev3A_174 = arith.subi %rev3A_172, %rev3A_173 : vector<16xi32>
        %rev3A_175 = tpu.dynamic_gather %masked_sort3A_125[%rev3A_174] in [0] : vector<16xi32>, vector<16xi32> -> vector<16xi32>
        %le3A = arith.cmpf ole, %masked_sort3A_83, %rev3A_170 : vector<16xf32>
        %min3A = arith.minimumf %masked_sort3A_83, %rev3A_170 : vector<16xf32>
        %select_n3A_176 = arith.select %le3A, %masked_sort3A_84, %rev3A_175 : vector<16xi1>, vector<16xi32>
        %masked_sort3A_177 = arith.constant dense<true> : vector<16xi1>
        %masked_sort3A_178, %masked_sort3A_179, %masked_sort3A_180 = tpu.sort %min3A, %select_n3A_176 masked %masked_sort3A_177 : (vector<16xf32>, vector<16xi32>, vector<16xi1>) -> (vector<16xi1>, vector<16xf32>, vector<16xi32>)
        %max3A = arith.maximumf %masked_sort3A_83, %rev3A_170 : vector<16xf32>
        %select_n3A_181 = arith.select %le3A, %rev3A_175, %masked_sort3A_84 : vector<16xi1>, vector<16xi32>
        %masked_sort3A_182 = arith.constant dense<true> : vector<16xi1>
        %masked_sort3A_183, %masked_sort3A_184, %masked_sort3A_185 = tpu.sort %max3A, %select_n3A_181 masked %masked_sort3A_182 : (vector<16xf32>, vector<16xi32>, vector<16xi1>) -> (vector<16xi1>, vector<16xf32>, vector<16xi32>)
        %rev3A_186 = arith.constant 15 : i32
        %rev3A_187 = vector.broadcast %rev3A_186 : i32 to vector<16xi32>
        %rev3A_188 = tpu.iota {dimensions = array<i32: 0>} : vector<16xi32>
        %rev3A_189 = arith.subi %rev3A_187, %rev3A_188 : vector<16xi32>
        %rev3A_190 = tpu.dynamic_gather %masked_sort3A_165[%rev3A_189] in [0] : vector<16xf32>, vector<16xi32> -> vector<16xf32>
        %rev3A_191 = arith.constant 15 : i32
        %rev3A_192 = vector.broadcast %rev3A_191 : i32 to vector<16xi32>
        %rev3A_193 = tpu.iota {dimensions = array<i32: 0>} : vector<16xi32>
        %rev3A_194 = arith.subi %rev3A_192, %rev3A_193 : vector<16xi32>
        %rev3A_195 = tpu.dynamic_gather %masked_sort3A_166[%rev3A_194] in [0] : vector<16xi32>, vector<16xi32> -> vector<16xi32>
        %le3A_196 = arith.cmpf ole, %masked_sort3A_179, %rev3A_190 : vector<16xf32>
        %min3A_197 = arith.minimumf %masked_sort3A_179, %rev3A_190 : vector<16xf32>
        %select_n3A_198 = arith.select %le3A_196, %masked_sort3A_180, %rev3A_195 : vector<16xi1>, vector<16xi32>
        %masked_sort3A_199 = arith.constant dense<true> : vector<16xi1>
        %masked_sort3A_200, %masked_sort3A_201, %masked_sort3A_202 = tpu.sort %min3A_197, %select_n3A_198 masked %masked_sort3A_199 : (vector<16xf32>, vector<16xi32>, vector<16xi1>) -> (vector<16xi1>, vector<16xf32>, vector<16xi32>)
        %max3A_203 = arith.maximumf %masked_sort3A_179, %rev3A_190 : vector<16xf32>
        %select_n3A_204 = arith.select %le3A_196, %rev3A_195, %masked_sort3A_180 : vector<16xi1>, vector<16xi32>
        %masked_sort3A_205 = arith.constant dense<true> : vector<16xi1>
        %masked_sort3A_206, %masked_sort3A_207, %masked_sort3A_208 = tpu.sort %max3A_203, %select_n3A_204 masked %masked_sort3A_205 : (vector<16xf32>, vector<16xi32>, vector<16xi1>) -> (vector<16xi1>, vector<16xf32>, vector<16xi32>)
        %eq3A_209 = arith.constant 0 : i32
        %eq3A_210 = vector.broadcast %eq3A_209 : i32 to vector<16xi32>
        %eq3A_211 = arith.cmpi eq, %iota3A, %eq3A_210 : vector<16xi32>
        %jit3A_212 = arith.constant 3.000000e+38 : f32
        %broadcast_in_dim3A_213 = vector.broadcast %jit3A_212 : f32 to vector<16xf32>
        %select_n3A_214 = arith.select %eq3A_211, %masked_sort3A_184, %broadcast_in_dim3A_213 : vector<16xi1>, vector<16xf32>
        %reduce_min3A = arith.constant true
        %reduce_min3A_215 = vector.broadcast %reduce_min3A : i1 to vector<16xi1>
        %reduce_min3A_216 = tpu.scan <min>, %select_n3A_214 masked %reduce_min3A_215 : vector<16xf32>, vector<16xi1> -> vector<16xf32>
        %reduce_min3A_217 = vector.extract %reduce_min3A_216[15] : f32 from vector<16xf32>
        %jit3A_218 = arith.constant 3.000000e+38 : f32
        %broadcast_in_dim3A_219 = vector.broadcast %jit3A_218 : f32 to vector<16xf32>
        %select_n3A_220 = arith.select %eq3A_211, %masked_sort3A_207, %broadcast_in_dim3A_219 : vector<16xi1>, vector<16xf32>
        %reduce_min3A_221 = arith.constant true
        %reduce_min3A_222 = vector.broadcast %reduce_min3A_221 : i1 to vector<16xi1>
        %reduce_min3A_223 = tpu.scan <min>, %select_n3A_220 masked %reduce_min3A_222 : vector<16xf32>, vector<16xi1> -> vector<16xf32>
        %reduce_min3A_224 = vector.extract %reduce_min3A_223[15] : f32 from vector<16xf32>
        %jit3A_225 = arith.constant -1 : i32
        %broadcast_in_dim3A_226 = vector.broadcast %jit3A_225 : i32 to vector<16xi32>
        %select_n3A_227 = arith.select %eq3A_211, %masked_sort3A_185, %broadcast_in_dim3A_226 : vector<16xi1>, vector<16xi32>
        %reduce_max3A = arith.constant true
        %reduce_max3A_228 = vector.broadcast %reduce_max3A : i1 to vector<16xi1>
        %reduce_max3A_229 = arith.constant -2147483648 : i32
        %reduce_max3A_230 = vector.broadcast %reduce_max3A_229 : i32 to vector<16xi32>
        %reduce_max3A_231 = arith.xori %select_n3A_227, %reduce_max3A_230 : vector<16xi32>
        %reduce_max3A_232 = tpu.scan <max>, %reduce_max3A_231 masked %reduce_max3A_228 : vector<16xi32>, vector<16xi1> -> vector<16xi32>
        %reduce_max3A_233 = arith.xori %reduce_max3A_232, %reduce_max3A_230 : vector<16xi32>
        %reduce_max3A_234 = vector.extract %reduce_max3A_233[15] : i32 from vector<16xi32>
        %jit3A_235 = arith.constant -1 : i32
        %broadcast_in_dim3A_236 = vector.broadcast %jit3A_235 : i32 to vector<16xi32>
        %select_n3A_237 = arith.select %eq3A_211, %masked_sort3A_208, %broadcast_in_dim3A_236 : vector<16xi1>, vector<16xi32>
        %reduce_max3A_238 = arith.constant true
        %reduce_max3A_239 = vector.broadcast %reduce_max3A_238 : i1 to vector<16xi1>
        %reduce_max3A_240 = arith.constant -2147483648 : i32
        %reduce_max3A_241 = vector.broadcast %reduce_max3A_240 : i32 to vector<16xi32>
        %reduce_max3A_242 = arith.xori %select_n3A_237, %reduce_max3A_241 : vector<16xi32>
        %reduce_max3A_243 = tpu.scan <max>, %reduce_max3A_242 masked %reduce_max3A_239 : vector<16xi32>, vector<16xi1> -> vector<16xi32>
        %reduce_max3A_244 = arith.xori %reduce_max3A_243, %reduce_max3A_241 : vector<16xi32>
        %reduce_max3A_245 = vector.extract %reduce_max3A_244[15] : i32 from vector<16xi32>
        %le3A_246 = arith.cmpf ole, %reduce_min3A_224, %reduce_min3A_217 : f32
        %select_n3A_247 = arith.select %le3A_246, %reduce_min3A_224, %reduce_min3A_217 : f32
        %le3A_248 = arith.cmpf ole, %reduce_min3A_224, %reduce_min3A_217 : f32
        %select_n3A_249 = arith.select %le3A_248, %reduce_max3A_245, %reduce_max3A_234 : i32
        %swap3A = arith.constant 0 : index
        %swap3A_250 = tpu.vector_load %arg19[%swap3A] {strides = array<i32>} : memref<16xf32, #tpu.memory_space<vmem>>, vector<16xf32>,
        tpu.vector_store %arg19[%swap3A], %masked_sort3A_201 {strides = array<i32>} : memref<16xf32, #tpu.memory_space<vmem>>, vector<16xf32>,
        %swap3A_251 = arith.constant 0 : index
        %swap3A_252 = tpu.vector_load %arg20[%swap3A_251] {strides = array<i32>} : memref<16xi32, #tpu.memory_space<vmem>>, vector<16xi32>,
        tpu.vector_store %arg20[%swap3A_251], %masked_sort3A_202 {strides = array<i32>} : memref<16xi32, #tpu.memory_space<vmem>>, vector<16xi32>,
        %add3A_253 = arith.constant 1 : i32
        %add3A_254 = vector.broadcast %add3A_253 : i32 to vector<16xi32>
        %add3A_255 = arith.addi %iota3A, %add3A_254 : vector<16xi32>
        %min3A_256 = arith.constant 15 : i32
        %min3A_257 = vector.broadcast %min3A_256 : i32 to vector<16xi32>
        %min3A_258 = arith.minsi %add3A_255, %min3A_257 : vector<16xi32>
        %eq3A_259 = arith.constant 15 : i32
        %eq3A_260 = vector.broadcast %eq3A_259 : i32 to vector<16xi32>
        %eq3A_261 = arith.cmpi eq, %iota3A, %eq3A_260 : vector<16xi32>
        %gather3A_262 = tpu.vector_load_idx %arg19[%min3A_258] : memref<16xf32, #tpu.memory_space<vmem>>[vector<16xi32>], vector<16xf32>,
        %broadcast_in_dim3A_263 = vector.broadcast %select_n3A_247 : f32 to vector<16xf32>
        %select_n3A_264 = arith.select %eq3A_261, %broadcast_in_dim3A_263, %gather3A_262 : vector<16xi1>, vector<16xf32>
        %eq3A_265 = arith.constant 15 : i32
        %eq3A_266 = vector.broadcast %eq3A_265 : i32 to vector<16xi32>
        %eq3A_267 = arith.cmpi eq, %iota3A, %eq3A_266 : vector<16xi32>
        %gather3A_268 = tpu.vector_load_idx %arg20[%min3A_258] : memref<16xi32, #tpu.memory_space<vmem>>[vector<16xi32>], vector<16xi32>,
        %broadcast_in_dim3A_269 = vector.broadcast %select_n3A_249 : i32 to vector<16xi32>
        %select_n3A_270 = arith.select %eq3A_267, %broadcast_in_dim3A_269, %gather3A_268 : vector<16xi1>, vector<16xi32>
        %swap3A_271 = arith.index_cast %add3A_50 : i32 to index
        %swap3A_272 = arith.constant 0 : index
        %swap3A_273 = tpu.vector_load %arg17[%swap3A_271, %swap3A_272] {strides = array<i32>} : memref<16x16xi32, #tpu.memory_space<vmem>>, vector<16xi32>,
        tpu.vector_store %arg17[%swap3A_271, %swap3A_272], %select_n3A_270 {strides = array<i32>} : memref<16x16xi32, #tpu.memory_space<vmem>>, vector<16xi32>,
        %swap3A_274 = arith.index_cast %add3A_50 : i32 to index
        %swap3A_275 = arith.constant 0 : index
        %swap3A_276 = tpu.vector_load %arg18[%swap3A_274, %swap3A_275] {strides = array<i32>} : memref<16x16xf32, #tpu.memory_space<vmem>>, vector<16xf32>,
        tpu.vector_store %arg18[%swap3A_274, %swap3A_275], %select_n3A_264 {strides = array<i32>} : memref<16x16xf32, #tpu.memory_space<vmem>>, vector<16xf32>,
        %dma_start3A = arith.constant 0 : i32
        %dma_start3A_277 = arith.constant 0 : i32
        %dma_start3A_278 = tpu.memref_slice %arg16[%add3A_50, %dma_start3A, %dma_start3A_277] : memref<16x16x16xf32, #tpu.memory_space<vmem>> -> memref<1x16x16xf32, #tpu.memory_space<vmem>>
        %dma_start3A_279 = tpu.memref_squeeze %dma_start3A_278 : memref<1x16x16xf32, #tpu.memory_space<vmem>> -> memref<16x16xf32, #tpu.memory_space<vmem>>
        %dma_start3A_280 = arith.constant 0 : i32
        %dma_start3A_281 = arith.constant 0 : i32
        %dma_start3A_282 = tpu.memref_slice %arg4[%dma_start3A_280, %dma_start3A_281] : memref<10112x16xf32, #tpu.memory_space<hbm>> -> memref<10112x16xf32, #tpu.memory_space<hbm>>
        tpu.enqueue_indirect_dma source(%dma_start3A_282 : memref<10112x16xf32, #tpu.memory_space<hbm>>) target(%dma_start3A_279 : memref<16x16xf32, #tpu.memory_space<vmem>>) offsets(%select_n3A_270 : vector<16xi32>) semaphore(%arg22 : memref<!tpu.dma_semaphore, #tpu.memory_space<semaphore_mem>>)
      }
      %scan3A_35 = arith.constant 16 : i32
      %scan3A_36 = arith.constant 0 : i32
      %scan3A_37 = arith.constant 16 : i32
      %scan3A_38 = arith.addi %scan3A_36, %scan3A_37 : i32
      %scan3A_39 = arith.constant 1 : i32
      scf.for %scan3A_46 = %scan3A_36 to %scan3A_38 step %scan3A_39  : i32 {
        %mul3A_47 = arith.constant 1 : i32
        %mul3A_48 = arith.muli %scan3A_46, %mul3A_47 : i32
        %add3A_49 = arith.constant 0 : i32
        %add3A_50 = arith.addi %add3A_49, %mul3A_48 : i32
        %dma_wait3A = arith.constant 0 : i32
        %dma_wait3A_51 = arith.constant 0 : i32
        %dma_wait3A_52 = tpu.memref_slice %arg16[%add3A_50, %dma_wait3A, %dma_wait3A_51] : memref<16x16x16xf32, #tpu.memory_space<vmem>> -> memref<1x16x16xf32, #tpu.memory_space<vmem>>
        %dma_wait3A_53 = tpu.memref_squeeze %dma_wait3A_52 : memref<1x16x16xf32, #tpu.memory_space<vmem>> -> memref<16x16xf32, #tpu.memory_space<vmem>>
        %dma_wait3A_54 = arith.constant 0 : i32
        %dma_wait3A_55 = tpu.memref_slice %arg17[%add3A_50, %dma_wait3A_54] : memref<16x16xi32, #tpu.memory_space<vmem>> -> memref<1x16xi32, #tpu.memory_space<vmem>>
        %dma_wait3A_56 = tpu.memref_squeeze %dma_wait3A_55 : memref<1x16xi32, #tpu.memory_space<vmem>> -> memref<16xi32, #tpu.memory_space<vmem>>
        %dma_wait3A_57 = arith.constant 0 : i32
        %dma_wait3A_58 = arith.constant 0 : i32
        %dma_wait3A_59 = tpu.memref_slice %arg4[%dma_wait3A_57, %dma_wait3A_58] : memref<10112x16xf32, #tpu.memory_space<hbm>> -> memref<10112x16xf32, #tpu.memory_space<hbm>>
        tpu.wait_indirect_dma semaphore(%arg22 : memref<!tpu.dma_semaphore, #tpu.memory_space<semaphore_mem>>) src(%dma_wait3A_59 : memref<10112x16xf32, #tpu.memory_space<hbm>>) dst(%dma_wait3A_53 : memref<16x16xf32, #tpu.memory_space<vmem>>)
      }
      %scan3A_40 = arith.constant 16 : i32
      %scan3A_41 = arith.constant 0 : i32
      %scan3A_42 = arith.constant 16 : i32
      %scan3A_43 = arith.addi %scan3A_41, %scan3A_42 : i32
      %scan3A_44 = arith.constant 1 : i32
      scf.for %scan3A_46 = %scan3A_41 to %scan3A_43 step %scan3A_44  : i32 {
        %mul3A_47 = arith.constant 1 : i32
        %mul3A_48 = arith.muli %scan3A_46, %mul3A_47 : i32
        %add3A_49 = arith.constant 0 : i32
        %add3A_50 = arith.addi %add3A_49, %mul3A_48 : i32
        %broadcast_in_dim3A_51 = vector.broadcast %add3A_50 : i32 to vector<16xi32>
        %broadcast_in_dim3A_52 = arith.constant 0 : i32
        %broadcast_in_dim3A_53 = vector.broadcast %broadcast_in_dim3A_52 : i32 to vector<16xi32>
        %gather3A = tpu.vector_load_idx %arg9[%broadcast_in_dim3A_51, %broadcast_in_dim3A_53] : memref<16x16xf32, #tpu.memory_space<vmem>>[vector<16xi32>, vector<16xi32>], vector<16xf32>,
        %gather3A_54 = tpu.vector_load_idx %arg16[%broadcast_in_dim3A_51, %iota3A, %broadcast_in_dim3A_53] : memref<16x16x16xf32, #tpu.memory_space<vmem>>[vector<16xi32>, vector<16xi32>, vector<16xi32>], vector<16xf32>,
        %sub3A = arith.subf %gather3A, %gather3A_54 : vector<16xf32>
        %mul3A_55 = arith.mulf %sub3A, %sub3A : vector<16xf32>
        %broadcast_in_dim3A_56 = arith.constant 1 : i32
        %broadcast_in_dim3A_57 = vector.broadcast %broadcast_in_dim3A_56 : i32 to vector<16xi32>
        %gather3A_58 = tpu.vector_load_idx %arg9[%broadcast_in_dim3A_51, %broadcast_in_dim3A_57] : memref<16x16xf32, #tpu.memory_space<vmem>>[vector<16xi32>, vector<16xi32>], vector<16xf32>,
        %gather3A_59 = tpu.vector_load_idx %arg16[%broadcast_in_dim3A_51, %iota3A, %broadcast_in_dim3A_57] : memref<16x16x16xf32, #tpu.memory_space<vmem>>[vector<16xi32>, vector<16xi32>, vector<16xi32>], vector<16xf32>,
        %sub3A_60 = arith.subf %gather3A_58, %gather3A_59 : vector<16xf32>
        %mul3A_61 = arith.mulf %sub3A_60, %sub3A_60 : vector<16xf32>
        %add3A_62 = arith.addf %mul3A_55, %mul3A_61 : vector<16xf32>
        %broadcast_in_dim3A_63 = arith.constant 2 : i32
        %broadcast_in_dim3A_64 = vector.broadcast %broadcast_in_dim3A_63 : i32 to vector<16xi32>
        %gather3A_65 = tpu.vector_load_idx %arg9[%broadcast_in_dim3A_51, %broadcast_in_dim3A_64] : memref<16x16xf32, #tpu.memory_space<vmem>>[vector<16xi32>, vector<16xi32>], vector<16xf32>,
        %gather3A_66 = tpu.vector_load_idx %arg16[%broadcast_in_dim3A_51, %iota3A, %broadcast_in_dim3A_64] : memref<16x16x16xf32, #tpu.memory_space<vmem>>[vector<16xi32>, vector<16xi32>, vector<16xi32>], vector<16xf32>,
        %sub3A_67 = arith.subf %gather3A_65, %gather3A_66 : vector<16xf32>
        %mul3A_68 = arith.mulf %sub3A_67, %sub3A_67 : vector<16xf32>
        %add3A_69 = arith.addf %add3A_62, %mul3A_68 : vector<16xf32>
        %swap3A = arith.index_cast %add3A_50 : i32 to index
        %swap3A_70 = arith.constant 0 : index
        %swap3A_71 = tpu.vector_load %arg18[%swap3A, %swap3A_70] {strides = array<i32>} : memref<16x16xf32, #tpu.memory_space<vmem>>, vector<16xf32>,
        tpu.vector_store %arg18[%swap3A, %swap3A_70], %add3A_69 {strides = array<i32>} : memref<16x16xf32, #tpu.memory_space<vmem>>, vector<16xf32>,
      }
      %scan3A_45 = arith.constant 16 : i32
      "tpu.region"() ({
        %run_scoped3A = tpu.sem_alloc : memref<!tpu.dma_semaphore, #tpu.memory_space<semaphore_mem>>
        %dma_start3A = arith.constant 0 : i32
        %dma_start3A_46 = tpu.memref_slice %arg6[%add3A_20, %dma_start3A] : memref<10240x16xi32, #tpu.memory_space<hbm>> -> memref<16x16xi32, #tpu.memory_space<hbm>>
        %dma_start3A_47 = arith.constant 0 : i32
        %dma_start3A_48 = tpu.memref_slice %arg6[%add3A_20, %dma_start3A_47] : memref<10240x16xi32, #tpu.memory_space<hbm>> -> memref<16x16xi32, #tpu.memory_space<hbm>>
        tpu.enqueue_dma source(%arg17 : memref<16x16xi32, #tpu.memory_space<vmem>>) target(%dma_start3A_48 : memref<16x16xi32, #tpu.memory_space<hbm>>) target_semaphore(%run_scoped3A : memref<!tpu.dma_semaphore, #tpu.memory_space<semaphore_mem>>)
        %dma_wait3A = arith.constant 0 : i32
        %dma_wait3A_49 = tpu.memref_slice %arg6[%add3A_20, %dma_wait3A] : memref<10240x16xi32, #tpu.memory_space<hbm>> -> memref<16x16xi32, #tpu.memory_space<hbm>>
        %dma_wait3A_50 = arith.constant 0 : i32
        %dma_wait3A_51 = tpu.memref_slice %arg6[%add3A_20, %dma_wait3A_50] : memref<10240x16xi32, #tpu.memory_space<hbm>> -> memref<16x16xi32, #tpu.memory_space<hbm>>
        tpu.wait_dma2 semaphore(%run_scoped3A : memref<!tpu.dma_semaphore, #tpu.memory_space<semaphore_mem>>) src(%arg17 : memref<16x16xi32, #tpu.memory_space<vmem>>) dst(%dma_wait3A_51 : memref<16x16xi32, #tpu.memory_space<hbm>>)
        tpu.yield
      }) : () -> ()
      "tpu.region"() ({
        %run_scoped3A = tpu.sem_alloc : memref<!tpu.dma_semaphore, #tpu.memory_space<semaphore_mem>>
        %dma_start3A = arith.constant 0 : i32
        %dma_start3A_46 = tpu.memref_slice %arg7[%add3A_20, %dma_start3A] : memref<10240x16xf32, #tpu.memory_space<hbm>> -> memref<16x16xf32, #tpu.memory_space<hbm>>
        %dma_start3A_47 = arith.constant 0 : i32
        %dma_start3A_48 = tpu.memref_slice %arg7[%add3A_20, %dma_start3A_47] : memref<10240x16xf32, #tpu.memory_space<hbm>> -> memref<16x16xf32, #tpu.memory_space<hbm>>
        tpu.enqueue_dma source(%arg18 : memref<16x16xf32, #tpu.memory_space<vmem>>) target(%dma_start3A_48 : memref<16x16xf32, #tpu.memory_space<hbm>>) target_semaphore(%run_scoped3A : memref<!tpu.dma_semaphore, #tpu.memory_space<semaphore_mem>>)
        %dma_wait3A = arith.constant 0 : i32
        %dma_wait3A_49 = tpu.memref_slice %arg7[%add3A_20, %dma_wait3A] : memref<10240x16xf32, #tpu.memory_space<hbm>> -> memref<16x16xf32, #tpu.memory_space<hbm>>
        %dma_wait3A_50 = arith.constant 0 : i32
        %dma_wait3A_51 = tpu.memref_slice %arg7[%add3A_20, %dma_wait3A_50] : memref<10240x16xf32, #tpu.memory_space<hbm>> -> memref<16x16xf32, #tpu.memory_space<hbm>>
        tpu.wait_dma2 semaphore(%run_scoped3A : memref<!tpu.dma_semaphore, #tpu.memory_space<semaphore_mem>>) src(%arg18 : memref<16x16xf32, #tpu.memory_space<vmem>>) dst(%dma_wait3A_51 : memref<16x16xf32, #tpu.memory_space<hbm>>)
        tpu.yield
      }) : () -> ()
    }
    %scan3A_12 = arith.constant 20 : i32
    return
  }
}

#map = affine_map<(d0, d1) -> (0, 0)>
#map1 = affine_map<(d0, d1) -> (0)>
module attributes {stable_mosaic.version = 14 : i64} {
  func.func @body(%arg0: i32, %arg1: i32, %arg2: memref<10240x384xf32, #tpu.memory_space<hbm>>, %arg3: memref<163840xi32, #tpu.memory_space<hbm>>, %arg4: memref<163840x384xf32, #tpu.memory_space<hbm>>, %arg5: memref<5120xi32, #tpu.memory_space<vmem>>, %arg6: memref<1x128x384xf32, #tpu.memory_space<vmem>>, %arg7: memref<!tpu.dma_semaphore, #tpu.memory_space<semaphore_mem>>, %arg8: memref<!tpu.dma_semaphore, #tpu.memory_space<semaphore_mem>>) attributes {dimension_semantics = [#tpu.dimension_semantics<core_parallel>, #tpu.dimension_semantics<subcore_parallel>], iteration_bounds = array<i64: 2, 16>, scalar_prefetch = 0 : i64, scratch_operands = 4 : i64, tpu.core_type = #tpu.core_type<sc_vector_subcore>, window_params = [{transform_indices = #map}, {transform_indices = #map1}, {transform_indices = #map}]} {
    %mul3A = arith.constant 2 : i32
    %mul3A_0 = arith.muli %arg1, %mul3A : i32
    %add3A = arith.addi %mul3A_0, %arg0 : i32
    %mul3A_1 = arith.constant 5120 : i32
    %mul3A_2 = arith.muli %add3A, %mul3A_1 : i32
    "tpu.region"() ({
      %run_scoped3A = tpu.sem_alloc : memref<!tpu.dma_semaphore, #tpu.memory_space<semaphore_mem>>
      %dma_start3A = tpu.memref_slice %arg3[%mul3A_2] : memref<163840xi32, #tpu.memory_space<hbm>> -> memref<5120xi32, #tpu.memory_space<hbm>>
      %dma_start3A_7 = tpu.memref_slice %arg3[%mul3A_2] : memref<163840xi32, #tpu.memory_space<hbm>> -> memref<5120xi32, #tpu.memory_space<hbm>>
      tpu.enqueue_dma source(%dma_start3A_7 : memref<5120xi32, #tpu.memory_space<hbm>>) target(%arg5 : memref<5120xi32, #tpu.memory_space<vmem>>) target_semaphore(%run_scoped3A : memref<!tpu.dma_semaphore, #tpu.memory_space<semaphore_mem>>)
      %dma_wait3A = tpu.memref_slice %arg3[%mul3A_2] : memref<163840xi32, #tpu.memory_space<hbm>> -> memref<5120xi32, #tpu.memory_space<hbm>>
      %dma_wait3A_8 = tpu.memref_slice %arg3[%mul3A_2] : memref<163840xi32, #tpu.memory_space<hbm>> -> memref<5120xi32, #tpu.memory_space<hbm>>
      tpu.wait_dma2 semaphore(%run_scoped3A : memref<!tpu.dma_semaphore, #tpu.memory_space<semaphore_mem>>) src(%dma_wait3A_8 : memref<5120xi32, #tpu.memory_space<hbm>>) dst(%arg5 : memref<5120xi32, #tpu.memory_space<vmem>>)
      tpu.yield
    }) : () -> ()
    %scan3A = arith.constant 0 : i32
    %scan3A_3 = arith.constant 40 : i32
    %scan3A_4 = arith.addi %scan3A, %scan3A_3 : i32
    %scan3A_5 = arith.constant 1 : i32
    scf.for %scan3A_7 = %scan3A to %scan3A_4 step %scan3A_5  : i32 {
      %mul3A_8 = arith.constant 1 : i32
      %mul3A_9 = arith.muli %scan3A_7, %mul3A_8 : i32
      %add3A_10 = arith.constant 0 : i32
      %add3A_11 = arith.addi %add3A_10, %mul3A_9 : i32
      %mul3A_12 = arith.constant 128 : i32
      %mul3A_13 = arith.muli %add3A_11, %mul3A_12 : i32
      %dma_start3A = arith.constant 0 : i32
      %dma_start3A_14 = arith.constant 0 : i32
      %dma_start3A_15 = arith.constant 0 : i32
      %dma_start3A_16 = tpu.memref_slice %arg6[%dma_start3A, %dma_start3A_14, %dma_start3A_15] : memref<1x128x384xf32, #tpu.memory_space<vmem>> -> memref<1x128x384xf32, #tpu.memory_space<vmem>>
      %dma_start3A_17 = tpu.memref_squeeze %dma_start3A_16 : memref<1x128x384xf32, #tpu.memory_space<vmem>> -> memref<128x384xf32, #tpu.memory_space<vmem>>
      %dma_start3A_18 = tpu.memref_slice %arg5[%mul3A_13] : memref<5120xi32, #tpu.memory_space<vmem>> -> memref<128xi32, #tpu.memory_space<vmem>>
      %dma_start3A_19 = arith.constant 0 : i32
      %dma_start3A_20 = arith.constant 0 : i32
      %dma_start3A_21 = tpu.memref_slice %arg2[%dma_start3A_19, %dma_start3A_20] : memref<10240x384xf32, #tpu.memory_space<hbm>> -> memref<10240x384xf32, #tpu.memory_space<hbm>>
      tpu.enqueue_indirect_dma source(%dma_start3A_21 : memref<10240x384xf32, #tpu.memory_space<hbm>>) target(%dma_start3A_17 : memref<128x384xf32, #tpu.memory_space<vmem>>) offsets(%dma_start3A_18 : memref<128xi32, #tpu.memory_space<vmem>>) semaphore(%arg7 : memref<!tpu.dma_semaphore, #tpu.memory_space<semaphore_mem>>)
      %dma_wait3A = arith.constant 0 : i32
      %dma_wait3A_22 = arith.constant 0 : i32
      %dma_wait3A_23 = arith.constant 0 : i32
      %dma_wait3A_24 = tpu.memref_slice %arg6[%dma_wait3A, %dma_wait3A_22, %dma_wait3A_23] : memref<1x128x384xf32, #tpu.memory_space<vmem>> -> memref<1x128x384xf32, #tpu.memory_space<vmem>>
      %dma_wait3A_25 = tpu.memref_squeeze %dma_wait3A_24 : memref<1x128x384xf32, #tpu.memory_space<vmem>> -> memref<128x384xf32, #tpu.memory_space<vmem>>
      %dma_wait3A_26 = tpu.memref_slice %arg5[%mul3A_13] : memref<5120xi32, #tpu.memory_space<vmem>> -> memref<128xi32, #tpu.memory_space<vmem>>
      %dma_wait3A_27 = arith.constant 0 : i32
      %dma_wait3A_28 = arith.constant 0 : i32
      %dma_wait3A_29 = tpu.memref_slice %arg2[%dma_wait3A_27, %dma_wait3A_28] : memref<10240x384xf32, #tpu.memory_space<hbm>> -> memref<10240x384xf32, #tpu.memory_space<hbm>>
      tpu.wait_indirect_dma semaphore(%arg7 : memref<!tpu.dma_semaphore, #tpu.memory_space<semaphore_mem>>) src(%dma_wait3A_29 : memref<10240x384xf32, #tpu.memory_space<hbm>>) dst(%dma_wait3A_25 : memref<128x384xf32, #tpu.memory_space<vmem>>)
      %add3A_30 = arith.addi %mul3A_2, %mul3A_13 : i32
      %run_scoped3A = arith.constant 0 : i32
      "tpu.region"() ({
        %run_scoped3A_31 = tpu.sem_alloc : memref<!tpu.dma_semaphore, #tpu.memory_space<semaphore_mem>>
        %dma_start3A_32 = arith.constant 0 : i32
        %dma_start3A_33 = arith.constant 0 : i32
        %dma_start3A_34 = tpu.memref_slice %arg6[%run_scoped3A, %dma_start3A_32, %dma_start3A_33] : memref<1x128x384xf32, #tpu.memory_space<vmem>> -> memref<1x128x384xf32, #tpu.memory_space<vmem>>
        %dma_start3A_35 = tpu.memref_squeeze %dma_start3A_34 : memref<1x128x384xf32, #tpu.memory_space<vmem>> -> memref<128x384xf32, #tpu.memory_space<vmem>>
        %dma_start3A_36 = arith.constant 0 : i32
        %dma_start3A_37 = tpu.memref_slice %arg4[%add3A_30, %dma_start3A_36] : memref<163840x384xf32, #tpu.memory_space<hbm>> -> memref<128x384xf32, #tpu.memory_space<hbm>>
        %dma_start3A_38 = arith.constant 0 : i32
        %dma_start3A_39 = tpu.memref_slice %arg4[%add3A_30, %dma_start3A_38] : memref<163840x384xf32, #tpu.memory_space<hbm>> -> memref<128x384xf32, #tpu.memory_space<hbm>>
        %dma_start3A_40 = arith.constant 0 : i32
        %dma_start3A_41 = arith.constant 0 : i32
        %dma_start3A_42 = tpu.memref_slice %arg6[%run_scoped3A, %dma_start3A_40, %dma_start3A_41] : memref<1x128x384xf32, #tpu.memory_space<vmem>> -> memref<1x128x384xf32, #tpu.memory_space<vmem>>
        %dma_start3A_43 = tpu.memref_squeeze %dma_start3A_42 : memref<1x128x384xf32, #tpu.memory_space<vmem>> -> memref<128x384xf32, #tpu.memory_space<vmem>>
        tpu.enqueue_dma source(%dma_start3A_43 : memref<128x384xf32, #tpu.memory_space<vmem>>) target(%dma_start3A_39 : memref<128x384xf32, #tpu.memory_space<hbm>>) target_semaphore(%run_scoped3A_31 : memref<!tpu.dma_semaphore, #tpu.memory_space<semaphore_mem>>)
        %dma_wait3A_44 = arith.constant 0 : i32
        %dma_wait3A_45 = arith.constant 0 : i32
        %dma_wait3A_46 = tpu.memref_slice %arg6[%run_scoped3A, %dma_wait3A_44, %dma_wait3A_45] : memref<1x128x384xf32, #tpu.memory_space<vmem>> -> memref<1x128x384xf32, #tpu.memory_space<vmem>>
        %dma_wait3A_47 = tpu.memref_squeeze %dma_wait3A_46 : memref<1x128x384xf32, #tpu.memory_space<vmem>> -> memref<128x384xf32, #tpu.memory_space<vmem>>
        %dma_wait3A_48 = arith.constant 0 : i32
        %dma_wait3A_49 = tpu.memref_slice %arg4[%add3A_30, %dma_wait3A_48] : memref<163840x384xf32, #tpu.memory_space<hbm>> -> memref<128x384xf32, #tpu.memory_space<hbm>>
        %dma_wait3A_50 = arith.constant 0 : i32
        %dma_wait3A_51 = tpu.memref_slice %arg4[%add3A_30, %dma_wait3A_50] : memref<163840x384xf32, #tpu.memory_space<hbm>> -> memref<128x384xf32, #tpu.memory_space<hbm>>
        %dma_wait3A_52 = arith.constant 0 : i32
        %dma_wait3A_53 = arith.constant 0 : i32
        %dma_wait3A_54 = tpu.memref_slice %arg6[%run_scoped3A, %dma_wait3A_52, %dma_wait3A_53] : memref<1x128x384xf32, #tpu.memory_space<vmem>> -> memref<1x128x384xf32, #tpu.memory_space<vmem>>
        %dma_wait3A_55 = tpu.memref_squeeze %dma_wait3A_54 : memref<1x128x384xf32, #tpu.memory_space<vmem>> -> memref<128x384xf32, #tpu.memory_space<vmem>>
        tpu.wait_dma2 semaphore(%run_scoped3A_31 : memref<!tpu.dma_semaphore, #tpu.memory_space<semaphore_mem>>) src(%dma_wait3A_55 : memref<128x384xf32, #tpu.memory_space<vmem>>) dst(%dma_wait3A_51 : memref<128x384xf32, #tpu.memory_space<hbm>>)
        tpu.yield
      }) : () -> ()
    }
    %scan3A_6 = arith.constant 40 : i32
    return
  }
}

#map = affine_map<(d0, d1) -> (0, 0)>
#map1 = affine_map<(d0, d1) -> (0)>
module attributes {stable_mosaic.version = 14 : i64} {
  func.func @body(%arg0: i32, %arg1: i32, %arg2: memref<10240x384xf32, #tpu.memory_space<hbm>>, %arg3: memref<163840xi32, #tpu.memory_space<hbm>>, %arg4: memref<163840x384xf32, #tpu.memory_space<hbm>>, %arg5: memref<5120xi32, #tpu.memory_space<vmem>>, %arg6: memref<1x128x384xf32, #tpu.memory_space<vmem>>, %arg7: memref<!tpu.dma_semaphore, #tpu.memory_space<semaphore_mem>>, %arg8: memref<!tpu.dma_semaphore, #tpu.memory_space<semaphore_mem>>) attributes {dimension_semantics = [#tpu.dimension_semantics<core_parallel>, #tpu.dimension_semantics<subcore_parallel>], iteration_bounds = array<i64: 2, 16>, scalar_prefetch = 0 : i64, scratch_operands = 4 : i64, tpu.core_type = #tpu.core_type<sc_vector_subcore>, window_params = [{transform_indices = #map}, {transform_indices = #map1}, {transform_indices = #map}]} {
    %mul3A = arith.constant 2 : i32
    %mul3A_0 = arith.muli %arg1, %mul3A : i32
    %add3A = arith.addi %mul3A_0, %arg0 : i32
    %mul3A_1 = arith.constant 5120 : i32
    %mul3A_2 = arith.muli %add3A, %mul3A_1 : i32
    "tpu.region"() ({
      %run_scoped3A = tpu.sem_alloc : memref<!tpu.dma_semaphore, #tpu.memory_space<semaphore_mem>>
      %dma_start3A = tpu.memref_slice %arg3[%mul3A_2] : memref<163840xi32, #tpu.memory_space<hbm>> -> memref<5120xi32, #tpu.memory_space<hbm>>
      %dma_start3A_7 = tpu.memref_slice %arg3[%mul3A_2] : memref<163840xi32, #tpu.memory_space<hbm>> -> memref<5120xi32, #tpu.memory_space<hbm>>
      tpu.enqueue_dma source(%dma_start3A_7 : memref<5120xi32, #tpu.memory_space<hbm>>) target(%arg5 : memref<5120xi32, #tpu.memory_space<vmem>>) target_semaphore(%run_scoped3A : memref<!tpu.dma_semaphore, #tpu.memory_space<semaphore_mem>>)
      %dma_wait3A = tpu.memref_slice %arg3[%mul3A_2] : memref<163840xi32, #tpu.memory_space<hbm>> -> memref<5120xi32, #tpu.memory_space<hbm>>
      %dma_wait3A_8 = tpu.memref_slice %arg3[%mul3A_2] : memref<163840xi32, #tpu.memory_space<hbm>> -> memref<5120xi32, #tpu.memory_space<hbm>>
      tpu.wait_dma2 semaphore(%run_scoped3A : memref<!tpu.dma_semaphore, #tpu.memory_space<semaphore_mem>>) src(%dma_wait3A_8 : memref<5120xi32, #tpu.memory_space<hbm>>) dst(%arg5 : memref<5120xi32, #tpu.memory_space<vmem>>)
      tpu.yield
    }) : () -> ()
    %scan3A = arith.constant 0 : i32
    %scan3A_3 = arith.constant 40 : i32
    %scan3A_4 = arith.addi %scan3A, %scan3A_3 : i32
    %scan3A_5 = arith.constant 1 : i32
    scf.for %scan3A_7 = %scan3A to %scan3A_4 step %scan3A_5  : i32 {
      %mul3A_8 = arith.constant 1 : i32
      %mul3A_9 = arith.muli %scan3A_7, %mul3A_8 : i32
      %add3A_10 = arith.constant 0 : i32
      %add3A_11 = arith.addi %add3A_10, %mul3A_9 : i32
      %mul3A_12 = arith.constant 128 : i32
      %mul3A_13 = arith.muli %add3A_11, %mul3A_12 : i32
      %dma_start3A = arith.constant 0 : i32
      %dma_start3A_14 = arith.constant 0 : i32
      %dma_start3A_15 = arith.constant 0 : i32
      %dma_start3A_16 = tpu.memref_slice %arg6[%dma_start3A, %dma_start3A_14, %dma_start3A_15] : memref<1x128x384xf32, #tpu.memory_space<vmem>> -> memref<1x128x384xf32, #tpu.memory_space<vmem>>
      %dma_start3A_17 = tpu.memref_squeeze %dma_start3A_16 : memref<1x128x384xf32, #tpu.memory_space<vmem>> -> memref<128x384xf32, #tpu.memory_space<vmem>>
      %dma_start3A_18 = tpu.memref_slice %arg5[%mul3A_13] : memref<5120xi32, #tpu.memory_space<vmem>> -> memref<128xi32, #tpu.memory_space<vmem>>
      %dma_start3A_19 = arith.constant 0 : i32
      %dma_start3A_20 = arith.constant 0 : i32
      %dma_start3A_21 = tpu.memref_slice %arg2[%dma_start3A_19, %dma_start3A_20] : memref<10240x384xf32, #tpu.memory_space<hbm>> -> memref<10240x384xf32, #tpu.memory_space<hbm>>
      tpu.enqueue_indirect_dma source(%dma_start3A_21 : memref<10240x384xf32, #tpu.memory_space<hbm>>) target(%dma_start3A_17 : memref<128x384xf32, #tpu.memory_space<vmem>>) offsets(%dma_start3A_18 : memref<128xi32, #tpu.memory_space<vmem>>) semaphore(%arg7 : memref<!tpu.dma_semaphore, #tpu.memory_space<semaphore_mem>>)
      %dma_wait3A = arith.constant 0 : i32
      %dma_wait3A_22 = arith.constant 0 : i32
      %dma_wait3A_23 = arith.constant 0 : i32
      %dma_wait3A_24 = tpu.memref_slice %arg6[%dma_wait3A, %dma_wait3A_22, %dma_wait3A_23] : memref<1x128x384xf32, #tpu.memory_space<vmem>> -> memref<1x128x384xf32, #tpu.memory_space<vmem>>
      %dma_wait3A_25 = tpu.memref_squeeze %dma_wait3A_24 : memref<1x128x384xf32, #tpu.memory_space<vmem>> -> memref<128x384xf32, #tpu.memory_space<vmem>>
      %dma_wait3A_26 = tpu.memref_slice %arg5[%mul3A_13] : memref<5120xi32, #tpu.memory_space<vmem>> -> memref<128xi32, #tpu.memory_space<vmem>>
      %dma_wait3A_27 = arith.constant 0 : i32
      %dma_wait3A_28 = arith.constant 0 : i32
      %dma_wait3A_29 = tpu.memref_slice %arg2[%dma_wait3A_27, %dma_wait3A_28] : memref<10240x384xf32, #tpu.memory_space<hbm>> -> memref<10240x384xf32, #tpu.memory_space<hbm>>
      tpu.wait_indirect_dma semaphore(%arg7 : memref<!tpu.dma_semaphore, #tpu.memory_space<semaphore_mem>>) src(%dma_wait3A_29 : memref<10240x384xf32, #tpu.memory_space<hbm>>) dst(%dma_wait3A_25 : memref<128x384xf32, #tpu.memory_space<vmem>>)
      %add3A_30 = arith.addi %mul3A_2, %mul3A_13 : i32
      %run_scoped3A = arith.constant 0 : i32
      "tpu.region"() ({
        %run_scoped3A_31 = tpu.sem_alloc : memref<!tpu.dma_semaphore, #tpu.memory_space<semaphore_mem>>
        %dma_start3A_32 = arith.constant 0 : i32
        %dma_start3A_33 = arith.constant 0 : i32
        %dma_start3A_34 = tpu.memref_slice %arg6[%run_scoped3A, %dma_start3A_32, %dma_start3A_33] : memref<1x128x384xf32, #tpu.memory_space<vmem>> -> memref<1x128x384xf32, #tpu.memory_space<vmem>>
        %dma_start3A_35 = tpu.memref_squeeze %dma_start3A_34 : memref<1x128x384xf32, #tpu.memory_space<vmem>> -> memref<128x384xf32, #tpu.memory_space<vmem>>
        %dma_start3A_36 = arith.constant 0 : i32
        %dma_start3A_37 = tpu.memref_slice %arg4[%add3A_30, %dma_start3A_36] : memref<163840x384xf32, #tpu.memory_space<hbm>> -> memref<128x384xf32, #tpu.memory_space<hbm>>
        %dma_start3A_38 = arith.constant 0 : i32
        %dma_start3A_39 = tpu.memref_slice %arg4[%add3A_30, %dma_start3A_38] : memref<163840x384xf32, #tpu.memory_space<hbm>> -> memref<128x384xf32, #tpu.memory_space<hbm>>
        %dma_start3A_40 = arith.constant 0 : i32
        %dma_start3A_41 = arith.constant 0 : i32
        %dma_start3A_42 = tpu.memref_slice %arg6[%run_scoped3A, %dma_start3A_40, %dma_start3A_41] : memref<1x128x384xf32, #tpu.memory_space<vmem>> -> memref<1x128x384xf32, #tpu.memory_space<vmem>>
        %dma_start3A_43 = tpu.memref_squeeze %dma_start3A_42 : memref<1x128x384xf32, #tpu.memory_space<vmem>> -> memref<128x384xf32, #tpu.memory_space<vmem>>
        tpu.enqueue_dma source(%dma_start3A_43 : memref<128x384xf32, #tpu.memory_space<vmem>>) target(%dma_start3A_39 : memref<128x384xf32, #tpu.memory_space<hbm>>) target_semaphore(%run_scoped3A_31 : memref<!tpu.dma_semaphore, #tpu.memory_space<semaphore_mem>>)
        %dma_wait3A_44 = arith.constant 0 : i32
        %dma_wait3A_45 = arith.constant 0 : i32
        %dma_wait3A_46 = tpu.memref_slice %arg6[%run_scoped3A, %dma_wait3A_44, %dma_wait3A_45] : memref<1x128x384xf32, #tpu.memory_space<vmem>> -> memref<1x128x384xf32, #tpu.memory_space<vmem>>
        %dma_wait3A_47 = tpu.memref_squeeze %dma_wait3A_46 : memref<1x128x384xf32, #tpu.memory_space<vmem>> -> memref<128x384xf32, #tpu.memory_space<vmem>>
        %dma_wait3A_48 = arith.constant 0 : i32
        %dma_wait3A_49 = tpu.memref_slice %arg4[%add3A_30, %dma_wait3A_48] : memref<163840x384xf32, #tpu.memory_space<hbm>> -> memref<128x384xf32, #tpu.memory_space<hbm>>
        %dma_wait3A_50 = arith.constant 0 : i32
        %dma_wait3A_51 = tpu.memref_slice %arg4[%add3A_30, %dma_wait3A_50] : memref<163840x384xf32, #tpu.memory_space<hbm>> -> memref<128x384xf32, #tpu.memory_space<hbm>>
        %dma_wait3A_52 = arith.constant 0 : i32
        %dma_wait3A_53 = arith.constant 0 : i32
        %dma_wait3A_54 = tpu.memref_slice %arg6[%run_scoped3A, %dma_wait3A_52, %dma_wait3A_53] : memref<1x128x384xf32, #tpu.memory_space<vmem>> -> memref<1x128x384xf32, #tpu.memory_space<vmem>>
        %dma_wait3A_55 = tpu.memref_squeeze %dma_wait3A_54 : memref<1x128x384xf32, #tpu.memory_space<vmem>> -> memref<128x384xf32, #tpu.memory_space<vmem>>
        tpu.wait_dma2 semaphore(%run_scoped3A_31 : memref<!tpu.dma_semaphore, #tpu.memory_space<semaphore_mem>>) src(%dma_wait3A_55 : memref<128x384xf32, #tpu.memory_space<vmem>>) dst(%dma_wait3A_51 : memref<128x384xf32, #tpu.memory_space<hbm>>)
        tpu.yield
      }) : () -> ()
    }
    %scan3A_6 = arith.constant 40 : i32
    return
  }
}

module attributes {stable_mosaic.version = 14 : i64} {
  func.func @_dist_kernel(%arg0: i32, %arg1: memref<256x8xf32, #tpu.memory_space<vmem>>, %arg2: memref<8x10112xf32, #tpu.memory_space<vmem>>, %arg3: memref<256x1xf32, #tpu.memory_space<vmem>>, %arg4: memref<8x10112xf32, #tpu.memory_space<vmem>>, %arg5: memref<256x1xf32, #tpu.memory_space<vmem>>, %arg6: memref<8x10112xf32, #tpu.memory_space<vmem>>, %arg7: memref<256x10112xf32, #tpu.memory_space<vmem>>, %arg8: memref<256x640xf32, #tpu.memory_space<vmem>>) attributes {dimension_semantics = [#tpu.dimension_semantics<arbitrary>], iteration_bounds = array<i64: 40>, scalar_prefetch = 0 : i64, scratch_operands = 0 : i64, tpu.core_type = #tpu.core_type<tc>, window_params = [{transform_indices = @transform_0, window_bounds = array<i64: 256, 8>}, {pipeline_mode = #tpu.pipeline_mode<synchronous>, transform_indices = @transform_1, window_bounds = array<i64: 8, 10112>}, {transform_indices = @transform_2, window_bounds = array<i64: 256, 1>}, {pipeline_mode = #tpu.pipeline_mode<synchronous>, transform_indices = @transform_3, window_bounds = array<i64: 8, 10112>}, {transform_indices = @transform_4, window_bounds = array<i64: 256, 1>}, {pipeline_mode = #tpu.pipeline_mode<synchronous>, transform_indices = @transform_5, window_bounds = array<i64: 8, 10112>}, {transform_indices = @transform_6, window_bounds = array<i64: 256, 10112>}, {transform_indices = @transform_7, window_bounds = array<i64: 256, 640>}]} {
    %get3A = arith.constant 0 : index
    %get3A_0 = arith.constant 0 : index
    %get3A_1 = vector.load %arg1[%get3A, %get3A_0] : memref<256x8xf32, #tpu.memory_space<vmem>>, vector<256x8xf32>
    %get3A_2 = arith.constant 0 : index
    %get3A_3 = arith.constant 0 : index
    %get3A_4 = vector.load %arg2[%get3A_2, %get3A_3] : memref<8x10112xf32, #tpu.memory_space<vmem>>, vector<8x10112xf32>
    %dot_general3A = arith.constant dense<0.000000e+00> : vector<256x10112xf32>
    %dot_general3A_5 = tpu.matmul %get3A_1, %get3A_4, %dot_general3A {dimension_numbers = #tpu.dot_dimension_numbers<[1], [0], [0], [1], [0, 0, 1, 1], [], []>, transpose_lhs_hint = false} : vector<256x8xf32>, vector<8x10112xf32>, vector<256x10112xf32> -> vector<256x10112xf32>
    %get3A_6 = arith.constant 0 : index
    %get3A_7 = arith.constant 0 : index
    %get3A_8 = vector.load %arg5[%get3A_6, %get3A_7] : memref<256x1xf32, #tpu.memory_space<vmem>>, vector<256x1xf32>
    %get3A_9 = arith.constant 0 : index
    %get3A_10 = arith.constant 0 : index
    %get3A_11 = vector.load %arg6[%get3A_9, %get3A_10] : memref<8x10112xf32, #tpu.memory_space<vmem>>, vector<1x10112xf32>
    %add3A = vector.broadcast %get3A_8 : vector<256x1xf32> to vector<256x10112xf32>
    %add3A_12 = vector.broadcast %get3A_11 : vector<1x10112xf32> to vector<256x10112xf32>
    %add3A_13 = arith.addf %add3A, %add3A_12 : vector<256x10112xf32>
    %get3A_14 = arith.constant 0 : index
    %get3A_15 = arith.constant 0 : index
    %get3A_16 = vector.load %arg3[%get3A_14, %get3A_15] : memref<256x1xf32, #tpu.memory_space<vmem>>, vector<256x1xf32>
    %get3A_17 = arith.constant 0 : index
    %get3A_18 = arith.constant 0 : index
    %get3A_19 = vector.load %arg4[%get3A_17, %get3A_18] : memref<8x10112xf32, #tpu.memory_space<vmem>>, vector<1x10112xf32>
    %ne3A = vector.broadcast %get3A_16 : vector<256x1xf32> to vector<256x10112xf32>
    %ne3A_20 = vector.broadcast %get3A_19 : vector<1x10112xf32> to vector<256x10112xf32>
    %ne3A_21 = arith.cmpf one, %ne3A, %ne3A_20 : vector<256x10112xf32>
    %mul3A = arith.constant 2.000000e+00 : f32
    %mul3A_22 = vector.broadcast %mul3A : f32 to vector<256x10112xf32>
    %mul3A_23 = arith.mulf %mul3A_22, %dot_general3A_5 : vector<256x10112xf32>
    %sub3A = arith.subf %add3A_13, %mul3A_23 : vector<256x10112xf32>
    %jit3A = arith.constant 0x49800000 : f32
    %jit3A_24 = arith.constant 0.000000e+00 : f32
    %broadcast_in_dim3A = vector.broadcast %jit3A : f32 to vector<256x10112xf32>
    %broadcast_in_dim3A_25 = vector.broadcast %jit3A_24 : f32 to vector<256x10112xf32>
    %select_n3A = arith.select %ne3A_21, %broadcast_in_dim3A, %broadcast_in_dim3A_25 : vector<256x10112xi1>, vector<256x10112xf32>
    %add3A_26 = arith.addf %sub3A, %select_n3A : vector<256x10112xf32>
    %swap3A = arith.constant 0 : index
    %swap3A_27 = arith.constant 0 : index
    %swap3A_28 = vector.load %arg7[%swap3A, %swap3A_27] : memref<256x10112xf32, #tpu.memory_space<vmem>>, vector<256x10112xf32>
    tpu.vector_store %arg7[%swap3A, %swap3A_27], %add3A_26 {strides = array<i32>} : memref<256x10112xf32, #tpu.memory_space<vmem>>, vector<256x10112xf32>,
    %reshape3A = vector.shape_cast %add3A_26 : vector<256x10112xf32> to vector<256x79x128xf32>
    %reduce_min3A = arith.constant dense<0x7F800000> : vector<256x128xf32>
    %reduce_min3A_29 = vector.multi_reduction <minimumf>, %reshape3A, %reduce_min3A [1] : vector<256x79x128xf32> to vector<256x128xf32>
    %reduce_min3A_30 = arith.constant dense<0x7F800000> : vector<256xf32>
    %reduce_min3A_31 = vector.multi_reduction <minimumf>, %reduce_min3A_29, %reduce_min3A_30 [1] : vector<256x128xf32> to vector<256xf32>
    %broadcast_in_dim3A_32 = vector.shape_cast %reduce_min3A_31 : vector<256xf32> to vector<256x1xf32>
    %eq3A = vector.broadcast %broadcast_in_dim3A_32 : vector<256x1xf32> to vector<256x128xf32>
    %eq3A_33 = arith.cmpf oeq, %reduce_min3A_29, %eq3A : vector<256x128xf32>
    %jit3A_34 = arith.constant 3.000000e+38 : f32
    %broadcast_in_dim3A_35 = vector.broadcast %jit3A_34 : f32 to vector<256x128xf32>
    %select_n3A_36 = arith.select %eq3A_33, %broadcast_in_dim3A_35, %reduce_min3A_29 : vector<256x128xi1>, vector<256x128xf32>
    %reduce_min3A_37 = arith.constant dense<0x7F800000> : vector<256xf32>
    %reduce_min3A_38 = vector.multi_reduction <minimumf>, %select_n3A_36, %reduce_min3A_37 [1] : vector<256x128xf32> to vector<256xf32>
    %broadcast_in_dim3A_39 = vector.shape_cast %reduce_min3A_38 : vector<256xf32> to vector<256x1xf32>
    %eq3A_40 = vector.broadcast %broadcast_in_dim3A_39 : vector<256x1xf32> to vector<256x128xf32>
    %eq3A_41 = arith.cmpf oeq, %select_n3A_36, %eq3A_40 : vector<256x128xf32>
    %jit3A_42 = arith.constant 3.000000e+38 : f32
    %broadcast_in_dim3A_43 = vector.broadcast %jit3A_42 : f32 to vector<256x128xf32>
    %select_n3A_44 = arith.select %eq3A_41, %broadcast_in_dim3A_43, %select_n3A_36 : vector<256x128xi1>, vector<256x128xf32>
    %reduce_min3A_45 = arith.constant dense<0x7F800000> : vector<256xf32>
    %reduce_min3A_46 = vector.multi_reduction <minimumf>, %select_n3A_44, %reduce_min3A_45 [1] : vector<256x128xf32> to vector<256xf32>
    %broadcast_in_dim3A_47 = vector.shape_cast %reduce_min3A_46 : vector<256xf32> to vector<256x1xf32>
    %eq3A_48 = vector.broadcast %broadcast_in_dim3A_47 : vector<256x1xf32> to vector<256x128xf32>
    %eq3A_49 = arith.cmpf oeq, %select_n3A_44, %eq3A_48 : vector<256x128xf32>
    %jit3A_50 = arith.constant 3.000000e+38 : f32
    %broadcast_in_dim3A_51 = vector.broadcast %jit3A_50 : f32 to vector<256x128xf32>
    %select_n3A_52 = arith.select %eq3A_49, %broadcast_in_dim3A_51, %select_n3A_44 : vector<256x128xi1>, vector<256x128xf32>
    %reduce_min3A_53 = arith.constant dense<0x7F800000> : vector<256xf32>
    %reduce_min3A_54 = vector.multi_reduction <minimumf>, %select_n3A_52, %reduce_min3A_53 [1] : vector<256x128xf32> to vector<256xf32>
    %broadcast_in_dim3A_55 = vector.shape_cast %reduce_min3A_54 : vector<256xf32> to vector<256x1xf32>
    %eq3A_56 = vector.broadcast %broadcast_in_dim3A_55 : vector<256x1xf32> to vector<256x128xf32>
    %eq3A_57 = arith.cmpf oeq, %select_n3A_52, %eq3A_56 : vector<256x128xf32>
    %jit3A_58 = arith.constant 3.000000e+38 : f32
    %broadcast_in_dim3A_59 = vector.broadcast %jit3A_58 : f32 to vector<256x128xf32>
    %select_n3A_60 = arith.select %eq3A_57, %broadcast_in_dim3A_59, %select_n3A_52 : vector<256x128xi1>, vector<256x128xf32>
    %reduce_min3A_61 = arith.constant dense<0x7F800000> : vector<256xf32>
    %reduce_min3A_62 = vector.multi_reduction <minimumf>, %select_n3A_60, %reduce_min3A_61 [1] : vector<256x128xf32> to vector<256xf32>
    %broadcast_in_dim3A_63 = vector.shape_cast %reduce_min3A_62 : vector<256xf32> to vector<256x1xf32>
    %eq3A_64 = vector.broadcast %broadcast_in_dim3A_63 : vector<256x1xf32> to vector<256x128xf32>
    %eq3A_65 = arith.cmpf oeq, %select_n3A_60, %eq3A_64 : vector<256x128xf32>
    %jit3A_66 = arith.constant 3.000000e+38 : f32
    %broadcast_in_dim3A_67 = vector.broadcast %jit3A_66 : f32 to vector<256x128xf32>
    %select_n3A_68 = arith.select %eq3A_65, %broadcast_in_dim3A_67, %select_n3A_60 : vector<256x128xi1>, vector<256x128xf32>
    %reduce_min3A_69 = arith.constant dense<0x7F800000> : vector<256xf32>
    %reduce_min3A_70 = vector.multi_reduction <minimumf>, %select_n3A_68, %reduce_min3A_69 [1] : vector<256x128xf32> to vector<256xf32>
    %broadcast_in_dim3A_71 = vector.shape_cast %reduce_min3A_70 : vector<256xf32> to vector<256x1xf32>
    %eq3A_72 = vector.broadcast %broadcast_in_dim3A_71 : vector<256x1xf32> to vector<256x128xf32>
    %eq3A_73 = arith.cmpf oeq, %select_n3A_68, %eq3A_72 : vector<256x128xf32>
    %jit3A_74 = arith.constant 3.000000e+38 : f32
    %broadcast_in_dim3A_75 = vector.broadcast %jit3A_74 : f32 to vector<256x128xf32>
    %select_n3A_76 = arith.select %eq3A_73, %broadcast_in_dim3A_75, %select_n3A_68 : vector<256x128xi1>, vector<256x128xf32>
    %reduce_min3A_77 = arith.constant dense<0x7F800000> : vector<256xf32>
    %reduce_min3A_78 = vector.multi_reduction <minimumf>, %select_n3A_76, %reduce_min3A_77 [1] : vector<256x128xf32> to vector<256xf32>
    %broadcast_in_dim3A_79 = vector.shape_cast %reduce_min3A_78 : vector<256xf32> to vector<256x1xf32>
    %eq3A_80 = vector.broadcast %broadcast_in_dim3A_79 : vector<256x1xf32> to vector<256x128xf32>
    %eq3A_81 = arith.cmpf oeq, %select_n3A_76, %eq3A_80 : vector<256x128xf32>
    %jit3A_82 = arith.constant 3.000000e+38 : f32
    %broadcast_in_dim3A_83 = vector.broadcast %jit3A_82 : f32 to vector<256x128xf32>
    %select_n3A_84 = arith.select %eq3A_81, %broadcast_in_dim3A_83, %select_n3A_76 : vector<256x128xi1>, vector<256x128xf32>
    %reduce_min3A_85 = arith.constant dense<0x7F800000> : vector<256xf32>
    %reduce_min3A_86 = vector.multi_reduction <minimumf>, %select_n3A_84, %reduce_min3A_85 [1] : vector<256x128xf32> to vector<256xf32>
    %broadcast_in_dim3A_87 = vector.shape_cast %reduce_min3A_86 : vector<256xf32> to vector<256x1xf32>
    %eq3A_88 = vector.broadcast %broadcast_in_dim3A_87 : vector<256x1xf32> to vector<256x128xf32>
    %eq3A_89 = arith.cmpf oeq, %select_n3A_84, %eq3A_88 : vector<256x128xf32>
    %jit3A_90 = arith.constant 3.000000e+38 : f32
    %broadcast_in_dim3A_91 = vector.broadcast %jit3A_90 : f32 to vector<256x128xf32>
    %select_n3A_92 = arith.select %eq3A_89, %broadcast_in_dim3A_91, %select_n3A_84 : vector<256x128xi1>, vector<256x128xf32>
    %reduce_min3A_93 = arith.constant dense<0x7F800000> : vector<256xf32>
    %reduce_min3A_94 = vector.multi_reduction <minimumf>, %select_n3A_92, %reduce_min3A_93 [1] : vector<256x128xf32> to vector<256xf32>
    %broadcast_in_dim3A_95 = vector.shape_cast %reduce_min3A_94 : vector<256xf32> to vector<256x1xf32>
    %eq3A_96 = vector.broadcast %broadcast_in_dim3A_95 : vector<256x1xf32> to vector<256x128xf32>
    %eq3A_97 = arith.cmpf oeq, %select_n3A_92, %eq3A_96 : vector<256x128xf32>
    %jit3A_98 = arith.constant 3.000000e+38 : f32
    %broadcast_in_dim3A_99 = vector.broadcast %jit3A_98 : f32 to vector<256x128xf32>
    %select_n3A_100 = arith.select %eq3A_97, %broadcast_in_dim3A_99, %select_n3A_92 : vector<256x128xi1>, vector<256x128xf32>
    %reduce_min3A_101 = arith.constant dense<0x7F800000> : vector<256xf32>
    %reduce_min3A_102 = vector.multi_reduction <minimumf>, %select_n3A_100, %reduce_min3A_101 [1] : vector<256x128xf32> to vector<256xf32>
    %broadcast_in_dim3A_103 = vector.shape_cast %reduce_min3A_102 : vector<256xf32> to vector<256x1xf32>
    %eq3A_104 = vector.broadcast %broadcast_in_dim3A_103 : vector<256x1xf32> to vector<256x128xf32>
    %eq3A_105 = arith.cmpf oeq, %select_n3A_100, %eq3A_104 : vector<256x128xf32>
    %jit3A_106 = arith.constant 3.000000e+38 : f32
    %broadcast_in_dim3A_107 = vector.broadcast %jit3A_106 : f32 to vector<256x128xf32>
    %select_n3A_108 = arith.select %eq3A_105, %broadcast_in_dim3A_107, %select_n3A_100 : vector<256x128xi1>, vector<256x128xf32>
    %reduce_min3A_109 = arith.constant dense<0x7F800000> : vector<256xf32>
    %reduce_min3A_110 = vector.multi_reduction <minimumf>, %select_n3A_108, %reduce_min3A_109 [1] : vector<256x128xf32> to vector<256xf32>
    %broadcast_in_dim3A_111 = vector.shape_cast %reduce_min3A_110 : vector<256xf32> to vector<256x1xf32>
    %eq3A_112 = vector.broadcast %broadcast_in_dim3A_111 : vector<256x1xf32> to vector<256x128xf32>
    %eq3A_113 = arith.cmpf oeq, %select_n3A_108, %eq3A_112 : vector<256x128xf32>
    %jit3A_114 = arith.constant 3.000000e+38 : f32
    %broadcast_in_dim3A_115 = vector.broadcast %jit3A_114 : f32 to vector<256x128xf32>
    %select_n3A_116 = arith.select %eq3A_113, %broadcast_in_dim3A_115, %select_n3A_108 : vector<256x128xi1>, vector<256x128xf32>
    %reduce_min3A_117 = arith.constant dense<0x7F800000> : vector<256xf32>
    %reduce_min3A_118 = vector.multi_reduction <minimumf>, %select_n3A_116, %reduce_min3A_117 [1] : vector<256x128xf32> to vector<256xf32>
    %broadcast_in_dim3A_119 = vector.shape_cast %reduce_min3A_118 : vector<256xf32> to vector<256x1xf32>
    %eq3A_120 = vector.broadcast %broadcast_in_dim3A_119 : vector<256x1xf32> to vector<256x128xf32>
    %eq3A_121 = arith.cmpf oeq, %select_n3A_116, %eq3A_120 : vector<256x128xf32>
    %jit3A_122 = arith.constant 3.000000e+38 : f32
    %broadcast_in_dim3A_123 = vector.broadcast %jit3A_122 : f32 to vector<256x128xf32>
    %select_n3A_124 = arith.select %eq3A_121, %broadcast_in_dim3A_123, %select_n3A_116 : vector<256x128xi1>, vector<256x128xf32>
    %reduce_min3A_125 = arith.constant dense<0x7F800000> : vector<256xf32>
    %reduce_min3A_126 = vector.multi_reduction <minimumf>, %select_n3A_124, %reduce_min3A_125 [1] : vector<256x128xf32> to vector<256xf32>
    %broadcast_in_dim3A_127 = vector.shape_cast %reduce_min3A_126 : vector<256xf32> to vector<256x1xf32>
    %eq3A_128 = vector.broadcast %broadcast_in_dim3A_127 : vector<256x1xf32> to vector<256x128xf32>
    %eq3A_129 = arith.cmpf oeq, %select_n3A_124, %eq3A_128 : vector<256x128xf32>
    %jit3A_130 = arith.constant 3.000000e+38 : f32
    %broadcast_in_dim3A_131 = vector.broadcast %jit3A_130 : f32 to vector<256x128xf32>
    %select_n3A_132 = arith.select %eq3A_129, %broadcast_in_dim3A_131, %select_n3A_124 : vector<256x128xi1>, vector<256x128xf32>
    %reduce_min3A_133 = arith.constant dense<0x7F800000> : vector<256xf32>
    %reduce_min3A_134 = vector.multi_reduction <minimumf>, %select_n3A_132, %reduce_min3A_133 [1] : vector<256x128xf32> to vector<256xf32>
    %broadcast_in_dim3A_135 = vector.shape_cast %reduce_min3A_134 : vector<256xf32> to vector<256x1xf32>
    %eq3A_136 = vector.broadcast %broadcast_in_dim3A_135 : vector<256x1xf32> to vector<256x128xf32>
    %eq3A_137 = arith.cmpf oeq, %select_n3A_132, %eq3A_136 : vector<256x128xf32>
    %jit3A_138 = arith.constant 3.000000e+38 : f32
    %broadcast_in_dim3A_139 = vector.broadcast %jit3A_138 : f32 to vector<256x128xf32>
    %select_n3A_140 = arith.select %eq3A_137, %broadcast_in_dim3A_139, %select_n3A_132 : vector<256x128xi1>, vector<256x128xf32>
    %reduce_min3A_141 = arith.constant dense<0x7F800000> : vector<256xf32>
    %reduce_min3A_142 = vector.multi_reduction <minimumf>, %select_n3A_140, %reduce_min3A_141 [1] : vector<256x128xf32> to vector<256xf32>
    %broadcast_in_dim3A_143 = vector.shape_cast %reduce_min3A_142 : vector<256xf32> to vector<256x1xf32>
    %eq3A_144 = vector.broadcast %broadcast_in_dim3A_143 : vector<256x1xf32> to vector<256x128xf32>
    %eq3A_145 = arith.cmpf oeq, %select_n3A_140, %eq3A_144 : vector<256x128xf32>
    %jit3A_146 = arith.constant 3.000000e+38 : f32
    %broadcast_in_dim3A_147 = vector.broadcast %jit3A_146 : f32 to vector<256x128xf32>
    %select_n3A_148 = arith.select %eq3A_145, %broadcast_in_dim3A_147, %select_n3A_140 : vector<256x128xi1>, vector<256x128xf32>
    %reduce_min3A_149 = arith.constant dense<0x7F800000> : vector<256xf32>
    %reduce_min3A_150 = vector.multi_reduction <minimumf>, %select_n3A_148, %reduce_min3A_149 [1] : vector<256x128xf32> to vector<256xf32>
    %broadcast_in_dim3A_151 = vector.shape_cast %reduce_min3A_150 : vector<256xf32> to vector<256x1xf32>
    %eq3A_152 = vector.broadcast %broadcast_in_dim3A_151 : vector<256x1xf32> to vector<256x128xf32>
    %eq3A_153 = arith.cmpf oeq, %select_n3A_148, %eq3A_152 : vector<256x128xf32>
    %jit3A_154 = arith.constant 3.000000e+38 : f32
    %broadcast_in_dim3A_155 = vector.broadcast %jit3A_154 : f32 to vector<256x128xf32>
    %select_n3A_156 = arith.select %eq3A_153, %broadcast_in_dim3A_155, %select_n3A_148 : vector<256x128xi1>, vector<256x128xf32>
    %reduce_min3A_157 = arith.constant dense<0x7F800000> : vector<256xf32>
    %reduce_min3A_158 = vector.multi_reduction <minimumf>, %select_n3A_156, %reduce_min3A_157 [1] : vector<256x128xf32> to vector<256xf32>
    %broadcast_in_dim3A_159 = vector.shape_cast %reduce_min3A_158 : vector<256xf32> to vector<256x1xf32>
    %broadcast_in_dim3A_160 = arith.constant 0.000000e+00 : f32
    %broadcast_in_dim3A_161 = vector.broadcast %broadcast_in_dim3A_160 : f32 to vector<256x128xf32>
    %slice3A = vector.extract_strided_slice %reshape3A {offsets = [0, 0, 0], sizes = [256, 1, 128], strides = [1, 1, 1]} : vector<256x79x128xf32> to vector<256x1x128xf32>
    %squeeze3A = vector.shape_cast %slice3A : vector<256x1x128xf32> to vector<256x128xf32>
    %le3A = vector.broadcast %broadcast_in_dim3A_159 : vector<256x1xf32> to vector<256x128xf32>
    %le3A_162 = arith.cmpf ole, %squeeze3A, %le3A : vector<256x128xf32>
    %jit3A_163 = arith.constant 1.000000e+00 : f32
    %jit3A_164 = arith.constant 0.000000e+00 : f32
    %broadcast_in_dim3A_165 = vector.broadcast %jit3A_163 : f32 to vector<256x128xf32>
    %broadcast_in_dim3A_166 = vector.broadcast %jit3A_164 : f32 to vector<256x128xf32>
    %select_n3A_167 = arith.select %le3A_162, %broadcast_in_dim3A_165, %broadcast_in_dim3A_166 : vector<256x128xi1>, vector<256x128xf32>
    %add3A_168 = arith.addf %broadcast_in_dim3A_161, %select_n3A_167 : vector<256x128xf32>
    %slice3A_169 = vector.extract_strided_slice %reshape3A {offsets = [0, 1, 0], sizes = [256, 1, 128], strides = [1, 1, 1]} : vector<256x79x128xf32> to vector<256x1x128xf32>
    %squeeze3A_170 = vector.shape_cast %slice3A_169 : vector<256x1x128xf32> to vector<256x128xf32>
    %le3A_171 = vector.broadcast %broadcast_in_dim3A_159 : vector<256x1xf32> to vector<256x128xf32>
    %le3A_172 = arith.cmpf ole, %squeeze3A_170, %le3A_171 : vector<256x128xf32>
    %jit3A_173 = arith.constant 2.000000e+00 : f32
    %jit3A_174 = arith.constant 0.000000e+00 : f32
    %broadcast_in_dim3A_175 = vector.broadcast %jit3A_173 : f32 to vector<256x128xf32>
    %broadcast_in_dim3A_176 = vector.broadcast %jit3A_174 : f32 to vector<256x128xf32>
    %select_n3A_177 = arith.select %le3A_172, %broadcast_in_dim3A_175, %broadcast_in_dim3A_176 : vector<256x128xi1>, vector<256x128xf32>
    %add3A_178 = arith.addf %add3A_168, %select_n3A_177 : vector<256x128xf32>
    %slice3A_179 = vector.extract_strided_slice %reshape3A {offsets = [0, 2, 0], sizes = [256, 1, 128], strides = [1, 1, 1]} : vector<256x79x128xf32> to vector<256x1x128xf32>
    %squeeze3A_180 = vector.shape_cast %slice3A_179 : vector<256x1x128xf32> to vector<256x128xf32>
    %le3A_181 = vector.broadcast %broadcast_in_dim3A_159 : vector<256x1xf32> to vector<256x128xf32>
    %le3A_182 = arith.cmpf ole, %squeeze3A_180, %le3A_181 : vector<256x128xf32>
    %jit3A_183 = arith.constant 4.000000e+00 : f32
    %jit3A_184 = arith.constant 0.000000e+00 : f32
    %broadcast_in_dim3A_185 = vector.broadcast %jit3A_183 : f32 to vector<256x128xf32>
    %broadcast_in_dim3A_186 = vector.broadcast %jit3A_184 : f32 to vector<256x128xf32>
    %select_n3A_187 = arith.select %le3A_182, %broadcast_in_dim3A_185, %broadcast_in_dim3A_186 : vector<256x128xi1>, vector<256x128xf32>
    %add3A_188 = arith.addf %add3A_178, %select_n3A_187 : vector<256x128xf32>
    %slice3A_189 = vector.extract_strided_slice %reshape3A {offsets = [0, 3, 0], sizes = [256, 1, 128], strides = [1, 1, 1]} : vector<256x79x128xf32> to vector<256x1x128xf32>
    %squeeze3A_190 = vector.shape_cast %slice3A_189 : vector<256x1x128xf32> to vector<256x128xf32>
    %le3A_191 = vector.broadcast %broadcast_in_dim3A_159 : vector<256x1xf32> to vector<256x128xf32>
    %le3A_192 = arith.cmpf ole, %squeeze3A_190, %le3A_191 : vector<256x128xf32>
    %jit3A_193 = arith.constant 8.000000e+00 : f32
    %jit3A_194 = arith.constant 0.000000e+00 : f32
    %broadcast_in_dim3A_195 = vector.broadcast %jit3A_193 : f32 to vector<256x128xf32>
    %broadcast_in_dim3A_196 = vector.broadcast %jit3A_194 : f32 to vector<256x128xf32>
    %select_n3A_197 = arith.select %le3A_192, %broadcast_in_dim3A_195, %broadcast_in_dim3A_196 : vector<256x128xi1>, vector<256x128xf32>
    %add3A_198 = arith.addf %add3A_188, %select_n3A_197 : vector<256x128xf32>
    %slice3A_199 = vector.extract_strided_slice %reshape3A {offsets = [0, 4, 0], sizes = [256, 1, 128], strides = [1, 1, 1]} : vector<256x79x128xf32> to vector<256x1x128xf32>
    %squeeze3A_200 = vector.shape_cast %slice3A_199 : vector<256x1x128xf32> to vector<256x128xf32>
    %le3A_201 = vector.broadcast %broadcast_in_dim3A_159 : vector<256x1xf32> to vector<256x128xf32>
    %le3A_202 = arith.cmpf ole, %squeeze3A_200, %le3A_201 : vector<256x128xf32>
    %jit3A_203 = arith.constant 1.600000e+01 : f32
    %jit3A_204 = arith.constant 0.000000e+00 : f32
    %broadcast_in_dim3A_205 = vector.broadcast %jit3A_203 : f32 to vector<256x128xf32>
    %broadcast_in_dim3A_206 = vector.broadcast %jit3A_204 : f32 to vector<256x128xf32>
    %select_n3A_207 = arith.select %le3A_202, %broadcast_in_dim3A_205, %broadcast_in_dim3A_206 : vector<256x128xi1>, vector<256x128xf32>
    %add3A_208 = arith.addf %add3A_198, %select_n3A_207 : vector<256x128xf32>
    %slice3A_209 = vector.extract_strided_slice %reshape3A {offsets = [0, 5, 0], sizes = [256, 1, 128], strides = [1, 1, 1]} : vector<256x79x128xf32> to vector<256x1x128xf32>
    %squeeze3A_210 = vector.shape_cast %slice3A_209 : vector<256x1x128xf32> to vector<256x128xf32>
    %le3A_211 = vector.broadcast %broadcast_in_dim3A_159 : vector<256x1xf32> to vector<256x128xf32>
    %le3A_212 = arith.cmpf ole, %squeeze3A_210, %le3A_211 : vector<256x128xf32>
    %jit3A_213 = arith.constant 3.200000e+01 : f32
    %jit3A_214 = arith.constant 0.000000e+00 : f32
    %broadcast_in_dim3A_215 = vector.broadcast %jit3A_213 : f32 to vector<256x128xf32>
    %broadcast_in_dim3A_216 = vector.broadcast %jit3A_214 : f32 to vector<256x128xf32>
    %select_n3A_217 = arith.select %le3A_212, %broadcast_in_dim3A_215, %broadcast_in_dim3A_216 : vector<256x128xi1>, vector<256x128xf32>
    %add3A_218 = arith.addf %add3A_208, %select_n3A_217 : vector<256x128xf32>
    %slice3A_219 = vector.extract_strided_slice %reshape3A {offsets = [0, 6, 0], sizes = [256, 1, 128], strides = [1, 1, 1]} : vector<256x79x128xf32> to vector<256x1x128xf32>
    %squeeze3A_220 = vector.shape_cast %slice3A_219 : vector<256x1x128xf32> to vector<256x128xf32>
    %le3A_221 = vector.broadcast %broadcast_in_dim3A_159 : vector<256x1xf32> to vector<256x128xf32>
    %le3A_222 = arith.cmpf ole, %squeeze3A_220, %le3A_221 : vector<256x128xf32>
    %jit3A_223 = arith.constant 6.400000e+01 : f32
    %jit3A_224 = arith.constant 0.000000e+00 : f32
    %broadcast_in_dim3A_225 = vector.broadcast %jit3A_223 : f32 to vector<256x128xf32>
    %broadcast_in_dim3A_226 = vector.broadcast %jit3A_224 : f32 to vector<256x128xf32>
    %select_n3A_227 = arith.select %le3A_222, %broadcast_in_dim3A_225, %broadcast_in_dim3A_226 : vector<256x128xi1>, vector<256x128xf32>
    %add3A_228 = arith.addf %add3A_218, %select_n3A_227 : vector<256x128xf32>
    %slice3A_229 = vector.extract_strided_slice %reshape3A {offsets = [0, 7, 0], sizes = [256, 1, 128], strides = [1, 1, 1]} : vector<256x79x128xf32> to vector<256x1x128xf32>
    %squeeze3A_230 = vector.shape_cast %slice3A_229 : vector<256x1x128xf32> to vector<256x128xf32>
    %le3A_231 = vector.broadcast %broadcast_in_dim3A_159 : vector<256x1xf32> to vector<256x128xf32>
    %le3A_232 = arith.cmpf ole, %squeeze3A_230, %le3A_231 : vector<256x128xf32>
    %jit3A_233 = arith.constant 1.280000e+02 : f32
    %jit3A_234 = arith.constant 0.000000e+00 : f32
    %broadcast_in_dim3A_235 = vector.broadcast %jit3A_233 : f32 to vector<256x128xf32>
    %broadcast_in_dim3A_236 = vector.broadcast %jit3A_234 : f32 to vector<256x128xf32>
    %select_n3A_237 = arith.select %le3A_232, %broadcast_in_dim3A_235, %broadcast_in_dim3A_236 : vector<256x128xi1>, vector<256x128xf32>
    %add3A_238 = arith.addf %add3A_228, %select_n3A_237 : vector<256x128xf32>
    %slice3A_239 = vector.extract_strided_slice %reshape3A {offsets = [0, 8, 0], sizes = [256, 1, 128], strides = [1, 1, 1]} : vector<256x79x128xf32> to vector<256x1x128xf32>
    %squeeze3A_240 = vector.shape_cast %slice3A_239 : vector<256x1x128xf32> to vector<256x128xf32>
    %le3A_241 = vector.broadcast %broadcast_in_dim3A_159 : vector<256x1xf32> to vector<256x128xf32>
    %le3A_242 = arith.cmpf ole, %squeeze3A_240, %le3A_241 : vector<256x128xf32>
    %jit3A_243 = arith.constant 2.560000e+02 : f32
    %jit3A_244 = arith.constant 0.000000e+00 : f32
    %broadcast_in_dim3A_245 = vector.broadcast %jit3A_243 : f32 to vector<256x128xf32>
    %broadcast_in_dim3A_246 = vector.broadcast %jit3A_244 : f32 to vector<256x128xf32>
    %select_n3A_247 = arith.select %le3A_242, %broadcast_in_dim3A_245, %broadcast_in_dim3A_246 : vector<256x128xi1>, vector<256x128xf32>
    %add3A_248 = arith.addf %add3A_238, %select_n3A_247 : vector<256x128xf32>
    %slice3A_249 = vector.extract_strided_slice %reshape3A {offsets = [0, 9, 0], sizes = [256, 1, 128], strides = [1, 1, 1]} : vector<256x79x128xf32> to vector<256x1x128xf32>
    %squeeze3A_250 = vector.shape_cast %slice3A_249 : vector<256x1x128xf32> to vector<256x128xf32>
    %le3A_251 = vector.broadcast %broadcast_in_dim3A_159 : vector<256x1xf32> to vector<256x128xf32>
    %le3A_252 = arith.cmpf ole, %squeeze3A_250, %le3A_251 : vector<256x128xf32>
    %jit3A_253 = arith.constant 5.120000e+02 : f32
    %jit3A_254 = arith.constant 0.000000e+00 : f32
    %broadcast_in_dim3A_255 = vector.broadcast %jit3A_253 : f32 to vector<256x128xf32>
    %broadcast_in_dim3A_256 = vector.broadcast %jit3A_254 : f32 to vector<256x128xf32>
    %select_n3A_257 = arith.select %le3A_252, %broadcast_in_dim3A_255, %broadcast_in_dim3A_256 : vector<256x128xi1>, vector<256x128xf32>
    %add3A_258 = arith.addf %add3A_248, %select_n3A_257 : vector<256x128xf32>
    %slice3A_259 = vector.extract_strided_slice %reshape3A {offsets = [0, 10, 0], sizes = [256, 1, 128], strides = [1, 1, 1]} : vector<256x79x128xf32> to vector<256x1x128xf32>
    %squeeze3A_260 = vector.shape_cast %slice3A_259 : vector<256x1x128xf32> to vector<256x128xf32>
    %le3A_261 = vector.broadcast %broadcast_in_dim3A_159 : vector<256x1xf32> to vector<256x128xf32>
    %le3A_262 = arith.cmpf ole, %squeeze3A_260, %le3A_261 : vector<256x128xf32>
    %jit3A_263 = arith.constant 1.024000e+03 : f32
    %jit3A_264 = arith.constant 0.000000e+00 : f32
    %broadcast_in_dim3A_265 = vector.broadcast %jit3A_263 : f32 to vector<256x128xf32>
    %broadcast_in_dim3A_266 = vector.broadcast %jit3A_264 : f32 to vector<256x128xf32>
    %select_n3A_267 = arith.select %le3A_262, %broadcast_in_dim3A_265, %broadcast_in_dim3A_266 : vector<256x128xi1>, vector<256x128xf32>
    %add3A_268 = arith.addf %add3A_258, %select_n3A_267 : vector<256x128xf32>
    %slice3A_269 = vector.extract_strided_slice %reshape3A {offsets = [0, 11, 0], sizes = [256, 1, 128], strides = [1, 1, 1]} : vector<256x79x128xf32> to vector<256x1x128xf32>
    %squeeze3A_270 = vector.shape_cast %slice3A_269 : vector<256x1x128xf32> to vector<256x128xf32>
    %le3A_271 = vector.broadcast %broadcast_in_dim3A_159 : vector<256x1xf32> to vector<256x128xf32>
    %le3A_272 = arith.cmpf ole, %squeeze3A_270, %le3A_271 : vector<256x128xf32>
    %jit3A_273 = arith.constant 2.048000e+03 : f32
    %jit3A_274 = arith.constant 0.000000e+00 : f32
    %broadcast_in_dim3A_275 = vector.broadcast %jit3A_273 : f32 to vector<256x128xf32>
    %broadcast_in_dim3A_276 = vector.broadcast %jit3A_274 : f32 to vector<256x128xf32>
    %select_n3A_277 = arith.select %le3A_272, %broadcast_in_dim3A_275, %broadcast_in_dim3A_276 : vector<256x128xi1>, vector<256x128xf32>
    %add3A_278 = arith.addf %add3A_268, %select_n3A_277 : vector<256x128xf32>
    %slice3A_279 = vector.extract_strided_slice %reshape3A {offsets = [0, 12, 0], sizes = [256, 1, 128], strides = [1, 1, 1]} : vector<256x79x128xf32> to vector<256x1x128xf32>
    %squeeze3A_280 = vector.shape_cast %slice3A_279 : vector<256x1x128xf32> to vector<256x128xf32>
    %le3A_281 = vector.broadcast %broadcast_in_dim3A_159 : vector<256x1xf32> to vector<256x128xf32>
    %le3A_282 = arith.cmpf ole, %squeeze3A_280, %le3A_281 : vector<256x128xf32>
    %jit3A_283 = arith.constant 4.096000e+03 : f32
    %jit3A_284 = arith.constant 0.000000e+00 : f32
    %broadcast_in_dim3A_285 = vector.broadcast %jit3A_283 : f32 to vector<256x128xf32>
    %broadcast_in_dim3A_286 = vector.broadcast %jit3A_284 : f32 to vector<256x128xf32>
    %select_n3A_287 = arith.select %le3A_282, %broadcast_in_dim3A_285, %broadcast_in_dim3A_286 : vector<256x128xi1>, vector<256x128xf32>
    %add3A_288 = arith.addf %add3A_278, %select_n3A_287 : vector<256x128xf32>
    %slice3A_289 = vector.extract_strided_slice %reshape3A {offsets = [0, 13, 0], sizes = [256, 1, 128], strides = [1, 1, 1]} : vector<256x79x128xf32> to vector<256x1x128xf32>
    %squeeze3A_290 = vector.shape_cast %slice3A_289 : vector<256x1x128xf32> to vector<256x128xf32>
    %le3A_291 = vector.broadcast %broadcast_in_dim3A_159 : vector<256x1xf32> to vector<256x128xf32>
    %le3A_292 = arith.cmpf ole, %squeeze3A_290, %le3A_291 : vector<256x128xf32>
    %jit3A_293 = arith.constant 8.192000e+03 : f32
    %jit3A_294 = arith.constant 0.000000e+00 : f32
    %broadcast_in_dim3A_295 = vector.broadcast %jit3A_293 : f32 to vector<256x128xf32>
    %broadcast_in_dim3A_296 = vector.broadcast %jit3A_294 : f32 to vector<256x128xf32>
    %select_n3A_297 = arith.select %le3A_292, %broadcast_in_dim3A_295, %broadcast_in_dim3A_296 : vector<256x128xi1>, vector<256x128xf32>
    %add3A_298 = arith.addf %add3A_288, %select_n3A_297 : vector<256x128xf32>
    %slice3A_299 = vector.extract_strided_slice %reshape3A {offsets = [0, 14, 0], sizes = [256, 1, 128], strides = [1, 1, 1]} : vector<256x79x128xf32> to vector<256x1x128xf32>
    %squeeze3A_300 = vector.shape_cast %slice3A_299 : vector<256x1x128xf32> to vector<256x128xf32>
    %le3A_301 = vector.broadcast %broadcast_in_dim3A_159 : vector<256x1xf32> to vector<256x128xf32>
    %le3A_302 = arith.cmpf ole, %squeeze3A_300, %le3A_301 : vector<256x128xf32>
    %jit3A_303 = arith.constant 1.638400e+04 : f32
    %jit3A_304 = arith.constant 0.000000e+00 : f32
    %broadcast_in_dim3A_305 = vector.broadcast %jit3A_303 : f32 to vector<256x128xf32>
    %broadcast_in_dim3A_306 = vector.broadcast %jit3A_304 : f32 to vector<256x128xf32>
    %select_n3A_307 = arith.select %le3A_302, %broadcast_in_dim3A_305, %broadcast_in_dim3A_306 : vector<256x128xi1>, vector<256x128xf32>
    %add3A_308 = arith.addf %add3A_298, %select_n3A_307 : vector<256x128xf32>
    %slice3A_309 = vector.extract_strided_slice %reshape3A {offsets = [0, 15, 0], sizes = [256, 1, 128], strides = [1, 1, 1]} : vector<256x79x128xf32> to vector<256x1x128xf32>
    %squeeze3A_310 = vector.shape_cast %slice3A_309 : vector<256x1x128xf32> to vector<256x128xf32>
    %le3A_311 = vector.broadcast %broadcast_in_dim3A_159 : vector<256x1xf32> to vector<256x128xf32>
    %le3A_312 = arith.cmpf ole, %squeeze3A_310, %le3A_311 : vector<256x128xf32>
    %jit3A_313 = arith.constant 3.276800e+04 : f32
    %jit3A_314 = arith.constant 0.000000e+00 : f32
    %broadcast_in_dim3A_315 = vector.broadcast %jit3A_313 : f32 to vector<256x128xf32>
    %broadcast_in_dim3A_316 = vector.broadcast %jit3A_314 : f32 to vector<256x128xf32>
    %select_n3A_317 = arith.select %le3A_312, %broadcast_in_dim3A_315, %broadcast_in_dim3A_316 : vector<256x128xi1>, vector<256x128xf32>
    %add3A_318 = arith.addf %add3A_308, %select_n3A_317 : vector<256x128xf32>
    %swap3A_319 = arith.constant 0 : index
    %swap3A_320 = arith.constant 0 : index
    %swap3A_321 = vector.load %arg8[%swap3A_319, %swap3A_320] : memref<256x640xf32, #tpu.memory_space<vmem>>, vector<256x128xf32>
    tpu.vector_store %arg8[%swap3A_319, %swap3A_320], %add3A_318 {strides = array<i32>} : memref<256x640xf32, #tpu.memory_space<vmem>>, vector<256x128xf32>,
    %broadcast_in_dim3A_322 = arith.constant 0.000000e+00 : f32
    %broadcast_in_dim3A_323 = vector.broadcast %broadcast_in_dim3A_322 : f32 to vector<256x128xf32>
    %slice3A_324 = vector.extract_strided_slice %reshape3A {offsets = [0, 16, 0], sizes = [256, 1, 128], strides = [1, 1, 1]} : vector<256x79x128xf32> to vector<256x1x128xf32>
    %squeeze3A_325 = vector.shape_cast %slice3A_324 : vector<256x1x128xf32> to vector<256x128xf32>
    %le3A_326 = vector.broadcast %broadcast_in_dim3A_159 : vector<256x1xf32> to vector<256x128xf32>
    %le3A_327 = arith.cmpf ole, %squeeze3A_325, %le3A_326 : vector<256x128xf32>
    %jit3A_328 = arith.constant 1.000000e+00 : f32
    %jit3A_329 = arith.constant 0.000000e+00 : f32
    %broadcast_in_dim3A_330 = vector.broadcast %jit3A_328 : f32 to vector<256x128xf32>
    %broadcast_in_dim3A_331 = vector.broadcast %jit3A_329 : f32 to vector<256x128xf32>
    %select_n3A_332 = arith.select %le3A_327, %broadcast_in_dim3A_330, %broadcast_in_dim3A_331 : vector<256x128xi1>, vector<256x128xf32>
    %add3A_333 = arith.addf %broadcast_in_dim3A_323, %select_n3A_332 : vector<256x128xf32>
    %slice3A_334 = vector.extract_strided_slice %reshape3A {offsets = [0, 17, 0], sizes = [256, 1, 128], strides = [1, 1, 1]} : vector<256x79x128xf32> to vector<256x1x128xf32>
    %squeeze3A_335 = vector.shape_cast %slice3A_334 : vector<256x1x128xf32> to vector<256x128xf32>
    %le3A_336 = vector.broadcast %broadcast_in_dim3A_159 : vector<256x1xf32> to vector<256x128xf32>
    %le3A_337 = arith.cmpf ole, %squeeze3A_335, %le3A_336 : vector<256x128xf32>
    %jit3A_338 = arith.constant 2.000000e+00 : f32
    %jit3A_339 = arith.constant 0.000000e+00 : f32
    %broadcast_in_dim3A_340 = vector.broadcast %jit3A_338 : f32 to vector<256x128xf32>
    %broadcast_in_dim3A_341 = vector.broadcast %jit3A_339 : f32 to vector<256x128xf32>
    %select_n3A_342 = arith.select %le3A_337, %broadcast_in_dim3A_340, %broadcast_in_dim3A_341 : vector<256x128xi1>, vector<256x128xf32>
    %add3A_343 = arith.addf %add3A_333, %select_n3A_342 : vector<256x128xf32>
    %slice3A_344 = vector.extract_strided_slice %reshape3A {offsets = [0, 18, 0], sizes = [256, 1, 128], strides = [1, 1, 1]} : vector<256x79x128xf32> to vector<256x1x128xf32>
    %squeeze3A_345 = vector.shape_cast %slice3A_344 : vector<256x1x128xf32> to vector<256x128xf32>
    %le3A_346 = vector.broadcast %broadcast_in_dim3A_159 : vector<256x1xf32> to vector<256x128xf32>
    %le3A_347 = arith.cmpf ole, %squeeze3A_345, %le3A_346 : vector<256x128xf32>
    %jit3A_348 = arith.constant 4.000000e+00 : f32
    %jit3A_349 = arith.constant 0.000000e+00 : f32
    %broadcast_in_dim3A_350 = vector.broadcast %jit3A_348 : f32 to vector<256x128xf32>
    %broadcast_in_dim3A_351 = vector.broadcast %jit3A_349 : f32 to vector<256x128xf32>
    %select_n3A_352 = arith.select %le3A_347, %broadcast_in_dim3A_350, %broadcast_in_dim3A_351 : vector<256x128xi1>, vector<256x128xf32>
    %add3A_353 = arith.addf %add3A_343, %select_n3A_352 : vector<256x128xf32>
    %slice3A_354 = vector.extract_strided_slice %reshape3A {offsets = [0, 19, 0], sizes = [256, 1, 128], strides = [1, 1, 1]} : vector<256x79x128xf32> to vector<256x1x128xf32>
    %squeeze3A_355 = vector.shape_cast %slice3A_354 : vector<256x1x128xf32> to vector<256x128xf32>
    %le3A_356 = vector.broadcast %broadcast_in_dim3A_159 : vector<256x1xf32> to vector<256x128xf32>
    %le3A_357 = arith.cmpf ole, %squeeze3A_355, %le3A_356 : vector<256x128xf32>
    %jit3A_358 = arith.constant 8.000000e+00 : f32
    %jit3A_359 = arith.constant 0.000000e+00 : f32
    %broadcast_in_dim3A_360 = vector.broadcast %jit3A_358 : f32 to vector<256x128xf32>
    %broadcast_in_dim3A_361 = vector.broadcast %jit3A_359 : f32 to vector<256x128xf32>
    %select_n3A_362 = arith.select %le3A_357, %broadcast_in_dim3A_360, %broadcast_in_dim3A_361 : vector<256x128xi1>, vector<256x128xf32>
    %add3A_363 = arith.addf %add3A_353, %select_n3A_362 : vector<256x128xf32>
    %slice3A_364 = vector.extract_strided_slice %reshape3A {offsets = [0, 20, 0], sizes = [256, 1, 128], strides = [1, 1, 1]} : vector<256x79x128xf32> to vector<256x1x128xf32>
    %squeeze3A_365 = vector.shape_cast %slice3A_364 : vector<256x1x128xf32> to vector<256x128xf32>
    %le3A_366 = vector.broadcast %broadcast_in_dim3A_159 : vector<256x1xf32> to vector<256x128xf32>
    %le3A_367 = arith.cmpf ole, %squeeze3A_365, %le3A_366 : vector<256x128xf32>
    %jit3A_368 = arith.constant 1.600000e+01 : f32
    %jit3A_369 = arith.constant 0.000000e+00 : f32
    %broadcast_in_dim3A_370 = vector.broadcast %jit3A_368 : f32 to vector<256x128xf32>
    %broadcast_in_dim3A_371 = vector.broadcast %jit3A_369 : f32 to vector<256x128xf32>
    %select_n3A_372 = arith.select %le3A_367, %broadcast_in_dim3A_370, %broadcast_in_dim3A_371 : vector<256x128xi1>, vector<256x128xf32>
    %add3A_373 = arith.addf %add3A_363, %select_n3A_372 : vector<256x128xf32>
    %slice3A_374 = vector.extract_strided_slice %reshape3A {offsets = [0, 21, 0], sizes = [256, 1, 128], strides = [1, 1, 1]} : vector<256x79x128xf32> to vector<256x1x128xf32>
    %squeeze3A_375 = vector.shape_cast %slice3A_374 : vector<256x1x128xf32> to vector<256x128xf32>
    %le3A_376 = vector.broadcast %broadcast_in_dim3A_159 : vector<256x1xf32> to vector<256x128xf32>
    %le3A_377 = arith.cmpf ole, %squeeze3A_375, %le3A_376 : vector<256x128xf32>
    %jit3A_378 = arith.constant 3.200000e+01 : f32
    %jit3A_379 = arith.constant 0.000000e+00 : f32
    %broadcast_in_dim3A_380 = vector.broadcast %jit3A_378 : f32 to vector<256x128xf32>
    %broadcast_in_dim3A_381 = vector.broadcast %jit3A_379 : f32 to vector<256x128xf32>
    %select_n3A_382 = arith.select %le3A_377, %broadcast_in_dim3A_380, %broadcast_in_dim3A_381 : vector<256x128xi1>, vector<256x128xf32>
    %add3A_383 = arith.addf %add3A_373, %select_n3A_382 : vector<256x128xf32>
    %slice3A_384 = vector.extract_strided_slice %reshape3A {offsets = [0, 22, 0], sizes = [256, 1, 128], strides = [1, 1, 1]} : vector<256x79x128xf32> to vector<256x1x128xf32>
    %squeeze3A_385 = vector.shape_cast %slice3A_384 : vector<256x1x128xf32> to vector<256x128xf32>
    %le3A_386 = vector.broadcast %broadcast_in_dim3A_159 : vector<256x1xf32> to vector<256x128xf32>
    %le3A_387 = arith.cmpf ole, %squeeze3A_385, %le3A_386 : vector<256x128xf32>
    %jit3A_388 = arith.constant 6.400000e+01 : f32
    %jit3A_389 = arith.constant 0.000000e+00 : f32
    %broadcast_in_dim3A_390 = vector.broadcast %jit3A_388 : f32 to vector<256x128xf32>
    %broadcast_in_dim3A_391 = vector.broadcast %jit3A_389 : f32 to vector<256x128xf32>
    %select_n3A_392 = arith.select %le3A_387, %broadcast_in_dim3A_390, %broadcast_in_dim3A_391 : vector<256x128xi1>, vector<256x128xf32>
    %add3A_393 = arith.addf %add3A_383, %select_n3A_392 : vector<256x128xf32>
    %slice3A_394 = vector.extract_strided_slice %reshape3A {offsets = [0, 23, 0], sizes = [256, 1, 128], strides = [1, 1, 1]} : vector<256x79x128xf32> to vector<256x1x128xf32>
    %squeeze3A_395 = vector.shape_cast %slice3A_394 : vector<256x1x128xf32> to vector<256x128xf32>
    %le3A_396 = vector.broadcast %broadcast_in_dim3A_159 : vector<256x1xf32> to vector<256x128xf32>
    %le3A_397 = arith.cmpf ole, %squeeze3A_395, %le3A_396 : vector<256x128xf32>
    %jit3A_398 = arith.constant 1.280000e+02 : f32
    %jit3A_399 = arith.constant 0.000000e+00 : f32
    %broadcast_in_dim3A_400 = vector.broadcast %jit3A_398 : f32 to vector<256x128xf32>
    %broadcast_in_dim3A_401 = vector.broadcast %jit3A_399 : f32 to vector<256x128xf32>
    %select_n3A_402 = arith.select %le3A_397, %broadcast_in_dim3A_400, %broadcast_in_dim3A_401 : vector<256x128xi1>, vector<256x128xf32>
    %add3A_403 = arith.addf %add3A_393, %select_n3A_402 : vector<256x128xf32>
    %slice3A_404 = vector.extract_strided_slice %reshape3A {offsets = [0, 24, 0], sizes = [256, 1, 128], strides = [1, 1, 1]} : vector<256x79x128xf32> to vector<256x1x128xf32>
    %squeeze3A_405 = vector.shape_cast %slice3A_404 : vector<256x1x128xf32> to vector<256x128xf32>
    %le3A_406 = vector.broadcast %broadcast_in_dim3A_159 : vector<256x1xf32> to vector<256x128xf32>
    %le3A_407 = arith.cmpf ole, %squeeze3A_405, %le3A_406 : vector<256x128xf32>
    %jit3A_408 = arith.constant 2.560000e+02 : f32
    %jit3A_409 = arith.constant 0.000000e+00 : f32
    %broadcast_in_dim3A_410 = vector.broadcast %jit3A_408 : f32 to vector<256x128xf32>
    %broadcast_in_dim3A_411 = vector.broadcast %jit3A_409 : f32 to vector<256x128xf32>
    %select_n3A_412 = arith.select %le3A_407, %broadcast_in_dim3A_410, %broadcast_in_dim3A_411 : vector<256x128xi1>, vector<256x128xf32>
    %add3A_413 = arith.addf %add3A_403, %select_n3A_412 : vector<256x128xf32>
    %slice3A_414 = vector.extract_strided_slice %reshape3A {offsets = [0, 25, 0], sizes = [256, 1, 128], strides = [1, 1, 1]} : vector<256x79x128xf32> to vector<256x1x128xf32>
    %squeeze3A_415 = vector.shape_cast %slice3A_414 : vector<256x1x128xf32> to vector<256x128xf32>
    %le3A_416 = vector.broadcast %broadcast_in_dim3A_159 : vector<256x1xf32> to vector<256x128xf32>
    %le3A_417 = arith.cmpf ole, %squeeze3A_415, %le3A_416 : vector<256x128xf32>
    %jit3A_418 = arith.constant 5.120000e+02 : f32
    %jit3A_419 = arith.constant 0.000000e+00 : f32
    %broadcast_in_dim3A_420 = vector.broadcast %jit3A_418 : f32 to vector<256x128xf32>
    %broadcast_in_dim3A_421 = vector.broadcast %jit3A_419 : f32 to vector<256x128xf32>
    %select_n3A_422 = arith.select %le3A_417, %broadcast_in_dim3A_420, %broadcast_in_dim3A_421 : vector<256x128xi1>, vector<256x128xf32>
    %add3A_423 = arith.addf %add3A_413, %select_n3A_422 : vector<256x128xf32>
    %slice3A_424 = vector.extract_strided_slice %reshape3A {offsets = [0, 26, 0], sizes = [256, 1, 128], strides = [1, 1, 1]} : vector<256x79x128xf32> to vector<256x1x128xf32>
    %squeeze3A_425 = vector.shape_cast %slice3A_424 : vector<256x1x128xf32> to vector<256x128xf32>
    %le3A_426 = vector.broadcast %broadcast_in_dim3A_159 : vector<256x1xf32> to vector<256x128xf32>
    %le3A_427 = arith.cmpf ole, %squeeze3A_425, %le3A_426 : vector<256x128xf32>
    %jit3A_428 = arith.constant 1.024000e+03 : f32
    %jit3A_429 = arith.constant 0.000000e+00 : f32
    %broadcast_in_dim3A_430 = vector.broadcast %jit3A_428 : f32 to vector<256x128xf32>
    %broadcast_in_dim3A_431 = vector.broadcast %jit3A_429 : f32 to vector<256x128xf32>
    %select_n3A_432 = arith.select %le3A_427, %broadcast_in_dim3A_430, %broadcast_in_dim3A_431 : vector<256x128xi1>, vector<256x128xf32>
    %add3A_433 = arith.addf %add3A_423, %select_n3A_432 : vector<256x128xf32>
    %slice3A_434 = vector.extract_strided_slice %reshape3A {offsets = [0, 27, 0], sizes = [256, 1, 128], strides = [1, 1, 1]} : vector<256x79x128xf32> to vector<256x1x128xf32>
    %squeeze3A_435 = vector.shape_cast %slice3A_434 : vector<256x1x128xf32> to vector<256x128xf32>
    %le3A_436 = vector.broadcast %broadcast_in_dim3A_159 : vector<256x1xf32> to vector<256x128xf32>
    %le3A_437 = arith.cmpf ole, %squeeze3A_435, %le3A_436 : vector<256x128xf32>
    %jit3A_438 = arith.constant 2.048000e+03 : f32
    %jit3A_439 = arith.constant 0.000000e+00 : f32
    %broadcast_in_dim3A_440 = vector.broadcast %jit3A_438 : f32 to vector<256x128xf32>
    %broadcast_in_dim3A_441 = vector.broadcast %jit3A_439 : f32 to vector<256x128xf32>
    %select_n3A_442 = arith.select %le3A_437, %broadcast_in_dim3A_440, %broadcast_in_dim3A_441 : vector<256x128xi1>, vector<256x128xf32>
    %add3A_443 = arith.addf %add3A_433, %select_n3A_442 : vector<256x128xf32>
    %slice3A_444 = vector.extract_strided_slice %reshape3A {offsets = [0, 28, 0], sizes = [256, 1, 128], strides = [1, 1, 1]} : vector<256x79x128xf32> to vector<256x1x128xf32>
    %squeeze3A_445 = vector.shape_cast %slice3A_444 : vector<256x1x128xf32> to vector<256x128xf32>
    %le3A_446 = vector.broadcast %broadcast_in_dim3A_159 : vector<256x1xf32> to vector<256x128xf32>
    %le3A_447 = arith.cmpf ole, %squeeze3A_445, %le3A_446 : vector<256x128xf32>
    %jit3A_448 = arith.constant 4.096000e+03 : f32
    %jit3A_449 = arith.constant 0.000000e+00 : f32
    %broadcast_in_dim3A_450 = vector.broadcast %jit3A_448 : f32 to vector<256x128xf32>
    %broadcast_in_dim3A_451 = vector.broadcast %jit3A_449 : f32 to vector<256x128xf32>
    %select_n3A_452 = arith.select %le3A_447, %broadcast_in_dim3A_450, %broadcast_in_dim3A_451 : vector<256x128xi1>, vector<256x128xf32>
    %add3A_453 = arith.addf %add3A_443, %select_n3A_452 : vector<256x128xf32>
    %slice3A_454 = vector.extract_strided_slice %reshape3A {offsets = [0, 29, 0], sizes = [256, 1, 128], strides = [1, 1, 1]} : vector<256x79x128xf32> to vector<256x1x128xf32>
    %squeeze3A_455 = vector.shape_cast %slice3A_454 : vector<256x1x128xf32> to vector<256x128xf32>
    %le3A_456 = vector.broadcast %broadcast_in_dim3A_159 : vector<256x1xf32> to vector<256x128xf32>
    %le3A_457 = arith.cmpf ole, %squeeze3A_455, %le3A_456 : vector<256x128xf32>
    %jit3A_458 = arith.constant 8.192000e+03 : f32
    %jit3A_459 = arith.constant 0.000000e+00 : f32
    %broadcast_in_dim3A_460 = vector.broadcast %jit3A_458 : f32 to vector<256x128xf32>
    %broadcast_in_dim3A_461 = vector.broadcast %jit3A_459 : f32 to vector<256x128xf32>
    %select_n3A_462 = arith.select %le3A_457, %broadcast_in_dim3A_460, %broadcast_in_dim3A_461 : vector<256x128xi1>, vector<256x128xf32>
    %add3A_463 = arith.addf %add3A_453, %select_n3A_462 : vector<256x128xf32>
    %slice3A_464 = vector.extract_strided_slice %reshape3A {offsets = [0, 30, 0], sizes = [256, 1, 128], strides = [1, 1, 1]} : vector<256x79x128xf32> to vector<256x1x128xf32>
    %squeeze3A_465 = vector.shape_cast %slice3A_464 : vector<256x1x128xf32> to vector<256x128xf32>
    %le3A_466 = vector.broadcast %broadcast_in_dim3A_159 : vector<256x1xf32> to vector<256x128xf32>
    %le3A_467 = arith.cmpf ole, %squeeze3A_465, %le3A_466 : vector<256x128xf32>
    %jit3A_468 = arith.constant 1.638400e+04 : f32
    %jit3A_469 = arith.constant 0.000000e+00 : f32
    %broadcast_in_dim3A_470 = vector.broadcast %jit3A_468 : f32 to vector<256x128xf32>
    %broadcast_in_dim3A_471 = vector.broadcast %jit3A_469 : f32 to vector<256x128xf32>
    %select_n3A_472 = arith.select %le3A_467, %broadcast_in_dim3A_470, %broadcast_in_dim3A_471 : vector<256x128xi1>, vector<256x128xf32>
    %add3A_473 = arith.addf %add3A_463, %select_n3A_472 : vector<256x128xf32>
    %slice3A_474 = vector.extract_strided_slice %reshape3A {offsets = [0, 31, 0], sizes = [256, 1, 128], strides = [1, 1, 1]} : vector<256x79x128xf32> to vector<256x1x128xf32>
    %squeeze3A_475 = vector.shape_cast %slice3A_474 : vector<256x1x128xf32> to vector<256x128xf32>
    %le3A_476 = vector.broadcast %broadcast_in_dim3A_159 : vector<256x1xf32> to vector<256x128xf32>
    %le3A_477 = arith.cmpf ole, %squeeze3A_475, %le3A_476 : vector<256x128xf32>
    %jit3A_478 = arith.constant 3.276800e+04 : f32
    %jit3A_479 = arith.constant 0.000000e+00 : f32
    %broadcast_in_dim3A_480 = vector.broadcast %jit3A_478 : f32 to vector<256x128xf32>
    %broadcast_in_dim3A_481 = vector.broadcast %jit3A_479 : f32 to vector<256x128xf32>
    %select_n3A_482 = arith.select %le3A_477, %broadcast_in_dim3A_480, %broadcast_in_dim3A_481 : vector<256x128xi1>, vector<256x128xf32>
    %add3A_483 = arith.addf %add3A_473, %select_n3A_482 : vector<256x128xf32>
    %swap3A_484 = arith.constant 0 : index
    %swap3A_485 = arith.constant 128 : index
    %swap3A_486 = vector.load %arg8[%swap3A_484, %swap3A_485] : memref<256x640xf32, #tpu.memory_space<vmem>>, vector<256x128xf32>
    tpu.vector_store %arg8[%swap3A_484, %swap3A_485], %add3A_483 {strides = array<i32>} : memref<256x640xf32, #tpu.memory_space<vmem>>, vector<256x128xf32>,
    %broadcast_in_dim3A_487 = arith.constant 0.000000e+00 : f32
    %broadcast_in_dim3A_488 = vector.broadcast %broadcast_in_dim3A_487 : f32 to vector<256x128xf32>
    %slice3A_489 = vector.extract_strided_slice %reshape3A {offsets = [0, 32, 0], sizes = [256, 1, 128], strides = [1, 1, 1]} : vector<256x79x128xf32> to vector<256x1x128xf32>
    %squeeze3A_490 = vector.shape_cast %slice3A_489 : vector<256x1x128xf32> to vector<256x128xf32>
    %le3A_491 = vector.broadcast %broadcast_in_dim3A_159 : vector<256x1xf32> to vector<256x128xf32>
    %le3A_492 = arith.cmpf ole, %squeeze3A_490, %le3A_491 : vector<256x128xf32>
    %jit3A_493 = arith.constant 1.000000e+00 : f32
    %jit3A_494 = arith.constant 0.000000e+00 : f32
    %broadcast_in_dim3A_495 = vector.broadcast %jit3A_493 : f32 to vector<256x128xf32>
    %broadcast_in_dim3A_496 = vector.broadcast %jit3A_494 : f32 to vector<256x128xf32>
    %select_n3A_497 = arith.select %le3A_492, %broadcast_in_dim3A_495, %broadcast_in_dim3A_496 : vector<256x128xi1>, vector<256x128xf32>
    %add3A_498 = arith.addf %broadcast_in_dim3A_488, %select_n3A_497 : vector<256x128xf32>
    %slice3A_499 = vector.extract_strided_slice %reshape3A {offsets = [0, 33, 0], sizes = [256, 1, 128], strides = [1, 1, 1]} : vector<256x79x128xf32> to vector<256x1x128xf32>
    %squeeze3A_500 = vector.shape_cast %slice3A_499 : vector<256x1x128xf32> to vector<256x128xf32>
    %le3A_501 = vector.broadcast %broadcast_in_dim3A_159 : vector<256x1xf32> to vector<256x128xf32>
    %le3A_502 = arith.cmpf ole, %squeeze3A_500, %le3A_501 : vector<256x128xf32>
    %jit3A_503 = arith.constant 2.000000e+00 : f32
    %jit3A_504 = arith.constant 0.000000e+00 : f32
    %broadcast_in_dim3A_505 = vector.broadcast %jit3A_503 : f32 to vector<256x128xf32>
    %broadcast_in_dim3A_506 = vector.broadcast %jit3A_504 : f32 to vector<256x128xf32>
    %select_n3A_507 = arith.select %le3A_502, %broadcast_in_dim3A_505, %broadcast_in_dim3A_506 : vector<256x128xi1>, vector<256x128xf32>
    %add3A_508 = arith.addf %add3A_498, %select_n3A_507 : vector<256x128xf32>
    %slice3A_509 = vector.extract_strided_slice %reshape3A {offsets = [0, 34, 0], sizes = [256, 1, 128], strides = [1, 1, 1]} : vector<256x79x128xf32> to vector<256x1x128xf32>
    %squeeze3A_510 = vector.shape_cast %slice3A_509 : vector<256x1x128xf32> to vector<256x128xf32>
    %le3A_511 = vector.broadcast %broadcast_in_dim3A_159 : vector<256x1xf32> to vector<256x128xf32>
    %le3A_512 = arith.cmpf ole, %squeeze3A_510, %le3A_511 : vector<256x128xf32>
    %jit3A_513 = arith.constant 4.000000e+00 : f32
    %jit3A_514 = arith.constant 0.000000e+00 : f32
    %broadcast_in_dim3A_515 = vector.broadcast %jit3A_513 : f32 to vector<256x128xf32>
    %broadcast_in_dim3A_516 = vector.broadcast %jit3A_514 : f32 to vector<256x128xf32>
    %select_n3A_517 = arith.select %le3A_512, %broadcast_in_dim3A_515, %broadcast_in_dim3A_516 : vector<256x128xi1>, vector<256x128xf32>
    %add3A_518 = arith.addf %add3A_508, %select_n3A_517 : vector<256x128xf32>
    %slice3A_519 = vector.extract_strided_slice %reshape3A {offsets = [0, 35, 0], sizes = [256, 1, 128], strides = [1, 1, 1]} : vector<256x79x128xf32> to vector<256x1x128xf32>
    %squeeze3A_520 = vector.shape_cast %slice3A_519 : vector<256x1x128xf32> to vector<256x128xf32>
    %le3A_521 = vector.broadcast %broadcast_in_dim3A_159 : vector<256x1xf32> to vector<256x128xf32>
    %le3A_522 = arith.cmpf ole, %squeeze3A_520, %le3A_521 : vector<256x128xf32>
    %jit3A_523 = arith.constant 8.000000e+00 : f32
    %jit3A_524 = arith.constant 0.000000e+00 : f32
    %broadcast_in_dim3A_525 = vector.broadcast %jit3A_523 : f32 to vector<256x128xf32>
    %broadcast_in_dim3A_526 = vector.broadcast %jit3A_524 : f32 to vector<256x128xf32>
    %select_n3A_527 = arith.select %le3A_522, %broadcast_in_dim3A_525, %broadcast_in_dim3A_526 : vector<256x128xi1>, vector<256x128xf32>
    %add3A_528 = arith.addf %add3A_518, %select_n3A_527 : vector<256x128xf32>
    %slice3A_529 = vector.extract_strided_slice %reshape3A {offsets = [0, 36, 0], sizes = [256, 1, 128], strides = [1, 1, 1]} : vector<256x79x128xf32> to vector<256x1x128xf32>
    %squeeze3A_530 = vector.shape_cast %slice3A_529 : vector<256x1x128xf32> to vector<256x128xf32>
    %le3A_531 = vector.broadcast %broadcast_in_dim3A_159 : vector<256x1xf32> to vector<256x128xf32>
    %le3A_532 = arith.cmpf ole, %squeeze3A_530, %le3A_531 : vector<256x128xf32>
    %jit3A_533 = arith.constant 1.600000e+01 : f32
    %jit3A_534 = arith.constant 0.000000e+00 : f32
    %broadcast_in_dim3A_535 = vector.broadcast %jit3A_533 : f32 to vector<256x128xf32>
    %broadcast_in_dim3A_536 = vector.broadcast %jit3A_534 : f32 to vector<256x128xf32>
    %select_n3A_537 = arith.select %le3A_532, %broadcast_in_dim3A_535, %broadcast_in_dim3A_536 : vector<256x128xi1>, vector<256x128xf32>
    %add3A_538 = arith.addf %add3A_528, %select_n3A_537 : vector<256x128xf32>
    %slice3A_539 = vector.extract_strided_slice %reshape3A {offsets = [0, 37, 0], sizes = [256, 1, 128], strides = [1, 1, 1]} : vector<256x79x128xf32> to vector<256x1x128xf32>
    %squeeze3A_540 = vector.shape_cast %slice3A_539 : vector<256x1x128xf32> to vector<256x128xf32>
    %le3A_541 = vector.broadcast %broadcast_in_dim3A_159 : vector<256x1xf32> to vector<256x128xf32>
    %le3A_542 = arith.cmpf ole, %squeeze3A_540, %le3A_541 : vector<256x128xf32>
    %jit3A_543 = arith.constant 3.200000e+01 : f32
    %jit3A_544 = arith.constant 0.000000e+00 : f32
    %broadcast_in_dim3A_545 = vector.broadcast %jit3A_543 : f32 to vector<256x128xf32>
    %broadcast_in_dim3A_546 = vector.broadcast %jit3A_544 : f32 to vector<256x128xf32>
    %select_n3A_547 = arith.select %le3A_542, %broadcast_in_dim3A_545, %broadcast_in_dim3A_546 : vector<256x128xi1>, vector<256x128xf32>
    %add3A_548 = arith.addf %add3A_538, %select_n3A_547 : vector<256x128xf32>
    %slice3A_549 = vector.extract_strided_slice %reshape3A {offsets = [0, 38, 0], sizes = [256, 1, 128], strides = [1, 1, 1]} : vector<256x79x128xf32> to vector<256x1x128xf32>
    %squeeze3A_550 = vector.shape_cast %slice3A_549 : vector<256x1x128xf32> to vector<256x128xf32>
    %le3A_551 = vector.broadcast %broadcast_in_dim3A_159 : vector<256x1xf32> to vector<256x128xf32>
    %le3A_552 = arith.cmpf ole, %squeeze3A_550, %le3A_551 : vector<256x128xf32>
    %jit3A_553 = arith.constant 6.400000e+01 : f32
    %jit3A_554 = arith.constant 0.000000e+00 : f32
    %broadcast_in_dim3A_555 = vector.broadcast %jit3A_553 : f32 to vector<256x128xf32>
    %broadcast_in_dim3A_556 = vector.broadcast %jit3A_554 : f32 to vector<256x128xf32>
    %select_n3A_557 = arith.select %le3A_552, %broadcast_in_dim3A_555, %broadcast_in_dim3A_556 : vector<256x128xi1>, vector<256x128xf32>
    %add3A_558 = arith.addf %add3A_548, %select_n3A_557 : vector<256x128xf32>
    %slice3A_559 = vector.extract_strided_slice %reshape3A {offsets = [0, 39, 0], sizes = [256, 1, 128], strides = [1, 1, 1]} : vector<256x79x128xf32> to vector<256x1x128xf32>
    %squeeze3A_560 = vector.shape_cast %slice3A_559 : vector<256x1x128xf32> to vector<256x128xf32>
    %le3A_561 = vector.broadcast %broadcast_in_dim3A_159 : vector<256x1xf32> to vector<256x128xf32>
    %le3A_562 = arith.cmpf ole, %squeeze3A_560, %le3A_561 : vector<256x128xf32>
    %jit3A_563 = arith.constant 1.280000e+02 : f32
    %jit3A_564 = arith.constant 0.000000e+00 : f32
    %broadcast_in_dim3A_565 = vector.broadcast %jit3A_563 : f32 to vector<256x128xf32>
    %broadcast_in_dim3A_566 = vector.broadcast %jit3A_564 : f32 to vector<256x128xf32>
    %select_n3A_567 = arith.select %le3A_562, %broadcast_in_dim3A_565, %broadcast_in_dim3A_566 : vector<256x128xi1>, vector<256x128xf32>
    %add3A_568 = arith.addf %add3A_558, %select_n3A_567 : vector<256x128xf32>
    %slice3A_569 = vector.extract_strided_slice %reshape3A {offsets = [0, 40, 0], sizes = [256, 1, 128], strides = [1, 1, 1]} : vector<256x79x128xf32> to vector<256x1x128xf32>
    %squeeze3A_570 = vector.shape_cast %slice3A_569 : vector<256x1x128xf32> to vector<256x128xf32>
    %le3A_571 = vector.broadcast %broadcast_in_dim3A_159 : vector<256x1xf32> to vector<256x128xf32>
    %le3A_572 = arith.cmpf ole, %squeeze3A_570, %le3A_571 : vector<256x128xf32>
    %jit3A_573 = arith.constant 2.560000e+02 : f32
    %jit3A_574 = arith.constant 0.000000e+00 : f32
    %broadcast_in_dim3A_575 = vector.broadcast %jit3A_573 : f32 to vector<256x128xf32>
    %broadcast_in_dim3A_576 = vector.broadcast %jit3A_574 : f32 to vector<256x128xf32>
    %select_n3A_577 = arith.select %le3A_572, %broadcast_in_dim3A_575, %broadcast_in_dim3A_576 : vector<256x128xi1>, vector<256x128xf32>
    %add3A_578 = arith.addf %add3A_568, %select_n3A_577 : vector<256x128xf32>
    %slice3A_579 = vector.extract_strided_slice %reshape3A {offsets = [0, 41, 0], sizes = [256, 1, 128], strides = [1, 1, 1]} : vector<256x79x128xf32> to vector<256x1x128xf32>
    %squeeze3A_580 = vector.shape_cast %slice3A_579 : vector<256x1x128xf32> to vector<256x128xf32>
    %le3A_581 = vector.broadcast %broadcast_in_dim3A_159 : vector<256x1xf32> to vector<256x128xf32>
    %le3A_582 = arith.cmpf ole, %squeeze3A_580, %le3A_581 : vector<256x128xf32>
    %jit3A_583 = arith.constant 5.120000e+02 : f32
    %jit3A_584 = arith.constant 0.000000e+00 : f32
    %broadcast_in_dim3A_585 = vector.broadcast %jit3A_583 : f32 to vector<256x128xf32>
    %broadcast_in_dim3A_586 = vector.broadcast %jit3A_584 : f32 to vector<256x128xf32>
    %select_n3A_587 = arith.select %le3A_582, %broadcast_in_dim3A_585, %broadcast_in_dim3A_586 : vector<256x128xi1>, vector<256x128xf32>
    %add3A_588 = arith.addf %add3A_578, %select_n3A_587 : vector<256x128xf32>
    %slice3A_589 = vector.extract_strided_slice %reshape3A {offsets = [0, 42, 0], sizes = [256, 1, 128], strides = [1, 1, 1]} : vector<256x79x128xf32> to vector<256x1x128xf32>
    %squeeze3A_590 = vector.shape_cast %slice3A_589 : vector<256x1x128xf32> to vector<256x128xf32>
    %le3A_591 = vector.broadcast %broadcast_in_dim3A_159 : vector<256x1xf32> to vector<256x128xf32>
    %le3A_592 = arith.cmpf ole, %squeeze3A_590, %le3A_591 : vector<256x128xf32>
    %jit3A_593 = arith.constant 1.024000e+03 : f32
    %jit3A_594 = arith.constant 0.000000e+00 : f32
    %broadcast_in_dim3A_595 = vector.broadcast %jit3A_593 : f32 to vector<256x128xf32>
    %broadcast_in_dim3A_596 = vector.broadcast %jit3A_594 : f32 to vector<256x128xf32>
    %select_n3A_597 = arith.select %le3A_592, %broadcast_in_dim3A_595, %broadcast_in_dim3A_596 : vector<256x128xi1>, vector<256x128xf32>
    %add3A_598 = arith.addf %add3A_588, %select_n3A_597 : vector<256x128xf32>
    %slice3A_599 = vector.extract_strided_slice %reshape3A {offsets = [0, 43, 0], sizes = [256, 1, 128], strides = [1, 1, 1]} : vector<256x79x128xf32> to vector<256x1x128xf32>
    %squeeze3A_600 = vector.shape_cast %slice3A_599 : vector<256x1x128xf32> to vector<256x128xf32>
    %le3A_601 = vector.broadcast %broadcast_in_dim3A_159 : vector<256x1xf32> to vector<256x128xf32>
    %le3A_602 = arith.cmpf ole, %squeeze3A_600, %le3A_601 : vector<256x128xf32>
    %jit3A_603 = arith.constant 2.048000e+03 : f32
    %jit3A_604 = arith.constant 0.000000e+00 : f32
    %broadcast_in_dim3A_605 = vector.broadcast %jit3A_603 : f32 to vector<256x128xf32>
    %broadcast_in_dim3A_606 = vector.broadcast %jit3A_604 : f32 to vector<256x128xf32>
    %select_n3A_607 = arith.select %le3A_602, %broadcast_in_dim3A_605, %broadcast_in_dim3A_606 : vector<256x128xi1>, vector<256x128xf32>
    %add3A_608 = arith.addf %add3A_598, %select_n3A_607 : vector<256x128xf32>
    %slice3A_609 = vector.extract_strided_slice %reshape3A {offsets = [0, 44, 0], sizes = [256, 1, 128], strides = [1, 1, 1]} : vector<256x79x128xf32> to vector<256x1x128xf32>
    %squeeze3A_610 = vector.shape_cast %slice3A_609 : vector<256x1x128xf32> to vector<256x128xf32>
    %le3A_611 = vector.broadcast %broadcast_in_dim3A_159 : vector<256x1xf32> to vector<256x128xf32>
    %le3A_612 = arith.cmpf ole, %squeeze3A_610, %le3A_611 : vector<256x128xf32>
    %jit3A_613 = arith.constant 4.096000e+03 : f32
    %jit3A_614 = arith.constant 0.000000e+00 : f32
    %broadcast_in_dim3A_615 = vector.broadcast %jit3A_613 : f32 to vector<256x128xf32>
    %broadcast_in_dim3A_616 = vector.broadcast %jit3A_614 : f32 to vector<256x128xf32>
    %select_n3A_617 = arith.select %le3A_612, %broadcast_in_dim3A_615, %broadcast_in_dim3A_616 : vector<256x128xi1>, vector<256x128xf32>
    %add3A_618 = arith.addf %add3A_608, %select_n3A_617 : vector<256x128xf32>
    %slice3A_619 = vector.extract_strided_slice %reshape3A {offsets = [0, 45, 0], sizes = [256, 1, 128], strides = [1, 1, 1]} : vector<256x79x128xf32> to vector<256x1x128xf32>
    %squeeze3A_620 = vector.shape_cast %slice3A_619 : vector<256x1x128xf32> to vector<256x128xf32>
    %le3A_621 = vector.broadcast %broadcast_in_dim3A_159 : vector<256x1xf32> to vector<256x128xf32>
    %le3A_622 = arith.cmpf ole, %squeeze3A_620, %le3A_621 : vector<256x128xf32>
    %jit3A_623 = arith.constant 8.192000e+03 : f32
    %jit3A_624 = arith.constant 0.000000e+00 : f32
    %broadcast_in_dim3A_625 = vector.broadcast %jit3A_623 : f32 to vector<256x128xf32>
    %broadcast_in_dim3A_626 = vector.broadcast %jit3A_624 : f32 to vector<256x128xf32>
    %select_n3A_627 = arith.select %le3A_622, %broadcast_in_dim3A_625, %broadcast_in_dim3A_626 : vector<256x128xi1>, vector<256x128xf32>
    %add3A_628 = arith.addf %add3A_618, %select_n3A_627 : vector<256x128xf32>
    %slice3A_629 = vector.extract_strided_slice %reshape3A {offsets = [0, 46, 0], sizes = [256, 1, 128], strides = [1, 1, 1]} : vector<256x79x128xf32> to vector<256x1x128xf32>
    %squeeze3A_630 = vector.shape_cast %slice3A_629 : vector<256x1x128xf32> to vector<256x128xf32>
    %le3A_631 = vector.broadcast %broadcast_in_dim3A_159 : vector<256x1xf32> to vector<256x128xf32>
    %le3A_632 = arith.cmpf ole, %squeeze3A_630, %le3A_631 : vector<256x128xf32>
    %jit3A_633 = arith.constant 1.638400e+04 : f32
    %jit3A_634 = arith.constant 0.000000e+00 : f32
    %broadcast_in_dim3A_635 = vector.broadcast %jit3A_633 : f32 to vector<256x128xf32>
    %broadcast_in_dim3A_636 = vector.broadcast %jit3A_634 : f32 to vector<256x128xf32>
    %select_n3A_637 = arith.select %le3A_632, %broadcast_in_dim3A_635, %broadcast_in_dim3A_636 : vector<256x128xi1>, vector<256x128xf32>
    %add3A_638 = arith.addf %add3A_628, %select_n3A_637 : vector<256x128xf32>
    %slice3A_639 = vector.extract_strided_slice %reshape3A {offsets = [0, 47, 0], sizes = [256, 1, 128], strides = [1, 1, 1]} : vector<256x79x128xf32> to vector<256x1x128xf32>
    %squeeze3A_640 = vector.shape_cast %slice3A_639 : vector<256x1x128xf32> to vector<256x128xf32>
    %le3A_641 = vector.broadcast %broadcast_in_dim3A_159 : vector<256x1xf32> to vector<256x128xf32>
    %le3A_642 = arith.cmpf ole, %squeeze3A_640, %le3A_641 : vector<256x128xf32>
    %jit3A_643 = arith.constant 3.276800e+04 : f32
    %jit3A_644 = arith.constant 0.000000e+00 : f32
    %broadcast_in_dim3A_645 = vector.broadcast %jit3A_643 : f32 to vector<256x128xf32>
    %broadcast_in_dim3A_646 = vector.broadcast %jit3A_644 : f32 to vector<256x128xf32>
    %select_n3A_647 = arith.select %le3A_642, %broadcast_in_dim3A_645, %broadcast_in_dim3A_646 : vector<256x128xi1>, vector<256x128xf32>
    %add3A_648 = arith.addf %add3A_638, %select_n3A_647 : vector<256x128xf32>
    %swap3A_649 = arith.constant 0 : index
    %swap3A_650 = arith.constant 256 : index
    %swap3A_651 = vector.load %arg8[%swap3A_649, %swap3A_650] : memref<256x640xf32, #tpu.memory_space<vmem>>, vector<256x128xf32>
    tpu.vector_store %arg8[%swap3A_649, %swap3A_650], %add3A_648 {strides = array<i32>} : memref<256x640xf32, #tpu.memory_space<vmem>>, vector<256x128xf32>,
    %broadcast_in_dim3A_652 = arith.constant 0.000000e+00 : f32
    %broadcast_in_dim3A_653 = vector.broadcast %broadcast_in_dim3A_652 : f32 to vector<256x128xf32>
    %slice3A_654 = vector.extract_strided_slice %reshape3A {offsets = [0, 48, 0], sizes = [256, 1, 128], strides = [1, 1, 1]} : vector<256x79x128xf32> to vector<256x1x128xf32>
    %squeeze3A_655 = vector.shape_cast %slice3A_654 : vector<256x1x128xf32> to vector<256x128xf32>
    %le3A_656 = vector.broadcast %broadcast_in_dim3A_159 : vector<256x1xf32> to vector<256x128xf32>
    %le3A_657 = arith.cmpf ole, %squeeze3A_655, %le3A_656 : vector<256x128xf32>
    %jit3A_658 = arith.constant 1.000000e+00 : f32
    %jit3A_659 = arith.constant 0.000000e+00 : f32
    %broadcast_in_dim3A_660 = vector.broadcast %jit3A_658 : f32 to vector<256x128xf32>
    %broadcast_in_dim3A_661 = vector.broadcast %jit3A_659 : f32 to vector<256x128xf32>
    %select_n3A_662 = arith.select %le3A_657, %broadcast_in_dim3A_660, %broadcast_in_dim3A_661 : vector<256x128xi1>, vector<256x128xf32>
    %add3A_663 = arith.addf %broadcast_in_dim3A_653, %select_n3A_662 : vector<256x128xf32>
    %slice3A_664 = vector.extract_strided_slice %reshape3A {offsets = [0, 49, 0], sizes = [256, 1, 128], strides = [1, 1, 1]} : vector<256x79x128xf32> to vector<256x1x128xf32>
    %squeeze3A_665 = vector.shape_cast %slice3A_664 : vector<256x1x128xf32> to vector<256x128xf32>
    %le3A_666 = vector.broadcast %broadcast_in_dim3A_159 : vector<256x1xf32> to vector<256x128xf32>
    %le3A_667 = arith.cmpf ole, %squeeze3A_665, %le3A_666 : vector<256x128xf32>
    %jit3A_668 = arith.constant 2.000000e+00 : f32
    %jit3A_669 = arith.constant 0.000000e+00 : f32
    %broadcast_in_dim3A_670 = vector.broadcast %jit3A_668 : f32 to vector<256x128xf32>
    %broadcast_in_dim3A_671 = vector.broadcast %jit3A_669 : f32 to vector<256x128xf32>
    %select_n3A_672 = arith.select %le3A_667, %broadcast_in_dim3A_670, %broadcast_in_dim3A_671 : vector<256x128xi1>, vector<256x128xf32>
    %add3A_673 = arith.addf %add3A_663, %select_n3A_672 : vector<256x128xf32>
    %slice3A_674 = vector.extract_strided_slice %reshape3A {offsets = [0, 50, 0], sizes = [256, 1, 128], strides = [1, 1, 1]} : vector<256x79x128xf32> to vector<256x1x128xf32>
    %squeeze3A_675 = vector.shape_cast %slice3A_674 : vector<256x1x128xf32> to vector<256x128xf32>
    %le3A_676 = vector.broadcast %broadcast_in_dim3A_159 : vector<256x1xf32> to vector<256x128xf32>
    %le3A_677 = arith.cmpf ole, %squeeze3A_675, %le3A_676 : vector<256x128xf32>
    %jit3A_678 = arith.constant 4.000000e+00 : f32
    %jit3A_679 = arith.constant 0.000000e+00 : f32
    %broadcast_in_dim3A_680 = vector.broadcast %jit3A_678 : f32 to vector<256x128xf32>
    %broadcast_in_dim3A_681 = vector.broadcast %jit3A_679 : f32 to vector<256x128xf32>
    %select_n3A_682 = arith.select %le3A_677, %broadcast_in_dim3A_680, %broadcast_in_dim3A_681 : vector<256x128xi1>, vector<256x128xf32>
    %add3A_683 = arith.addf %add3A_673, %select_n3A_682 : vector<256x128xf32>
    %slice3A_684 = vector.extract_strided_slice %reshape3A {offsets = [0, 51, 0], sizes = [256, 1, 128], strides = [1, 1, 1]} : vector<256x79x128xf32> to vector<256x1x128xf32>
    %squeeze3A_685 = vector.shape_cast %slice3A_684 : vector<256x1x128xf32> to vector<256x128xf32>
    %le3A_686 = vector.broadcast %broadcast_in_dim3A_159 : vector<256x1xf32> to vector<256x128xf32>
    %le3A_687 = arith.cmpf ole, %squeeze3A_685, %le3A_686 : vector<256x128xf32>
    %jit3A_688 = arith.constant 8.000000e+00 : f32
    %jit3A_689 = arith.constant 0.000000e+00 : f32
    %broadcast_in_dim3A_690 = vector.broadcast %jit3A_688 : f32 to vector<256x128xf32>
    %broadcast_in_dim3A_691 = vector.broadcast %jit3A_689 : f32 to vector<256x128xf32>
    %select_n3A_692 = arith.select %le3A_687, %broadcast_in_dim3A_690, %broadcast_in_dim3A_691 : vector<256x128xi1>, vector<256x128xf32>
    %add3A_693 = arith.addf %add3A_683, %select_n3A_692 : vector<256x128xf32>
    %slice3A_694 = vector.extract_strided_slice %reshape3A {offsets = [0, 52, 0], sizes = [256, 1, 128], strides = [1, 1, 1]} : vector<256x79x128xf32> to vector<256x1x128xf32>
    %squeeze3A_695 = vector.shape_cast %slice3A_694 : vector<256x1x128xf32> to vector<256x128xf32>
    %le3A_696 = vector.broadcast %broadcast_in_dim3A_159 : vector<256x1xf32> to vector<256x128xf32>
    %le3A_697 = arith.cmpf ole, %squeeze3A_695, %le3A_696 : vector<256x128xf32>
    %jit3A_698 = arith.constant 1.600000e+01 : f32
    %jit3A_699 = arith.constant 0.000000e+00 : f32
    %broadcast_in_dim3A_700 = vector.broadcast %jit3A_698 : f32 to vector<256x128xf32>
    %broadcast_in_dim3A_701 = vector.broadcast %jit3A_699 : f32 to vector<256x128xf32>
    %select_n3A_702 = arith.select %le3A_697, %broadcast_in_dim3A_700, %broadcast_in_dim3A_701 : vector<256x128xi1>, vector<256x128xf32>
    %add3A_703 = arith.addf %add3A_693, %select_n3A_702 : vector<256x128xf32>
    %slice3A_704 = vector.extract_strided_slice %reshape3A {offsets = [0, 53, 0], sizes = [256, 1, 128], strides = [1, 1, 1]} : vector<256x79x128xf32> to vector<256x1x128xf32>
    %squeeze3A_705 = vector.shape_cast %slice3A_704 : vector<256x1x128xf32> to vector<256x128xf32>
    %le3A_706 = vector.broadcast %broadcast_in_dim3A_159 : vector<256x1xf32> to vector<256x128xf32>
    %le3A_707 = arith.cmpf ole, %squeeze3A_705, %le3A_706 : vector<256x128xf32>
    %jit3A_708 = arith.constant 3.200000e+01 : f32
    %jit3A_709 = arith.constant 0.000000e+00 : f32
    %broadcast_in_dim3A_710 = vector.broadcast %jit3A_708 : f32 to vector<256x128xf32>
    %broadcast_in_dim3A_711 = vector.broadcast %jit3A_709 : f32 to vector<256x128xf32>
    %select_n3A_712 = arith.select %le3A_707, %broadcast_in_dim3A_710, %broadcast_in_dim3A_711 : vector<256x128xi1>, vector<256x128xf32>
    %add3A_713 = arith.addf %add3A_703, %select_n3A_712 : vector<256x128xf32>
    %slice3A_714 = vector.extract_strided_slice %reshape3A {offsets = [0, 54, 0], sizes = [256, 1, 128], strides = [1, 1, 1]} : vector<256x79x128xf32> to vector<256x1x128xf32>
    %squeeze3A_715 = vector.shape_cast %slice3A_714 : vector<256x1x128xf32> to vector<256x128xf32>
    %le3A_716 = vector.broadcast %broadcast_in_dim3A_159 : vector<256x1xf32> to vector<256x128xf32>
    %le3A_717 = arith.cmpf ole, %squeeze3A_715, %le3A_716 : vector<256x128xf32>
    %jit3A_718 = arith.constant 6.400000e+01 : f32
    %jit3A_719 = arith.constant 0.000000e+00 : f32
    %broadcast_in_dim3A_720 = vector.broadcast %jit3A_718 : f32 to vector<256x128xf32>
    %broadcast_in_dim3A_721 = vector.broadcast %jit3A_719 : f32 to vector<256x128xf32>
    %select_n3A_722 = arith.select %le3A_717, %broadcast_in_dim3A_720, %broadcast_in_dim3A_721 : vector<256x128xi1>, vector<256x128xf32>
    %add3A_723 = arith.addf %add3A_713, %select_n3A_722 : vector<256x128xf32>
    %slice3A_724 = vector.extract_strided_slice %reshape3A {offsets = [0, 55, 0], sizes = [256, 1, 128], strides = [1, 1, 1]} : vector<256x79x128xf32> to vector<256x1x128xf32>
    %squeeze3A_725 = vector.shape_cast %slice3A_724 : vector<256x1x128xf32> to vector<256x128xf32>
    %le3A_726 = vector.broadcast %broadcast_in_dim3A_159 : vector<256x1xf32> to vector<256x128xf32>
    %le3A_727 = arith.cmpf ole, %squeeze3A_725, %le3A_726 : vector<256x128xf32>
    %jit3A_728 = arith.constant 1.280000e+02 : f32
    %jit3A_729 = arith.constant 0.000000e+00 : f32
    %broadcast_in_dim3A_730 = vector.broadcast %jit3A_728 : f32 to vector<256x128xf32>
    %broadcast_in_dim3A_731 = vector.broadcast %jit3A_729 : f32 to vector<256x128xf32>
    %select_n3A_732 = arith.select %le3A_727, %broadcast_in_dim3A_730, %broadcast_in_dim3A_731 : vector<256x128xi1>, vector<256x128xf32>
    %add3A_733 = arith.addf %add3A_723, %select_n3A_732 : vector<256x128xf32>
    %slice3A_734 = vector.extract_strided_slice %reshape3A {offsets = [0, 56, 0], sizes = [256, 1, 128], strides = [1, 1, 1]} : vector<256x79x128xf32> to vector<256x1x128xf32>
    %squeeze3A_735 = vector.shape_cast %slice3A_734 : vector<256x1x128xf32> to vector<256x128xf32>
    %le3A_736 = vector.broadcast %broadcast_in_dim3A_159 : vector<256x1xf32> to vector<256x128xf32>
    %le3A_737 = arith.cmpf ole, %squeeze3A_735, %le3A_736 : vector<256x128xf32>
    %jit3A_738 = arith.constant 2.560000e+02 : f32
    %jit3A_739 = arith.constant 0.000000e+00 : f32
    %broadcast_in_dim3A_740 = vector.broadcast %jit3A_738 : f32 to vector<256x128xf32>
    %broadcast_in_dim3A_741 = vector.broadcast %jit3A_739 : f32 to vector<256x128xf32>
    %select_n3A_742 = arith.select %le3A_737, %broadcast_in_dim3A_740, %broadcast_in_dim3A_741 : vector<256x128xi1>, vector<256x128xf32>
    %add3A_743 = arith.addf %add3A_733, %select_n3A_742 : vector<256x128xf32>
    %slice3A_744 = vector.extract_strided_slice %reshape3A {offsets = [0, 57, 0], sizes = [256, 1, 128], strides = [1, 1, 1]} : vector<256x79x128xf32> to vector<256x1x128xf32>
    %squeeze3A_745 = vector.shape_cast %slice3A_744 : vector<256x1x128xf32> to vector<256x128xf32>
    %le3A_746 = vector.broadcast %broadcast_in_dim3A_159 : vector<256x1xf32> to vector<256x128xf32>
    %le3A_747 = arith.cmpf ole, %squeeze3A_745, %le3A_746 : vector<256x128xf32>
    %jit3A_748 = arith.constant 5.120000e+02 : f32
    %jit3A_749 = arith.constant 0.000000e+00 : f32
    %broadcast_in_dim3A_750 = vector.broadcast %jit3A_748 : f32 to vector<256x128xf32>
    %broadcast_in_dim3A_751 = vector.broadcast %jit3A_749 : f32 to vector<256x128xf32>
    %select_n3A_752 = arith.select %le3A_747, %broadcast_in_dim3A_750, %broadcast_in_dim3A_751 : vector<256x128xi1>, vector<256x128xf32>
    %add3A_753 = arith.addf %add3A_743, %select_n3A_752 : vector<256x128xf32>
    %slice3A_754 = vector.extract_strided_slice %reshape3A {offsets = [0, 58, 0], sizes = [256, 1, 128], strides = [1, 1, 1]} : vector<256x79x128xf32> to vector<256x1x128xf32>
    %squeeze3A_755 = vector.shape_cast %slice3A_754 : vector<256x1x128xf32> to vector<256x128xf32>
    %le3A_756 = vector.broadcast %broadcast_in_dim3A_159 : vector<256x1xf32> to vector<256x128xf32>
    %le3A_757 = arith.cmpf ole, %squeeze3A_755, %le3A_756 : vector<256x128xf32>
    %jit3A_758 = arith.constant 1.024000e+03 : f32
    %jit3A_759 = arith.constant 0.000000e+00 : f32
    %broadcast_in_dim3A_760 = vector.broadcast %jit3A_758 : f32 to vector<256x128xf32>
    %broadcast_in_dim3A_761 = vector.broadcast %jit3A_759 : f32 to vector<256x128xf32>
    %select_n3A_762 = arith.select %le3A_757, %broadcast_in_dim3A_760, %broadcast_in_dim3A_761 : vector<256x128xi1>, vector<256x128xf32>
    %add3A_763 = arith.addf %add3A_753, %select_n3A_762 : vector<256x128xf32>
    %slice3A_764 = vector.extract_strided_slice %reshape3A {offsets = [0, 59, 0], sizes = [256, 1, 128], strides = [1, 1, 1]} : vector<256x79x128xf32> to vector<256x1x128xf32>
    %squeeze3A_765 = vector.shape_cast %slice3A_764 : vector<256x1x128xf32> to vector<256x128xf32>
    %le3A_766 = vector.broadcast %broadcast_in_dim3A_159 : vector<256x1xf32> to vector<256x128xf32>
    %le3A_767 = arith.cmpf ole, %squeeze3A_765, %le3A_766 : vector<256x128xf32>
    %jit3A_768 = arith.constant 2.048000e+03 : f32
    %jit3A_769 = arith.constant 0.000000e+00 : f32
    %broadcast_in_dim3A_770 = vector.broadcast %jit3A_768 : f32 to vector<256x128xf32>
    %broadcast_in_dim3A_771 = vector.broadcast %jit3A_769 : f32 to vector<256x128xf32>
    %select_n3A_772 = arith.select %le3A_767, %broadcast_in_dim3A_770, %broadcast_in_dim3A_771 : vector<256x128xi1>, vector<256x128xf32>
    %add3A_773 = arith.addf %add3A_763, %select_n3A_772 : vector<256x128xf32>
    %slice3A_774 = vector.extract_strided_slice %reshape3A {offsets = [0, 60, 0], sizes = [256, 1, 128], strides = [1, 1, 1]} : vector<256x79x128xf32> to vector<256x1x128xf32>
    %squeeze3A_775 = vector.shape_cast %slice3A_774 : vector<256x1x128xf32> to vector<256x128xf32>
    %le3A_776 = vector.broadcast %broadcast_in_dim3A_159 : vector<256x1xf32> to vector<256x128xf32>
    %le3A_777 = arith.cmpf ole, %squeeze3A_775, %le3A_776 : vector<256x128xf32>
    %jit3A_778 = arith.constant 4.096000e+03 : f32
    %jit3A_779 = arith.constant 0.000000e+00 : f32
    %broadcast_in_dim3A_780 = vector.broadcast %jit3A_778 : f32 to vector<256x128xf32>
    %broadcast_in_dim3A_781 = vector.broadcast %jit3A_779 : f32 to vector<256x128xf32>
    %select_n3A_782 = arith.select %le3A_777, %broadcast_in_dim3A_780, %broadcast_in_dim3A_781 : vector<256x128xi1>, vector<256x128xf32>
    %add3A_783 = arith.addf %add3A_773, %select_n3A_782 : vector<256x128xf32>
    %slice3A_784 = vector.extract_strided_slice %reshape3A {offsets = [0, 61, 0], sizes = [256, 1, 128], strides = [1, 1, 1]} : vector<256x79x128xf32> to vector<256x1x128xf32>
    %squeeze3A_785 = vector.shape_cast %slice3A_784 : vector<256x1x128xf32> to vector<256x128xf32>
    %le3A_786 = vector.broadcast %broadcast_in_dim3A_159 : vector<256x1xf32> to vector<256x128xf32>
    %le3A_787 = arith.cmpf ole, %squeeze3A_785, %le3A_786 : vector<256x128xf32>
    %jit3A_788 = arith.constant 8.192000e+03 : f32
    %jit3A_789 = arith.constant 0.000000e+00 : f32
    %broadcast_in_dim3A_790 = vector.broadcast %jit3A_788 : f32 to vector<256x128xf32>
    %broadcast_in_dim3A_791 = vector.broadcast %jit3A_789 : f32 to vector<256x128xf32>
    %select_n3A_792 = arith.select %le3A_787, %broadcast_in_dim3A_790, %broadcast_in_dim3A_791 : vector<256x128xi1>, vector<256x128xf32>
    %add3A_793 = arith.addf %add3A_783, %select_n3A_792 : vector<256x128xf32>
    %slice3A_794 = vector.extract_strided_slice %reshape3A {offsets = [0, 62, 0], sizes = [256, 1, 128], strides = [1, 1, 1]} : vector<256x79x128xf32> to vector<256x1x128xf32>
    %squeeze3A_795 = vector.shape_cast %slice3A_794 : vector<256x1x128xf32> to vector<256x128xf32>
    %le3A_796 = vector.broadcast %broadcast_in_dim3A_159 : vector<256x1xf32> to vector<256x128xf32>
    %le3A_797 = arith.cmpf ole, %squeeze3A_795, %le3A_796 : vector<256x128xf32>
    %jit3A_798 = arith.constant 1.638400e+04 : f32
    %jit3A_799 = arith.constant 0.000000e+00 : f32
    %broadcast_in_dim3A_800 = vector.broadcast %jit3A_798 : f32 to vector<256x128xf32>
    %broadcast_in_dim3A_801 = vector.broadcast %jit3A_799 : f32 to vector<256x128xf32>
    %select_n3A_802 = arith.select %le3A_797, %broadcast_in_dim3A_800, %broadcast_in_dim3A_801 : vector<256x128xi1>, vector<256x128xf32>
    %add3A_803 = arith.addf %add3A_793, %select_n3A_802 : vector<256x128xf32>
    %slice3A_804 = vector.extract_strided_slice %reshape3A {offsets = [0, 63, 0], sizes = [256, 1, 128], strides = [1, 1, 1]} : vector<256x79x128xf32> to vector<256x1x128xf32>
    %squeeze3A_805 = vector.shape_cast %slice3A_804 : vector<256x1x128xf32> to vector<256x128xf32>
    %le3A_806 = vector.broadcast %broadcast_in_dim3A_159 : vector<256x1xf32> to vector<256x128xf32>
    %le3A_807 = arith.cmpf ole, %squeeze3A_805, %le3A_806 : vector<256x128xf32>
    %jit3A_808 = arith.constant 3.276800e+04 : f32
    %jit3A_809 = arith.constant 0.000000e+00 : f32
    %broadcast_in_dim3A_810 = vector.broadcast %jit3A_808 : f32 to vector<256x128xf32>
    %broadcast_in_dim3A_811 = vector.broadcast %jit3A_809 : f32 to vector<256x128xf32>
    %select_n3A_812 = arith.select %le3A_807, %broadcast_in_dim3A_810, %broadcast_in_dim3A_811 : vector<256x128xi1>, vector<256x128xf32>
    %add3A_813 = arith.addf %add3A_803, %select_n3A_812 : vector<256x128xf32>
    %swap3A_814 = arith.constant 0 : index
    %swap3A_815 = arith.constant 384 : index
    %swap3A_816 = vector.load %arg8[%swap3A_814, %swap3A_815] : memref<256x640xf32, #tpu.memory_space<vmem>>, vector<256x128xf32>
    tpu.vector_store %arg8[%swap3A_814, %swap3A_815], %add3A_813 {strides = array<i32>} : memref<256x640xf32, #tpu.memory_space<vmem>>, vector<256x128xf32>,
    %broadcast_in_dim3A_817 = arith.constant 0.000000e+00 : f32
    %broadcast_in_dim3A_818 = vector.broadcast %broadcast_in_dim3A_817 : f32 to vector<256x128xf32>
    %slice3A_819 = vector.extract_strided_slice %reshape3A {offsets = [0, 64, 0], sizes = [256, 1, 128], strides = [1, 1, 1]} : vector<256x79x128xf32> to vector<256x1x128xf32>
    %squeeze3A_820 = vector.shape_cast %slice3A_819 : vector<256x1x128xf32> to vector<256x128xf32>
    %le3A_821 = vector.broadcast %broadcast_in_dim3A_159 : vector<256x1xf32> to vector<256x128xf32>
    %le3A_822 = arith.cmpf ole, %squeeze3A_820, %le3A_821 : vector<256x128xf32>
    %jit3A_823 = arith.constant 1.000000e+00 : f32
    %jit3A_824 = arith.constant 0.000000e+00 : f32
    %broadcast_in_dim3A_825 = vector.broadcast %jit3A_823 : f32 to vector<256x128xf32>
    %broadcast_in_dim3A_826 = vector.broadcast %jit3A_824 : f32 to vector<256x128xf32>
    %select_n3A_827 = arith.select %le3A_822, %broadcast_in_dim3A_825, %broadcast_in_dim3A_826 : vector<256x128xi1>, vector<256x128xf32>
    %add3A_828 = arith.addf %broadcast_in_dim3A_818, %select_n3A_827 : vector<256x128xf32>
    %slice3A_829 = vector.extract_strided_slice %reshape3A {offsets = [0, 65, 0], sizes = [256, 1, 128], strides = [1, 1, 1]} : vector<256x79x128xf32> to vector<256x1x128xf32>
    %squeeze3A_830 = vector.shape_cast %slice3A_829 : vector<256x1x128xf32> to vector<256x128xf32>
    %le3A_831 = vector.broadcast %broadcast_in_dim3A_159 : vector<256x1xf32> to vector<256x128xf32>
    %le3A_832 = arith.cmpf ole, %squeeze3A_830, %le3A_831 : vector<256x128xf32>
    %jit3A_833 = arith.constant 2.000000e+00 : f32
    %jit3A_834 = arith.constant 0.000000e+00 : f32
    %broadcast_in_dim3A_835 = vector.broadcast %jit3A_833 : f32 to vector<256x128xf32>
    %broadcast_in_dim3A_836 = vector.broadcast %jit3A_834 : f32 to vector<256x128xf32>
    %select_n3A_837 = arith.select %le3A_832, %broadcast_in_dim3A_835, %broadcast_in_dim3A_836 : vector<256x128xi1>, vector<256x128xf32>
    %add3A_838 = arith.addf %add3A_828, %select_n3A_837 : vector<256x128xf32>
    %slice3A_839 = vector.extract_strided_slice %reshape3A {offsets = [0, 66, 0], sizes = [256, 1, 128], strides = [1, 1, 1]} : vector<256x79x128xf32> to vector<256x1x128xf32>
    %squeeze3A_840 = vector.shape_cast %slice3A_839 : vector<256x1x128xf32> to vector<256x128xf32>
    %le3A_841 = vector.broadcast %broadcast_in_dim3A_159 : vector<256x1xf32> to vector<256x128xf32>
    %le3A_842 = arith.cmpf ole, %squeeze3A_840, %le3A_841 : vector<256x128xf32>
    %jit3A_843 = arith.constant 4.000000e+00 : f32
    %jit3A_844 = arith.constant 0.000000e+00 : f32
    %broadcast_in_dim3A_845 = vector.broadcast %jit3A_843 : f32 to vector<256x128xf32>
    %broadcast_in_dim3A_846 = vector.broadcast %jit3A_844 : f32 to vector<256x128xf32>
    %select_n3A_847 = arith.select %le3A_842, %broadcast_in_dim3A_845, %broadcast_in_dim3A_846 : vector<256x128xi1>, vector<256x128xf32>
    %add3A_848 = arith.addf %add3A_838, %select_n3A_847 : vector<256x128xf32>
    %slice3A_849 = vector.extract_strided_slice %reshape3A {offsets = [0, 67, 0], sizes = [256, 1, 128], strides = [1, 1, 1]} : vector<256x79x128xf32> to vector<256x1x128xf32>
    %squeeze3A_850 = vector.shape_cast %slice3A_849 : vector<256x1x128xf32> to vector<256x128xf32>
    %le3A_851 = vector.broadcast %broadcast_in_dim3A_159 : vector<256x1xf32> to vector<256x128xf32>
    %le3A_852 = arith.cmpf ole, %squeeze3A_850, %le3A_851 : vector<256x128xf32>
    %jit3A_853 = arith.constant 8.000000e+00 : f32
    %jit3A_854 = arith.constant 0.000000e+00 : f32
    %broadcast_in_dim3A_855 = vector.broadcast %jit3A_853 : f32 to vector<256x128xf32>
    %broadcast_in_dim3A_856 = vector.broadcast %jit3A_854 : f32 to vector<256x128xf32>
    %select_n3A_857 = arith.select %le3A_852, %broadcast_in_dim3A_855, %broadcast_in_dim3A_856 : vector<256x128xi1>, vector<256x128xf32>
    %add3A_858 = arith.addf %add3A_848, %select_n3A_857 : vector<256x128xf32>
    %slice3A_859 = vector.extract_strided_slice %reshape3A {offsets = [0, 68, 0], sizes = [256, 1, 128], strides = [1, 1, 1]} : vector<256x79x128xf32> to vector<256x1x128xf32>
    %squeeze3A_860 = vector.shape_cast %slice3A_859 : vector<256x1x128xf32> to vector<256x128xf32>
    %le3A_861 = vector.broadcast %broadcast_in_dim3A_159 : vector<256x1xf32> to vector<256x128xf32>
    %le3A_862 = arith.cmpf ole, %squeeze3A_860, %le3A_861 : vector<256x128xf32>
    %jit3A_863 = arith.constant 1.600000e+01 : f32
    %jit3A_864 = arith.constant 0.000000e+00 : f32
    %broadcast_in_dim3A_865 = vector.broadcast %jit3A_863 : f32 to vector<256x128xf32>
    %broadcast_in_dim3A_866 = vector.broadcast %jit3A_864 : f32 to vector<256x128xf32>
    %select_n3A_867 = arith.select %le3A_862, %broadcast_in_dim3A_865, %broadcast_in_dim3A_866 : vector<256x128xi1>, vector<256x128xf32>
    %add3A_868 = arith.addf %add3A_858, %select_n3A_867 : vector<256x128xf32>
    %slice3A_869 = vector.extract_strided_slice %reshape3A {offsets = [0, 69, 0], sizes = [256, 1, 128], strides = [1, 1, 1]} : vector<256x79x128xf32> to vector<256x1x128xf32>
    %squeeze3A_870 = vector.shape_cast %slice3A_869 : vector<256x1x128xf32> to vector<256x128xf32>
    %le3A_871 = vector.broadcast %broadcast_in_dim3A_159 : vector<256x1xf32> to vector<256x128xf32>
    %le3A_872 = arith.cmpf ole, %squeeze3A_870, %le3A_871 : vector<256x128xf32>
    %jit3A_873 = arith.constant 3.200000e+01 : f32
    %jit3A_874 = arith.constant 0.000000e+00 : f32
    %broadcast_in_dim3A_875 = vector.broadcast %jit3A_873 : f32 to vector<256x128xf32>
    %broadcast_in_dim3A_876 = vector.broadcast %jit3A_874 : f32 to vector<256x128xf32>
    %select_n3A_877 = arith.select %le3A_872, %broadcast_in_dim3A_875, %broadcast_in_dim3A_876 : vector<256x128xi1>, vector<256x128xf32>
    %add3A_878 = arith.addf %add3A_868, %select_n3A_877 : vector<256x128xf32>
    %slice3A_879 = vector.extract_strided_slice %reshape3A {offsets = [0, 70, 0], sizes = [256, 1, 128], strides = [1, 1, 1]} : vector<256x79x128xf32> to vector<256x1x128xf32>
    %squeeze3A_880 = vector.shape_cast %slice3A_879 : vector<256x1x128xf32> to vector<256x128xf32>
    %le3A_881 = vector.broadcast %broadcast_in_dim3A_159 : vector<256x1xf32> to vector<256x128xf32>
    %le3A_882 = arith.cmpf ole, %squeeze3A_880, %le3A_881 : vector<256x128xf32>
    %jit3A_883 = arith.constant 6.400000e+01 : f32
    %jit3A_884 = arith.constant 0.000000e+00 : f32
    %broadcast_in_dim3A_885 = vector.broadcast %jit3A_883 : f32 to vector<256x128xf32>
    %broadcast_in_dim3A_886 = vector.broadcast %jit3A_884 : f32 to vector<256x128xf32>
    %select_n3A_887 = arith.select %le3A_882, %broadcast_in_dim3A_885, %broadcast_in_dim3A_886 : vector<256x128xi1>, vector<256x128xf32>
    %add3A_888 = arith.addf %add3A_878, %select_n3A_887 : vector<256x128xf32>
    %slice3A_889 = vector.extract_strided_slice %reshape3A {offsets = [0, 71, 0], sizes = [256, 1, 128], strides = [1, 1, 1]} : vector<256x79x128xf32> to vector<256x1x128xf32>
    %squeeze3A_890 = vector.shape_cast %slice3A_889 : vector<256x1x128xf32> to vector<256x128xf32>
    %le3A_891 = vector.broadcast %broadcast_in_dim3A_159 : vector<256x1xf32> to vector<256x128xf32>
    %le3A_892 = arith.cmpf ole, %squeeze3A_890, %le3A_891 : vector<256x128xf32>
    %jit3A_893 = arith.constant 1.280000e+02 : f32
    %jit3A_894 = arith.constant 0.000000e+00 : f32
    %broadcast_in_dim3A_895 = vector.broadcast %jit3A_893 : f32 to vector<256x128xf32>
    %broadcast_in_dim3A_896 = vector.broadcast %jit3A_894 : f32 to vector<256x128xf32>
    %select_n3A_897 = arith.select %le3A_892, %broadcast_in_dim3A_895, %broadcast_in_dim3A_896 : vector<256x128xi1>, vector<256x128xf32>
    %add3A_898 = arith.addf %add3A_888, %select_n3A_897 : vector<256x128xf32>
    %slice3A_899 = vector.extract_strided_slice %reshape3A {offsets = [0, 72, 0], sizes = [256, 1, 128], strides = [1, 1, 1]} : vector<256x79x128xf32> to vector<256x1x128xf32>
    %squeeze3A_900 = vector.shape_cast %slice3A_899 : vector<256x1x128xf32> to vector<256x128xf32>
    %le3A_901 = vector.broadcast %broadcast_in_dim3A_159 : vector<256x1xf32> to vector<256x128xf32>
    %le3A_902 = arith.cmpf ole, %squeeze3A_900, %le3A_901 : vector<256x128xf32>
    %jit3A_903 = arith.constant 2.560000e+02 : f32
    %jit3A_904 = arith.constant 0.000000e+00 : f32
    %broadcast_in_dim3A_905 = vector.broadcast %jit3A_903 : f32 to vector<256x128xf32>
    %broadcast_in_dim3A_906 = vector.broadcast %jit3A_904 : f32 to vector<256x128xf32>
    %select_n3A_907 = arith.select %le3A_902, %broadcast_in_dim3A_905, %broadcast_in_dim3A_906 : vector<256x128xi1>, vector<256x128xf32>
    %add3A_908 = arith.addf %add3A_898, %select_n3A_907 : vector<256x128xf32>
    %slice3A_909 = vector.extract_strided_slice %reshape3A {offsets = [0, 73, 0], sizes = [256, 1, 128], strides = [1, 1, 1]} : vector<256x79x128xf32> to vector<256x1x128xf32>
    %squeeze3A_910 = vector.shape_cast %slice3A_909 : vector<256x1x128xf32> to vector<256x128xf32>
    %le3A_911 = vector.broadcast %broadcast_in_dim3A_159 : vector<256x1xf32> to vector<256x128xf32>
    %le3A_912 = arith.cmpf ole, %squeeze3A_910, %le3A_911 : vector<256x128xf32>
    %jit3A_913 = arith.constant 5.120000e+02 : f32
    %jit3A_914 = arith.constant 0.000000e+00 : f32
    %broadcast_in_dim3A_915 = vector.broadcast %jit3A_913 : f32 to vector<256x128xf32>
    %broadcast_in_dim3A_916 = vector.broadcast %jit3A_914 : f32 to vector<256x128xf32>
    %select_n3A_917 = arith.select %le3A_912, %broadcast_in_dim3A_915, %broadcast_in_dim3A_916 : vector<256x128xi1>, vector<256x128xf32>
    %add3A_918 = arith.addf %add3A_908, %select_n3A_917 : vector<256x128xf32>
    %slice3A_919 = vector.extract_strided_slice %reshape3A {offsets = [0, 74, 0], sizes = [256, 1, 128], strides = [1, 1, 1]} : vector<256x79x128xf32> to vector<256x1x128xf32>
    %squeeze3A_920 = vector.shape_cast %slice3A_919 : vector<256x1x128xf32> to vector<256x128xf32>
    %le3A_921 = vector.broadcast %broadcast_in_dim3A_159 : vector<256x1xf32> to vector<256x128xf32>
    %le3A_922 = arith.cmpf ole, %squeeze3A_920, %le3A_921 : vector<256x128xf32>
    %jit3A_923 = arith.constant 1.024000e+03 : f32
    %jit3A_924 = arith.constant 0.000000e+00 : f32
    %broadcast_in_dim3A_925 = vector.broadcast %jit3A_923 : f32 to vector<256x128xf32>
    %broadcast_in_dim3A_926 = vector.broadcast %jit3A_924 : f32 to vector<256x128xf32>
    %select_n3A_927 = arith.select %le3A_922, %broadcast_in_dim3A_925, %broadcast_in_dim3A_926 : vector<256x128xi1>, vector<256x128xf32>
    %add3A_928 = arith.addf %add3A_918, %select_n3A_927 : vector<256x128xf32>
    %slice3A_929 = vector.extract_strided_slice %reshape3A {offsets = [0, 75, 0], sizes = [256, 1, 128], strides = [1, 1, 1]} : vector<256x79x128xf32> to vector<256x1x128xf32>
    %squeeze3A_930 = vector.shape_cast %slice3A_929 : vector<256x1x128xf32> to vector<256x128xf32>
    %le3A_931 = vector.broadcast %broadcast_in_dim3A_159 : vector<256x1xf32> to vector<256x128xf32>
    %le3A_932 = arith.cmpf ole, %squeeze3A_930, %le3A_931 : vector<256x128xf32>
    %jit3A_933 = arith.constant 2.048000e+03 : f32
    %jit3A_934 = arith.constant 0.000000e+00 : f32
    %broadcast_in_dim3A_935 = vector.broadcast %jit3A_933 : f32 to vector<256x128xf32>
    %broadcast_in_dim3A_936 = vector.broadcast %jit3A_934 : f32 to vector<256x128xf32>
    %select_n3A_937 = arith.select %le3A_932, %broadcast_in_dim3A_935, %broadcast_in_dim3A_936 : vector<256x128xi1>, vector<256x128xf32>
    %add3A_938 = arith.addf %add3A_928, %select_n3A_937 : vector<256x128xf32>
    %slice3A_939 = vector.extract_strided_slice %reshape3A {offsets = [0, 76, 0], sizes = [256, 1, 128], strides = [1, 1, 1]} : vector<256x79x128xf32> to vector<256x1x128xf32>
    %squeeze3A_940 = vector.shape_cast %slice3A_939 : vector<256x1x128xf32> to vector<256x128xf32>
    %le3A_941 = vector.broadcast %broadcast_in_dim3A_159 : vector<256x1xf32> to vector<256x128xf32>
    %le3A_942 = arith.cmpf ole, %squeeze3A_940, %le3A_941 : vector<256x128xf32>
    %jit3A_943 = arith.constant 4.096000e+03 : f32
    %jit3A_944 = arith.constant 0.000000e+00 : f32
    %broadcast_in_dim3A_945 = vector.broadcast %jit3A_943 : f32 to vector<256x128xf32>
    %broadcast_in_dim3A_946 = vector.broadcast %jit3A_944 : f32 to vector<256x128xf32>
    %select_n3A_947 = arith.select %le3A_942, %broadcast_in_dim3A_945, %broadcast_in_dim3A_946 : vector<256x128xi1>, vector<256x128xf32>
    %add3A_948 = arith.addf %add3A_938, %select_n3A_947 : vector<256x128xf32>
    %slice3A_949 = vector.extract_strided_slice %reshape3A {offsets = [0, 77, 0], sizes = [256, 1, 128], strides = [1, 1, 1]} : vector<256x79x128xf32> to vector<256x1x128xf32>
    %squeeze3A_950 = vector.shape_cast %slice3A_949 : vector<256x1x128xf32> to vector<256x128xf32>
    %le3A_951 = vector.broadcast %broadcast_in_dim3A_159 : vector<256x1xf32> to vector<256x128xf32>
    %le3A_952 = arith.cmpf ole, %squeeze3A_950, %le3A_951 : vector<256x128xf32>
    %jit3A_953 = arith.constant 8.192000e+03 : f32
    %jit3A_954 = arith.constant 0.000000e+00 : f32
    %broadcast_in_dim3A_955 = vector.broadcast %jit3A_953 : f32 to vector<256x128xf32>
    %broadcast_in_dim3A_956 = vector.broadcast %jit3A_954 : f32 to vector<256x128xf32>
    %select_n3A_957 = arith.select %le3A_952, %broadcast_in_dim3A_955, %broadcast_in_dim3A_956 : vector<256x128xi1>, vector<256x128xf32>
    %add3A_958 = arith.addf %add3A_948, %select_n3A_957 : vector<256x128xf32>
    %slice3A_959 = vector.extract_strided_slice %reshape3A {offsets = [0, 78, 0], sizes = [256, 1, 128], strides = [1, 1, 1]} : vector<256x79x128xf32> to vector<256x1x128xf32>
    %squeeze3A_960 = vector.shape_cast %slice3A_959 : vector<256x1x128xf32> to vector<256x128xf32>
    %le3A_961 = vector.broadcast %broadcast_in_dim3A_159 : vector<256x1xf32> to vector<256x128xf32>
    %le3A_962 = arith.cmpf ole, %squeeze3A_960, %le3A_961 : vector<256x128xf32>
    %jit3A_963 = arith.constant 1.638400e+04 : f32
    %jit3A_964 = arith.constant 0.000000e+00 : f32
    %broadcast_in_dim3A_965 = vector.broadcast %jit3A_963 : f32 to vector<256x128xf32>
    %broadcast_in_dim3A_966 = vector.broadcast %jit3A_964 : f32 to vector<256x128xf32>
    %select_n3A_967 = arith.select %le3A_962, %broadcast_in_dim3A_965, %broadcast_in_dim3A_966 : vector<256x128xi1>, vector<256x128xf32>
    %add3A_968 = arith.addf %add3A_958, %select_n3A_967 : vector<256x128xf32>
    %swap3A_969 = arith.constant 0 : index
    %swap3A_970 = arith.constant 512 : index
    %swap3A_971 = vector.load %arg8[%swap3A_969, %swap3A_970] : memref<256x640xf32, #tpu.memory_space<vmem>>, vector<256x128xf32>
    tpu.vector_store %arg8[%swap3A_969, %swap3A_970], %add3A_968 {strides = array<i32>} : memref<256x640xf32, #tpu.memory_space<vmem>>, vector<256x128xf32>,
    return
  }
  func.func @transform_0(%arg0: i32) -> (i32, i32) {
    %c0_i32 = arith.constant 0 : i32
    %c0_i32_0 = arith.constant 0 : i32
    return %arg0, %c0_i32 : i32, i32
  }
  func.func @transform_1(%arg0: i32) -> (i32, i32) {
    %c0_i32 = arith.constant 0 : i32
    %c0_i32_0 = arith.constant 0 : i32
    %c0_i32_1 = arith.constant 0 : i32
    return %c0_i32, %c0_i32_0 : i32, i32
  }
  func.func @transform_2(%arg0: i32) -> (i32, i32) {
    %c0_i32 = arith.constant 0 : i32
    %c0_i32_0 = arith.constant 0 : i32
    return %arg0, %c0_i32 : i32, i32
  }
  func.func @transform_3(%arg0: i32) -> (i32, i32) {
    %c0_i32 = arith.constant 0 : i32
    %c0_i32_0 = arith.constant 0 : i32
    %c0_i32_1 = arith.constant 0 : i32
    return %c0_i32, %c0_i32_0 : i32, i32
  }
  func.func @transform_4(%arg0: i32) -> (i32, i32) {
    %c0_i32 = arith.constant 0 : i32
    %c0_i32_0 = arith.constant 0 : i32
    return %arg0, %c0_i32 : i32, i32
  }
  func.func @transform_5(%arg0: i32) -> (i32, i32) {
    %c0_i32 = arith.constant 0 : i32
    %c0_i32_0 = arith.constant 0 : i32
    %c0_i32_1 = arith.constant 0 : i32
    return %c0_i32, %c0_i32_0 : i32, i32
  }
  func.func @transform_6(%arg0: i32) -> (i32, i32) {
    %c0_i32 = arith.constant 0 : i32
    %c0_i32_0 = arith.constant 0 : i32
    return %arg0, %c0_i32 : i32, i32
  }
  func.func @transform_7(%arg0: i32) -> (i32, i32) {
    %c0_i32 = arith.constant 0 : i32
    %c0_i32_0 = arith.constant 0 : i32
    return %arg0, %c0_i32 : i32, i32
  }
}

module attributes {stable_mosaic.version = 14 : i64} {
  func.func @_ab_kernel(%arg0: i32, %arg1: memref<256x128xf32, #tpu.memory_space<vmem>>, %arg2: memref<128x768xf32, #tpu.memory_space<vmem>>, %arg3: memref<1x384xf32, #tpu.memory_space<vmem>>, %arg4: memref<256x384xf32, #tpu.memory_space<vmem>>, %arg5: memref<256x384xf32, #tpu.memory_space<vmem>>) attributes {dimension_semantics = [#tpu.dimension_semantics<arbitrary>], iteration_bounds = array<i64: 40>, scalar_prefetch = 0 : i64, scratch_operands = 0 : i64, tpu.core_type = #tpu.core_type<tc>, window_params = [{transform_indices = @transform_0, window_bounds = array<i64: 256, 128>}, {pipeline_mode = #tpu.pipeline_mode<synchronous>, transform_indices = @transform_1, window_bounds = array<i64: 128, 768>}, {pipeline_mode = #tpu.pipeline_mode<synchronous>, transform_indices = @transform_2, window_bounds = array<i64: 1, 384>}, {transform_indices = @transform_3, window_bounds = array<i64: 256, 384>}, {transform_indices = @transform_4, window_bounds = array<i64: 256, 384>}]} {
    %get3A = arith.constant 0 : index
    %get3A_0 = arith.constant 0 : index
    %get3A_1 = vector.load %arg1[%get3A, %get3A_0] : memref<256x128xf32, #tpu.memory_space<vmem>>, vector<256x128xf32>
    %get3A_2 = arith.constant 0 : index
    %get3A_3 = arith.constant 0 : index
    %get3A_4 = vector.load %arg2[%get3A_2, %get3A_3] : memref<128x768xf32, #tpu.memory_space<vmem>>, vector<128x768xf32>
    %dot_general3A = arith.constant dense<0.000000e+00> : vector<256x768xf32>
    %dot_general3A_5 = tpu.matmul %get3A_1, %get3A_4, %dot_general3A {dimension_numbers = #tpu.dot_dimension_numbers<[1], [0], [0], [1], [0, 0, 1, 1], [], []>, precision = #tpu.contract_precision<fp32>, transpose_lhs_hint = false} : vector<256x128xf32>, vector<128x768xf32>, vector<256x768xf32> -> vector<256x768xf32>
    %slice3A = vector.extract_strided_slice %dot_general3A_5 {offsets = [0, 0], sizes = [256, 384], strides = [1, 1]} : vector<256x768xf32> to vector<256x384xf32>
    %get3A_6 = arith.constant 0 : index
    %get3A_7 = arith.constant 0 : index
    %get3A_8 = vector.load %arg3[%get3A_6, %get3A_7] : memref<1x384xf32, #tpu.memory_space<vmem>>, vector<1x384xf32>
    %add3A = vector.broadcast %get3A_8 : vector<1x384xf32> to vector<256x384xf32>
    %add3A_9 = arith.addf %slice3A, %add3A : vector<256x384xf32>
    %swap3A = arith.constant 0 : index
    %swap3A_10 = arith.constant 0 : index
    %swap3A_11 = vector.load %arg4[%swap3A, %swap3A_10] : memref<256x384xf32, #tpu.memory_space<vmem>>, vector<256x384xf32>
    tpu.vector_store %arg4[%swap3A, %swap3A_10], %add3A_9 {strides = array<i32>} : memref<256x384xf32, #tpu.memory_space<vmem>>, vector<256x384xf32>,
    %slice3A_12 = vector.extract_strided_slice %dot_general3A_5 {offsets = [0, 384], sizes = [256, 384], strides = [1, 1]} : vector<256x768xf32> to vector<256x384xf32>
    %swap3A_13 = arith.constant 0 : index
    %swap3A_14 = arith.constant 0 : index
    %swap3A_15 = vector.load %arg5[%swap3A_13, %swap3A_14] : memref<256x384xf32, #tpu.memory_space<vmem>>, vector<256x384xf32>
    tpu.vector_store %arg5[%swap3A_13, %swap3A_14], %slice3A_12 {strides = array<i32>} : memref<256x384xf32, #tpu.memory_space<vmem>>, vector<256x384xf32>,
    return
  }
  func.func @transform_0(%arg0: i32) -> (i32, i32) {
    %c0_i32 = arith.constant 0 : i32
    %c0_i32_0 = arith.constant 0 : i32
    return %arg0, %c0_i32 : i32, i32
  }
  func.func @transform_1(%arg0: i32) -> (i32, i32) {
    %c0_i32 = arith.constant 0 : i32
    %c0_i32_0 = arith.constant 0 : i32
    %c0_i32_1 = arith.constant 0 : i32
    return %c0_i32, %c0_i32_0 : i32, i32
  }
  func.func @transform_2(%arg0: i32) -> (i32, i32) {
    %c0_i32 = arith.constant 0 : i32
    %c0_i32_0 = arith.constant 0 : i32
    %c0_i32_1 = arith.constant 0 : i32
    return %c0_i32, %c0_i32_0 : i32, i32
  }
  func.func @transform_3(%arg0: i32) -> (i32, i32) {
    %c0_i32 = arith.constant 0 : i32
    %c0_i32_0 = arith.constant 0 : i32
    return %arg0, %c0_i32 : i32, i32
  }
  func.func @transform_4(%arg0: i32) -> (i32, i32) {
    %c0_i32 = arith.constant 0 : i32
    %c0_i32_0 = arith.constant 0 : i32
    return %arg0, %c0_i32 : i32, i32
  }
}

module attributes {stable_mosaic.version = 14 : i64} {
  func.func @_agg_kernel(%arg0: i32, %arg1: memref<256x384xf32, #tpu.memory_space<vmem>>, %arg2: memref<4096x384xf32, #tpu.memory_space<vmem>>, %arg3: memref<256x16xf32, #tpu.memory_space<vmem>>, %arg4: memref<1x384xf32, #tpu.memory_space<vmem>>, %arg5: memref<384x128xf32, #tpu.memory_space<vmem>>, %arg6: memref<1x128xf32, #tpu.memory_space<vmem>>, %arg7: memref<1x128xf32, #tpu.memory_space<vmem>>, %arg8: memref<1x128xf32, #tpu.memory_space<vmem>>, %arg9: memref<256x128xf32, #tpu.memory_space<vmem>>, %arg10: memref<256x128xf32, #tpu.memory_space<vmem>>) attributes {dimension_semantics = [#tpu.dimension_semantics<arbitrary>], iteration_bounds = array<i64: 40>, scalar_prefetch = 0 : i64, scratch_operands = 0 : i64, tpu.core_type = #tpu.core_type<tc>, window_params = [{transform_indices = @transform_0, window_bounds = array<i64: 256, 384>}, {transform_indices = @transform_1, window_bounds = array<i64: 4096, 384>}, {transform_indices = @transform_2, window_bounds = array<i64: 256, 16>}, {pipeline_mode = #tpu.pipeline_mode<synchronous>, transform_indices = @transform_3, window_bounds = array<i64: 1, 384>}, {pipeline_mode = #tpu.pipeline_mode<synchronous>, transform_indices = @transform_4, window_bounds = array<i64: 384, 128>}, {pipeline_mode = #tpu.pipeline_mode<synchronous>, transform_indices = @transform_5, window_bounds = array<i64: 1, 128>}, {pipeline_mode = #tpu.pipeline_mode<synchronous>, transform_indices = @transform_6, window_bounds = array<i64: 1, 128>}, {pipeline_mode = #tpu.pipeline_mode<synchronous>, transform_indices = @transform_7, window_bounds = array<i64: 1, 128>}, {transform_indices = @transform_8, window_bounds = array<i64: 256, 128>}, {transform_indices = @transform_9, window_bounds = array<i64: 256, 128>}]} {
    %get3A = arith.constant 0 : index
    %get3A_0 = arith.constant 0 : index
    %get3A_1 = vector.load %arg2[%get3A, %get3A_0] : memref<4096x384xf32, #tpu.memory_space<vmem>>, vector<4096x384xf32>
    %reshape3A = vector.shape_cast %get3A_1 : vector<4096x384xf32> to vector<256x16x384xf32>
    %get3A_2 = arith.constant 0 : index
    %get3A_3 = arith.constant 0 : index
    %get3A_4 = vector.load %arg1[%get3A_2, %get3A_3] : memref<256x384xf32, #tpu.memory_space<vmem>>, vector<256x384xf32>
    %broadcast_in_dim3A = vector.shape_cast %get3A_4 : vector<256x384xf32> to vector<256x1x384xf32>
    %add3A = vector.broadcast %broadcast_in_dim3A : vector<256x1x384xf32> to vector<256x16x384xf32>
    %add3A_5 = arith.addf %add3A, %reshape3A : vector<256x16x384xf32>
    %get3A_6 = arith.constant 0 : index
    %get3A_7 = arith.constant 0 : index
    %get3A_8 = vector.load %arg3[%get3A_6, %get3A_7] : memref<256x16xf32, #tpu.memory_space<vmem>>, vector<256x16xf32>
    %broadcast_in_dim3A_9 = vector.shape_cast %get3A_8 : vector<256x16xf32> to vector<256x16x1xf32>
    %get3A_10 = arith.constant 0 : index
    %get3A_11 = arith.constant 0 : index
    %get3A_12 = vector.load %arg4[%get3A_10, %get3A_11] : memref<1x384xf32, #tpu.memory_space<vmem>>, vector<1x384xf32>
    %broadcast_in_dim3A_13 = vector.shape_cast %get3A_12 : vector<1x384xf32> to vector<1x1x384xf32>
    %mul3A = vector.broadcast %broadcast_in_dim3A_9 : vector<256x16x1xf32> to vector<256x16x384xf32>
    %mul3A_14 = vector.broadcast %broadcast_in_dim3A_13 : vector<1x1x384xf32> to vector<256x16x384xf32>
    %mul3A_15 = arith.mulf %mul3A, %mul3A_14 : vector<256x16x384xf32>
    %add3A_16 = arith.addf %add3A_5, %mul3A_15 : vector<256x16x384xf32>
    %ge3A = arith.constant 0.000000e+00 : f32
    %ge3A_17 = vector.broadcast %ge3A : f32 to vector<256x16x384xf32>
    %ge3A_18 = arith.cmpf oge, %add3A_16, %ge3A_17 : vector<256x16x384xf32>
    %mul3A_19 = arith.constant 2.000000e-01 : f32
    %mul3A_20 = vector.broadcast %mul3A_19 : f32 to vector<256x16x384xf32>
    %mul3A_21 = arith.mulf %mul3A_20, %add3A_16 : vector<256x16x384xf32>
    %select_n3A = arith.select %ge3A_18, %add3A_16, %mul3A_21 : vector<256x16x384xi1>, vector<256x16x384xf32>
    %reduce_sum3A = arith.constant dense<0.000000e+00> : vector<256x384xf32>
    %reduce_sum3A_22 = vector.multi_reduction <add>, %select_n3A, %reduce_sum3A [1] : vector<256x16x384xf32> to vector<256x384xf32>
    %get3A_23 = arith.constant 0 : index
    %get3A_24 = arith.constant 0 : index
    %get3A_25 = vector.load %arg5[%get3A_23, %get3A_24] : memref<384x128xf32, #tpu.memory_space<vmem>>, vector<384x128xf32>
    %dot_general3A = arith.constant dense<0.000000e+00> : vector<256x128xf32>
    %dot_general3A_26 = tpu.matmul %reduce_sum3A_22, %get3A_25, %dot_general3A {dimension_numbers = #tpu.dot_dimension_numbers<[1], [0], [0], [1], [0, 0, 1, 1], [], []>, precision = #tpu.contract_precision<fp32>, transpose_lhs_hint = false} : vector<256x384xf32>, vector<384x128xf32>, vector<256x128xf32> -> vector<256x128xf32>
    %get3A_27 = arith.constant 0 : index
    %get3A_28 = arith.constant 0 : index
    %get3A_29 = vector.load %arg6[%get3A_27, %get3A_28] : memref<1x128xf32, #tpu.memory_space<vmem>>, vector<1x128xf32>
    %mul3A_30 = arith.constant 1.600000e+01 : f32
    %mul3A_31 = vector.broadcast %mul3A_30 : f32 to vector<1x128xf32>
    %mul3A_32 = arith.mulf %mul3A_31, %get3A_29 : vector<1x128xf32>
    %add3A_33 = vector.broadcast %mul3A_32 : vector<1x128xf32> to vector<256x128xf32>
    %add3A_34 = arith.addf %dot_general3A_26, %add3A_33 : vector<256x128xf32>
    %iota3A = tpu.iota {dimensions = array<i32: 1>} : vector<256x128xi32>
    %lt3A = arith.constant 64 : i32
    %lt3A_35 = vector.broadcast %lt3A : i32 to vector<256x128xi32>
    %lt3A_36 = arith.cmpi slt, %iota3A, %lt3A_35 : vector<256x128xi32>
    %jit3A = arith.constant 0.000000e+00 : f32
    %broadcast_in_dim3A_37 = vector.broadcast %jit3A : f32 to vector<256x128xf32>
    %select_n3A_38 = arith.select %lt3A_36, %add3A_34, %broadcast_in_dim3A_37 : vector<256x128xi1>, vector<256x128xf32>
    %reduce_sum3A_39 = arith.constant dense<0.000000e+00> : vector<256xf32>
    %reduce_sum3A_40 = vector.multi_reduction <add>, %select_n3A_38, %reduce_sum3A_39 [1] : vector<256x128xf32> to vector<256xf32>
    %broadcast_in_dim3A_41 = vector.shape_cast %reduce_sum3A_40 : vector<256xf32> to vector<256x1xf32>
    %div3A = arith.constant 6.400000e+01 : f32
    %div3A_42 = vector.broadcast %div3A : f32 to vector<256x1xf32>
    %div3A_43 = arith.divf %broadcast_in_dim3A_41, %div3A_42 : vector<256x1xf32>
    %jit3A_44 = arith.constant 0.000000e+00 : f32
    %broadcast_in_dim3A_45 = vector.broadcast %jit3A_44 : f32 to vector<256x128xf32>
    %select_n3A_46 = arith.select %lt3A_36, %broadcast_in_dim3A_45, %add3A_34 : vector<256x128xi1>, vector<256x128xf32>
    %reduce_sum3A_47 = arith.constant dense<0.000000e+00> : vector<256xf32>
    %reduce_sum3A_48 = vector.multi_reduction <add>, %select_n3A_46, %reduce_sum3A_47 [1] : vector<256x128xf32> to vector<256xf32>
    %broadcast_in_dim3A_49 = vector.shape_cast %reduce_sum3A_48 : vector<256xf32> to vector<256x1xf32>
    %div3A_50 = arith.constant 6.400000e+01 : f32
    %div3A_51 = vector.broadcast %div3A_50 : f32 to vector<256x1xf32>
    %div3A_52 = arith.divf %broadcast_in_dim3A_49, %div3A_51 : vector<256x1xf32>
    %broadcast_in_dim3A_53 = vector.shape_cast %div3A_43 : vector<256x1xf32> to vector<256x1xf32>
    %broadcast_in_dim3A_54 = vector.broadcast %broadcast_in_dim3A_53 : vector<256x1xf32> to vector<256x128xf32>
    %broadcast_in_dim3A_55 = vector.shape_cast %div3A_52 : vector<256x1xf32> to vector<256x1xf32>
    %broadcast_in_dim3A_56 = vector.broadcast %broadcast_in_dim3A_55 : vector<256x1xf32> to vector<256x128xf32>
    %select_n3A_57 = arith.select %lt3A_36, %broadcast_in_dim3A_54, %broadcast_in_dim3A_56 : vector<256x128xi1>, vector<256x128xf32>
    %sub3A = arith.subf %add3A_34, %select_n3A_57 : vector<256x128xf32>
    %mul3A_58 = arith.mulf %sub3A, %sub3A : vector<256x128xf32>
    %jit3A_59 = arith.constant 0.000000e+00 : f32
    %broadcast_in_dim3A_60 = vector.broadcast %jit3A_59 : f32 to vector<256x128xf32>
    %select_n3A_61 = arith.select %lt3A_36, %mul3A_58, %broadcast_in_dim3A_60 : vector<256x128xi1>, vector<256x128xf32>
    %reduce_sum3A_62 = arith.constant dense<0.000000e+00> : vector<256xf32>
    %reduce_sum3A_63 = vector.multi_reduction <add>, %select_n3A_61, %reduce_sum3A_62 [1] : vector<256x128xf32> to vector<256xf32>
    %broadcast_in_dim3A_64 = vector.shape_cast %reduce_sum3A_63 : vector<256xf32> to vector<256x1xf32>
    %div3A_65 = arith.constant 6.400000e+01 : f32
    %div3A_66 = vector.broadcast %div3A_65 : f32 to vector<256x1xf32>
    %div3A_67 = arith.divf %broadcast_in_dim3A_64, %div3A_66 : vector<256x1xf32>
    %mul3A_68 = arith.mulf %sub3A, %sub3A : vector<256x128xf32>
    %jit3A_69 = arith.constant 0.000000e+00 : f32
    %broadcast_in_dim3A_70 = vector.broadcast %jit3A_69 : f32 to vector<256x128xf32>
    %select_n3A_71 = arith.select %lt3A_36, %broadcast_in_dim3A_70, %mul3A_68 : vector<256x128xi1>, vector<256x128xf32>
    %reduce_sum3A_72 = arith.constant dense<0.000000e+00> : vector<256xf32>
    %reduce_sum3A_73 = vector.multi_reduction <add>, %select_n3A_71, %reduce_sum3A_72 [1] : vector<256x128xf32> to vector<256xf32>
    %broadcast_in_dim3A_74 = vector.shape_cast %reduce_sum3A_73 : vector<256xf32> to vector<256x1xf32>
    %div3A_75 = arith.constant 6.400000e+01 : f32
    %div3A_76 = vector.broadcast %div3A_75 : f32 to vector<256x1xf32>
    %div3A_77 = arith.divf %broadcast_in_dim3A_74, %div3A_76 : vector<256x1xf32>
    %broadcast_in_dim3A_78 = vector.shape_cast %div3A_67 : vector<256x1xf32> to vector<256x1xf32>
    %broadcast_in_dim3A_79 = vector.broadcast %broadcast_in_dim3A_78 : vector<256x1xf32> to vector<256x128xf32>
    %broadcast_in_dim3A_80 = vector.shape_cast %div3A_77 : vector<256x1xf32> to vector<256x1xf32>
    %broadcast_in_dim3A_81 = vector.broadcast %broadcast_in_dim3A_80 : vector<256x1xf32> to vector<256x128xf32>
    %select_n3A_82 = arith.select %lt3A_36, %broadcast_in_dim3A_79, %broadcast_in_dim3A_81 : vector<256x128xi1>, vector<256x128xf32>
    %add3A_83 = arith.constant 9.99999974E-6 : f32
    %add3A_84 = vector.broadcast %add3A_83 : f32 to vector<256x128xf32>
    %add3A_85 = arith.addf %select_n3A_82, %add3A_84 : vector<256x128xf32>
    %sqrt3A = math.sqrt %add3A_85 : vector<256x128xf32>
    %div3A_86 = arith.divf %sub3A, %sqrt3A : vector<256x128xf32>
    %get3A_87 = arith.constant 0 : index
    %get3A_88 = arith.constant 0 : index
    %get3A_89 = vector.load %arg7[%get3A_87, %get3A_88] : memref<1x128xf32, #tpu.memory_space<vmem>>, vector<1x128xf32>
    %mul3A_90 = vector.broadcast %get3A_89 : vector<1x128xf32> to vector<256x128xf32>
    %mul3A_91 = arith.mulf %div3A_86, %mul3A_90 : vector<256x128xf32>
    %get3A_92 = arith.constant 0 : index
    %get3A_93 = arith.constant 0 : index
    %get3A_94 = vector.load %arg8[%get3A_92, %get3A_93] : memref<1x128xf32, #tpu.memory_space<vmem>>, vector<1x128xf32>
    %add3A_95 = vector.broadcast %get3A_94 : vector<1x128xf32> to vector<256x128xf32>
    %add3A_96 = arith.addf %mul3A_91, %add3A_95 : vector<256x128xf32>
    %get3A_97 = arith.constant 0 : index
    %get3A_98 = arith.constant 0 : index
    %get3A_99 = vector.load %arg9[%get3A_97, %get3A_98] : memref<256x128xf32, #tpu.memory_space<vmem>>, vector<256x128xf32>
    %ge3A_100 = arith.constant 0.000000e+00 : f32
    %ge3A_101 = vector.broadcast %ge3A_100 : f32 to vector<256x128xf32>
    %ge3A_102 = arith.cmpf oge, %add3A_96, %ge3A_101 : vector<256x128xf32>
    %mul3A_103 = arith.constant 2.000000e-01 : f32
    %mul3A_104 = vector.broadcast %mul3A_103 : f32 to vector<256x128xf32>
    %mul3A_105 = arith.mulf %mul3A_104, %add3A_96 : vector<256x128xf32>
    %select_n3A_106 = arith.select %ge3A_102, %add3A_96, %mul3A_105 : vector<256x128xi1>, vector<256x128xf32>
    %add3A_107 = arith.addf %get3A_99, %select_n3A_106 : vector<256x128xf32>
    %swap3A = arith.constant 0 : index
    %swap3A_108 = arith.constant 0 : index
    %swap3A_109 = vector.load %arg10[%swap3A, %swap3A_108] : memref<256x128xf32, #tpu.memory_space<vmem>>, vector<256x128xf32>
    tpu.vector_store %arg10[%swap3A, %swap3A_108], %add3A_107 {strides = array<i32>} : memref<256x128xf32, #tpu.memory_space<vmem>>, vector<256x128xf32>,
    return
  }
  func.func @transform_0(%arg0: i32) -> (i32, i32) {
    %c0_i32 = arith.constant 0 : i32
    %c0_i32_0 = arith.constant 0 : i32
    return %arg0, %c0_i32 : i32, i32
  }
  func.func @transform_1(%arg0: i32) -> (i32, i32) {
    %c0_i32 = arith.constant 0 : i32
    %c0_i32_0 = arith.constant 0 : i32
    return %arg0, %c0_i32 : i32, i32
  }
  func.func @transform_2(%arg0: i32) -> (i32, i32) {
    %c0_i32 = arith.constant 0 : i32
    %c0_i32_0 = arith.constant 0 : i32
    return %arg0, %c0_i32 : i32, i32
  }
  func.func @transform_3(%arg0: i32) -> (i32, i32) {
    %c0_i32 = arith.constant 0 : i32
    %c0_i32_0 = arith.constant 0 : i32
    %c0_i32_1 = arith.constant 0 : i32
    return %c0_i32, %c0_i32_0 : i32, i32
  }
  func.func @transform_4(%arg0: i32) -> (i32, i32) {
    %c0_i32 = arith.constant 0 : i32
    %c0_i32_0 = arith.constant 0 : i32
    %c0_i32_1 = arith.constant 0 : i32
    return %c0_i32, %c0_i32_0 : i32, i32
  }
  func.func @transform_5(%arg0: i32) -> (i32, i32) {
    %c0_i32 = arith.constant 0 : i32
    %c0_i32_0 = arith.constant 0 : i32
    %c0_i32_1 = arith.constant 0 : i32
    return %c0_i32, %c0_i32_0 : i32, i32
  }
  func.func @transform_6(%arg0: i32) -> (i32, i32) {
    %c0_i32 = arith.constant 0 : i32
    %c0_i32_0 = arith.constant 0 : i32
    %c0_i32_1 = arith.constant 0 : i32
    return %c0_i32, %c0_i32_0 : i32, i32
  }
  func.func @transform_7(%arg0: i32) -> (i32, i32) {
    %c0_i32 = arith.constant 0 : i32
    %c0_i32_0 = arith.constant 0 : i32
    %c0_i32_1 = arith.constant 0 : i32
    return %c0_i32, %c0_i32_0 : i32, i32
  }
  func.func @transform_8(%arg0: i32) -> (i32, i32) {
    %c0_i32 = arith.constant 0 : i32
    %c0_i32_0 = arith.constant 0 : i32
    return %arg0, %c0_i32 : i32, i32
  }
  func.func @transform_9(%arg0: i32) -> (i32, i32) {
    %c0_i32 = arith.constant 0 : i32
    %c0_i32_0 = arith.constant 0 : i32
    return %arg0, %c0_i32 : i32, i32
  }
}

</mosaic_0001>

<sc_bundles>
// kernel: kernel.13.cloned.1.call-start
scs
__scs_entry_jumppad:
0x0: {  	(pc) =	sbr.rel $0x88, $3  }
0x1: {  	(tag) =	ssettag $0x0;
	lr =	simm.s32 $0x1  }
0x2: {  	[smem:$0x3F96] =	sst lr;
	_ =	strace $0xD0000000  }
0x3: {  	_ = 	snop  }
0x4: {  	_ = 	snop  }
0x5: {  	_ = 	snop  }
0x6: {  	_ = 	snop  }
0x7: {  	_ = 	snop  }
__scs_overlays_trampoline_lowered:
0x8: {  	[smem:$0x3FA5] =	sst s0  }
0x9: {  	[smem:$0x3FA6] =	sst s1  }
0xa: {  	[smem:$0x3FA7] =	sst s2  }
0xb: {  	[smem:$0x3FA8] =	sst s3  }
0xc: {  	[smem:$0x3FA9] =	sst s4  }
0xd: {  	[smem:$0x3FAA] =	sst s5  }
0xe: {  	[smem:$0x3FAB] =	sst s6  }
0xf: {  	[smem:$0x3FAC] =	sst s7  }
0x10: {  	[smem:$0x3FAD] =	sst s8  }
0x11: {  	[smem:$0x3FAE] =	sst s9;
	s0 =	simm.s32 @!p0 $0x0  }
0x12: {  	s1 =	sld [smem:$0x3F94];
	s0 =	simm.s32 @p0 $0x1  }
0x13: {  	[smem:$0x3FAF] =	sst s0;
	s0 =	simm.s32 @!p1 $0x0  }
0x14: {  	s2 =	sld [smem:$0x3F93];
	s0 =	simm.s32 @p1 $0x1  }
0x15: {  	[smem:$0x3FB0] =	sst s0;
	s0 =	simm.s32 @!p2 $0x0  }
0x16: {  	s3 =	sld [smem:$0x3FDB];
	s0 =	simm.s32 @p2 $0x1  }
0x17: {  	s4 =	simm.s32 $0x1BF5;
	[smem:$0x3FB2] =	sst s0  }
0x18: {  	s0 =	sld [smem:$0x3F95];
	_ =	swait.ge [sflag:s4], $0x0  }
0x19: {  	s7 =	sld [smem:$0x3F96]  }
0x1a: {  	s8 =	sadd.s32 $0xFFFFE003, lr  }
0x1b: {  	s9 =	sadd.s32 $0xFFFFFEF7, lr;
	s5 =	simm.s32 $0xFFFFFFFF;
	p2 =	slt.u32 s8, $0xFFFFF086  }
0x1c: {  	p1 =	slt.u32 s9, $0xF7A;
	s5 =	simm.s32 @!p2 $0x0  }
0x1d: {  	s5 =	simm.s32 @p1 $0x1;
	p0 =	seq.s32 s7, s2  }
0x1e: {  	s7 =	smul.u32 @!p0 $0xF7A, s2;
	p2 =	seq.s32 @!p0 s5, $0x0  }
0x1f: {  	s9 =	smul.u32 $0xF7A, s1;
	s8 =	simm.s32 @!p0 $0x1BF5;
	p2 =	por !p2, p0  }
0x20: {  	[sflag:s8] =	ssyncset.s32 @!p0 $0xFFFFF086;
	s6 =	sadd.s32 @!p0 s3, s7;
	s7 =	simm.s32 @!p0 $0x108  }
0x21: {  	s3 =	sadd.s32 s3, s9;
	s6 =	sadd.s32 @!p0 $0x88, s6;
	s7 =	simm.s32 @p2 $0x1082  }
0x22: {  	[simem:s7], [sflag:s8] =	dma.local @!p0 [hbm:s6], $0xF7A  }
0x23: {  	s9 =	sor.u32 $0xD0000000, s2;
	s6 =	simm.s32 $0x108;
	_ =	swait.ge @!p0 [sflag:s8], $0x0  }
0x24: {  	s3 =	sadd.s32 $0x88, s3;
	s6 =	simm.s32 @!p1 $0x1082;
	[sflag:s4] =	ssyncset.s32 $0xFFFFF086  }
0x25: {  	[simem:s6], [sflag:s4] =	dma.local [hbm:s3], $0xF7A  }
0x26: {  	[smem:$0x3F96] =	sst s1;
	(tag) =	ssettag s2;
	_ =	strace s9  }
0x27: {  	s1 =	sld [smem:$0x3FA6]  }
0x28: {  	s2 =	sld [smem:$0x3FA7]  }
0x29: {  	s4 =	sld [smem:$0x3FA9]  }
0x2a: {  	p0 =	seq.s32 s5, $0x0;
	s5 =	sld [smem:$0x3FAA]  }
0x2b: {  	s6 =	sld [smem:$0x3FAB]  }
0x2c: {  	s7 =	sld [smem:$0x3FAC]  }
0x2d: {  	s3 =	simm.s32 $0x108;
	s8 =	sld [smem:$0x3FAD]  }
0x2e: {  	s3 =	simm.s32 @!p0 $0x1082;
	s9 =	sld [smem:$0x3FAE]  }
0x2f: {  	lr =	sadd.s32 s0, s3;
	s0 =	sld [smem:$0x3FA5]  }
0x30: {  	s3 =	sld [smem:$0x3FA8]  }
0x31: {  	[smem:$0x3FB1] =	sst s10  }
0x32: {  	s10 =	sld [smem:$0x3FAF];
	_ =	sdelay $0x3  }
0x33: {  	p0 =	seq.s32 s10, $0x1;
	s10 =	sld [smem:$0x3FB1];
	_ =	sdelay $0x3  }
0x34: {  	[smem:$0x3FB1] =	sst s10  }
0x35: {  	s10 =	sld [smem:$0x3FB0];
	_ =	sdelay $0x3  }
0x36: {  	p1 =	seq.s32 s10, $0x1;
	s10 =	sld [smem:$0x3FB1];
	_ =	sdelay $0x3  }
0x37: {  	[smem:$0x3FB1] =	sst s10  }
0x38: {  	s10 =	sld [smem:$0x3FB2]  }
0x39: {  	_ = 	snop;
	(pc) =	sbr.ind lr, $3  }
0x3a: {  	_ = 	snop  }
0x3b: {  	_ = 	snop  }
0x3c: {  	p2 =	seq.s32 s10, $0x1;
	s10 =	sld [smem:$0x3FB1]  }
0x3d: {  	_ =	shalt  }
0x3e: {  	_ =	shalt  }
0x3f: {  	_ =	shalt  }
0x40: {  	_ =	shalt  }
0x41: {  	_ =	shalt  }
0x42: {  	_ =	shalt  }
0x43: {  	_ =	shalt  }
0x44: {  	_ =	shalt  }
0x45: {  	_ =	shalt  }
0x46: {  	_ =	shalt  }
0x47: {  	_ =	shalt  }
0x48: {  	_ =	shalt  }
0x49: {  	_ =	shalt  }
0x4a: {  	_ =	shalt  }
0x4b: {  	_ =	shalt  }
0x4c: {  	_ =	shalt  }
0x4d: {  	_ =	shalt  }
0x4e: {  	_ =	shalt  }
0x4f: {  	_ =	shalt  }
0x50: {  	_ =	shalt  }
0x51: {  	_ =	shalt  }
0x52: {  	_ =	shalt  }
0x53: {  	_ =	shalt  }
0x54: {  	_ =	shalt  }
0x55: {  	_ =	shalt  }
0x56: {  	_ =	shalt  }
0x57: {  	_ =	shalt  }
0x58: {  	_ =	shalt  }
0x59: {  	_ =	shalt  }
0x5a: {  	_ =	shalt  }
0x5b: {  	_ =	shalt  }
0x5c: {  	_ =	shalt  }
0x5d: {  	_ =	shalt  }
0x5e: {  	_ =	shalt  }
0x5f: {  	_ =	shalt  }
0x60: {  	_ =	shalt  }
0x61: {  	_ =	shalt  }
0x62: {  	_ =	shalt  }
0x63: {  	_ =	shalt  }
0x64: {  	_ =	shalt  }
0x65: {  	_ =	shalt  }
0x66: {  	_ =	shalt  }
0x67: {  	_ =	shalt  }
0x68: {  	_ =	shalt  }
0x69: {  	_ =	shalt  }
0x6a: {  	_ =	shalt  }
0x6b: {  	_ =	shalt  }
0x6c: {  	_ =	shalt  }
0x6d: {  	_ =	shalt  }
0x6e: {  	_ =	shalt  }
0x6f: {  	_ =	shalt  }
0x70: {  	_ =	shalt  }
0x71: {  	_ =	shalt  }
0x72: {  	_ =	shalt  }
0x73: {  	_ =	shalt  }
0x74: {  	_ =	shalt  }
0x75: {  	_ =	shalt  }
0x76: {  	_ =	shalt  }
0x77: {  	_ =	shalt  }
0x78: {  	_ =	shalt  }
0x79: {  	_ =	shalt  }
0x7a: {  	_ =	shalt  }
0x7b: {  	_ =	shalt  }
0x7c: {  	_ =	shalt  }
0x7d: {  	_ =	shalt  }
0x7e: {  	_ =	shalt  }
0x7f: {  	_ =	shalt  }
0x80: {  	_ =	shalt  }
0x81: {  	_ =	shalt  }
0x82: {  	_ =	shalt  }
0x83: {  	_ =	shalt  }
0x84: {  	_ =	shalt  }
0x85: {  	_ =	shalt  }
0x86: {  	_ =	shalt  }
0x87: {  	_ =	shalt  }
.Lfunc_end0:
.L_simem_size_0:
called_computation_lowered:
.L_overlay_start_0:
0x88: {  	s2 =	sld [smem:$0x3FD9]  }
0x89: {  	s3 =	sld [smem:$0x3FFE];
	_ =	sdelay $0x1  }
0x8a: {  	s1 =	srdreg.scid  }
0x8b: {  	s0 =	sand.u32 $0x1, s1  }
0x8c: {  	s17 =	sshll.u32 s0, $0xA;
	s2 =	sadd.s32 s3, s2  }
0x8d: {  	s2 =	sadd.s32 s2, s17  }
0x8e: {  	[smem:$0x3FBD] =	sst s2  }
0x8f: {  	_ = 	snop  }
0x90: {  	s2 =	sld [smem:$0x3FD0];
	(tm) =	ssettm $0x1  }
0x91: {  	s18 =	sld [smem:$0x3FFB];
	_ =	sdelay $0x3  }
0x92: {  	_ =	strace s18  }
0x93: {  	s3 =	sld [smem:$0x3FFC];
	_ =	sdelay $0x3  }
0x94: {  	_ =	strace s3  }
0x95: {  	s3 =	sld [smem:$0x3FFD];
	_ =	sdelay $0x3  }
0x96: {  	_ =	strace s3  }
0x97: {  	_ =	strace $0x8FFFFFFF  }
0x98: {  	s19 =	sld [smem:$0x3FDB];
	_ =	sdelay $0x1  }
0x99: {  	s4 =	simm.s32 $_scs_section_size  }
0x9a: {  	s5 =	simm.s32 $_size__tile_overlayer_lowered;
	s6 =	simm.s32 $_tile_overlayer_lowered  }
0x9b: {  	s22 =	simm.s32 $0x1BFF;
	s21 =	sshll.u32 s6, $0x1;
	s3 =	sadd.s32 s4, s19  }
0x9c: {  	s7 =	simm.s32 $0x0;
	s20 =	sshll.u32 s5, $0x1;
	s5 =	sadd.s32 s21, s3  }
0x9d: {  	[timem:s7], [sflag:s22] =	dma.local [hbm:s5], s20  }
0x9e: {  	_ =	swait.ge [sflag:s22], s20  }
0x9f: {  	s4 =	ssub.s32 $0x0, s20;
	[sflag:s22] =	ssyncset.done $0x0  }
0xa0: {  	[sflag:s22] =	ssyncadd.s32 s4;
	_ =	sdelay $0x1  }
0xa1: {  	s23 =	simm.s32 $0x1B8B  }
0xa2: {  	_ =	swait.ge [sflag:s23], $0x1  }
0xa3: {  	[sflag:s23] =	ssyncset.done $0x0  }
0xa4: {  	s25 =	simm.s32 $0x1B8E;
	s24 =	sld [smem:$0x3FFE];
	[sflag:s23] =	ssyncadd.s32 $0xFFFFFFFF  }
0xa5: {  	s26 =	simm.s32 $execute0_lowered;
	[smem:$0x3FD2] =	sst s25  }
0xa6: {  	s5 =	sshll.u32 s26, $0x1;
	_ =	strace $0x80000046;
	[dreg:$0x1] =	wrdreg $0xFFFFFFFF  }
0xa7: {  	s28 =	simm.s32 $_size_execute0_lowered;
	s3 =	sadd.s32 s3, s5;
	[dreg:$0x0] =	wrdreg $0x0  }
0xa8: {  	s5 =	sshll.u32 s28, $0x1;
	[dreg:$0x2] =	wrdreg s3  }
0xa9: {  	[dreg:$0x3] =	wrdreg s5  }
0xaa: {  	[dreg:$0x4] =	wrdreg $0xC0  }
0xab: {  	_ =	task [dreg:s7], $0x5FFFF  }
0xac: {  	[dreg:$0x1] =	wrdreg $0xFFFFFFFF  }
0xad: {  	[dreg:$0x0] =	wrdreg $0x60  }
0xae: {  	[dreg:$0x2] =	wrdreg s24  }
0xaf: {  	[dreg:$0x3] =	wrdreg s2  }
0xb0: {  	[dreg:$0x4] =	wrdreg $0x9  }
0xb1: {  	_ =	task.clear_ibuf [dreg:s7], $0x5FFFF;
	_ =	strace $0x90000046  }
0xb2: {  	s29 =	simm.s32 $0x9;
	_ =	strace $0x80000048  }
0xb3: {  	_ =	swait.ge [sflag:s29], $0x1  }
0xb4: {  	[sflag:s29] =	ssyncadd.s32 $0xFFFFFFFF  }
0xb5: {  	_ =	strace $0x90000048  }
0xb6: {  	_ =	sfence  }
0xb7: {  	s30 =	sld [smem:$0x0];
	_ =	sdelay $0x2  }
0xb8: {  	s31 =	sshll.u32 s1, $0xD;
	s1 =	sshrl.u32 s1, $0x2  }
0xb9: {  	s3 =	sand.u32 $0x4000, s31;
	s1 =	sadd.s32 s1, s30  }
0xba: {  	s0 =	sor.u32 s3, s0;
	s1 =	sshll.u32 s1, $0x11  }
0xbb: {  	s0 =	sor.u32 s1, s0  }
0xbc: {  	s0 =	sadd.s32 $0x8F2B, s0  }
0xbd: {  	[sflag:s0] =	ssyncadd.remote.s32 $0x1  }
0xbe: {  	_ =	sfence.sel $0xFFFF  }
0xbf: {  	[dreg:$0x0] =	wrdreg $0xFFFFFFFF;
	(pc) =	sbr.abs _section_cstart, $3  }
0xc0: {  	[dreg:$0x1] =	wrdreg $0xFFFFFFFF  }
0xc1: {  	_ =	task.clear_ibuf [dreg:s7], $0x2FFFF;
	_ =	strace $0x9FFFFFFF  }
0xc2: {  	(tm) =	ssettm $0x7FFFFFFF  }
0xc3: {  	_ =	shalt  }
tec
execute0_lowered:
.L_overlay_start_1:
0x0: {  	(tag) =	ssettag $0x1  }
0x1: {  	v0 =	vlaneseq.u32;
	v1 =	vimm.s32 $0x0;
	v32 =	vimm.s32 $0x8040201  }
0x2: {  	v33 =	vimm.s32 $0x80402010;
	vm0 =	vcmask $0xF00;
	vm8 =	vcmask $0x1F10  }
0x3: {  	vm9 =	vcmask $0x2320;
	vm10 =	vcmask $0x2724;
	v63 =	vimm.s32 $0xFFEDCBA9  }
0x4: {  	v37 =	vimm.s32 $0x87654321;
	vm11 =	vcmask $0x2B28;
	vm12 =	vcmask $0x2F2C  }
0x5: {  	vm13 =	vcmask $0x3330;
	vm14 =	vcmask $0x3734;
	vm15 =	vcmask $0x3B38  }
0x6: {  	v2 =	vor.u32 $0x10, v0;
	v3 =	vor.u32 $0x20, v0;
	v4 =	vor.u32 $0x30, v0  }
0x7: {  	v5 =	vor.u32 $0x40, v0;
	v6 =	vor.u32 $0x50, v0;
	v7 =	vor.u32 $0x60, v0  }
0x8: {  	v8 =	vor.u32 $0x70, v0;
	v9 =	vor.u32 $0x80, v0;
	v10 =	vor.u32 $0x90, v0  }
0x9: {  	v11 =	vor.u32 $0xA0, v0;
	v12 =	vor.u32 $0xB0, v0;
	v13 =	vor.u32 $0xC0, v0  }
0xa: {  	v14 =	vor.u32 $0xD0, v0;
	v15 =	vor.u32 $0xE0, v0;
	v16 =	vor.u32 $0xF0, v0  }
0xb: {  	v17 =	vor.u32 $0x100, v0;
	v18 =	vor.u32 $0x110, v0;
	v19 =	vor.u32 $0x120, v0  }
0xc: {  	v20 =	vor.u32 $0x130, v0;
	v21 =	vor.u32 $0x140, v0;
	v22 =	vor.u32 $0x150, v0  }
0xd: {  	v23 =	vor.u32 $0x160, v0;
	v24 =	vor.u32 $0x170, v0;
	v25 =	vor.u32 $0x180, v0  }
0xe: {  	s0 =	rddreg [dreg:$0x0];
	s2 =	simm.s32 $0x0;
	s5 =	srdreg.scid;
	v26 =	vor.u32 $0x190, v0;
	v34 =	vunpack.c.0.s8.s32 v32;
	v35 =	vunpack.c.0.s8.s32 v33  }
0xf: {  	s1 =	stileid.u32;
	s12 =	simm.s32 $0x2800;
	s13 =	simm.s32 $0x2900;
	v27 =	vor.u32 $0x1A0, v0;
	v28 =	vor.u32 $0x1B0, v0;
	v29 =	vor.u32 $0x1C0, v0  }
0x10: {  	s14 =	simm.s32 $0x2950;
	s15 =	simm.s32 $0x30;
	s16 =	simm.s32 $0x1;
	v30 =	vor.u32 $0x1D0, v0;
	v36 =	vnsel vm0, $0x8000, v34;
	v35 =	vand.u32 $0xFF, v35  }
0x11: {  	s17 =	simm.s32 $0x72A0;
	s18 =	simm.s32 $0x72B0;
	s19 =	simm.s32 $0x2;
	v31 =	vor.u32 $0x1E0, v0;
	v32 =	vor.u32 $0x1F0, v0;
	v36 =	vsel vm8, v35, v36  }
0x12: {  	s20 =	simm.s32 $0x60A0;
	s21 =	simm.s32 $0x70A0;
	s22 =	simm.s32 $0x71A0;
	v39 =	vunpack.c.l.s4.s8 v63;
	v40 =	vunpack.c.l.s4.s8 v37;
	v36 =	vsel vm9, $0x100, v36  }
0x13: {  	v33 =	vor.u32 $0x200, v0;
	[smem:$0x7FF] =	sst s2;
	s3 =	sadd.s32 $0xD4D600, s0;
	s5 =	sand.u32 $0x1, s5;
	v37 =	vor.u32 $0x240, v0;
	v38 =	vsel vm10, $0x200, v36  }
0x14: {  	s4 =	sadd.s32 $0xE15600, s0;
	s6 =	sadd.s32 $0x2D600, s0;
	s9 =	ssub.s32 $0x2, s5;
	v39 =	vunpack.c.0.s8.s32 v39;
	v40 =	vunpack.c.0.s8.s32 v40;
	v41 =	vsel vm11, $0x400, v38  }
0x15: {  	s7 =	sadd.s32 $0xB400, s0;
	s11 =	sshll.u32 s1, $0x1;
	v34 =	vor.u32 $0x210, v0;
	s10 =	sshrl.u32 s9, $0x1;
	v35 =	vor.u32 $0x220, v0;
	v41 =	vsel vm12, $0x800, v41  }
0x16: {  	s8 =	sadd.s32 $0x6400, s0;
	s1 =	simm.s32 $0x0;
	s31 =	ssub.s32 s9, s10;
	v42 =	vcombine.low v40, v39;
	v39 =	vor.u32 $0x260, v0;
	v41 =	vsel vm13, $0x1000, v41  }
0x17: {  	_ =	strace $0x80000047;
	s5 =	sor.u32 s5, s11;
	s0 =	smax.u32 s31, $0x1;
	v40 =	vor.u32 $0x270, v0;
	v36 =	vor.u32 $0x230, v0;
	v41 =	vsel vm14, $0x2000, v41  }
0x18: {  	s11 =	simm.s32 $0x3;
	s9 =	smul.u32 $0x140, s5;
	[dreg:$0x3] =	wrdreg s0;
	v38 =	vor.u32 $0x250, v0;
	v42 =	vand.u32 $0xF, v42;
	v41 =	vsel vm15, $0x4000, v41  }
.LBB2_1:
0x19: {  	[tilespmem:$0x29A0] =	vst v1  }
0x1a: {  	[tilespmem:$0x29B0] =	vst v1  }
0x1b: {  	[tilespmem:$0x29C0] =	vst v1  }
0x1c: {  	[tilespmem:$0x29D0] =	vst v1  }
0x1d: {  	[tilespmem:$0x29E0] =	vst v1  }
0x1e: {  	[tilespmem:$0x29F0] =	vst v1  }
0x1f: {  	[tilespmem:$0x2A00] =	vst v1  }
0x20: {  	[tilespmem:$0x2A10] =	vst v1  }
0x21: {  	[tilespmem:$0x2A20] =	vst v1  }
0x22: {  	[tilespmem:$0x2A30] =	vst v1  }
0x23: {  	[tilespmem:$0x2A40] =	vst v1  }
0x24: {  	[tilespmem:$0x2A50] =	vst v1  }
0x25: {  	[tilespmem:$0x2A60] =	vst v1  }
0x26: {  	[tilespmem:$0x2A70] =	vst v1  }
0x27: {  	[tilespmem:$0x2A80] =	vst v1  }
0x28: {  	[tilespmem:$0x2A90] =	vst v1  }
0x29: {  	[tilespmem:$0x2AA0] =	vst v1  }
0x2a: {  	[tilespmem:$0x2AB0] =	vst v1  }
0x2b: {  	[tilespmem:$0x2AC0] =	vst v1  }
0x2c: {  	[tilespmem:$0x2AD0] =	vst v1  }
0x2d: {  	[tilespmem:$0x2AE0] =	vst v1  }
0x2e: {  	[tilespmem:$0x2AF0] =	vst v1  }
0x2f: {  	[tilespmem:$0x2B00] =	vst v1  }
0x30: {  	[tilespmem:$0x2B10] =	vst v1  }
0x31: {  	[tilespmem:$0x2B20] =	vst v1  }
0x32: {  	[tilespmem:$0x2B30] =	vst v1  }
0x33: {  	[tilespmem:$0x2B40] =	vst v1  }
0x34: {  	[tilespmem:$0x2B50] =	vst v1  }
0x35: {  	[tilespmem:$0x2B60] =	vst v1  }
0x36: {  	[tilespmem:$0x2B70] =	vst v1  }
0x37: {  	[tilespmem:$0x2B80] =	vst v1  }
0x38: {  	[tilespmem:$0x2B90] =	vst v1  }
0x39: {  	[tilespmem:$0x2BA0] =	vst v1  }
0x3a: {  	[tilespmem:$0x2BB0] =	vst v1  }
0x3b: {  	[tilespmem:$0x2BC0] =	vst v1  }
0x3c: {  	[tilespmem:$0x2BD0] =	vst v1  }
0x3d: {  	[tilespmem:$0x2BE0] =	vst v1  }
0x3e: {  	[tilespmem:$0x2BF0] =	vst v1  }
0x3f: {  	[tilespmem:$0x2C00] =	vst v1  }
0x40: {  	[tilespmem:$0x2C10] =	vst v1  }
0x41: {  	[tilespmem:$0x2C20] =	vst v1  }
0x42: {  	[tilespmem:$0x2C30] =	vst v1  }
0x43: {  	[tilespmem:$0x2C40] =	vst v1  }
0x44: {  	[tilespmem:$0x2C50] =	vst v1  }
0x45: {  	[tilespmem:$0x2C60] =	vst v1  }
0x46: {  	[tilespmem:$0x2C70] =	vst v1  }
0x47: {  	[tilespmem:$0x2C80] =	vst v1  }
0x48: {  	[dreg:$0x4] =	wrdreg s1;
	[tilespmem:$0x2C90] =	vst v1;
	s24 =	simm.s32 $0x0  }
.LBB2_2:
0x49: {  	s0 =	sshll.u32 s24, $0x4  }
0x4a: {  	s26 =	sadd.s32 s9, s0  }
0x4b: {  	s0 =	smul.u32 $0x50, s26;
	_ =	sdelay $0x1  }
0x4c: {  	s28 =	simm.s32 $0x0;
	s0 =	sadd.s32 s3, s0  }
0x4d: {  	[tilespmem:s28], [sflag:$0x3] =	stream.linear.gather [hbm4b:s0+s28], $0x2800, $0x38;
	[tilespmem:$0x72C0] =	vst v63  }
0x4e: {  	_ =	swait.ge [sflag:s11], $0x2800  }
0x4f: {  	[sflag:s11] =	ssyncset.done $0x0  }
0x50: {  	[sflag:s11] =	ssyncadd.s32 $0xFFFFD800  }
0x51: {  	s25 =	sshll.u32 s26, $0x1;
	s31 =	rddreg [dreg:$0x1]  }
.Ltmp0:
0x52: {  	s0 =	sadd.s32 s31, s25;
	(pc) =	sbr.rel .LBB2_3-.Ltmp0, $4  }
0x53: {  	[tilespmem:s12], [sflag:$0x3] =	stream.linear.gather [hbm4b:s0+s28], $0x100, $0x38;
	[tilespmem:$0x72C0] =	vst v63  }
0x54: {  	_ =	swait.ge [sflag:s11], $0x100  }
0x55: {  	[sflag:s11] =	ssyncset.done $0x0  }
0x56: {  	[sflag:s11] =	ssyncadd.s32 $0xFFFFFF00  }
.LBB2_5:
0x57: {  	s5 =	simm.s32 $0x0;
	s31 =	simm.s32 $0x0  }
.LBB2_12:
0x58: {  	s0 =	sadd.s32 @p1 s31, s10;
	s10 =	simm.s32 $0x0  }
0x59: {  	v45 =	vmov s5;
	v46 =	vadd.s32 @p0 v47, v46;
	s10 =	smov.u32 @p1 s0  }
0x5a: {  	v44 =	vand.u32 @p0 $0x7F, v44;
	v47 =	vmul.u32 @p0 $0x80, v0;
	v46 =	vshll.u32 @p0 v46, $0xB;
	p1 =	slt.s32 @p0 s10, $0x20  }
0x5b: {  	v44 =	vor.u32 @p0 v44, v46;
	s0 =	smov.u32 s10;
	p1 =	por !p1, !p0  }
0x5c: {  	v44 =	vor.u32 @p0 v47, v44;
	s0 =	simm.s32 @p1 $0x20  }
0x5d: {  	[tilespmem:v43+s0+$0x0 ss:$0x1] =	vst.idx.msk @p0 vm0, v44  }
0x5e: {  	v44 =	vld.idx.msk [tilespmem:v45+s13+$0x0], $0xffff;
	_ =	sdelay $0x4  }
0x5f: {  	v44 =	vtrunc.f32 v44  }
0x60: {  	v44 =	vcvt.f32.s32 v44;
	_ =	sdelay $0x1  }
0x61: {  	v44 =	vand.u32 v41, v44  }
0x62: {  	vm15 =	vne.s32 v44, $0x0  }
0x63: {  	v44 =	vsel vm15, $0x1, v1;
	_ =	sdelay $0x1  }
0x64: {  	(xrf0) =	vadd.scan.msk.s32 $0xffff, v44  }
0x65: {  	v44, _, _ =	vpop @p0 (xrf0)  }
0x66: {  	(v2sf) =	vpush @p0 v44, $0xF;
	_ =	sdelay $0x3  }
0x67: {  	v58 =	vld.idx.msk [tilespmem:v45+s14+$0x0], $0xffff;
	v59, _, _ =	vpop (xrf0)  }
0x68: {  	(v2sf) =	vpush v59, $0xF;
	_ =	sdelay $0x3  }
0x69: {  	v60 =	vshra.s32 v58, $0x1F  }
0x6a: {  	v45 =	vshrl.u32 v60, $0x19  }
0x6b: {  	v45 =	vadd.s32 v45, v58  }
0x6c: {  	v45 =	vshra.s32 v45, $0x7  }
0x6d: {  	v61 =	vshll.u32 v45, $0x7  }
0x6e: {  	vm1 =	vlt.s32 v58, $0x1;
	vm2 =	vne.s32 v58, v61  }
0x6f: {  	vm1 =	vmand vm1, vm2;
	s0 =	spop @p0 (v2sf)  }
0x70: {  	v62 =	vsel vm1, $0xFFFFFFFF, v1;
	s0 =	smov.u32 @p0 s0  }
0x71: {  	v45 =	vadd.s32 v62, v45;
	s0 =	sadd.s32 @p0 s10, s0  }
0x72: {  	v63 =	vmul.u32 $0x80, v0;
	v45 =	vshll.u32 v45, $0xB;
	v44 =	vand.u32 $0x7F, v58;
	s29 =	smov.u32 @p0 s0  }
0x73: {  	v44 =	vor.u32 v44, v45;
	p0 =	slt.s32 s29, $0x20;
	s0 =	smov.u32 s29  }
0x74: {  	v44 =	vor.u32 v63, v44;
	s31 =	spop (v2sf);
	s0 =	simm.s32 @!p0 $0x20  }
0x75: {  	s5 =	sadd.s32 s29, s31;
	[tilespmem:v43+s0+$0x0 ss:$0x1] =	vst.idx.msk vm15, v44  }
.LBB2_13:
0x76: {  	s0 =	sshll.u32 s28, $0x4  }
0x77: {  	v43 =	vmov s5;
	s23 =	smul.u32 $0x30, s28;
	s0 =	sand.u32 $0x3FFFFFF0, s0  }
0x78: {  	[tilespmem:s0+$0x2FA0] =	vst v43  }
0x79: {  	v43 =	vld [tilespmem:s23+$0x29A0]  }
0x7a: {  	v44 =	vld [tilespmem:s23+$0x29B0]  }
0x7b: {  	v45 =	vld [tilespmem:s23+$0x29C0];
	_ =	sdelay $0x2  }
0x7c: {  	v46 =	vand.u32 $0xF, v43;
	vm0 =	vlt.s32 v43, $0x1  }
0x7d: {  	v55 =	vshra.s32 v43, $0x1F;
	v48 =	vand.u32 $0xF, v44;
	vm13 =	vlt.s32 v44, $0x1  }
0x7e: {  	v56 =	vand.u32 $0xF, v45;
	vm15 =	vlt.s32 v45, $0x1;
	v57 =	vshra.s32 v44, $0x1F  }
0x7f: {  	v58 =	vshra.s32 v45, $0x1F;
	vm1 =	vne.s32 v46, $0x0;
	v46 =	vshrl.u32 v55, $0x1C  }
0x80: {  	vm14 =	vne.s32 v48, $0x0;
	vm2 =	vne.s32 v56, $0x0;
	v59 =	vshrl.u32 v58, $0x1C  }
0x81: {  	s29 =	sadd.s32 s26, s28;
	vm0 =	vmand vm0, vm1;
	vm1 =	vmand vm15, vm2;
	v43 =	vadd.s32 v46, v43  }
0x82: {  	s0 =	smul.u32 $0x278, s29;
	v46 =	vshrl.u32 v57, $0x1C;
	v45 =	vadd.s32 v59, v45;
	v47 =	vsel vm0, $0xFFFFFFFF, v1  }
0x83: {  	s10 =	smul.u32 $0xC00, s28;
	s28 =	sadd.s32 $0x1, s28;
	vm0 =	vmand vm13, vm14;
	v43 =	vshra.s32 v43, $0x4;
	v44 =	vadd.s32 v46, v44  }
0x84: {  	p0 =	sne.s32 s28, $0x10;
	v45 =	vshra.s32 v45, $0x4;
	v62 =	vsel vm1, $0xFFFFFFFF, v1;
	v43 =	vadd.s32 s0, v43  }
.Ltmp1:
0x85: {  	v44 =	vshra.s32 v44, $0x4;
	v45 =	vadd.s32 s0, v45;
	v43 =	vadd.s32 v47, v43;
	(pc) =	sbr.rel @!p0 .LBB2_14-.Ltmp1, $4  }
0x86: {  	v60 =	vsel vm0, $0xFFFFFFFF, v1;
	v44 =	vadd.s32 s0, v44;
	v63 =	vadd.s32 v62, v45;
	[tilespmem:s23+$0x2CA0] =	vst v43  }
0x87: {  	s30 =	sshra.s32 s10, $0x2;
	v61 =	vadd.s32 v60, v44;
	[tilespmem:s23+$0x2CC0] =	vst v63  }
0x88: {  	s31 =	sadd.s32 $0x2CA0, s23;
	s0 =	sadd.s32 $0x30A0, s30;
	[tilespmem:s23+$0x2CB0] =	vst v61  }
0x89: {  	[tilespmem:s0], [sflag:$0x1] =	stream.indirect.gather [hbm4b:s4+s15], $0x10, s31, s15, $0xb8;
	[tilespmem:$0x72C0] =	vst v63  }
.LBB2_3:
0x8a: {  	s0 =	smul.u32 $0xA00, s28;
	_ =	sdelay $0x1  }
0x8b: {  	s29 =	sshra.s32 s0, $0x2  }
0x8c: {  	v43 =	vld [tilespmem:s29+$0x0];
	_ =	sdelay $0x4  }
0x8d: {  	vm0 =	vlt.f32 v43, $0.0e+00;
	vm1 =	vgt.f32 v43, $0.0e+00  }
0x8e: {  	vm0 =	vmor vm1, vm0  }
0x8f: {  	[tilespmem:s13+$0x0] =	vst.msk vm0, v43  }
0x90: {  	v49 =	vsel vm0, $0x1, v1;
	[tilespmem:s14+$0x0] =	vst.msk vm0, v0  }
0x91: {  	(xrf0) =	vadd.scan.msk.s32 $0xffff, v49;
	v50 =	vld [tilespmem:s29+$0x10];
	_ =	sdelay $0x4  }
0x92: {  	vm10 =	vlt.f32 v50, $0.0e+00;
	vm11 =	vgt.f32 v50, $0.0e+00  }
0x93: {  	v44, _, _ =	vpop (xrf0);
	vm0 =	vmor vm11, vm10  }
0x94: {  	(v2sf) =	vpush v44, $0xF;
	v51 =	vsel vm0, $0x1, v1  }
0x95: {  	(xrf0) =	vadd.scan.msk.s32 $0xffff, v51;
	_ =	sdelay $0x5  }
0x96: {  	v44, _, _ =	vpop (xrf0)  }
0x97: {  	(v2sf) =	vpush v44, $0xF;
	_ =	sdelay $0x6  }
0x98: {  	s10 =	spop (v2sf)  }
0x99: {  	p0 =	slt.s32 s10, $0x40;
	s5 =	smov.u32 s10  }
0x9a: {  	s5 =	simm.s32 @!p0 $0x40  }
0x9b: {  	[tilespmem:s5+$0x2900] =	vst.msk vm0, v50  }
0x9c: {  	[tilespmem:s5+$0x2950] =	vst.msk vm0, v2  }
0x9d: {  	v43 =	vld [tilespmem:s29+$0x20];
	_ =	sdelay $0x2  }
0x9e: {  	s23 =	spop (v2sf)  }
0x9f: {  	s0 =	sadd.s32 s10, s23  }
0xa0: {  	vm12 =	vlt.f32 v43, $0.0e+00;
	vm13 =	vgt.f32 v43, $0.0e+00;
	p0 =	slt.s32 s0, $0x40;
	s5 =	smov.u32 s0  }
0xa1: {  	vm0 =	vmor vm13, vm12;
	s5 =	simm.s32 @!p0 $0x40  }
0xa2: {  	v52 =	vsel vm0, $0x1, v1;
	[tilespmem:s5+$0x2900] =	vst.msk vm0, v43  }
0xa3: {  	(xrf0) =	vadd.scan.msk.s32 $0xffff, v52;
	[tilespmem:s5+$0x2950] =	vst.msk vm0, v3  }
0xa4: {  	v53 =	vld [tilespmem:s29+$0x30];
	_ =	sdelay $0x4  }
0xa5: {  	v54, _, _ =	vpop (xrf0);
	vm14 =	vlt.f32 v53, $0.0e+00;
	vm15 =	vgt.f32 v53, $0.0e+00  }
0xa6: {  	(v2sf) =	vpush v54, $0xF;
	vm0 =	vmor vm15, vm14  }
0xa7: {  	v55 =	vsel vm0, $0x1, v1  }
0xa8: {  	(xrf0) =	vadd.scan.msk.s32 $0xffff, v55;
	_ =	sdelay $0x5  }
0xa9: {  	v44, _, _ =	vpop (xrf0)  }
0xaa: {  	(v2sf) =	vpush v44, $0xF;
	_ =	sdelay $0x5  }
0xab: {  	s30 =	spop (v2sf)  }
0xac: {  	s0 =	sadd.s32 s0, s30  }
0xad: {  	p0 =	slt.s32 s0, $0x40;
	s5 =	smov.u32 s0  }
0xae: {  	s5 =	simm.s32 @!p0 $0x40  }
0xaf: {  	[tilespmem:s5+$0x2900] =	vst.msk vm0, v53  }
0xb0: {  	[tilespmem:s5+$0x2950] =	vst.msk vm0, v4  }
0xb1: {  	v43 =	vld [tilespmem:s29+$0x40];
	_ =	sdelay $0x2  }
0xb2: {  	s31 =	spop (v2sf)  }
0xb3: {  	s0 =	sadd.s32 s0, s31  }
0xb4: {  	vm4 =	vlt.f32 v43, $0.0e+00;
	vm5 =	vgt.f32 v43, $0.0e+00;
	p0 =	slt.s32 s0, $0x40;
	s5 =	smov.u32 s0  }
0xb5: {  	vm0 =	vmor vm5, vm4;
	s5 =	simm.s32 @!p0 $0x40  }
0xb6: {  	v56 =	vsel vm0, $0x1, v1;
	[tilespmem:s5+$0x2900] =	vst.msk vm0, v43  }
0xb7: {  	(xrf0) =	vadd.scan.msk.s32 $0xffff, v56;
	[tilespmem:s5+$0x2950] =	vst.msk vm0, v5  }
0xb8: {  	v57 =	vld [tilespmem:s29+$0x50];
	_ =	sdelay $0x4  }
0xb9: {  	v58, _, _ =	vpop (xrf0);
	vm6 =	vlt.f32 v57, $0.0e+00;
	vm7 =	vgt.f32 v57, $0.0e+00  }
0xba: {  	(v2sf) =	vpush v58, $0xF;
	vm0 =	vmor vm7, vm6  }
0xbb: {  	v59 =	vsel vm0, $0x1, v1  }
0xbc: {  	(xrf0) =	vadd.scan.msk.s32 $0xffff, v59;
	_ =	sdelay $0x5  }
0xbd: {  	v44, _, _ =	vpop (xrf0)  }
0xbe: {  	(v2sf) =	vpush v44, $0xF;
	_ =	sdelay $0x5  }
0xbf: {  	s1 =	spop (v2sf)  }
0xc0: {  	s0 =	sadd.s32 s0, s1  }
0xc1: {  	p0 =	slt.s32 s0, $0x40;
	s5 =	smov.u32 s0  }
0xc2: {  	s5 =	simm.s32 @!p0 $0x40  }
0xc3: {  	[tilespmem:s5+$0x2900] =	vst.msk vm0, v57  }
0xc4: {  	[tilespmem:s5+$0x2950] =	vst.msk vm0, v6  }
0xc5: {  	v43 =	vld [tilespmem:s29+$0x60];
	_ =	sdelay $0x2  }
0xc6: {  	s10 =	spop (v2sf)  }
0xc7: {  	s0 =	sadd.s32 s0, s10  }
0xc8: {  	vm8 =	vlt.f32 v43, $0.0e+00;
	vm9 =	vgt.f32 v43, $0.0e+00;
	p0 =	slt.s32 s0, $0x40;
	s5 =	smov.u32 s0  }
0xc9: {  	vm0 =	vmor vm9, vm8;
	s5 =	simm.s32 @!p0 $0x40  }
0xca: {  	v60 =	vsel vm0, $0x1, v1;
	[tilespmem:s5+$0x2900] =	vst.msk vm0, v43  }
0xcb: {  	(xrf0) =	vadd.scan.msk.s32 $0xffff, v60;
	[tilespmem:s5+$0x2950] =	vst.msk vm0, v7  }
0xcc: {  	v61 =	vld [tilespmem:s29+$0x70];
	_ =	sdelay $0x4  }
0xcd: {  	v62, _, _ =	vpop (xrf0);
	vm10 =	vlt.f32 v61, $0.0e+00;
	vm11 =	vgt.f32 v61, $0.0e+00  }
0xce: {  	(v2sf) =	vpush v62, $0xF;
	vm0 =	vmor vm11, vm10  }
0xcf: {  	v63 =	vsel vm0, $0x1, v1  }
0xd0: {  	(xrf0) =	vadd.scan.msk.s32 $0xffff, v63;
	_ =	sdelay $0x5  }
0xd1: {  	v44, _, _ =	vpop (xrf0)  }
0xd2: {  	(v2sf) =	vpush v44, $0xF;
	_ =	sdelay $0x5  }
0xd3: {  	s23 =	spop (v2sf)  }
0xd4: {  	s0 =	sadd.s32 s0, s23  }
0xd5: {  	p0 =	slt.s32 s0, $0x40;
	s5 =	smov.u32 s0  }
0xd6: {  	s5 =	simm.s32 @!p0 $0x40  }
0xd7: {  	[tilespmem:s5+$0x2900] =	vst.msk vm0, v61  }
0xd8: {  	[tilespmem:s5+$0x2950] =	vst.msk vm0, v8  }
0xd9: {  	v43 =	vld [tilespmem:s29+$0x80];
	_ =	sdelay $0x2  }
0xda: {  	s30 =	spop (v2sf)  }
0xdb: {  	s0 =	sadd.s32 s0, s30  }
0xdc: {  	vm12 =	vlt.f32 v43, $0.0e+00;
	vm13 =	vgt.f32 v43, $0.0e+00;
	p0 =	slt.s32 s0, $0x40;
	s5 =	smov.u32 s0  }
0xdd: {  	vm0 =	vmor vm13, vm12;
	s5 =	simm.s32 @!p0 $0x40  }
0xde: {  	v48 =	vsel vm0, $0x1, v1;
	[tilespmem:s5+$0x2900] =	vst.msk vm0, v43  }
0xdf: {  	(xrf0) =	vadd.scan.msk.s32 $0xffff, v48;
	[tilespmem:s5+$0x2950] =	vst.msk vm0, v9  }
0xe0: {  	v49 =	vld [tilespmem:s29+$0x90];
	_ =	sdelay $0x4  }
0xe1: {  	v50, _, _ =	vpop (xrf0);
	vm14 =	vlt.f32 v49, $0.0e+00;
	vm15 =	vgt.f32 v49, $0.0e+00  }
0xe2: {  	(v2sf) =	vpush v50, $0xF;
	vm0 =	vmor vm15, vm14  }
0xe3: {  	v51 =	vsel vm0, $0x1, v1  }
0xe4: {  	(xrf0) =	vadd.scan.msk.s32 $0xffff, v51;
	_ =	sdelay $0x5  }
0xe5: {  	v44, _, _ =	vpop (xrf0)  }
0xe6: {  	(v2sf) =	vpush v44, $0xF;
	_ =	sdelay $0x5  }
0xe7: {  	s31 =	spop (v2sf)  }
0xe8: {  	s0 =	sadd.s32 s0, s31  }
0xe9: {  	p0 =	slt.s32 s0, $0x40;
	s5 =	smov.u32 s0  }
0xea: {  	s5 =	simm.s32 @!p0 $0x40  }
0xeb: {  	[tilespmem:s5+$0x2900] =	vst.msk vm0, v49  }
0xec: {  	[tilespmem:s5+$0x2950] =	vst.msk vm0, v10  }
0xed: {  	v43 =	vld [tilespmem:s29+$0xA0];
	_ =	sdelay $0x2  }
0xee: {  	s1 =	spop (v2sf)  }
0xef: {  	s0 =	sadd.s32 s0, s1  }
0xf0: {  	vm4 =	vlt.f32 v43, $0.0e+00;
	vm5 =	vgt.f32 v43, $0.0e+00;
	p0 =	slt.s32 s0, $0x40;
	s5 =	smov.u32 s0  }
0xf1: {  	vm0 =	vmor vm5, vm4;
	s5 =	simm.s32 @!p0 $0x40  }
0xf2: {  	v52 =	vsel vm0, $0x1, v1;
	[tilespmem:s5+$0x2900] =	vst.msk vm0, v43  }
0xf3: {  	(xrf0) =	vadd.scan.msk.s32 $0xffff, v52;
	[tilespmem:s5+$0x2950] =	vst.msk vm0, v11  }
0xf4: {  	v53 =	vld [tilespmem:s29+$0xB0];
	_ =	sdelay $0x4  }
0xf5: {  	v54, _, _ =	vpop (xrf0);
	vm6 =	vlt.f32 v53, $0.0e+00;
	vm7 =	vgt.f32 v53, $0.0e+00  }
0xf6: {  	(v2sf) =	vpush v54, $0xF;
	vm0 =	vmor vm7, vm6  }
0xf7: {  	v55 =	vsel vm0, $0x1, v1  }
0xf8: {  	(xrf0) =	vadd.scan.msk.s32 $0xffff, v55;
	_ =	sdelay $0x5  }
0xf9: {  	v44, _, _ =	vpop (xrf0)  }
0xfa: {  	(v2sf) =	vpush v44, $0xF;
	_ =	sdelay $0x5  }
0xfb: {  	s10 =	spop (v2sf)  }
0xfc: {  	s0 =	sadd.s32 s0, s10  }
0xfd: {  	p0 =	slt.s32 s0, $0x40;
	s5 =	smov.u32 s0  }
0xfe: {  	s5 =	simm.s32 @!p0 $0x40  }
0xff: {  	[tilespmem:s5+$0x2900] =	vst.msk vm0, v53  }
0x100: {  	[tilespmem:s5+$0x2950] =	vst.msk vm0, v12  }
0x101: {  	v43 =	vld [tilespmem:s29+$0xC0];
	_ =	sdelay $0x2  }
0x102: {  	s23 =	spop (v2sf)  }
0x103: {  	s0 =	sadd.s32 s0, s23  }
0x104: {  	vm8 =	vlt.f32 v43, $0.0e+00;
	vm9 =	vgt.f32 v43, $0.0e+00;
	p0 =	slt.s32 s0, $0x40;
	s5 =	smov.u32 s0  }
0x105: {  	vm0 =	vmor vm9, vm8;
	s5 =	simm.s32 @!p0 $0x40  }
0x106: {  	v56 =	vsel vm0, $0x1, v1;
	[tilespmem:s5+$0x2900] =	vst.msk vm0, v43  }
0x107: {  	(xrf0) =	vadd.scan.msk.s32 $0xffff, v56;
	[tilespmem:s5+$0x2950] =	vst.msk vm0, v13  }
0x108: {  	v57 =	vld [tilespmem:s29+$0xD0];
	_ =	sdelay $0x4  }
0x109: {  	v58, _, _ =	vpop (xrf0);
	vm10 =	vlt.f32 v57, $0.0e+00;
	vm11 =	vgt.f32 v57, $0.0e+00  }
0x10a: {  	(v2sf) =	vpush v58, $0xF;
	vm0 =	vmor vm11, vm10  }
0x10b: {  	v59 =	vsel vm0, $0x1, v1  }
0x10c: {  	(xrf0) =	vadd.scan.msk.s32 $0xffff, v59;
	_ =	sdelay $0x5  }
0x10d: {  	v44, _, _ =	vpop (xrf0)  }
0x10e: {  	(v2sf) =	vpush v44, $0xF;
	_ =	sdelay $0x5  }
0x10f: {  	s30 =	spop (v2sf)  }
0x110: {  	s0 =	sadd.s32 s0, s30  }
0x111: {  	p0 =	slt.s32 s0, $0x40;
	s5 =	smov.u32 s0  }
0x112: {  	s5 =	simm.s32 @!p0 $0x40  }
0x113: {  	[tilespmem:s5+$0x2900] =	vst.msk vm0, v57  }
0x114: {  	[tilespmem:s5+$0x2950] =	vst.msk vm0, v14  }
0x115: {  	v43 =	vld [tilespmem:s29+$0xE0];
	_ =	sdelay $0x2  }
0x116: {  	s31 =	spop (v2sf)  }
0x117: {  	s0 =	sadd.s32 s0, s31  }
0x118: {  	vm12 =	vlt.f32 v43, $0.0e+00;
	vm13 =	vgt.f32 v43, $0.0e+00;
	p0 =	slt.s32 s0, $0x40;
	s5 =	smov.u32 s0  }
0x119: {  	vm0 =	vmor vm13, vm12;
	s5 =	simm.s32 @!p0 $0x40  }
0x11a: {  	v60 =	vsel vm0, $0x1, v1;
	[tilespmem:s5+$0x2900] =	vst.msk vm0, v43  }
0x11b: {  	(xrf0) =	vadd.scan.msk.s32 $0xffff, v60;
	[tilespmem:s5+$0x2950] =	vst.msk vm0, v15  }
0x11c: {  	v61 =	vld [tilespmem:s29+$0xF0];
	_ =	sdelay $0x4  }
0x11d: {  	v62, _, _ =	vpop (xrf0);
	vm14 =	vlt.f32 v61, $0.0e+00;
	vm15 =	vgt.f32 v61, $0.0e+00  }
0x11e: {  	(v2sf) =	vpush v62, $0xF;
	vm0 =	vmor vm15, vm14  }
0x11f: {  	v63 =	vsel vm0, $0x1, v1  }
0x120: {  	(xrf0) =	vadd.scan.msk.s32 $0xffff, v63;
	_ =	sdelay $0x5  }
0x121: {  	v44, _, _ =	vpop (xrf0)  }
0x122: {  	(v2sf) =	vpush v44, $0xF;
	_ =	sdelay $0x5  }
0x123: {  	s1 =	spop (v2sf)  }
0x124: {  	s0 =	sadd.s32 s0, s1  }
0x125: {  	p0 =	slt.s32 s0, $0x40;
	s5 =	smov.u32 s0  }
0x126: {  	s5 =	simm.s32 @!p0 $0x40  }
0x127: {  	[tilespmem:s5+$0x2900] =	vst.msk vm0, v61  }
0x128: {  	[tilespmem:s5+$0x2950] =	vst.msk vm0, v16  }
0x129: {  	v43 =	vld [tilespmem:s29+$0x100];
	_ =	sdelay $0x2  }
0x12a: {  	s10 =	spop (v2sf)  }
0x12b: {  	s0 =	sadd.s32 s0, s10  }
0x12c: {  	vm4 =	vlt.f32 v43, $0.0e+00;
	vm5 =	vgt.f32 v43, $0.0e+00;
	p0 =	slt.s32 s0, $0x40;
	s5 =	smov.u32 s0  }
0x12d: {  	vm0 =	vmor vm5, vm4;
	s5 =	simm.s32 @!p0 $0x40  }
0x12e: {  	v48 =	vsel vm0, $0x1, v1;
	[tilespmem:s5+$0x2900] =	vst.msk vm0, v43  }
0x12f: {  	(xrf0) =	vadd.scan.msk.s32 $0xffff, v48;
	[tilespmem:s5+$0x2950] =	vst.msk vm0, v17  }
0x130: {  	v49 =	vld [tilespmem:s29+$0x110];
	_ =	sdelay $0x4  }
0x131: {  	v50, _, _ =	vpop (xrf0);
	vm6 =	vlt.f32 v49, $0.0e+00;
	vm7 =	vgt.f32 v49, $0.0e+00  }
0x132: {  	(v2sf) =	vpush v50, $0xF;
	vm0 =	vmor vm7, vm6  }
0x133: {  	v51 =	vsel vm0, $0x1, v1  }
0x134: {  	(xrf0) =	vadd.scan.msk.s32 $0xffff, v51;
	_ =	sdelay $0x5  }
0x135: {  	v44, _, _ =	vpop (xrf0)  }
0x136: {  	(v2sf) =	vpush v44, $0xF;
	_ =	sdelay $0x5  }
0x137: {  	s23 =	spop (v2sf)  }
0x138: {  	s0 =	sadd.s32 s0, s23  }
0x139: {  	p0 =	slt.s32 s0, $0x40;
	s5 =	smov.u32 s0  }
0x13a: {  	s5 =	simm.s32 @!p0 $0x40  }
0x13b: {  	[tilespmem:s5+$0x2900] =	vst.msk vm0, v49  }
0x13c: {  	[tilespmem:s5+$0x2950] =	vst.msk vm0, v18  }
0x13d: {  	v43 =	vld [tilespmem:s29+$0x120];
	_ =	sdelay $0x2  }
0x13e: {  	s30 =	spop (v2sf)  }
0x13f: {  	s0 =	sadd.s32 s0, s30  }
0x140: {  	vm8 =	vlt.f32 v43, $0.0e+00;
	vm9 =	vgt.f32 v43, $0.0e+00;
	p0 =	slt.s32 s0, $0x40;
	s5 =	smov.u32 s0  }
0x141: {  	vm0 =	vmor vm9, vm8;
	s5 =	simm.s32 @!p0 $0x40  }
0x142: {  	v52 =	vsel vm0, $0x1, v1;
	[tilespmem:s5+$0x2900] =	vst.msk vm0, v43  }
0x143: {  	(xrf0) =	vadd.scan.msk.s32 $0xffff, v52;
	[tilespmem:s5+$0x2950] =	vst.msk vm0, v19  }
0x144: {  	v53 =	vld [tilespmem:s29+$0x130];
	_ =	sdelay $0x4  }
0x145: {  	v54, _, _ =	vpop (xrf0);
	vm10 =	vlt.f32 v53, $0.0e+00;
	vm11 =	vgt.f32 v53, $0.0e+00  }
0x146: {  	(v2sf) =	vpush v54, $0xF;
	vm0 =	vmor vm11, vm10  }
0x147: {  	v55 =	vsel vm0, $0x1, v1  }
0x148: {  	(xrf0) =	vadd.scan.msk.s32 $0xffff, v55;
	_ =	sdelay $0x5  }
0x149: {  	v44, _, _ =	vpop (xrf0)  }
0x14a: {  	(v2sf) =	vpush v44, $0xF;
	_ =	sdelay $0x5  }
0x14b: {  	s31 =	spop (v2sf)  }
0x14c: {  	s0 =	sadd.s32 s0, s31  }
0x14d: {  	p0 =	slt.s32 s0, $0x40;
	s5 =	smov.u32 s0  }
0x14e: {  	s5 =	simm.s32 @!p0 $0x40  }
0x14f: {  	[tilespmem:s5+$0x2900] =	vst.msk vm0, v53  }
0x150: {  	[tilespmem:s5+$0x2950] =	vst.msk vm0, v20  }
0x151: {  	v43 =	vld [tilespmem:s29+$0x140];
	_ =	sdelay $0x2  }
0x152: {  	s1 =	spop (v2sf)  }
0x153: {  	s0 =	sadd.s32 s0, s1  }
0x154: {  	vm12 =	vlt.f32 v43, $0.0e+00;
	vm13 =	vgt.f32 v43, $0.0e+00;
	p0 =	slt.s32 s0, $0x40;
	s5 =	smov.u32 s0  }
0x155: {  	vm0 =	vmor vm13, vm12;
	s5 =	simm.s32 @!p0 $0x40  }
0x156: {  	v56 =	vsel vm0, $0x1, v1;
	[tilespmem:s5+$0x2900] =	vst.msk vm0, v43  }
0x157: {  	(xrf0) =	vadd.scan.msk.s32 $0xffff, v56;
	[tilespmem:s5+$0x2950] =	vst.msk vm0, v21  }
0x158: {  	v57 =	vld [tilespmem:s29+$0x150];
	_ =	sdelay $0x4  }
0x159: {  	v58, _, _ =	vpop (xrf0);
	vm14 =	vlt.f32 v57, $0.0e+00;
	vm15 =	vgt.f32 v57, $0.0e+00  }
0x15a: {  	(v2sf) =	vpush v58, $0xF;
	vm0 =	vmor vm15, vm14  }
0x15b: {  	v59 =	vsel vm0, $0x1, v1  }
0x15c: {  	(xrf0) =	vadd.scan.msk.s32 $0xffff, v59;
	_ =	sdelay $0x5  }
0x15d: {  	v44, _, _ =	vpop (xrf0)  }
0x15e: {  	(v2sf) =	vpush v44, $0xF;
	_ =	sdelay $0x5  }
0x15f: {  	s10 =	spop (v2sf)  }
0x160: {  	s0 =	sadd.s32 s0, s10  }
0x161: {  	p0 =	slt.s32 s0, $0x40;
	s5 =	smov.u32 s0  }
0x162: {  	s5 =	simm.s32 @!p0 $0x40  }
0x163: {  	[tilespmem:s5+$0x2900] =	vst.msk vm0, v57  }
0x164: {  	[tilespmem:s5+$0x2950] =	vst.msk vm0, v22  }
0x165: {  	v43 =	vld [tilespmem:s29+$0x160];
	_ =	sdelay $0x2  }
0x166: {  	s23 =	spop (v2sf)  }
0x167: {  	s0 =	sadd.s32 s0, s23  }
0x168: {  	vm4 =	vlt.f32 v43, $0.0e+00;
	vm5 =	vgt.f32 v43, $0.0e+00;
	p0 =	slt.s32 s0, $0x40;
	s5 =	smov.u32 s0  }
0x169: {  	vm0 =	vmor vm5, vm4;
	s5 =	simm.s32 @!p0 $0x40  }
0x16a: {  	v60 =	vsel vm0, $0x1, v1;
	[tilespmem:s5+$0x2900] =	vst.msk vm0, v43  }
0x16b: {  	(xrf0) =	vadd.scan.msk.s32 $0xffff, v60;
	[tilespmem:s5+$0x2950] =	vst.msk vm0, v23  }
0x16c: {  	v61 =	vld [tilespmem:s29+$0x170];
	_ =	sdelay $0x4  }
0x16d: {  	v62, _, _ =	vpop (xrf0);
	vm6 =	vlt.f32 v61, $0.0e+00;
	vm7 =	vgt.f32 v61, $0.0e+00  }
0x16e: {  	(v2sf) =	vpush v62, $0xF;
	vm0 =	vmor vm7, vm6  }
0x16f: {  	v63 =	vsel vm0, $0x1, v1  }
0x170: {  	(xrf0) =	vadd.scan.msk.s32 $0xffff, v63;
	_ =	sdelay $0x5  }
0x171: {  	v44, _, _ =	vpop (xrf0)  }
0x172: {  	(v2sf) =	vpush v44, $0xF;
	_ =	sdelay $0x5  }
0x173: {  	s30 =	spop (v2sf)  }
0x174: {  	s0 =	sadd.s32 s0, s30  }
0x175: {  	p0 =	slt.s32 s0, $0x40;
	s5 =	smov.u32 s0  }
0x176: {  	s5 =	simm.s32 @!p0 $0x40  }
0x177: {  	[tilespmem:s5+$0x2900] =	vst.msk vm0, v61  }
0x178: {  	[tilespmem:s5+$0x2950] =	vst.msk vm0, v24  }
0x179: {  	v43 =	vld [tilespmem:s29+$0x180];
	_ =	sdelay $0x2  }
0x17a: {  	s31 =	spop (v2sf)  }
0x17b: {  	s0 =	sadd.s32 s0, s31  }
0x17c: {  	vm8 =	vlt.f32 v43, $0.0e+00;
	vm9 =	vgt.f32 v43, $0.0e+00;
	p0 =	slt.s32 s0, $0x40;
	s5 =	smov.u32 s0  }
0x17d: {  	vm0 =	vmor vm9, vm8;
	s5 =	simm.s32 @!p0 $0x40  }
0x17e: {  	v48 =	vsel vm0, $0x1, v1;
	[tilespmem:s5+$0x2900] =	vst.msk vm0, v43  }
0x17f: {  	(xrf0) =	vadd.scan.msk.s32 $0xffff, v48;
	[tilespmem:s5+$0x2950] =	vst.msk vm0, v25  }
0x180: {  	v49 =	vld [tilespmem:s29+$0x190];
	_ =	sdelay $0x4  }
0x181: {  	v50, _, _ =	vpop (xrf0);
	vm10 =	vlt.f32 v49, $0.0e+00;
	vm11 =	vgt.f32 v49, $0.0e+00  }
0x182: {  	(v2sf) =	vpush v50, $0xF;
	vm0 =	vmor vm11, vm10  }
0x183: {  	v51 =	vsel vm0, $0x1, v1  }
0x184: {  	(xrf0) =	vadd.scan.msk.s32 $0xffff, v51;
	_ =	sdelay $0x5  }
0x185: {  	v44, _, _ =	vpop (xrf0)  }
0x186: {  	(v2sf) =	vpush v44, $0xF;
	_ =	sdelay $0x5  }
0x187: {  	s1 =	spop (v2sf)  }
0x188: {  	s0 =	sadd.s32 s0, s1  }
0x189: {  	p0 =	slt.s32 s0, $0x40;
	s5 =	smov.u32 s0  }
0x18a: {  	s5 =	simm.s32 @!p0 $0x40  }
0x18b: {  	[tilespmem:s5+$0x2900] =	vst.msk vm0, v49  }
0x18c: {  	[tilespmem:s5+$0x2950] =	vst.msk vm0, v26  }
0x18d: {  	v43 =	vld [tilespmem:s29+$0x1A0];
	_ =	sdelay $0x2  }
0x18e: {  	s10 =	spop (v2sf)  }
0x18f: {  	s0 =	sadd.s32 s0, s10  }
0x190: {  	vm12 =	vlt.f32 v43, $0.0e+00;
	vm13 =	vgt.f32 v43, $0.0e+00;
	p0 =	slt.s32 s0, $0x40;
	s5 =	smov.u32 s0  }
0x191: {  	vm0 =	vmor vm13, vm12;
	s5 =	simm.s32 @!p0 $0x40  }
0x192: {  	v52 =	vsel vm0, $0x1, v1;
	[tilespmem:s5+$0x2900] =	vst.msk vm0, v43  }
0x193: {  	(xrf0) =	vadd.scan.msk.s32 $0xffff, v52;
	[tilespmem:s5+$0x2950] =	vst.msk vm0, v27  }
0x194: {  	v53 =	vld [tilespmem:s29+$0x1B0];
	_ =	sdelay $0x4  }
0x195: {  	v54, _, _ =	vpop (xrf0);
	vm14 =	vlt.f32 v53, $0.0e+00;
	vm15 =	vgt.f32 v53, $0.0e+00  }
0x196: {  	(v2sf) =	vpush v54, $0xF;
	vm0 =	vmor vm15, vm14  }
0x197: {  	v55 =	vsel vm0, $0x1, v1  }
0x198: {  	(xrf0) =	vadd.scan.msk.s32 $0xffff, v55;
	_ =	sdelay $0x5  }
0x199: {  	v44, _, _ =	vpop (xrf0)  }
0x19a: {  	(v2sf) =	vpush v44, $0xF;
	_ =	sdelay $0x5  }
0x19b: {  	s23 =	spop (v2sf)  }
0x19c: {  	s0 =	sadd.s32 s0, s23  }
0x19d: {  	p0 =	slt.s32 s0, $0x40;
	s5 =	smov.u32 s0  }
0x19e: {  	s5 =	simm.s32 @!p0 $0x40  }
0x19f: {  	[tilespmem:s5+$0x2900] =	vst.msk vm0, v53  }
0x1a0: {  	[tilespmem:s5+$0x2950] =	vst.msk vm0, v28  }
0x1a1: {  	v43 =	vld [tilespmem:s29+$0x1C0];
	_ =	sdelay $0x2  }
0x1a2: {  	s30 =	spop (v2sf)  }
0x1a3: {  	s0 =	sadd.s32 s0, s30  }
0x1a4: {  	vm4 =	vlt.f32 v43, $0.0e+00;
	vm5 =	vgt.f32 v43, $0.0e+00;
	p0 =	slt.s32 s0, $0x40;
	s5 =	smov.u32 s0  }
0x1a5: {  	vm0 =	vmor vm5, vm4;
	s5 =	simm.s32 @!p0 $0x40  }
0x1a6: {  	v56 =	vsel vm0, $0x1, v1;
	[tilespmem:s5+$0x2900] =	vst.msk vm0, v43  }
0x1a7: {  	(xrf0) =	vadd.scan.msk.s32 $0xffff, v56;
	[tilespmem:s5+$0x2950] =	vst.msk vm0, v29  }
0x1a8: {  	v57 =	vld [tilespmem:s29+$0x1D0];
	_ =	sdelay $0x4  }
0x1a9: {  	v58, _, _ =	vpop (xrf0);
	vm6 =	vlt.f32 v57, $0.0e+00;
	vm7 =	vgt.f32 v57, $0.0e+00  }
0x1aa: {  	(v2sf) =	vpush v58, $0xF;
	vm0 =	vmor vm7, vm6  }
0x1ab: {  	v59 =	vsel vm0, $0x1, v1  }
0x1ac: {  	(xrf0) =	vadd.scan.msk.s32 $0xffff, v59;
	_ =	sdelay $0x5  }
0x1ad: {  	v44, _, _ =	vpop (xrf0)  }
0x1ae: {  	(v2sf) =	vpush v44, $0xF;
	_ =	sdelay $0x5  }
0x1af: {  	s31 =	spop (v2sf)  }
0x1b0: {  	s0 =	sadd.s32 s0, s31  }
0x1b1: {  	p0 =	slt.s32 s0, $0x40;
	s5 =	smov.u32 s0  }
0x1b2: {  	s5 =	simm.s32 @!p0 $0x40  }
0x1b3: {  	[tilespmem:s5+$0x2900] =	vst.msk vm0, v57  }
0x1b4: {  	[tilespmem:s5+$0x2950] =	vst.msk vm0, v30  }
0x1b5: {  	v43 =	vld [tilespmem:s29+$0x1E0];
	_ =	sdelay $0x2  }
0x1b6: {  	s1 =	spop (v2sf)  }
0x1b7: {  	s0 =	sadd.s32 s0, s1  }
0x1b8: {  	vm8 =	vlt.f32 v43, $0.0e+00;
	vm9 =	vgt.f32 v43, $0.0e+00;
	p0 =	slt.s32 s0, $0x40;
	s5 =	smov.u32 s0  }
0x1b9: {  	vm0 =	vmor vm9, vm8;
	s5 =	simm.s32 @!p0 $0x40  }
0x1ba: {  	v60 =	vsel vm0, $0x1, v1;
	[tilespmem:s5+$0x2900] =	vst.msk vm0, v43  }
0x1bb: {  	(xrf0) =	vadd.scan.msk.s32 $0xffff, v60;
	[tilespmem:s5+$0x2950] =	vst.msk vm0, v31  }
0x1bc: {  	v61 =	vld [tilespmem:s29+$0x1F0];
	_ =	sdelay $0x4  }
0x1bd: {  	v62, _, _ =	vpop (xrf0);
	vm10 =	vlt.f32 v61, $0.0e+00;
	vm11 =	vgt.f32 v61, $0.0e+00  }
0x1be: {  	(v2sf) =	vpush v62, $0xF;
	vm0 =	vmor vm11, vm10  }
0x1bf: {  	v63 =	vsel vm0, $0x1, v1  }
0x1c0: {  	(xrf0) =	vadd.scan.msk.s32 $0xffff, v63;
	_ =	sdelay $0x5  }
0x1c1: {  	v44, _, _ =	vpop (xrf0)  }
0x1c2: {  	(v2sf) =	vpush v44, $0xF;
	_ =	sdelay $0x5  }
0x1c3: {  	s10 =	spop (v2sf)  }
0x1c4: {  	s0 =	sadd.s32 s0, s10  }
0x1c5: {  	p0 =	slt.s32 s0, $0x40;
	s5 =	smov.u32 s0  }
0x1c6: {  	s5 =	simm.s32 @!p0 $0x40  }
0x1c7: {  	[tilespmem:s5+$0x2900] =	vst.msk vm0, v61  }
0x1c8: {  	[tilespmem:s5+$0x2950] =	vst.msk vm0, v32  }
0x1c9: {  	v43 =	vld [tilespmem:s29+$0x200];
	_ =	sdelay $0x2  }
0x1ca: {  	s23 =	spop (v2sf)  }
0x1cb: {  	s0 =	sadd.s32 s0, s23  }
0x1cc: {  	vm12 =	vlt.f32 v43, $0.0e+00;
	vm13 =	vgt.f32 v43, $0.0e+00;
	p0 =	slt.s32 s0, $0x40;
	s5 =	smov.u32 s0  }
0x1cd: {  	vm0 =	vmor vm13, vm12;
	s5 =	simm.s32 @!p0 $0x40  }
0x1ce: {  	v48 =	vsel vm0, $0x1, v1;
	[tilespmem:s5+$0x2900] =	vst.msk vm0, v43  }
0x1cf: {  	(xrf0) =	vadd.scan.msk.s32 $0xffff, v48;
	[tilespmem:s5+$0x2950] =	vst.msk vm0, v33  }
0x1d0: {  	v49 =	vld [tilespmem:s29+$0x210];
	_ =	sdelay $0x4  }
0x1d1: {  	v50, _, _ =	vpop (xrf0);
	vm14 =	vlt.f32 v49, $0.0e+00;
	vm15 =	vgt.f32 v49, $0.0e+00  }
0x1d2: {  	(v2sf) =	vpush v50, $0xF;
	vm0 =	vmor vm15, vm14  }
0x1d3: {  	v51 =	vsel vm0, $0x1, v1  }
0x1d4: {  	(xrf0) =	vadd.scan.msk.s32 $0xffff, v51;
	_ =	sdelay $0x5  }
0x1d5: {  	v44, _, _ =	vpop (xrf0)  }
0x1d6: {  	(v2sf) =	vpush v44, $0xF;
	_ =	sdelay $0x5  }
0x1d7: {  	s30 =	spop (v2sf)  }
0x1d8: {  	s0 =	sadd.s32 s0, s30  }
0x1d9: {  	p0 =	slt.s32 s0, $0x40;
	s5 =	smov.u32 s0  }
0x1da: {  	s5 =	simm.s32 @!p0 $0x40  }
0x1db: {  	[tilespmem:s5+$0x2900] =	vst.msk vm0, v49  }
0x1dc: {  	[tilespmem:s5+$0x2950] =	vst.msk vm0, v34  }
0x1dd: {  	v43 =	vld [tilespmem:s29+$0x220];
	_ =	sdelay $0x2  }
0x1de: {  	s31 =	spop (v2sf)  }
0x1df: {  	s0 =	sadd.s32 s0, s31  }
0x1e0: {  	vm4 =	vlt.f32 v43, $0.0e+00;
	vm5 =	vgt.f32 v43, $0.0e+00;
	p0 =	slt.s32 s0, $0x40;
	s5 =	smov.u32 s0  }
0x1e1: {  	vm0 =	vmor vm5, vm4;
	s5 =	simm.s32 @!p0 $0x40  }
0x1e2: {  	v52 =	vsel vm0, $0x1, v1;
	[tilespmem:s5+$0x2900] =	vst.msk vm0, v43  }
0x1e3: {  	(xrf0) =	vadd.scan.msk.s32 $0xffff, v52;
	[tilespmem:s5+$0x2950] =	vst.msk vm0, v35  }
0x1e4: {  	v53 =	vld [tilespmem:s29+$0x230];
	_ =	sdelay $0x4  }
0x1e5: {  	v54, _, _ =	vpop (xrf0);
	vm6 =	vlt.f32 v53, $0.0e+00;
	vm7 =	vgt.f32 v53, $0.0e+00  }
0x1e6: {  	(v2sf) =	vpush v54, $0xF;
	vm0 =	vmor vm7, vm6  }
0x1e7: {  	v55 =	vsel vm0, $0x1, v1  }
0x1e8: {  	(xrf0) =	vadd.scan.msk.s32 $0xffff, v55;
	_ =	sdelay $0x5  }
0x1e9: {  	v44, _, _ =	vpop (xrf0)  }
0x1ea: {  	(v2sf) =	vpush v44, $0xF;
	_ =	sdelay $0x5  }
0x1eb: {  	s1 =	spop (v2sf)  }
0x1ec: {  	s0 =	sadd.s32 s0, s1  }
0x1ed: {  	p0 =	slt.s32 s0, $0x40;
	s5 =	smov.u32 s0  }
0x1ee: {  	s5 =	simm.s32 @!p0 $0x40  }
0x1ef: {  	[tilespmem:s5+$0x2900] =	vst.msk vm0, v53  }
0x1f0: {  	[tilespmem:s5+$0x2950] =	vst.msk vm0, v36  }
0x1f1: {  	v43 =	vld [tilespmem:s29+$0x240];
	_ =	sdelay $0x2  }
0x1f2: {  	s10 =	spop (v2sf)  }
0x1f3: {  	s0 =	sadd.s32 s0, s10  }
0x1f4: {  	vm8 =	vlt.f32 v43, $0.0e+00;
	vm9 =	vgt.f32 v43, $0.0e+00;
	p0 =	slt.s32 s0, $0x40;
	s5 =	smov.u32 s0  }
0x1f5: {  	vm0 =	vmor vm9, vm8;
	s5 =	simm.s32 @!p0 $0x40  }
0x1f6: {  	v56 =	vsel vm0, $0x1, v1;
	[tilespmem:s5+$0x2900] =	vst.msk vm0, v43  }
0x1f7: {  	(xrf0) =	vadd.scan.msk.s32 $0xffff, v56;
	[tilespmem:s5+$0x2950] =	vst.msk vm0, v37  }
0x1f8: {  	v57 =	vld [tilespmem:s29+$0x250];
	_ =	sdelay $0x4  }
0x1f9: {  	v58, _, _ =	vpop (xrf0);
	vm10 =	vlt.f32 v57, $0.0e+00;
	vm11 =	vgt.f32 v57, $0.0e+00  }
0x1fa: {  	(v2sf) =	vpush v58, $0xF;
	vm0 =	vmor vm11, vm10  }
0x1fb: {  	v59 =	vsel vm0, $0x1, v1  }
0x1fc: {  	(xrf0) =	vadd.scan.msk.s32 $0xffff, v59;
	_ =	sdelay $0x5  }
0x1fd: {  	v44, _, _ =	vpop (xrf0)  }
0x1fe: {  	(v2sf) =	vpush v44, $0xF;
	_ =	sdelay $0x5  }
0x1ff: {  	s23 =	spop (v2sf)  }
0x200: {  	s0 =	sadd.s32 s0, s23  }
0x201: {  	p0 =	slt.s32 s0, $0x40;
	s5 =	smov.u32 s0  }
0x202: {  	s5 =	simm.s32 @!p0 $0x40  }
0x203: {  	[tilespmem:s5+$0x2900] =	vst.msk vm0, v57  }
0x204: {  	[tilespmem:s5+$0x2950] =	vst.msk vm0, v38  }
0x205: {  	v43 =	vld [tilespmem:s29+$0x260];
	_ =	sdelay $0x2  }
0x206: {  	s30 =	spop (v2sf)  }
0x207: {  	s0 =	sadd.s32 s0, s30  }
0x208: {  	vm12 =	vlt.f32 v43, $0.0e+00;
	vm13 =	vgt.f32 v43, $0.0e+00;
	p0 =	slt.s32 s0, $0x40;
	s5 =	smov.u32 s0  }
0x209: {  	vm0 =	vmor vm13, vm12;
	s5 =	simm.s32 @!p0 $0x40  }
0x20a: {  	[tilespmem:s5+$0x2900] =	vst.msk vm0, v43  }
0x20b: {  	[tilespmem:s5+$0x2950] =	vst.msk vm0, v39  }
0x20c: {  	v43 =	vld [tilespmem:s29+$0x270];
	_ =	sdelay $0x4  }
0x20d: {  	vm14 =	vlt.f32 v43, $0.0e+00;
	vm15 =	vgt.f32 v43, $0.0e+00  }
0x20e: {  	v60 =	vsel vm0, $0x1, v1;
	vm0 =	vmor vm15, vm14  }
0x20f: {  	(xrf0) =	vadd.scan.msk.s32 $0xffff, v60;
	v61 =	vsel vm0, $0x1, v1  }
0x210: {  	(xrf0) =	vadd.scan.msk.s32 $0xffff, v61;
	_ =	sdelay $0x4  }
0x211: {  	v62, _, _ =	vpop (xrf0)  }
0x212: {  	(v2sf) =	vpush v62, $0xF;
	v63, _, _ =	vpop (xrf0)  }
0x213: {  	(v2sf) =	vpush v63, $0xF;
	_ =	sdelay $0xd  }
0x214: {  	s31 =	spop (v2sf)  }
0x215: {  	s0 =	sadd.s32 s0, s31;
	s10 =	spop (v2sf)  }
0x216: {  	p0 =	slt.s32 s0, $0x40;
	s5 =	smov.u32 s0;
	s0 =	sadd.s32 s0, s10  }
0x217: {  	s5 =	simm.s32 @!p0 $0x40;
	p0 =	slt.s32 s0, $0x1  }
.Ltmp2:
0x218: {  	_ = 	snop;
	(pc) =	sbr.rel @p0 .LBB2_13-.Ltmp2, $3  }
0x219: {  	_ =	sdelay $0x1  }
0x21a: {  	[tilespmem:s5+$0x2900] =	vst.msk vm0, v43  }
0x21b: {  	[tilespmem:s5+$0x2950] =	vst.msk vm0, v40;
	s5 =	simm.s32 $0x0  }
0x21c: {  	s0 =	smin.u32 s0, $0x40  }
0x21d: {  	s5 =	smul.u32 $0xC0, s28;
	p2 =	sne.s32 s0, $0x1  }
.Ltmp3:
0x21e: {  	_ = 	snop;
	(pc) =	sbr.rel @!p2 .LBB2_5-.Ltmp3, $4  }
0x21f: {  	_ = 	snop  }
0x220: {  	s5 =	sshra.s32 s5, $0x2  }
0x221: {  	s29 =	simm.s32 $0x0;
	s5 =	sadd.s32 $0x29A0, s5  }
0x222: {  	p0 =	por $0x0, $0x0;
	p1 =	por $0x0, $0x0;
	v43 =	vmov s5;
	s5 =	simm.s32 $0x1  }
0x223: {  	v45 =	vmov s29;
	_ =	sdelay $0x4  }
0x224: {  	v44 =	vld.idx.msk [tilespmem:v45+s14+$0x0], $0xffff  }
0x225: {  	v45 =	vld.idx.msk [tilespmem:v45+s13+$0x0], $0xffff;
	_ =	sdelay $0x3  }
0x226: {  	v46 =	vshra.s32 v44, $0x1F  }
0x227: {  	v45 =	vtrunc.f32 v45;
	v46 =	vshrl.u32 v46, $0x19  }
0x228: {  	p2 =	sne.s32 s0, $0x2;
	v45 =	vcvt.f32.s32 v45;
	v46 =	vadd.s32 v46, v44  }
.Ltmp4:
0x229: {  	v46 =	vshra.s32 v46, $0x7;
	(pc) =	sbr.rel @!p2 .LBB2_7-.Ltmp4, $4  }
0x22a: {  	v45 =	vand.u32 v41, v45;
	v47 =	vshll.u32 v46, $0x7  }
0x22b: {  	vm1 =	vlt.s32 v44, $0x1;
	vm0 =	vne.s32 v45, $0x0;
	vm2 =	vne.s32 v44, v47  }
0x22c: {  	v45 =	vsel vm0, $0x1, v1;
	vm1 =	vmand vm1, vm2  }
0x22d: {  	s30 =	simm.s32 $0x2;
	p0 =	por $0x1, $0x1;
	(xrf0) =	vadd.scan.msk.s32 $0xffff, v45;
	v47 =	vsel vm1, $0xFFFFFFFF, v1  }
0x22e: {  	_ =	sdelay $0x2  }
0x22f: {  	v48 =	vmov s5;
	v45 =	vadd.s32 v47, v46  }
0x230: {  	v44 =	vand.u32 $0x7F, v44;
	v46 =	vshll.u32 v45, $0xB;
	v45 =	vmul.u32 $0x80, v0  }
0x231: {  	p1 =	por $0x1, $0x1;
	s5 =	simm.s32 $0x0;
	v44 =	vor.u32 v44, v46;
	v57, _, _ =	vpop (xrf0)  }
0x232: {  	s5 =	simm.s32 @!p1 $0x20;
	v44 =	vor.u32 v45, v44;
	(v2sf) =	vpush v57, $0xF  }
0x233: {  	[tilespmem:v43+s5+$0x0 ss:$0x1] =	vst.idx.msk vm0, v44  }
0x234: {  	v58 =	vld.idx.msk [tilespmem:v48+s13+$0x0], $0xffff  }
0x235: {  	v44 =	vld.idx.msk [tilespmem:v48+s14+$0x0], $0xffff;
	_ =	sdelay $0x3  }
0x236: {  	v46 =	vtrunc.f32 v58  }
0x237: {  	v59 =	vshra.s32 v44, $0x1F;
	v60 =	vcvt.f32.s32 v46  }
0x238: {  	v47 =	vshrl.u32 v59, $0x19  }
0x239: {  	p2 =	sne.s32 s0, $0x3;
	v61 =	vadd.s32 v47, v44;
	v62 =	vand.u32 v41, v60  }
.Ltmp5:
0x23a: {  	v46 =	vshra.s32 v61, $0x7;
	vm0 =	vne.s32 v62, $0x0;
	(pc) =	sbr.rel @!p2 .LBB2_9-.Ltmp5, $4  }
0x23b: {  	v63 =	vshll.u32 v46, $0x7;
	v47 =	vsel vm0, $0x1, v1  }
0x23c: {  	vm1 =	vlt.s32 v44, $0x1;
	vm2 =	vne.s32 v44, v63;
	(xrf0) =	vadd.scan.msk.s32 $0xffff, v47  }
0x23d: {  	s31 =	simm.s32 $0x0;
	vm1 =	vmand vm1, vm2  }
0x23e: {  	p1 =	por $0x1, $0x1;
	s5 =	simm.s32 $0x3;
	v47 =	vsel vm1, $0xFFFFFFFF, v1;
	s10 =	spop (v2sf)  }
.LBB2_10:
0x23f: {  	v48 =	vmov s30;
	v46 =	vadd.s32 v47, v46;
	s31 =	sadd.s32 s31, s10;
	s30 =	smov.u32 s5;
	s5 =	sadd.s32 $0x1, s5  }
0x240: {  	v44 =	vand.u32 $0x7F, v44;
	p2 =	sne.s32 s0, s5;
	v47 =	vshll.u32 v46, $0xB;
	p3 =	slt.s32 s31, $0x20  }
0x241: {  	s10 =	smov.u32 s31;
	v44 =	vor.u32 v44, v47  }
0x242: {  	s10 =	simm.s32 @!p3 $0x20;
	v44 =	vor.u32 v45, v44;
	v46, _, _ =	vpop (xrf0)  }
0x243: {  	[tilespmem:v43+s10+$0x0 ss:$0x1] =	vst.idx.msk vm0, v44;
	(v2sf) =	vpush v46, $0xF  }
0x244: {  	v46 =	vld.idx.msk [tilespmem:v48+s13+$0x0], $0xffff  }
0x245: {  	v44 =	vld.idx.msk [tilespmem:v48+s14+$0x0], $0xffff;
	_ =	sdelay $0x4  }
0x246: {  	v46 =	vtrunc.f32 v46  }
0x247: {  	v46 =	vcvt.f32.s32 v46;
	v47 =	vshra.s32 v44, $0x1F  }
0x248: {  	v47 =	vshrl.u32 v47, $0x19  }
0x249: {  	v46 =	vand.u32 v41, v46;
	v47 =	vadd.s32 v47, v44  }
.Ltmp6:
0x24a: {  	vm0 =	vne.s32 v46, $0x0;
	v46 =	vshra.s32 v47, $0x7;
	(pc) =	sbr.rel @p2 .LBB2_10-.Ltmp6, $4  }
0x24b: {  	v47 =	vshll.u32 v46, $0x7;
	v48 =	vsel vm0, $0x1, v1  }
0x24c: {  	vm1 =	vlt.s32 v44, $0x1;
	vm2 =	vne.s32 v44, v47;
	(xrf0) =	vadd.scan.msk.s32 $0xffff, v48  }
0x24d: {  	vm1 =	vmand vm1, vm2  }
0x24e: {  	v47 =	vsel vm1, $0xFFFFFFFF, v1;
	s10 =	spop (v2sf)  }
.Ltmp7:
0x24f: {  	(pc) =	sbr.rel .LBB2_12-.Ltmp7, $2  }
0x250: {  	_ =	sdelay $0x2  }
0x251: {  	s5 =	smov.u32 s30  }
.LBB2_7:
.Ltmp8:
0x252: {  	(pc) =	sbr.rel .LBB2_12-.Ltmp8, $2  }
0x253: {  	_ =	sdelay $0x2  }
0x254: {  	s31 =	simm.s32 $0x0  }
.LBB2_9:
.Ltmp9:
0x255: {  	(pc) =	sbr.rel .LBB2_12-.Ltmp9, $2  }
0x256: {  	_ =	sdelay $0x2  }
0x257: {  	s5 =	simm.s32 $0x2;
	s31 =	simm.s32 $0x0  }
.LBB2_14:
0x258: {  	_ =	swait.ge [sflag:s16], $0x300  }
0x259: {  	[sflag:s16] =	ssyncset.done $0x0  }
0x25a: {  	[sflag:s16] =	ssyncadd.s32 $0xFFFFFD00  }
0x25b: {  	_ =	swait.ge [sflag:s16], $0x300  }
0x25c: {  	[sflag:s16] =	ssyncset.done $0x0  }
0x25d: {  	[sflag:s16] =	ssyncadd.s32 $0xFFFFFD00  }
0x25e: {  	_ =	swait.ge [sflag:s16], $0x300  }
0x25f: {  	[sflag:s16] =	ssyncset.done $0x0  }
0x260: {  	[sflag:s16] =	ssyncadd.s32 $0xFFFFFD00  }
0x261: {  	_ =	swait.ge [sflag:s16], $0x300  }
0x262: {  	[sflag:s16] =	ssyncset.done $0x0  }
0x263: {  	[sflag:s16] =	ssyncadd.s32 $0xFFFFFD00  }
0x264: {  	_ =	swait.ge [sflag:s16], $0x300  }
0x265: {  	[sflag:s16] =	ssyncset.done $0x0  }
0x266: {  	[sflag:s16] =	ssyncadd.s32 $0xFFFFFD00  }
0x267: {  	_ =	swait.ge [sflag:s16], $0x300  }
0x268: {  	[sflag:s16] =	ssyncset.done $0x0  }
0x269: {  	[sflag:s16] =	ssyncadd.s32 $0xFFFFFD00  }
0x26a: {  	_ =	swait.ge [sflag:s16], $0x300  }
0x26b: {  	[sflag:s16] =	ssyncset.done $0x0  }
0x26c: {  	[sflag:s16] =	ssyncadd.s32 $0xFFFFFD00  }
0x26d: {  	_ =	swait.ge [sflag:s16], $0x300  }
0x26e: {  	[sflag:s16] =	ssyncset.done $0x0  }
0x26f: {  	[sflag:s16] =	ssyncadd.s32 $0xFFFFFD00  }
0x270: {  	_ =	swait.ge [sflag:s16], $0x300  }
0x271: {  	[sflag:s16] =	ssyncset.done $0x0  }
0x272: {  	[sflag:s16] =	ssyncadd.s32 $0xFFFFFD00  }
0x273: {  	_ =	swait.ge [sflag:s16], $0x300  }
0x274: {  	[sflag:s16] =	ssyncset.done $0x0  }
0x275: {  	[sflag:s16] =	ssyncadd.s32 $0xFFFFFD00  }
0x276: {  	_ =	swait.ge [sflag:s16], $0x300  }
0x277: {  	[sflag:s16] =	ssyncset.done $0x0  }
0x278: {  	[sflag:s16] =	ssyncadd.s32 $0xFFFFFD00  }
0x279: {  	_ =	swait.ge [sflag:s16], $0x300  }
0x27a: {  	[sflag:s16] =	ssyncset.done $0x0  }
0x27b: {  	[sflag:s16] =	ssyncadd.s32 $0xFFFFFD00  }
0x27c: {  	_ =	swait.ge [sflag:s16], $0x300  }
0x27d: {  	[sflag:s16] =	ssyncset.done $0x0  }
0x27e: {  	[sflag:s16] =	ssyncadd.s32 $0xFFFFFD00  }
0x27f: {  	_ =	swait.ge [sflag:s16], $0x300  }
0x280: {  	[sflag:s16] =	ssyncset.done $0x0  }
0x281: {  	[sflag:s16] =	ssyncadd.s32 $0xFFFFFD00  }
0x282: {  	_ =	swait.ge [sflag:s16], $0x300  }
0x283: {  	[sflag:s16] =	ssyncset.done $0x0  }
0x284: {  	[sflag:s16] =	ssyncadd.s32 $0xFFFFFD00  }
0x285: {  	_ =	swait.ge [sflag:s16], $0x300  }
0x286: {  	[sflag:s16] =	ssyncset.done $0x0  }
0x287: {  	s26 =	simm.s32 $0x29B0;
	[sflag:s16] =	ssyncadd.s32 $0xFFFFFD00  }
0x288: {  	v45 =	vld [tilespmem:s26+$0x0];
	_ =	sdelay $0x1  }
0x289: {  	v46 =	vld [tilespmem:s26+$0xFFFFFFF0]  }
0x28a: {  	v43 =	vmul.u32 $0x10, v0;
	_ =	sdelay $0x1  }
0x28b: {  	v44 =	vor.u32 $0x100, v43;
	v47 =	vand.u32 $0xF, v45  }
0x28c: {  	v47 =	vor.u32 v44, v47  }
0x28d: {  	v48 =	vand.u32 $0xF, v46  }
0x28e: {  	v48 =	vor.u32 v43, v48  }
0x28f: {  	s0 =	simm.s32 $0x0  }
0x290: {  	s28 =	simm.s32 $0x30A0;
	v49 =	vld [tilespmem:s0+$0x2FA0]  }
0x291: {  	v47 =	vld.idx.msk [tilespmem:v47+s28+$0x0], $0xffff;
	_ =	sdelay $0x1  }
0x292: {  	v48 =	vld.idx.msk [tilespmem:v48+s28+$0x0], $0xffff;
	_ =	sdelay $0x1  }
0x293: {  	vm0 =	vgt.s32 v49, v2  }
0x294: {  	v47 =	vnsel vm0, $0x7F61B1E6, v47  }
0x295: {  	v50 =	vld [tilespmem:s26+$0x10];
	vm0 =	vgt.s32 v49, v0;
	(xrf1) =	vsort.ascd.msk.f32 $0xffff, v47, v45  }
0x296: {  	v58 =	vnsel vm0, $0x7F61B1E6, v48  }
0x297: {  	(xrf1) =	vsort.ascd.msk.f32 $0xffff, v58, v46;
	_ =	sdelay $0x2  }
0x298: {  	v59 =	vand.u32 $0xF, v50;
	v45 =	vor.u32 $0x200, v43  }
0x299: {  	v46 =	vor.u32 v45, v59;
	_ =	sdelay $0x4  }
0x29a: {  	v60 =	vld.idx.msk [tilespmem:v46+s28+$0x0], $0xffff  }
0x29b: {  	v61 =	vmul.u32 $0xFFFFFFFF, v0;
	_ =	sdelay $0x1  }
0x29c: {  	v46 =	vadd.s32 $0xF, v61;
	v62, v51, _ =	vpop (xrf1)  }
0x29d: {  	vm0 =	vgt.s32 v49, v3;
	v48 =	vperm.xlane v62, v46  }
0x29e: {  	v47 =	vnsel vm0, $0x7F61B1E6, v60;
	v63 =	vperm.xlane v51, v46;
	v56, v52, _ =	vpop (xrf1)  }
0x29f: {  	(xrf1) =	vsort.ascd.msk.f32 $0xffff, v47, v50;
	vm0 =	vle.f32 v56, v48  }
0x2a0: {  	v57 =	vmin.f32 v56, v48;
	v58 =	vsel vm0, v52, v63  }
0x2a1: {  	(xrf1) =	vsort.ascd.msk.f32 $0xffff, v57, v58;
	_ =	sdelay $0xb  }
0x2a2: {  	v47, v50, _ =	vpop (xrf1)  }
0x2a3: {  	v48 =	vmax.f32 v56, v48;
	v49 =	vsel vm0, v63, v52;
	v47 =	vperm.xlane v47, v46  }
0x2a4: {  	(xrf1) =	vsort.ascd.msk.f32 $0xffff, v48, v49;
	v48 =	vperm.xlane v50, v46;
	v59, v60, _ =	vpop (xrf1)  }
0x2a5: {  	vm1 =	vle.f32 v59, v47  }
0x2a6: {  	v61 =	vmax.f32 v59, v47;
	v62 =	vsel vm1, v48, v60  }
0x2a7: {  	(xrf1) =	vsort.ascd.msk.f32 $0xffff, v61, v62;
	_ =	sdelay $0xa  }
0x2a8: {  	vm0 =	vmmov $0x1;
	v51, v52, _ =	vpop (xrf1)  }
0x2a9: {  	v51 =	vnsel vm0, $0x7F61B1E6, v51;
	v52 =	vnsel vm0, $0xFFFFFFFF, v52  }
0x2aa: {  	v52 =	vxor.u32 $0x80000000, v52;
	(xrf0) =	vmin.scan.msk.f32 $0xffff, v51  }
0x2ab: {  	(xrf0) =	vmax.scan.msk.u32 $0xffff, v52;
	v63, v56, _ =	vpop (xrf1)  }
0x2ac: {  	v51 =	vnsel vm0, $0x7F61B1E6, v63  }
0x2ad: {  	v52 =	vnsel vm0, $0xFFFFFFFF, v56;
	(xrf0) =	vmin.scan.msk.f32 $0xffff, v51  }
0x2ae: {  	v57 =	vxor.u32 $0x80000000, v52  }
0x2af: {  	(xrf0) =	vmax.scan.msk.u32 $0xffff, v57  }
0x2b0: {  	v47 =	vmin.f32 v59, v47;
	v48 =	vsel vm1, v60, v48;
	v58, _, _ =	vpop (xrf0)  }
0x2b1: {  	(xrf1) =	vsort.ascd.msk.f32 $0xffff, v47, v48;
	v59, _, _ =	vpop (xrf0)  }
0x2b2: {  	(v2sf) =	vpush v59, $0xF  }
0x2b3: {  	(v2sf) =	vpush v58, $0xF;
	v60, _, _ =	vpop (xrf0)  }
0x2b4: {  	(v2sf) =	vpush v60, $0xF  }
0x2b5: {  	v61, _, _ =	vpop (xrf0)  }
0x2b6: {  	(v2sf) =	vpush v61, $0xF;
	_ =	sdelay $0x8  }
0x2b7: {  	v62, v48, _ =	vpop (xrf1)  }
0x2b8: {  	[tilespmem:$0x72A0] =	vst v62  }
0x2b9: {  	[tilespmem:$0x72B0] =	vst v48;
	s5 =	spop (v2sf)  }
0x2ba: {  	v47 =	vld.idx.msk [tilespmem:v42+s17+$0x0], $0xffff;
	s10 =	spop (v2sf)  }
0x2bb: {  	v48 =	vld.idx.msk [tilespmem:v42+s18+$0x0], $0xffff;
	s29 =	spop (v2sf)  }
0x2bc: {  	p0 =	sle.f32 s29, s10  }
0x2bd: {  	s30 =	spop (v2sf)  }
0x2be: {  	s5 =	smov.u32 @p0 s30  }
0x2bf: {  	vm1 =	veq.s32 v0, $0xF;
	s10 =	smov.u32 @p0 s29;
	s5 =	sxor.u32 $0x80000000, s5  }
0x2c0: {  	v63 =	vsel vm1, s10, v47;
	v47 =	vsel vm1, s5, v48  }
0x2c1: {  	[tilespmem:s0+$0x71A0] =	vst v63  }
0x2c2: {  	vm2 =	vmmov $0xffff;
	s31 =	simm.s32 $0x60A0;
	s29 =	simm.s32 $0x60A0;
	s30 =	simm.s32 $0x40;
	[tilespmem:s0+$0x70A0] =	vst v47  }
.LBB2_15:
0x2c3: {  	s29 =	sadd.s32 $0x100, s29  }
0x2c4: {  	s28 =	sadd.s32 $0x300, s28;
	s26 =	sadd.s32 $0x30, s26;
	s0 =	smov.u32 s30  }
0x2c5: {  	[tilespmem:s31], [sflag:$0x2] =	stream.indirect_vreg.gather [hbm4b:s6+s2], $0x10, v47, vm2, $0xb8;
	[tilespmem:$0x72C0] =	vst v63  }
0x2c6: {  	p0 =	sne.s32 s30, $0x3C0;
	s30 =	sadd.s32 $0x40, s30;
	s31 =	smov.u32 s29;
	v47 =	vld [tilespmem:s26+$0x0]  }
0x2c7: {  	v48 =	vld [tilespmem:s26+$0xFFFFFFF0];
	_ =	sdelay $0x3  }
0x2c8: {  	v49 =	vand.u32 $0xF, v47  }
0x2c9: {  	v50 =	vand.u32 $0xF, v48;
	v49 =	vor.u32 v44, v49  }
0x2ca: {  	v50 =	vor.u32 v43, v50;
	_ =	sdelay $0x1  }
0x2cb: {  	s0 =	sshra.s32 s0, $0x2  }
0x2cc: {  	v51 =	vld [tilespmem:s0+$0x2FA0]  }
0x2cd: {  	v49 =	vld.idx.msk [tilespmem:v49+s28+$0x0], $0xffff  }
0x2ce: {  	v50 =	vld.idx.msk [tilespmem:v50+s28+$0x0], $0xffff;
	_ =	sdelay $0x3  }
0x2cf: {  	vm3 =	vgt.s32 v51, v2;
	v52 =	vld [tilespmem:s26+$0x10]  }
0x2d0: {  	vm4 =	vgt.s32 v51, v0;
	v49 =	vnsel vm3, $0x7F61B1E6, v49  }
0x2d1: {  	v50 =	vnsel vm4, $0x7F61B1E6, v50;
	(xrf1) =	vsort.ascd.msk.f32 $0xffff, v49, v47  }
0x2d2: {  	(xrf1) =	vsort.ascd.msk.f32 $0xffff, v50, v48;
	_ =	sdelay $0x1  }
0x2d3: {  	v47 =	vand.u32 $0xF, v52  }
0x2d4: {  	v47 =	vor.u32 v45, v47;
	_ =	sdelay $0x4  }
0x2d5: {  	v47 =	vld.idx.msk [tilespmem:v47+s28+$0x0], $0xffff;
	_ =	sdelay $0x4  }
0x2d6: {  	vm3 =	vgt.s32 v51, v3;
	v48, v49, _ =	vpop (xrf1)  }
0x2d7: {  	v47 =	vnsel vm3, $0x7F61B1E6, v47;
	v48 =	vperm.xlane v48, v46;
	v49 =	vperm.xlane v49, v46;
	v50, v51, _ =	vpop (xrf1)  }
0x2d8: {  	(xrf1) =	vsort.ascd.msk.f32 $0xffff, v47, v52  }
0x2d9: {  	vm3 =	vle.f32 v50, v48;
	v47 =	vmin.f32 v50, v48;
	v48 =	vmax.f32 v50, v48  }
0x2da: {  	v50 =	vsel vm3, v51, v49;
	v49 =	vsel vm3, v49, v51  }
0x2db: {  	(xrf1) =	vsort.ascd.msk.f32 $0xffff, v47, v50  }
0x2dc: {  	(xrf1) =	vsort.ascd.msk.f32 $0xffff, v48, v49;
	_ =	sdelay $0x9  }
0x2dd: {  	v47, v48, _ =	vpop (xrf1)  }
0x2de: {  	v47 =	vperm.xlane v47, v46  }
0x2df: {  	v48 =	vperm.xlane v48, v46  }
0x2e0: {  	v49, v50, _ =	vpop (xrf1)  }
0x2e1: {  	vm3 =	vle.f32 v49, v47;
	v51 =	vmin.f32 v49, v47;
	v47 =	vmax.f32 v49, v47;
	v49, v52, _ =	vpop (xrf1)  }
0x2e2: {  	v53 =	vsel vm3, v48, v50;
	v49 =	vnsel vm0, $0x7F61B1E6, v49;
	v52 =	vnsel vm0, $0xFFFFFFFF, v52  }
0x2e3: {  	v48 =	vsel vm3, v50, v48;
	v50 =	vxor.u32 $0x80000000, v52;
	(xrf1) =	vsort.ascd.msk.f32 $0xffff, v47, v53  }
0x2e4: {  	(xrf0) =	vmin.scan.msk.f32 $0xffff, v49  }
0x2e5: {  	(xrf0) =	vmax.scan.msk.u32 $0xffff, v50  }
0x2e6: {  	(xrf1) =	vsort.ascd.msk.f32 $0xffff, v51, v48;
	_ =	sdelay $0x3  }
0x2e7: {  	v47, _, _ =	vpop (xrf0)  }
0x2e8: {  	v48, _, _ =	vpop (xrf0);
	_ =	sdelay $0x5  }
0x2e9: {  	v49, v50, _ =	vpop (xrf1)  }
0x2ea: {  	v52 =	vnsel vm0, $0x7F61B1E6, v49;
	v50 =	vnsel vm0, $0xFFFFFFFF, v50  }
0x2eb: {  	v50 =	vxor.u32 $0x80000000, v50;
	(xrf0) =	vmin.scan.msk.f32 $0xffff, v52  }
0x2ec: {  	v49, v51, _ =	vpop (xrf1);
	(xrf0) =	vmax.scan.msk.u32 $0xffff, v50  }
0x2ed: {  	[tilespmem:$0x72A0] =	vst v49  }
0x2ee: {  	[tilespmem:$0x72B0] =	vst v51;
	_ =	sdelay $0x1  }
0x2ef: {  	(v2sf) =	vpush v48, $0xF  }
0x2f0: {  	(v2sf) =	vpush v47, $0xF;
	v47, _, _ =	vpop (xrf0)  }
0x2f1: {  	(v2sf) =	vpush v47, $0xF;
	v47, _, _ =	vpop (xrf0)  }
0x2f2: {  	(v2sf) =	vpush v47, $0xF;
	_ =	sdelay $0xa  }
0x2f3: {  	v47 =	vld.idx.msk [tilespmem:v42+s18+$0x0], $0xffff  }
0x2f4: {  	v48 =	vld.idx.msk [tilespmem:v42+s17+$0x0], $0xffff;
	s5 =	spop (v2sf)  }
0x2f5: {  	s10 =	spop (v2sf)  }
0x2f6: {  	s23 =	spop (v2sf)  }
0x2f7: {  	p1 =	sle.f32 s23, s10;
	s1 =	spop (v2sf)  }
0x2f8: {  	_ = 	snop  }
0x2f9: {  	s10 =	smov.u32 @p1 s23;
	s5 =	smov.u32 @p1 s1  }
.Ltmp10:
0x2fa: {  	s1 =	sxor.u32 $0x80000000, s5;
	v48 =	vsel vm1, s10, v48;
	(pc) =	sbr.rel @p0 .LBB2_15-.Ltmp10, $2  }
0x2fb: {  	v47 =	vsel vm1, s1, v47;
	[tilespmem:s0+$0x71A0] =	vst v48  }
0x2fc: {  	[tilespmem:s0+$0x70A0] =	vst v47;
	_ =	sdelay $0x2  }
0x2fd: {  	_ =	sdelay $0x3  }
0x2fe: {  	[tilespmem:s31], [sflag:$0x2] =	stream.indirect_vreg.gather [hbm4b:s6+s2], $0x10, v47, vm2, $0xb8;
	[tilespmem:$0x72C0] =	vst v63  }
0x2ff: {  	_ =	swait.ge [sflag:s19], $0x100  }
0x300: {  	[sflag:s19] =	ssyncset.done $0x0  }
0x301: {  	[sflag:s19] =	ssyncadd.s32 $0xFFFFFF00  }
0x302: {  	_ =	swait.ge [sflag:s19], $0x100  }
0x303: {  	[sflag:s19] =	ssyncset.done $0x0  }
0x304: {  	[sflag:s19] =	ssyncadd.s32 $0xFFFFFF00  }
0x305: {  	_ =	swait.ge [sflag:s19], $0x100  }
0x306: {  	[sflag:s19] =	ssyncset.done $0x0  }
0x307: {  	[sflag:s19] =	ssyncadd.s32 $0xFFFFFF00  }
0x308: {  	_ =	swait.ge [sflag:s19], $0x100  }
0x309: {  	[sflag:s19] =	ssyncset.done $0x0  }
0x30a: {  	[sflag:s19] =	ssyncadd.s32 $0xFFFFFF00  }
0x30b: {  	_ =	swait.ge [sflag:s19], $0x100  }
0x30c: {  	[sflag:s19] =	ssyncset.done $0x0  }
0x30d: {  	[sflag:s19] =	ssyncadd.s32 $0xFFFFFF00  }
0x30e: {  	_ =	swait.ge [sflag:s19], $0x100  }
0x30f: {  	[sflag:s19] =	ssyncset.done $0x0  }
0x310: {  	[sflag:s19] =	ssyncadd.s32 $0xFFFFFF00  }
0x311: {  	_ =	swait.ge [sflag:s19], $0x100  }
0x312: {  	[sflag:s19] =	ssyncset.done $0x0  }
0x313: {  	[sflag:s19] =	ssyncadd.s32 $0xFFFFFF00  }
0x314: {  	_ =	swait.ge [sflag:s19], $0x100  }
0x315: {  	[sflag:s19] =	ssyncset.done $0x0  }
0x316: {  	[sflag:s19] =	ssyncadd.s32 $0xFFFFFF00  }
0x317: {  	_ =	swait.ge [sflag:s19], $0x100  }
0x318: {  	[sflag:s19] =	ssyncset.done $0x0  }
0x319: {  	[sflag:s19] =	ssyncadd.s32 $0xFFFFFF00  }
0x31a: {  	_ =	swait.ge [sflag:s19], $0x100  }
0x31b: {  	[sflag:s19] =	ssyncset.done $0x0  }
0x31c: {  	[sflag:s19] =	ssyncadd.s32 $0xFFFFFF00  }
0x31d: {  	_ =	swait.ge [sflag:s19], $0x100  }
0x31e: {  	[sflag:s19] =	ssyncset.done $0x0  }
0x31f: {  	[sflag:s19] =	ssyncadd.s32 $0xFFFFFF00  }
0x320: {  	_ =	swait.ge [sflag:s19], $0x100  }
0x321: {  	[sflag:s19] =	ssyncset.done $0x0  }
0x322: {  	[sflag:s19] =	ssyncadd.s32 $0xFFFFFF00  }
0x323: {  	_ =	swait.ge [sflag:s19], $0x100  }
0x324: {  	[sflag:s19] =	ssyncset.done $0x0  }
0x325: {  	[sflag:s19] =	ssyncadd.s32 $0xFFFFFF00  }
0x326: {  	_ =	swait.ge [sflag:s19], $0x100  }
0x327: {  	s0 =	simm.s32 $0x0;
	[sflag:s19] =	ssyncset.done $0x0  }
0x328: {  	v44 =	vmov s0;
	[sflag:s19] =	ssyncadd.s32 $0xFFFFFF00  }
0x329: {  	v46 =	vshll.u32 v44, $0x8;
	_ =	swait.ge [sflag:s19], $0x100  }
0x32a: {  	v63 =	vor.u32 v43, v46;
	[sflag:s19] =	ssyncset.done $0x0  }
0x32b: {  	v48 =	vshll.u32 v44, $0x4;
	[sflag:s19] =	ssyncadd.s32 $0xFFFFFF00  }
0x32c: {  	v44 =	vor.u32 $0x1, v43;
	v49 =	vor.u32 $0x1, v48;
	_ =	swait.ge [sflag:s19], $0x100  }
0x32d: {  	v50 =	vor.u32 v44, v46;
	[sflag:s19] =	ssyncset.done $0x0  }
0x32e: {  	v45 =	vor.u32 $0x2, v43;
	v51 =	vor.u32 $0x2, v48;
	[sflag:s19] =	ssyncadd.s32 $0xFFFFFF00  }
0x32f: {  	v46 =	vor.u32 v45, v46;
	v47 =	vld.idx.msk [tilespmem:v63+s20+$0x0], $0xffff  }
0x330: {  	v48 =	vld.idx.msk [tilespmem:v48+s12+$0x0], $0xffff  }
0x331: {  	v49 =	vld.idx.msk [tilespmem:v49+s12+$0x0], $0xffff  }
0x332: {  	v50 =	vld.idx.msk [tilespmem:v50+s20+$0x0], $0xffff  }
0x333: {  	v51 =	vld.idx.msk [tilespmem:v51+s12+$0x0], $0xffff  }
0x334: {  	v46 =	vld.idx.msk [tilespmem:v46+s20+$0x0], $0xffff;
	_ =	sdelay $0x2  }
0x335: {  	s31 =	simm.s32 $0x1;
	v47 =	vsub.f32 v48, v47;
	v54 =	vsub.f32 v49, v50  }
0x336: {  	v55 =	vmov s31  }
0x337: {  	v46 =	vsub.f32 v51, v46;
	v47 =	vmul.f32 v47, v47;
	v48 =	vmul.f32 v54, v54  }
0x338: {  	v56 =	vshll.u32 v55, $0x8  }
0x339: {  	v57 =	vor.u32 v43, v56;
	v46 =	vmul.f32 v46, v46;
	v47 =	vadd.f32 v48, v47  }
0x33a: {  	v58 =	vshll.u32 v55, $0x4  }
0x33b: {  	v49 =	vor.u32 $0x1, v58;
	v46 =	vadd.f32 v46, v47  }
0x33c: {  	s0 =	simm.s32 $0x71A0;
	v59 =	vor.u32 v44, v56  }
0x33d: {  	v52 =	vor.u32 $0x2, v58;
	[tilespmem:s0+$0x0] =	vst v46  }
0x33e: {  	v50 =	vor.u32 v45, v56;
	v46 =	vld.idx.msk [tilespmem:v57+s20+$0x0], $0xffff  }
0x33f: {  	v48 =	vld.idx.msk [tilespmem:v58+s12+$0x0], $0xffff  }
0x340: {  	v49 =	vld.idx.msk [tilespmem:v49+s12+$0x0], $0xffff  }
0x341: {  	v47 =	vld.idx.msk [tilespmem:v59+s20+$0x0], $0xffff  }
0x342: {  	v60 =	vld.idx.msk [tilespmem:v52+s12+$0x0], $0xffff  }
0x343: {  	v50 =	vld.idx.msk [tilespmem:v50+s20+$0x0], $0xffff;
	_ =	sdelay $0x2  }
0x344: {  	s1 =	simm.s32 $0x2;
	v46 =	vsub.f32 v48, v46;
	v47 =	vsub.f32 v49, v47  }
0x345: {  	v61 =	vmov s1  }
0x346: {  	v50 =	vsub.f32 v60, v50;
	v62 =	vmul.f32 v46, v46;
	v63 =	vmul.f32 v47, v47  }
0x347: {  	v46 =	vshll.u32 v61, $0x8  }
0x348: {  	v50 =	vmul.f32 v50, v50;
	v47 =	vor.u32 v43, v46;
	v49 =	vadd.f32 v63, v62  }
0x349: {  	s5 =	simm.s32 $0x3;
	v48 =	vshll.u32 v61, $0x4  }
.LBB2_17:
0x34a: {  	p0 =	sne.s32 s5, $0xF;
	v51 =	vor.u32 $0x1, v48;
	v49 =	vadd.f32 v50, v49  }
0x34b: {  	v50 =	vor.u32 v44, v46;
	s0 =	sadd.s32 $0x10, s0  }
0x34c: {  	v52 =	vor.u32 $0x2, v48;
	[tilespmem:s0+$0x0] =	vst v49  }
0x34d: {  	v46 =	vor.u32 v45, v46;
	v47 =	vld.idx.msk [tilespmem:v47+s20+$0x0], $0xffff  }
0x34e: {  	v48 =	vld.idx.msk [tilespmem:v48+s12+$0x0], $0xffff  }
0x34f: {  	v49 =	vld.idx.msk [tilespmem:v51+s12+$0x0], $0xffff  }
0x350: {  	v50 =	vld.idx.msk [tilespmem:v50+s20+$0x0], $0xffff  }
0x351: {  	v51 =	vld.idx.msk [tilespmem:v52+s12+$0x0], $0xffff  }
0x352: {  	v46 =	vld.idx.msk [tilespmem:v46+s20+$0x0], $0xffff;
	_ =	sdelay $0x3  }
0x353: {  	v47 =	vsub.f32 v48, v47;
	v48 =	vsub.f32 v49, v50  }
.Ltmp11:
0x354: {  	v52 =	vmov s5;
	(pc) =	sbr.rel @p0 .LBB2_17-.Ltmp11, $4  }
0x355: {  	v49 =	vmul.f32 v47, v47;
	v48 =	vmul.f32 v48, v48;
	v50 =	vsub.f32 v51, v46  }
0x356: {  	v46 =	vshll.u32 v52, $0x8  }
0x357: {  	v47 =	vor.u32 v43, v46;
	v49 =	vadd.f32 v48, v49;
	v50 =	vmul.f32 v50, v50  }
0x358: {  	s5 =	sadd.s32 $0x1, s5;
	v48 =	vshll.u32 v52, $0x4  }
0x359: {  	_ = 	snop  }
0x35a: {  	v43 =	vor.u32 $0x1, v48;
	v49 =	vadd.f32 v50, v49  }
0x35b: {  	v44 =	vor.u32 v44, v46;
	s0 =	sadd.s32 $0x10, s0  }
0x35c: {  	v59 =	vor.u32 $0x2, v48;
	[tilespmem:s0+$0x0] =	vst v49  }
0x35d: {  	v45 =	vor.u32 v45, v46;
	v47 =	vld.idx.msk [tilespmem:v47+s20+$0x0], $0xffff  }
0x35e: {  	v60 =	vld.idx.msk [tilespmem:v48+s12+$0x0], $0xffff  }
0x35f: {  	v43 =	vld.idx.msk [tilespmem:v43+s12+$0x0], $0xffff  }
0x360: {  	v44 =	vld.idx.msk [tilespmem:v44+s20+$0x0], $0xffff  }
0x361: {  	v61 =	vld.idx.msk [tilespmem:v59+s12+$0x0], $0xffff  }
0x362: {  	v45 =	vld.idx.msk [tilespmem:v45+s20+$0x0], $0xffff;
	_ =	sdelay $0x2  }
0x363: {  	v46 =	vsub.f32 v60, v47;
	v43 =	vsub.f32 v43, v44;
	_ =	sdelay $0x1  }
0x364: {  	v62 =	vmul.f32 v46, v46;
	v45 =	vsub.f32 v61, v45;
	v43 =	vmul.f32 v43, v43;
	_ =	sdelay $0x1  }
0x365: {  	v63 =	vmul.f32 v45, v45;
	v43 =	vadd.f32 v43, v62;
	_ =	sdelay $0x1  }
0x366: {  	v43 =	vadd.f32 v63, v43  }
0x367: {  	s0 =	sadd.s32 $0x10, s0  }
0x368: {  	s30 =	sadd.s32 s7, s25;
	[tilespmem:s0+$0x0] =	vst v43  }
0x369: {  	[hbm4b:s30+s2] =	stream.linear.scatter [tilespmem:s21], [sflag:$0x3], $0x100, $0x38;
	[tilespmem:$0x72C0] =	vst v63  }
0x36a: {  	s24 =	sadd.s32 $0x1, s24;
	_ =	swait.ge [sflag:s11], $0x100  }
0x36b: {  	p0 =	sne.s32 s24, $0x14;
	[sflag:s11] =	ssyncset.done $0x0  }
.Ltmp12:
0x36c: {  	s31 =	sadd.s32 s8, s25;
	[sflag:s11] =	ssyncadd.s32 $0xFFFFFF00;
	(pc) =	sbr.rel @p0 .LBB2_2-.Ltmp12, $4  }
0x36d: {  	[hbm4b:s31+s2] =	stream.linear.scatter [tilespmem:s22], [sflag:$0x3], $0x100, $0x38;
	[tilespmem:$0x72C0] =	vst v63  }
0x36e: {  	_ =	swait.ge [sflag:s11], $0x100  }
0x36f: {  	[sflag:s11] =	ssyncset.done $0x0  }
0x370: {  	[sflag:s11] =	ssyncadd.s32 $0xFFFFFF00  }
0x371: {  	s1 =	rddreg [dreg:$0x4]  }
0x372: {  	s0 =	rddreg [dreg:$0x3];
	s1 =	sadd.s32 $0x1, s1  }
0x373: {  	p0 =	sne.s32 s1, s0  }
.Ltmp13:
0x374: {  	_ = 	snop;
	(pc) =	sbr.rel @p0 .LBB2_1-.Ltmp13, $1  }
0x375: {  	_ =	sdelay $0x3  }
0x376: {  	_ =	sfence.sel $0x180000  }
0x377: {  	[bflag:$0x0] =	sbarrier.arrive $0xFFFF  }
0x378: {  	_ =	strace $0x90000047  }
0x379: {  	s0 =	stileid.u32;
	[bflag:$0x2] =	sbarrier.arrive $0xFFFF  }
0x37a: {  	p0 =	sne.s32 s0, $0x0;
	s0 =	rddreg [dreg:$0x2]  }
0x37b: {  	s0 =	sadd.s32 @!p0 $0x100000, s0  }
0x37c: {  	[sflag:s0] =	ssyncadd.tile.s32 @!p0 $0x1;
	_ =	shalt  }
.Lfunc_end2:
_tile_overlayer_lowered:
.L_overlay_start_2:
0x37d: {  	(tag) =	ssettag $0x2  }
0x37e: {  	s0 =	rddreg [dreg:$0x0];
	s2 =	stileid.u32  }
0x37f: {  	s1 =	rddreg [dreg:$0x1];
	p0 =	sne.s32 s2, $0x0  }
0x380: {  	s3 =	rddreg [dreg:$0x2];
	[bflag:$0x3] =	sbarrier.arrive $0xFFFF;
	s2 =	simm.s32 @!p0 $0x1C03  }
0x381: {  	[timem:s3], [sflag:s2] =	dma.local @!p0 [hbm:s0], s1  }
0x382: {  	s0 =	simm.s32 @!p0 $0x3  }
0x383: {  	_ =	swait.ge @!p0 [sflag:s0], s1  }
0x384: {  	s1 =	ssub.s32 @!p0 $0x0, s1;
	[sflag:s0] =	ssyncset.done @!p0 $0x0  }
0x385: {  	[sflag:s0] =	ssyncadd.s32 @!p0 s1  }
0x386: {  	[bflag:$0x3] =	sbarrier.arrive $0xFFFF  }
0x387: {  	_ =	shalt  }

// kernel: kernel.16.cloned.1.call-start
scs
__scs_entry_jumppad:
0x0: {  	(pc) =	sbr.rel $0x88, $3  }
0x1: {  	(tag) =	ssettag $0x0;
	lr =	simm.s32 $0x1  }
0x2: {  	[smem:$0x3F96] =	sst lr;
	_ =	strace $0xD0000000  }
0x3: {  	_ = 	snop  }
0x4: {  	_ = 	snop  }
0x5: {  	_ = 	snop  }
0x6: {  	_ = 	snop  }
0x7: {  	_ = 	snop  }
__scs_overlays_trampoline_lowered:
0x8: {  	[smem:$0x3FA5] =	sst s0  }
0x9: {  	[smem:$0x3FA6] =	sst s1  }
0xa: {  	[smem:$0x3FA7] =	sst s2  }
0xb: {  	[smem:$0x3FA8] =	sst s3  }
0xc: {  	[smem:$0x3FA9] =	sst s4  }
0xd: {  	[smem:$0x3FAA] =	sst s5  }
0xe: {  	[smem:$0x3FAB] =	sst s6  }
0xf: {  	[smem:$0x3FAC] =	sst s7  }
0x10: {  	[smem:$0x3FAD] =	sst s8  }
0x11: {  	[smem:$0x3FAE] =	sst s9;
	s0 =	simm.s32 @!p0 $0x0  }
0x12: {  	s1 =	sld [smem:$0x3F94];
	s0 =	simm.s32 @p0 $0x1  }
0x13: {  	[smem:$0x3FAF] =	sst s0;
	s0 =	simm.s32 @!p1 $0x0  }
0x14: {  	s2 =	sld [smem:$0x3F93];
	s0 =	simm.s32 @p1 $0x1  }
0x15: {  	[smem:$0x3FB0] =	sst s0;
	s0 =	simm.s32 @!p2 $0x0  }
0x16: {  	s3 =	sld [smem:$0x3FDB];
	s0 =	simm.s32 @p2 $0x1  }
0x17: {  	s4 =	simm.s32 $0x1BF5;
	[smem:$0x3FB2] =	sst s0  }
0x18: {  	s0 =	sld [smem:$0x3F95];
	_ =	swait.ge [sflag:s4], $0x0  }
0x19: {  	s7 =	sld [smem:$0x3F96]  }
0x1a: {  	s8 =	sadd.s32 $0xFFFFE003, lr  }
0x1b: {  	s9 =	sadd.s32 $0xFFFFFEF7, lr;
	s5 =	simm.s32 $0xFFFFFFFF;
	p2 =	slt.u32 s8, $0xFFFFF086  }
0x1c: {  	p1 =	slt.u32 s9, $0xF7A;
	s5 =	simm.s32 @!p2 $0x0  }
0x1d: {  	s5 =	simm.s32 @p1 $0x1;
	p0 =	seq.s32 s7, s2  }
0x1e: {  	s7 =	smul.u32 @!p0 $0xF7A, s2;
	p2 =	seq.s32 @!p0 s5, $0x0  }
0x1f: {  	s9 =	smul.u32 $0xF7A, s1;
	s8 =	simm.s32 @!p0 $0x1BF5;
	p2 =	por !p2, p0  }
0x20: {  	[sflag:s8] =	ssyncset.s32 @!p0 $0xFFFFF086;
	s6 =	sadd.s32 @!p0 s3, s7;
	s7 =	simm.s32 @!p0 $0x108  }
0x21: {  	s3 =	sadd.s32 s3, s9;
	s6 =	sadd.s32 @!p0 $0x88, s6;
	s7 =	simm.s32 @p2 $0x1082  }
0x22: {  	[simem:s7], [sflag:s8] =	dma.local @!p0 [hbm:s6], $0xF7A  }
0x23: {  	s9 =	sor.u32 $0xD0000000, s2;
	s6 =	simm.s32 $0x108;
	_ =	swait.ge @!p0 [sflag:s8], $0x0  }
0x24: {  	s3 =	sadd.s32 $0x88, s3;
	s6 =	simm.s32 @!p1 $0x1082;
	[sflag:s4] =	ssyncset.s32 $0xFFFFF086  }
0x25: {  	[simem:s6], [sflag:s4] =	dma.local [hbm:s3], $0xF7A  }
0x26: {  	[smem:$0x3F96] =	sst s1;
	(tag) =	ssettag s2;
	_ =	strace s9  }
0x27: {  	s1 =	sld [smem:$0x3FA6]  }
0x28: {  	s2 =	sld [smem:$0x3FA7]  }
0x29: {  	s4 =	sld [smem:$0x3FA9]  }
0x2a: {  	p0 =	seq.s32 s5, $0x0;
	s5 =	sld [smem:$0x3FAA]  }
0x2b: {  	s6 =	sld [smem:$0x3FAB]  }
0x2c: {  	s7 =	sld [smem:$0x3FAC]  }
0x2d: {  	s3 =	simm.s32 $0x108;
	s8 =	sld [smem:$0x3FAD]  }
0x2e: {  	s3 =	simm.s32 @!p0 $0x1082;
	s9 =	sld [smem:$0x3FAE]  }
0x2f: {  	lr =	sadd.s32 s0, s3;
	s0 =	sld [smem:$0x3FA5]  }
0x30: {  	s3 =	sld [smem:$0x3FA8]  }
0x31: {  	[smem:$0x3FB1] =	sst s10  }
0x32: {  	s10 =	sld [smem:$0x3FAF];
	_ =	sdelay $0x3  }
0x33: {  	p0 =	seq.s32 s10, $0x1;
	s10 =	sld [smem:$0x3FB1];
	_ =	sdelay $0x3  }
0x34: {  	[smem:$0x3FB1] =	sst s10  }
0x35: {  	s10 =	sld [smem:$0x3FB0];
	_ =	sdelay $0x3  }
0x36: {  	p1 =	seq.s32 s10, $0x1;
	s10 =	sld [smem:$0x3FB1];
	_ =	sdelay $0x3  }
0x37: {  	[smem:$0x3FB1] =	sst s10  }
0x38: {  	s10 =	sld [smem:$0x3FB2]  }
0x39: {  	_ = 	snop;
	(pc) =	sbr.ind lr, $3  }
0x3a: {  	_ = 	snop  }
0x3b: {  	_ = 	snop  }
0x3c: {  	p2 =	seq.s32 s10, $0x1;
	s10 =	sld [smem:$0x3FB1]  }
0x3d: {  	_ =	shalt  }
0x3e: {  	_ =	shalt  }
0x3f: {  	_ =	shalt  }
0x40: {  	_ =	shalt  }
0x41: {  	_ =	shalt  }
0x42: {  	_ =	shalt  }
0x43: {  	_ =	shalt  }
0x44: {  	_ =	shalt  }
0x45: {  	_ =	shalt  }
0x46: {  	_ =	shalt  }
0x47: {  	_ =	shalt  }
0x48: {  	_ =	shalt  }
0x49: {  	_ =	shalt  }
0x4a: {  	_ =	shalt  }
0x4b: {  	_ =	shalt  }
0x4c: {  	_ =	shalt  }
0x4d: {  	_ =	shalt  }
0x4e: {  	_ =	shalt  }
0x4f: {  	_ =	shalt  }
0x50: {  	_ =	shalt  }
0x51: {  	_ =	shalt  }
0x52: {  	_ =	shalt  }
0x53: {  	_ =	shalt  }
0x54: {  	_ =	shalt  }
0x55: {  	_ =	shalt  }
0x56: {  	_ =	shalt  }
0x57: {  	_ =	shalt  }
0x58: {  	_ =	shalt  }
0x59: {  	_ =	shalt  }
0x5a: {  	_ =	shalt  }
0x5b: {  	_ =	shalt  }
0x5c: {  	_ =	shalt  }
0x5d: {  	_ =	shalt  }
0x5e: {  	_ =	shalt  }
0x5f: {  	_ =	shalt  }
0x60: {  	_ =	shalt  }
0x61: {  	_ =	shalt  }
0x62: {  	_ =	shalt  }
0x63: {  	_ =	shalt  }
0x64: {  	_ =	shalt  }
0x65: {  	_ =	shalt  }
0x66: {  	_ =	shalt  }
0x67: {  	_ =	shalt  }
0x68: {  	_ =	shalt  }
0x69: {  	_ =	shalt  }
0x6a: {  	_ =	shalt  }
0x6b: {  	_ =	shalt  }
0x6c: {  	_ =	shalt  }
0x6d: {  	_ =	shalt  }
0x6e: {  	_ =	shalt  }
0x6f: {  	_ =	shalt  }
0x70: {  	_ =	shalt  }
0x71: {  	_ =	shalt  }
0x72: {  	_ =	shalt  }
0x73: {  	_ =	shalt  }
0x74: {  	_ =	shalt  }
0x75: {  	_ =	shalt  }
0x76: {  	_ =	shalt  }
0x77: {  	_ =	shalt  }
0x78: {  	_ =	shalt  }
0x79: {  	_ =	shalt  }
0x7a: {  	_ =	shalt  }
0x7b: {  	_ =	shalt  }
0x7c: {  	_ =	shalt  }
0x7d: {  	_ =	shalt  }
0x7e: {  	_ =	shalt  }
0x7f: {  	_ =	shalt  }
0x80: {  	_ =	shalt  }
0x81: {  	_ =	shalt  }
0x82: {  	_ =	shalt  }
0x83: {  	_ =	shalt  }
0x84: {  	_ =	shalt  }
0x85: {  	_ =	shalt  }
0x86: {  	_ =	shalt  }
0x87: {  	_ =	shalt  }
.Lfunc_end0:
.L_simem_size_0:
called_computation.1_lowered:
.L_overlay_start_0:
0x88: {  	s2 =	sld [smem:$0x3FD9]  }
0x89: {  	s3 =	sld [smem:$0x3FFE];
	_ =	sdelay $0x1  }
0x8a: {  	s1 =	srdreg.scid  }
0x8b: {  	s0 =	sand.u32 $0x1, s1  }
0x8c: {  	s16 =	sshll.u32 s0, $0xA;
	s2 =	sadd.s32 s3, s2  }
0x8d: {  	s2 =	sadd.s32 s2, s16  }
0x8e: {  	[smem:$0x3FBD] =	sst s2  }
0x8f: {  	_ = 	snop  }
0x90: {  	(tm) =	ssettm $0x1  }
0x91: {  	s17 =	sld [smem:$0x3FFB];
	_ =	sdelay $0x3  }
0x92: {  	_ =	strace s17  }
0x93: {  	s2 =	sld [smem:$0x3FFC];
	_ =	sdelay $0x3  }
0x94: {  	_ =	strace s2  }
0x95: {  	s2 =	sld [smem:$0x3FFD];
	_ =	sdelay $0x3  }
0x96: {  	_ =	strace s2  }
0x97: {  	_ =	strace $0x8FFFFFFF  }
0x98: {  	s18 =	sld [smem:$0x3FDB];
	_ =	sdelay $0x1  }
0x99: {  	s19 =	simm.s32 $_scs_section_size  }
0x9a: {  	s4 =	simm.s32 $_size__tile_overlayer_lowered;
	s5 =	simm.s32 $_tile_overlayer_lowered  }
0x9b: {  	s22 =	simm.s32 $0x1BFF;
	s21 =	sshll.u32 s5, $0x1;
	s2 =	sadd.s32 s19, s18  }
0x9c: {  	s6 =	simm.s32 $0x0;
	s20 =	sshll.u32 s4, $0x1;
	s4 =	sadd.s32 s21, s2  }
0x9d: {  	[timem:s6], [sflag:s22] =	dma.local [hbm:s4], s20  }
0x9e: {  	_ =	swait.ge [sflag:s22], s20  }
0x9f: {  	s3 =	ssub.s32 $0x0, s20;
	[sflag:s22] =	ssyncset.done $0x0  }
0xa0: {  	[sflag:s22] =	ssyncadd.s32 s3;
	_ =	sdelay $0x1  }
0xa1: {  	s23 =	simm.s32 $0x1B8B  }
0xa2: {  	_ =	swait.ge [sflag:s23], $0x1  }
0xa3: {  	[sflag:s23] =	ssyncset.done $0x0  }
0xa4: {  	s25 =	simm.s32 $0x1B8E;
	s24 =	sld [smem:$0x3FFE];
	[sflag:s23] =	ssyncadd.s32 $0xFFFFFFFF  }
0xa5: {  	s26 =	simm.s32 $execute0_lowered;
	[smem:$0x3FD2] =	sst s25  }
0xa6: {  	s4 =	sshll.u32 s26, $0x1;
	_ =	strace $0x80000049;
	[dreg:$0x1] =	wrdreg $0xFFFFFFFF  }
0xa7: {  	s28 =	simm.s32 $_size_execute0_lowered;
	s2 =	sadd.s32 s2, s4;
	[dreg:$0x0] =	wrdreg $0x0  }
0xa8: {  	s4 =	sshll.u32 s28, $0x1;
	[dreg:$0x2] =	wrdreg s2  }
0xa9: {  	[dreg:$0x3] =	wrdreg s4  }
0xaa: {  	[dreg:$0x4] =	wrdreg $0xC0  }
0xab: {  	_ =	task [dreg:s6], $0x5FFFF  }
0xac: {  	[dreg:$0x1] =	wrdreg $0xFFFFFFFF  }
0xad: {  	[dreg:$0x0] =	wrdreg $0x60  }
0xae: {  	[dreg:$0x2] =	wrdreg s24  }
0xaf: {  	[dreg:$0x3] =	wrdreg $0x9  }
0xb0: {  	_ =	task.clear_ibuf [dreg:s6], $0x4FFFF;
	_ =	strace $0x90000049  }
0xb1: {  	s29 =	simm.s32 $0x9;
	_ =	strace $0x8000004B  }
0xb2: {  	_ =	swait.ge [sflag:s29], $0x1  }
0xb3: {  	[sflag:s29] =	ssyncadd.s32 $0xFFFFFFFF  }
0xb4: {  	_ =	strace $0x9000004B  }
0xb5: {  	_ =	sfence  }
0xb6: {  	s30 =	sld [smem:$0x0];
	_ =	sdelay $0x2  }
0xb7: {  	s31 =	sshll.u32 s1, $0xD;
	s1 =	sshrl.u32 s1, $0x2  }
0xb8: {  	s3 =	sand.u32 $0x4000, s31;
	s1 =	sadd.s32 s1, s30  }
0xb9: {  	s0 =	sor.u32 s3, s0;
	s1 =	sshll.u32 s1, $0x11  }
0xba: {  	s0 =	sor.u32 s1, s0  }
0xbb: {  	s0 =	sadd.s32 $0x8F2B, s0  }
0xbc: {  	[sflag:s0] =	ssyncadd.remote.s32 $0x1  }
0xbd: {  	_ =	sfence.sel $0xFFFF  }
0xbe: {  	[dreg:$0x0] =	wrdreg $0xFFFFFFFF;
	(pc) =	sbr.abs _section_cstart, $3  }
0xbf: {  	[dreg:$0x1] =	wrdreg $0xFFFFFFFF  }
0xc0: {  	_ =	task.clear_ibuf [dreg:s6], $0x2FFFF;
	_ =	strace $0x9FFFFFFF  }
0xc1: {  	(tm) =	ssettm $0x7FFFFFFF  }
tec
execute0_lowered:
.L_overlay_start_1:
0x0: {  	(tag) =	ssettag $0x1  }
0x1: {  	s0 =	srdreg.scid  }
0x2: {  	s3 =	stileid.u32;
	s5 =	rddreg [dreg:$0x0]  }
0x3: {  	s16 =	simm.s32 $0x1C00;
	s17 =	simm.s32 $0x2000;
	s18 =	simm.s32 $0x2800  }
0x4: {  	s19 =	simm.s32 $0x2C00;
	s20 =	simm.s32 $0x3400;
	s21 =	simm.s32 $0x3800  }
0x5: {  	s22 =	simm.s32 $0x4000;
	s0 =	sand.u32 $0x1, s0;
	s1 =	smul.u32 $0x2800, s3  }
0x6: {  	s23 =	simm.s32 $0x4400;
	s24 =	simm.s32 $0x4C00;
	s2 =	smul.u32 $0x1400, s0  }
0x7: {  	s25 =	simm.s32 $0x5000;
	s7 =	simm.s32 $0x2;
	s26 =	simm.s32 $0x5800  }
0x8: {  	s8 =	simm.s32 $0x1400;
	s1 =	sadd.s32 s2, s1;
	s2 =	simm.s32 $0x0  }
0x9: {  	s9 =	simm.s32 $0x5C00;
	s10 =	simm.s32 $0x6400;
	[smem:$0x7FF] =	sst s2  }
0xa: {  	s11 =	simm.s32 $0x6800;
	_ =	strace $0x8000004A;
	[dreg:$0x3] =	wrdreg s16  }
0xb: {  	s12 =	simm.s32 $0x7000;
	s13 =	simm.s32 $0x7400;
	[dreg:$0x4] =	wrdreg s17  }
0xc: {  	s14 =	simm.s32 $0x7C00;
	s15 =	simm.s32 $0x8000;
	[dreg:$0x5] =	wrdreg s18  }
0xd: {  	s28 =	simm.s32 $0xC800;
	s3 =	sshll.u32 s3, $0x1;
	[dreg:$0x6] =	wrdreg s19  }
0xe: {  	s3 =	sor.u32 s0, s3;
	s0 =	ssub.s32 $0x2, s0;
	[dreg:$0x7] =	wrdreg s20  }
0xf: {  	s29 =	simm.s32 $0xD000;
	s6 =	sshrl.u32 s0, $0x1;
	[dreg:$0x8] =	wrdreg s21  }
0x10: {  	s30 =	simm.s32 $0x1;
	s0 =	ssub.s32 s0, s6;
	[dreg:$0x9] =	wrdreg s22  }
0x11: {  	s4 =	smul.u32 $0x1400, s3;
	s0 =	smax.u32 s0, $0x1;
	[dreg:$0xa] =	wrdreg s23  }
0x12: {  	s31 =	simm.s32 $0x0;
	s3 =	sadd.s32 $0x5A600, s5;
	[dreg:$0xf] =	wrdreg s0  }
0x13: {  	s1 =	sshrl.u32 s1, $0x3;
	s4 =	sshrl.u32 s4, $0x3;
	[dreg:$0xb] =	wrdreg s24  }
0x14: {  	s1 =	smul.u32 $0x180, s1;
	s4 =	sadd.s32 s4, s5;
	[dreg:$0xc] =	wrdreg s25  }
0x15: {  	[dreg:$0xd] =	wrdreg s26;
	s16 =	simm.s32 $0x8800;
	s17 =	simm.s32 $0x8C00  }
0x16: {  	s18 =	simm.s32 $0x9400;
	s19 =	simm.s32 $0x9800;
	s20 =	simm.s32 $0xA000  }
0x17: {  	s21 =	simm.s32 $0xA400;
	s22 =	simm.s32 $0xAC00;
	s23 =	simm.s32 $0xB000  }
0x18: {  	v2 =	vlaneseq.u32;
	s24 =	simm.s32 $0xB800;
	s4 =	sadd.s32 $0xB400, s4;
	s1 =	sadd.s32 s1, s5  }
0x19: {  	vm0 =	vmmov $0xffff;
	vm1 =	vmmov $0xff;
	v1 =	vshrl.u32 v2, $0x3;
	s25 =	simm.s32 $0xBC00;
	[dreg:$0xe] =	wrdreg s4;
	s1 =	sadd.s32 $0x14A600, s1  }
0x1a: {  	v0 =	vand.u32 $0x7, v2;
	v2 =	vor.u32 $0x8, v2;
	v1 =	vmul.u32 $0x8, v1;
	s26 =	simm.s32 $0xC400;
	s5 =	sadd.s32 $0x5A700, s5;
	[dreg:$0x2] =	wrdreg s1  }
.LBB2_1:
0x1b: {  	s0 =	rddreg [dreg:$0xe]  }
0x1c: {  	[tilespmem:s2], [sflag:$0x2] =	stream.linear.gather [hbm4b:s0+s2], $0x1400, $0x38;
	[tilespmem:$0xD400] =	vst v63  }
0x1d: {  	_ =	swait.ge [sflag:s7], $0x1400  }
0x1e: {  	[sflag:s7] =	ssyncset.done $0x0  }
0x1f: {  	s1 =	simm.s32 $0x40;
	s0 =	simm.s32 $0x0;
	[sflag:s7] =	ssyncadd.s32 $0xFFFFEC00  }
.LBB2_2:
0x20: {  	v3 =	vld [tilespmem:s1+$0xFFFFFFC0];
	_ =	sdelay $0x4  }
0x21: {  	v4 =	vshrl.u32 v3, $0x3  }
0x22: {  	v4 =	vmul.u32 $0x18, v4  }
0x23: {  	v3 =	vand.u32 $0x7, v3  }
0x24: {  	v3 =	vor.u32 v3, v4  }
0x25: {  	v4 =	vperm.xlane v3, v0;
	_ =	sdelay $0x1  }
0x26: {  	v4 =	vadd.s32 v1, v4;
	_ =	sdelay $0x1  }
0x27: {  	v3 =	vperm.xlane v3, v2;
	_ =	sdelay $0x1  }
0x28: {  	v3 =	vadd.s32 v1, v3  }
0x29: {  	[tilespmem:s8], [sflag:$0x1] =	stream.indirect_vreg.gather [hbm4b:s3+s2], $0x80, v4, vm0, $0xb8;
	[tilespmem:$0xD400] =	vst v63  }
0x2a: {  	s4 =	rddreg [dreg:$0x3]  }
0x2b: {  	[tilespmem:s4], [sflag:$0x1] =	stream.indirect_vreg.gather [hbm4b:s5+s2], $0x80, v4, vm1, $0xb8;
	[tilespmem:$0xD400] =	vst v63  }
0x2c: {  	s6 =	rddreg [dreg:$0x4]  }
0x2d: {  	[tilespmem:s6], [sflag:$0x1] =	stream.indirect_vreg.gather [hbm4b:s3+s2], $0x80, v3, vm0, $0xb8;
	[tilespmem:$0xD400] =	vst v63  }
0x2e: {  	s4 =	rddreg [dreg:$0x5]  }
0x2f: {  	[tilespmem:s4], [sflag:$0x1] =	stream.indirect_vreg.gather [hbm4b:s5+s2], $0x80, v3, vm1, $0xb8;
	[tilespmem:$0xD400] =	vst v63  }
0x30: {  	v3 =	vld [tilespmem:s1+$0xFFFFFFD0];
	_ =	sdelay $0x4  }
0x31: {  	v57 =	vshrl.u32 v3, $0x3  }
0x32: {  	v4 =	vmul.u32 $0x18, v57  }
0x33: {  	v3 =	vand.u32 $0x7, v3  }
0x34: {  	v3 =	vor.u32 v3, v4  }
0x35: {  	v4 =	vperm.xlane v3, v0;
	_ =	sdelay $0x1  }
0x36: {  	v4 =	vadd.s32 v1, v4;
	_ =	sdelay $0x1  }
0x37: {  	v3 =	vperm.xlane v3, v2;
	_ =	sdelay $0x1  }
0x38: {  	s4 =	rddreg [dreg:$0x6];
	v3 =	vadd.s32 v1, v3  }
0x39: {  	[tilespmem:s4], [sflag:$0x1] =	stream.indirect_vreg.gather [hbm4b:s3+s2], $0x80, v4, vm0, $0xb8;
	[tilespmem:$0xD400] =	vst v63  }
0x3a: {  	s6 =	rddreg [dreg:$0x7]  }
0x3b: {  	[tilespmem:s6], [sflag:$0x1] =	stream.indirect_vreg.gather [hbm4b:s5+s2], $0x80, v4, vm1, $0xb8;
	[tilespmem:$0xD400] =	vst v63  }
0x3c: {  	s4 =	rddreg [dreg:$0x8]  }
0x3d: {  	[tilespmem:s4], [sflag:$0x1] =	stream.indirect_vreg.gather [hbm4b:s3+s2], $0x80, v3, vm0, $0xb8;
	[tilespmem:$0xD400] =	vst v63  }
0x3e: {  	s6 =	rddreg [dreg:$0x9]  }
0x3f: {  	[tilespmem:s6], [sflag:$0x1] =	stream.indirect_vreg.gather [hbm4b:s5+s2], $0x80, v3, vm1, $0xb8;
	[tilespmem:$0xD400] =	vst v63  }
0x40: {  	v3 =	vld [tilespmem:s1+$0xFFFFFFE0];
	_ =	sdelay $0x4  }
0x41: {  	v58 =	vshrl.u32 v3, $0x3  }
0x42: {  	v4 =	vmul.u32 $0x18, v58  }
0x43: {  	v3 =	vand.u32 $0x7, v3  }
0x44: {  	v3 =	vor.u32 v3, v4  }
0x45: {  	v4 =	vperm.xlane v3, v0;
	_ =	sdelay $0x1  }
0x46: {  	v4 =	vadd.s32 v1, v4;
	_ =	sdelay $0x1  }
0x47: {  	v3 =	vperm.xlane v3, v2;
	_ =	sdelay $0x1  }
0x48: {  	s4 =	rddreg [dreg:$0xa];
	v3 =	vadd.s32 v1, v3  }
0x49: {  	[tilespmem:s4], [sflag:$0x1] =	stream.indirect_vreg.gather [hbm4b:s3+s2], $0x80, v4, vm0, $0xb8;
	[tilespmem:$0xD400] =	vst v63  }
0x4a: {  	s6 =	rddreg [dreg:$0xb]  }
0x4b: {  	[tilespmem:s6], [sflag:$0x1] =	stream.indirect_vreg.gather [hbm4b:s5+s2], $0x80, v4, vm1, $0xb8;
	[tilespmem:$0xD400] =	vst v63  }
0x4c: {  	s4 =	rddreg [dreg:$0xc]  }
0x4d: {  	[tilespmem:s4], [sflag:$0x1] =	stream.indirect_vreg.gather [hbm4b:s3+s2], $0x80, v3, vm0, $0xb8;
	[tilespmem:$0xD400] =	vst v63  }
0x4e: {  	s6 =	rddreg [dreg:$0xd]  }
0x4f: {  	[tilespmem:s6], [sflag:$0x1] =	stream.indirect_vreg.gather [hbm4b:s5+s2], $0x80, v3, vm1, $0xb8;
	[tilespmem:$0xD400] =	vst v63  }
0x50: {  	v3 =	vld [tilespmem:s1+$0xFFFFFFF0];
	_ =	sdelay $0x4  }
0x51: {  	v59 =	vshrl.u32 v3, $0x3  }
0x52: {  	v4 =	vmul.u32 $0x18, v59  }
0x53: {  	v3 =	vand.u32 $0x7, v3  }
0x54: {  	v3 =	vor.u32 v3, v4  }
0x55: {  	v4 =	vperm.xlane v3, v0;
	_ =	sdelay $0x1  }
0x56: {  	v4 =	vadd.s32 v1, v4;
	_ =	sdelay $0x1  }
0x57: {  	v3 =	vperm.xlane v3, v2;
	_ =	sdelay $0x1  }
0x58: {  	v3 =	vadd.s32 v1, v3  }
0x59: {  	[tilespmem:s9], [sflag:$0x1] =	stream.indirect_vreg.gather [hbm4b:s3+s2], $0x80, v4, vm0, $0xb8;
	[tilespmem:$0xD400] =	vst v63  }
0x5a: {  	_ = 	snop  }
0x5b: {  	[tilespmem:s10], [sflag:$0x1] =	stream.indirect_vreg.gather [hbm4b:s5+s2], $0x80, v4, vm1, $0xb8;
	[tilespmem:$0xD400] =	vst v63  }
0x5c: {  	_ = 	snop  }
0x5d: {  	[tilespmem:s11], [sflag:$0x1] =	stream.indirect_vreg.gather [hbm4b:s3+s2], $0x80, v3, vm0, $0xb8;
	[tilespmem:$0xD400] =	vst v63  }
0x5e: {  	_ = 	snop  }
0x5f: {  	[tilespmem:s12], [sflag:$0x1] =	stream.indirect_vreg.gather [hbm4b:s5+s2], $0x80, v3, vm1, $0xb8;
	[tilespmem:$0xD400] =	vst v63  }
0x60: {  	v3 =	vld [tilespmem:s1+$0x0];
	_ =	sdelay $0x4  }
0x61: {  	v60 =	vshrl.u32 v3, $0x3  }
0x62: {  	v4 =	vmul.u32 $0x18, v60  }
0x63: {  	v3 =	vand.u32 $0x7, v3  }
0x64: {  	v3 =	vor.u32 v3, v4  }
0x65: {  	v4 =	vperm.xlane v3, v0;
	_ =	sdelay $0x1  }
0x66: {  	v4 =	vadd.s32 v1, v4;
	_ =	sdelay $0x1  }
0x67: {  	v3 =	vperm.xlane v3, v2;
	_ =	sdelay $0x1  }
0x68: {  	v3 =	vadd.s32 v1, v3  }
0x69: {  	[tilespmem:s13], [sflag:$0x1] =	stream.indirect_vreg.gather [hbm4b:s3+s2], $0x80, v4, vm0, $0xb8;
	[tilespmem:$0xD400] =	vst v63  }
0x6a: {  	_ = 	snop  }
0x6b: {  	[tilespmem:s14], [sflag:$0x1] =	stream.indirect_vreg.gather [hbm4b:s5+s2], $0x80, v4, vm1, $0xb8;
	[tilespmem:$0xD400] =	vst v63  }
0x6c: {  	_ = 	snop  }
0x6d: {  	[tilespmem:s15], [sflag:$0x1] =	stream.indirect_vreg.gather [hbm4b:s3+s2], $0x80, v3, vm0, $0xb8;
	[tilespmem:$0xD400] =	vst v63  }
0x6e: {  	_ = 	snop  }
0x6f: {  	[tilespmem:s16], [sflag:$0x1] =	stream.indirect_vreg.gather [hbm4b:s5+s2], $0x80, v3, vm1, $0xb8;
	[tilespmem:$0xD400] =	vst v63  }
0x70: {  	v3 =	vld [tilespmem:s1+$0x10];
	_ =	sdelay $0x4  }
0x71: {  	v61 =	vshrl.u32 v3, $0x3  }
0x72: {  	v4 =	vmul.u32 $0x18, v61  }
0x73: {  	v3 =	vand.u32 $0x7, v3  }
0x74: {  	v3 =	vor.u32 v3, v4  }
0x75: {  	v4 =	vperm.xlane v3, v0;
	_ =	sdelay $0x1  }
0x76: {  	v4 =	vadd.s32 v1, v4;
	_ =	sdelay $0x1  }
0x77: {  	v3 =	vperm.xlane v3, v2;
	_ =	sdelay $0x1  }
0x78: {  	v3 =	vadd.s32 v1, v3  }
0x79: {  	[tilespmem:s17], [sflag:$0x1] =	stream.indirect_vreg.gather [hbm4b:s3+s2], $0x80, v4, vm0, $0xb8;
	[tilespmem:$0xD400] =	vst v63  }
0x7a: {  	_ = 	snop  }
0x7b: {  	[tilespmem:s18], [sflag:$0x1] =	stream.indirect_vreg.gather [hbm4b:s5+s2], $0x80, v4, vm1, $0xb8;
	[tilespmem:$0xD400] =	vst v63  }
0x7c: {  	_ = 	snop  }
0x7d: {  	[tilespmem:s19], [sflag:$0x1] =	stream.indirect_vreg.gather [hbm4b:s3+s2], $0x80, v3, vm0, $0xb8;
	[tilespmem:$0xD400] =	vst v63  }
0x7e: {  	_ = 	snop  }
0x7f: {  	[tilespmem:s20], [sflag:$0x1] =	stream.indirect_vreg.gather [hbm4b:s5+s2], $0x80, v3, vm1, $0xb8;
	[tilespmem:$0xD400] =	vst v63  }
0x80: {  	v3 =	vld [tilespmem:s1+$0x20];
	_ =	sdelay $0x4  }
0x81: {  	v62 =	vshrl.u32 v3, $0x3  }
0x82: {  	v4 =	vmul.u32 $0x18, v62  }
0x83: {  	v3 =	vand.u32 $0x7, v3  }
0x84: {  	v3 =	vor.u32 v3, v4  }
0x85: {  	v4 =	vperm.xlane v3, v0;
	_ =	sdelay $0x1  }
0x86: {  	v4 =	vadd.s32 v1, v4;
	_ =	sdelay $0x1  }
0x87: {  	v3 =	vperm.xlane v3, v2;
	_ =	sdelay $0x1  }
0x88: {  	v3 =	vadd.s32 v1, v3  }
0x89: {  	[tilespmem:s21], [sflag:$0x1] =	stream.indirect_vreg.gather [hbm4b:s3+s2], $0x80, v4, vm0, $0xb8;
	[tilespmem:$0xD400] =	vst v63  }
0x8a: {  	_ = 	snop  }
0x8b: {  	[tilespmem:s22], [sflag:$0x1] =	stream.indirect_vreg.gather [hbm4b:s5+s2], $0x80, v4, vm1, $0xb8;
	[tilespmem:$0xD400] =	vst v63  }
0x8c: {  	_ = 	snop  }
0x8d: {  	[tilespmem:s23], [sflag:$0x1] =	stream.indirect_vreg.gather [hbm4b:s3+s2], $0x80, v3, vm0, $0xb8;
	[tilespmem:$0xD400] =	vst v63  }
0x8e: {  	_ = 	snop  }
0x8f: {  	[tilespmem:s24], [sflag:$0x1] =	stream.indirect_vreg.gather [hbm4b:s5+s2], $0x80, v3, vm1, $0xb8;
	[tilespmem:$0xD400] =	vst v63  }
0x90: {  	v3 =	vld [tilespmem:s1+$0x30];
	_ =	sdelay $0x4  }
0x91: {  	v63 =	vshrl.u32 v3, $0x3  }
0x92: {  	v4 =	vmul.u32 $0x18, v63  }
0x93: {  	v3 =	vand.u32 $0x7, v3  }
0x94: {  	v3 =	vor.u32 v3, v4  }
0x95: {  	v4 =	vperm.xlane v3, v0;
	_ =	sdelay $0x1  }
0x96: {  	v4 =	vadd.s32 v1, v4;
	_ =	sdelay $0x1  }
0x97: {  	v3 =	vperm.xlane v3, v2;
	_ =	sdelay $0x1  }
0x98: {  	v3 =	vadd.s32 v1, v3  }
0x99: {  	[tilespmem:s25], [sflag:$0x1] =	stream.indirect_vreg.gather [hbm4b:s3+s2], $0x80, v4, vm0, $0xb8;
	[tilespmem:$0xD400] =	vst v63  }
0x9a: {  	_ = 	snop  }
0x9b: {  	[tilespmem:s26], [sflag:$0x1] =	stream.indirect_vreg.gather [hbm4b:s5+s2], $0x80, v4, vm1, $0xb8;
	[tilespmem:$0xD400] =	vst v63  }
0x9c: {  	_ = 	snop  }
0x9d: {  	[tilespmem:s28], [sflag:$0x1] =	stream.indirect_vreg.gather [hbm4b:s3+s2], $0x80, v3, vm0, $0xb8;
	[tilespmem:$0xD400] =	vst v63  }
0x9e: {  	_ = 	snop  }
0x9f: {  	[tilespmem:s29], [sflag:$0x1] =	stream.indirect_vreg.gather [hbm4b:s5+s2], $0x80, v3, vm1, $0xb8;
	[tilespmem:$0xD400] =	vst v63  }
0xa0: {  	_ =	swait.ge [sflag:s30], $0xC000  }
0xa1: {  	p0 =	sne.s32 s0, $0x3A800;
	s6 =	rddreg [dreg:$0x2];
	[sflag:s30] =	ssyncset.done $0x0  }
.Ltmp0:
0xa2: {  	[sflag:s30] =	ssyncadd.s32 $0xFFFF4000;
	s4 =	sadd.s32 s0, s6;
	(pc) =	sbr.rel @p0 .LBB2_2-.Ltmp0, $4  }
0xa3: {  	[hbm4b:s4+s2] =	stream.linear.scatter [tilespmem:s8], [sflag:$0x2], $0xC000, $0x38;
	[tilespmem:$0xD400] =	vst v63  }
0xa4: {  	_ =	swait.ge [sflag:s7], $0xC000  }
0xa5: {  	[sflag:s7] =	ssyncset.done $0x0  }
0xa6: {  	s1 =	sadd.s32 $0x80, s1;
	s0 =	sadd.s32 $0x1800, s0;
	[sflag:s7] =	ssyncadd.s32 $0xFFFF4000  }
0xa7: {  	s31 =	sadd.s32 $0x1, s31;
	s0 =	rddreg [dreg:$0xf]  }
0xa8: {  	p0 =	sne.s32 s31, s0  }
.Ltmp1:
0xa9: {  	_ = 	snop;
	(pc) =	sbr.rel @p0 .LBB2_1-.Ltmp1, $1  }
0xaa: {  	_ =	sdelay $0x3  }
0xab: {  	_ =	sfence.sel $0x180000  }
0xac: {  	[bflag:$0x0] =	sbarrier.arrive $0xFFFF  }
0xad: {  	_ =	strace $0x9000004A  }
0xae: {  	s0 =	stileid.u32;
	[bflag:$0x2] =	sbarrier.arrive $0xFFFF  }
0xaf: {  	p0 =	sne.s32 s0, $0x0;
	s0 =	rddreg [dreg:$0x1]  }
0xb0: {  	s0 =	sadd.s32 @!p0 $0x100000, s0  }
0xb1: {  	[sflag:s0] =	ssyncadd.tile.s32 @!p0 $0x1;
	_ =	shalt  }
.Lfunc_end2:
_tile_overlayer_lowered:
.L_overlay_start_2:
0xb2: {  	(tag) =	ssettag $0x2  }
0xb3: {  	s0 =	rddreg [dreg:$0x0];
	s2 =	stileid.u32  }
0xb4: {  	s1 =	rddreg [dreg:$0x1];
	p0 =	sne.s32 s2, $0x0  }
0xb5: {  	s3 =	rddreg [dreg:$0x2];
	[bflag:$0x3] =	sbarrier.arrive $0xFFFF;
	s2 =	simm.s32 @!p0 $0x1C02  }
0xb6: {  	[timem:s3], [sflag:s2] =	dma.local @!p0 [hbm:s0], s1  }
0xb7: {  	s0 =	simm.s32 @!p0 $0x2  }
0xb8: {  	_ =	swait.ge @!p0 [sflag:s0], s1  }
0xb9: {  	s1 =	ssub.s32 @!p0 $0x0, s1;
	[sflag:s0] =	ssyncset.done @!p0 $0x0  }
0xba: {  	[sflag:s0] =	ssyncadd.s32 @!p0 s1  }
0xbb: {  	[bflag:$0x3] =	sbarrier.arrive $0xFFFF  }
0xbc: {  	_ =	shalt  }

// kernel: kernel.19.cloned.1.call-start
scs
__scs_entry_jumppad:
0x0: {  	(pc) =	sbr.rel $0x88, $3  }
0x1: {  	(tag) =	ssettag $0x0;
	lr =	simm.s32 $0x1  }
0x2: {  	[smem:$0x3F96] =	sst lr;
	_ =	strace $0xD0000000  }
0x3: {  	_ = 	snop  }
0x4: {  	_ = 	snop  }
0x5: {  	_ = 	snop  }
0x6: {  	_ = 	snop  }
0x7: {  	_ = 	snop  }
__scs_overlays_trampoline_lowered:
0x8: {  	[smem:$0x3FA5] =	sst s0  }
0x9: {  	[smem:$0x3FA6] =	sst s1  }
0xa: {  	[smem:$0x3FA7] =	sst s2  }
0xb: {  	[smem:$0x3FA8] =	sst s3  }
0xc: {  	[smem:$0x3FA9] =	sst s4  }
0xd: {  	[smem:$0x3FAA] =	sst s5  }
0xe: {  	[smem:$0x3FAB] =	sst s6  }
0xf: {  	[smem:$0x3FAC] =	sst s7  }
0x10: {  	[smem:$0x3FAD] =	sst s8  }
0x11: {  	[smem:$0x3FAE] =	sst s9;
	s0 =	simm.s32 @!p0 $0x0  }
0x12: {  	s1 =	sld [smem:$0x3F94];
	s0 =	simm.s32 @p0 $0x1  }
0x13: {  	[smem:$0x3FAF] =	sst s0;
	s0 =	simm.s32 @!p1 $0x0  }
0x14: {  	s2 =	sld [smem:$0x3F93];
	s0 =	simm.s32 @p1 $0x1  }
0x15: {  	[smem:$0x3FB0] =	sst s0;
	s0 =	simm.s32 @!p2 $0x0  }
0x16: {  	s3 =	sld [smem:$0x3FDB];
	s0 =	simm.s32 @p2 $0x1  }
0x17: {  	s4 =	simm.s32 $0x1BF5;
	[smem:$0x3FB2] =	sst s0  }
0x18: {  	s0 =	sld [smem:$0x3F95];
	_ =	swait.ge [sflag:s4], $0x0  }
0x19: {  	s7 =	sld [smem:$0x3F96]  }
0x1a: {  	s8 =	sadd.s32 $0xFFFFE003, lr  }
0x1b: {  	s9 =	sadd.s32 $0xFFFFFEF7, lr;
	s5 =	simm.s32 $0xFFFFFFFF;
	p2 =	slt.u32 s8, $0xFFFFF086  }
0x1c: {  	p1 =	slt.u32 s9, $0xF7A;
	s5 =	simm.s32 @!p2 $0x0  }
0x1d: {  	s5 =	simm.s32 @p1 $0x1;
	p0 =	seq.s32 s7, s2  }
0x1e: {  	s7 =	smul.u32 @!p0 $0xF7A, s2;
	p2 =	seq.s32 @!p0 s5, $0x0  }
0x1f: {  	s9 =	smul.u32 $0xF7A, s1;
	s8 =	simm.s32 @!p0 $0x1BF5;
	p2 =	por !p2, p0  }
0x20: {  	[sflag:s8] =	ssyncset.s32 @!p0 $0xFFFFF086;
	s6 =	sadd.s32 @!p0 s3, s7;
	s7 =	simm.s32 @!p0 $0x108  }
0x21: {  	s3 =	sadd.s32 s3, s9;
	s6 =	sadd.s32 @!p0 $0x88, s6;
	s7 =	simm.s32 @p2 $0x1082  }
0x22: {  	[simem:s7], [sflag:s8] =	dma.local @!p0 [hbm:s6], $0xF7A  }
0x23: {  	s9 =	sor.u32 $0xD0000000, s2;
	s6 =	simm.s32 $0x108;
	_ =	swait.ge @!p0 [sflag:s8], $0x0  }
0x24: {  	s3 =	sadd.s32 $0x88, s3;
	s6 =	simm.s32 @!p1 $0x1082;
	[sflag:s4] =	ssyncset.s32 $0xFFFFF086  }
0x25: {  	[simem:s6], [sflag:s4] =	dma.local [hbm:s3], $0xF7A  }
0x26: {  	[smem:$0x3F96] =	sst s1;
	(tag) =	ssettag s2;
	_ =	strace s9  }
0x27: {  	s1 =	sld [smem:$0x3FA6]  }
0x28: {  	s2 =	sld [smem:$0x3FA7]  }
0x29: {  	s4 =	sld [smem:$0x3FA9]  }
0x2a: {  	p0 =	seq.s32 s5, $0x0;
	s5 =	sld [smem:$0x3FAA]  }
0x2b: {  	s6 =	sld [smem:$0x3FAB]  }
0x2c: {  	s7 =	sld [smem:$0x3FAC]  }
0x2d: {  	s3 =	simm.s32 $0x108;
	s8 =	sld [smem:$0x3FAD]  }
0x2e: {  	s3 =	simm.s32 @!p0 $0x1082;
	s9 =	sld [smem:$0x3FAE]  }
0x2f: {  	lr =	sadd.s32 s0, s3;
	s0 =	sld [smem:$0x3FA5]  }
0x30: {  	s3 =	sld [smem:$0x3FA8]  }
0x31: {  	[smem:$0x3FB1] =	sst s10  }
0x32: {  	s10 =	sld [smem:$0x3FAF];
	_ =	sdelay $0x3  }
0x33: {  	p0 =	seq.s32 s10, $0x1;
	s10 =	sld [smem:$0x3FB1];
	_ =	sdelay $0x3  }
0x34: {  	[smem:$0x3FB1] =	sst s10  }
0x35: {  	s10 =	sld [smem:$0x3FB0];
	_ =	sdelay $0x3  }
0x36: {  	p1 =	seq.s32 s10, $0x1;
	s10 =	sld [smem:$0x3FB1];
	_ =	sdelay $0x3  }
0x37: {  	[smem:$0x3FB1] =	sst s10  }
0x38: {  	s10 =	sld [smem:$0x3FB2]  }
0x39: {  	_ = 	snop;
	(pc) =	sbr.ind lr, $3  }
0x3a: {  	_ = 	snop  }
0x3b: {  	_ = 	snop  }
0x3c: {  	p2 =	seq.s32 s10, $0x1;
	s10 =	sld [smem:$0x3FB1]  }
0x3d: {  	_ =	shalt  }
0x3e: {  	_ =	shalt  }
0x3f: {  	_ =	shalt  }
0x40: {  	_ =	shalt  }
0x41: {  	_ =	shalt  }
0x42: {  	_ =	shalt  }
0x43: {  	_ =	shalt  }
0x44: {  	_ =	shalt  }
0x45: {  	_ =	shalt  }
0x46: {  	_ =	shalt  }
0x47: {  	_ =	shalt  }
0x48: {  	_ =	shalt  }
0x49: {  	_ =	shalt  }
0x4a: {  	_ =	shalt  }
0x4b: {  	_ =	shalt  }
0x4c: {  	_ =	shalt  }
0x4d: {  	_ =	shalt  }
0x4e: {  	_ =	shalt  }
0x4f: {  	_ =	shalt  }
0x50: {  	_ =	shalt  }
0x51: {  	_ =	shalt  }
0x52: {  	_ =	shalt  }
0x53: {  	_ =	shalt  }
0x54: {  	_ =	shalt  }
0x55: {  	_ =	shalt  }
0x56: {  	_ =	shalt  }
0x57: {  	_ =	shalt  }
0x58: {  	_ =	shalt  }
0x59: {  	_ =	shalt  }
0x5a: {  	_ =	shalt  }
0x5b: {  	_ =	shalt  }
0x5c: {  	_ =	shalt  }
0x5d: {  	_ =	shalt  }
0x5e: {  	_ =	shalt  }
0x5f: {  	_ =	shalt  }
0x60: {  	_ =	shalt  }
0x61: {  	_ =	shalt  }
0x62: {  	_ =	shalt  }
0x63: {  	_ =	shalt  }
0x64: {  	_ =	shalt  }
0x65: {  	_ =	shalt  }
0x66: {  	_ =	shalt  }
0x67: {  	_ =	shalt  }
0x68: {  	_ =	shalt  }
0x69: {  	_ =	shalt  }
0x6a: {  	_ =	shalt  }
0x6b: {  	_ =	shalt  }
0x6c: {  	_ =	shalt  }
0x6d: {  	_ =	shalt  }
0x6e: {  	_ =	shalt  }
0x6f: {  	_ =	shalt  }
0x70: {  	_ =	shalt  }
0x71: {  	_ =	shalt  }
0x72: {  	_ =	shalt  }
0x73: {  	_ =	shalt  }
0x74: {  	_ =	shalt  }
0x75: {  	_ =	shalt  }
0x76: {  	_ =	shalt  }
0x77: {  	_ =	shalt  }
0x78: {  	_ =	shalt  }
0x79: {  	_ =	shalt  }
0x7a: {  	_ =	shalt  }
0x7b: {  	_ =	shalt  }
0x7c: {  	_ =	shalt  }
0x7d: {  	_ =	shalt  }
0x7e: {  	_ =	shalt  }
0x7f: {  	_ =	shalt  }
0x80: {  	_ =	shalt  }
0x81: {  	_ =	shalt  }
0x82: {  	_ =	shalt  }
0x83: {  	_ =	shalt  }
0x84: {  	_ =	shalt  }
0x85: {  	_ =	shalt  }
0x86: {  	_ =	shalt  }
0x87: {  	_ =	shalt  }
.Lfunc_end0:
.L_simem_size_0:
called_computation.2_lowered:
.L_overlay_start_0:
0x88: {  	s2 =	sld [smem:$0x3FD9]  }
0x89: {  	s3 =	sld [smem:$0x3FFE];
	_ =	sdelay $0x1  }
0x8a: {  	s1 =	srdreg.scid  }
0x8b: {  	s0 =	sand.u32 $0x1, s1  }
0x8c: {  	s16 =	sshll.u32 s0, $0xA;
	s2 =	sadd.s32 s3, s2  }
0x8d: {  	s2 =	sadd.s32 s2, s16  }
0x8e: {  	[smem:$0x3FBD] =	sst s2  }
0x8f: {  	_ = 	snop  }
0x90: {  	(tm) =	ssettm $0x1  }
0x91: {  	s17 =	sld [smem:$0x3FFB];
	_ =	sdelay $0x3  }
0x92: {  	_ =	strace s17  }
0x93: {  	s2 =	sld [smem:$0x3FFC];
	_ =	sdelay $0x3  }
0x94: {  	_ =	strace s2  }
0x95: {  	s2 =	sld [smem:$0x3FFD];
	_ =	sdelay $0x3  }
0x96: {  	_ =	strace s2  }
0x97: {  	_ =	strace $0x8FFFFFFF  }
0x98: {  	s18 =	sld [smem:$0x3FDB];
	_ =	sdelay $0x1  }
0x99: {  	s19 =	simm.s32 $_scs_section_size  }
0x9a: {  	s4 =	simm.s32 $_size__tile_overlayer_lowered;
	s5 =	simm.s32 $_tile_overlayer_lowered  }
0x9b: {  	s22 =	simm.s32 $0x1BFF;
	s21 =	sshll.u32 s5, $0x1;
	s2 =	sadd.s32 s19, s18  }
0x9c: {  	s6 =	simm.s32 $0x0;
	s20 =	sshll.u32 s4, $0x1;
	s4 =	sadd.s32 s21, s2  }
0x9d: {  	[timem:s6], [sflag:s22] =	dma.local [hbm:s4], s20  }
0x9e: {  	_ =	swait.ge [sflag:s22], s20  }
0x9f: {  	s3 =	ssub.s32 $0x0, s20;
	[sflag:s22] =	ssyncset.done $0x0  }
0xa0: {  	[sflag:s22] =	ssyncadd.s32 s3;
	_ =	sdelay $0x1  }
0xa1: {  	s23 =	simm.s32 $0x1B8B  }
0xa2: {  	_ =	swait.ge [sflag:s23], $0x1  }
0xa3: {  	[sflag:s23] =	ssyncset.done $0x0  }
0xa4: {  	s25 =	simm.s32 $0x1B8E;
	s24 =	sld [smem:$0x3FFE];
	[sflag:s23] =	ssyncadd.s32 $0xFFFFFFFF  }
0xa5: {  	s26 =	simm.s32 $execute0_lowered;
	[smem:$0x3FD2] =	sst s25  }
0xa6: {  	s4 =	sshll.u32 s26, $0x1;
	_ =	strace $0x8000004C;
	[dreg:$0x1] =	wrdreg $0xFFFFFFFF  }
0xa7: {  	s28 =	simm.s32 $_size_execute0_lowered;
	s2 =	sadd.s32 s2, s4;
	[dreg:$0x0] =	wrdreg $0x0  }
0xa8: {  	s4 =	sshll.u32 s28, $0x1;
	[dreg:$0x2] =	wrdreg s2  }
0xa9: {  	[dreg:$0x3] =	wrdreg s4  }
0xaa: {  	[dreg:$0x4] =	wrdreg $0xC0  }
0xab: {  	_ =	task [dreg:s6], $0x5FFFF  }
0xac: {  	[dreg:$0x1] =	wrdreg $0xFFFFFFFF  }
0xad: {  	[dreg:$0x0] =	wrdreg $0x60  }
0xae: {  	[dreg:$0x2] =	wrdreg s24  }
0xaf: {  	[dreg:$0x3] =	wrdreg $0x9  }
0xb0: {  	_ =	task.clear_ibuf [dreg:s6], $0x4FFFF;
	_ =	strace $0x9000004C  }
0xb1: {  	s29 =	simm.s32 $0x9;
	_ =	strace $0x8000004E  }
0xb2: {  	_ =	swait.ge [sflag:s29], $0x1  }
0xb3: {  	[sflag:s29] =	ssyncadd.s32 $0xFFFFFFFF  }
0xb4: {  	_ =	strace $0x9000004E  }
0xb5: {  	_ =	sfence  }
0xb6: {  	s30 =	sld [smem:$0x0];
	_ =	sdelay $0x2  }
0xb7: {  	s31 =	sshll.u32 s1, $0xD;
	s1 =	sshrl.u32 s1, $0x2  }
0xb8: {  	s3 =	sand.u32 $0x4000, s31;
	s1 =	sadd.s32 s1, s30  }
0xb9: {  	s0 =	sor.u32 s3, s0;
	s1 =	sshll.u32 s1, $0x11  }
0xba: {  	s0 =	sor.u32 s1, s0  }
0xbb: {  	s0 =	sadd.s32 $0x8F2B, s0  }
0xbc: {  	[sflag:s0] =	ssyncadd.remote.s32 $0x1  }
0xbd: {  	_ =	sfence.sel $0xFFFF  }
0xbe: {  	[dreg:$0x0] =	wrdreg $0xFFFFFFFF;
	(pc) =	sbr.abs _section_cstart, $3  }
0xbf: {  	[dreg:$0x1] =	wrdreg $0xFFFFFFFF  }
0xc0: {  	_ =	task.clear_ibuf [dreg:s6], $0x2FFFF;
	_ =	strace $0x9FFFFFFF  }
0xc1: {  	(tm) =	ssettm $0x7FFFFFFF  }
tec
execute0_lowered:
.L_overlay_start_1:
0x0: {  	(tag) =	ssettag $0x1  }
0x1: {  	s0 =	srdreg.scid  }
0x2: {  	s3 =	stileid.u32;
	s5 =	rddreg [dreg:$0x0]  }
0x3: {  	s16 =	simm.s32 $0x1C00;
	s17 =	simm.s32 $0x2000;
	s18 =	simm.s32 $0x2800  }
0x4: {  	s19 =	simm.s32 $0x2C00;
	s20 =	simm.s32 $0x3400;
	s21 =	simm.s32 $0x3800  }
0x5: {  	s22 =	simm.s32 $0x4000;
	s0 =	sand.u32 $0x1, s0;
	s1 =	smul.u32 $0x2800, s3  }
0x6: {  	s23 =	simm.s32 $0x4400;
	s24 =	simm.s32 $0x4C00;
	s2 =	smul.u32 $0x1400, s0  }
0x7: {  	s25 =	simm.s32 $0x5000;
	s7 =	simm.s32 $0x2;
	s26 =	simm.s32 $0x5800  }
0x8: {  	s8 =	simm.s32 $0x1400;
	s1 =	sadd.s32 s2, s1;
	s2 =	simm.s32 $0x0  }
0x9: {  	s9 =	simm.s32 $0x5C00;
	s10 =	simm.s32 $0x6400;
	[smem:$0x7FF] =	sst s2  }
0xa: {  	s11 =	simm.s32 $0x6800;
	_ =	strace $0x8000004D;
	[dreg:$0x3] =	wrdreg s16  }
0xb: {  	s12 =	simm.s32 $0x7000;
	s13 =	simm.s32 $0x7400;
	[dreg:$0x4] =	wrdreg s17  }
0xc: {  	s14 =	simm.s32 $0x7C00;
	s15 =	simm.s32 $0x8000;
	[dreg:$0x5] =	wrdreg s18  }
0xd: {  	s28 =	simm.s32 $0xC800;
	s3 =	sshll.u32 s3, $0x1;
	[dreg:$0x6] =	wrdreg s19  }
0xe: {  	s3 =	sor.u32 s0, s3;
	s0 =	ssub.s32 $0x2, s0;
	[dreg:$0x7] =	wrdreg s20  }
0xf: {  	s29 =	simm.s32 $0xD000;
	s6 =	sshrl.u32 s0, $0x1;
	[dreg:$0x8] =	wrdreg s21  }
0x10: {  	s30 =	simm.s32 $0x1;
	s0 =	ssub.s32 s0, s6;
	[dreg:$0x9] =	wrdreg s22  }
0x11: {  	s4 =	smul.u32 $0x1400, s3;
	s0 =	smax.u32 s0, $0x1;
	[dreg:$0xa] =	wrdreg s23  }
0x12: {  	s31 =	simm.s32 $0x0;
	s3 =	sadd.s32 $0x6C600, s5;
	[dreg:$0xf] =	wrdreg s0  }
0x13: {  	s1 =	sshrl.u32 s1, $0x3;
	s4 =	sshrl.u32 s4, $0x3;
	[dreg:$0xb] =	wrdreg s24  }
0x14: {  	s1 =	smul.u32 $0x180, s1;
	s4 =	sadd.s32 s4, s5;
	[dreg:$0xc] =	wrdreg s25  }
0x15: {  	[dreg:$0xd] =	wrdreg s26;
	s16 =	simm.s32 $0x8800;
	s17 =	simm.s32 $0x8C00  }
0x16: {  	s18 =	simm.s32 $0x9400;
	s19 =	simm.s32 $0x9800;
	s20 =	simm.s32 $0xA000  }
0x17: {  	s21 =	simm.s32 $0xA400;
	s22 =	simm.s32 $0xAC00;
	s23 =	simm.s32 $0xB000  }
0x18: {  	v2 =	vlaneseq.u32;
	s24 =	simm.s32 $0xB800;
	s4 =	sadd.s32 $0xB400, s4;
	s1 =	sadd.s32 s1, s5  }
0x19: {  	vm0 =	vmmov $0xffff;
	vm1 =	vmmov $0xff;
	v1 =	vshrl.u32 v2, $0x3;
	s25 =	simm.s32 $0xBC00;
	[dreg:$0xe] =	wrdreg s4;
	s1 =	sadd.s32 $0x15C600, s1  }
0x1a: {  	v0 =	vand.u32 $0x7, v2;
	v2 =	vor.u32 $0x8, v2;
	v1 =	vmul.u32 $0x8, v1;
	s26 =	simm.s32 $0xC400;
	s5 =	sadd.s32 $0x6C700, s5;
	[dreg:$0x2] =	wrdreg s1  }
.LBB2_1:
0x1b: {  	s0 =	rddreg [dreg:$0xe]  }
0x1c: {  	[tilespmem:s2], [sflag:$0x2] =	stream.linear.gather [hbm4b:s0+s2], $0x1400, $0x38;
	[tilespmem:$0xD400] =	vst v63  }
0x1d: {  	_ =	swait.ge [sflag:s7], $0x1400  }
0x1e: {  	[sflag:s7] =	ssyncset.done $0x0  }
0x1f: {  	s1 =	simm.s32 $0x40;
	s0 =	simm.s32 $0x0;
	[sflag:s7] =	ssyncadd.s32 $0xFFFFEC00  }
.LBB2_2:
0x20: {  	v3 =	vld [tilespmem:s1+$0xFFFFFFC0];
	_ =	sdelay $0x4  }
0x21: {  	v4 =	vshrl.u32 v3, $0x3  }
0x22: {  	v4 =	vmul.u32 $0x18, v4  }
0x23: {  	v3 =	vand.u32 $0x7, v3  }
0x24: {  	v3 =	vor.u32 v3, v4  }
0x25: {  	v4 =	vperm.xlane v3, v0;
	_ =	sdelay $0x1  }
0x26: {  	v4 =	vadd.s32 v1, v4;
	_ =	sdelay $0x1  }
0x27: {  	v3 =	vperm.xlane v3, v2;
	_ =	sdelay $0x1  }
0x28: {  	v3 =	vadd.s32 v1, v3  }
0x29: {  	[tilespmem:s8], [sflag:$0x1] =	stream.indirect_vreg.gather [hbm4b:s3+s2], $0x80, v4, vm0, $0xb8;
	[tilespmem:$0xD400] =	vst v63  }
0x2a: {  	s4 =	rddreg [dreg:$0x3]  }
0x2b: {  	[tilespmem:s4], [sflag:$0x1] =	stream.indirect_vreg.gather [hbm4b:s5+s2], $0x80, v4, vm1, $0xb8;
	[tilespmem:$0xD400] =	vst v63  }
0x2c: {  	s6 =	rddreg [dreg:$0x4]  }
0x2d: {  	[tilespmem:s6], [sflag:$0x1] =	stream.indirect_vreg.gather [hbm4b:s3+s2], $0x80, v3, vm0, $0xb8;
	[tilespmem:$0xD400] =	vst v63  }
0x2e: {  	s4 =	rddreg [dreg:$0x5]  }
0x2f: {  	[tilespmem:s4], [sflag:$0x1] =	stream.indirect_vreg.gather [hbm4b:s5+s2], $0x80, v3, vm1, $0xb8;
	[tilespmem:$0xD400] =	vst v63  }
0x30: {  	v3 =	vld [tilespmem:s1+$0xFFFFFFD0];
	_ =	sdelay $0x4  }
0x31: {  	v57 =	vshrl.u32 v3, $0x3  }
0x32: {  	v4 =	vmul.u32 $0x18, v57  }
0x33: {  	v3 =	vand.u32 $0x7, v3  }
0x34: {  	v3 =	vor.u32 v3, v4  }
0x35: {  	v4 =	vperm.xlane v3, v0;
	_ =	sdelay $0x1  }
0x36: {  	v4 =	vadd.s32 v1, v4;
	_ =	sdelay $0x1  }
0x37: {  	v3 =	vperm.xlane v3, v2;
	_ =	sdelay $0x1  }
0x38: {  	s4 =	rddreg [dreg:$0x6];
	v3 =	vadd.s32 v1, v3  }
0x39: {  	[tilespmem:s4], [sflag:$0x1] =	stream.indirect_vreg.gather [hbm4b:s3+s2], $0x80, v4, vm0, $0xb8;
	[tilespmem:$0xD400] =	vst v63  }
0x3a: {  	s6 =	rddreg [dreg:$0x7]  }
0x3b: {  	[tilespmem:s6], [sflag:$0x1] =	stream.indirect_vreg.gather [hbm4b:s5+s2], $0x80, v4, vm1, $0xb8;
	[tilespmem:$0xD400] =	vst v63  }
0x3c: {  	s4 =	rddreg [dreg:$0x8]  }
0x3d: {  	[tilespmem:s4], [sflag:$0x1] =	stream.indirect_vreg.gather [hbm4b:s3+s2], $0x80, v3, vm0, $0xb8;
	[tilespmem:$0xD400] =	vst v63  }
0x3e: {  	s6 =	rddreg [dreg:$0x9]  }
0x3f: {  	[tilespmem:s6], [sflag:$0x1] =	stream.indirect_vreg.gather [hbm4b:s5+s2], $0x80, v3, vm1, $0xb8;
	[tilespmem:$0xD400] =	vst v63  }
0x40: {  	v3 =	vld [tilespmem:s1+$0xFFFFFFE0];
	_ =	sdelay $0x4  }
0x41: {  	v58 =	vshrl.u32 v3, $0x3  }
0x42: {  	v4 =	vmul.u32 $0x18, v58  }
0x43: {  	v3 =	vand.u32 $0x7, v3  }
0x44: {  	v3 =	vor.u32 v3, v4  }
0x45: {  	v4 =	vperm.xlane v3, v0;
	_ =	sdelay $0x1  }
0x46: {  	v4 =	vadd.s32 v1, v4;
	_ =	sdelay $0x1  }
0x47: {  	v3 =	vperm.xlane v3, v2;
	_ =	sdelay $0x1  }
0x48: {  	s4 =	rddreg [dreg:$0xa];
	v3 =	vadd.s32 v1, v3  }
0x49: {  	[tilespmem:s4], [sflag:$0x1] =	stream.indirect_vreg.gather [hbm4b:s3+s2], $0x80, v4, vm0, $0xb8;
	[tilespmem:$0xD400] =	vst v63  }
0x4a: {  	s6 =	rddreg [dreg:$0xb]  }
0x4b: {  	[tilespmem:s6], [sflag:$0x1] =	stream.indirect_vreg.gather [hbm4b:s5+s2], $0x80, v4, vm1, $0xb8;
	[tilespmem:$0xD400] =	vst v63  }
0x4c: {  	s4 =	rddreg [dreg:$0xc]  }
0x4d: {  	[tilespmem:s4], [sflag:$0x1] =	stream.indirect_vreg.gather [hbm4b:s3+s2], $0x80, v3, vm0, $0xb8;
	[tilespmem:$0xD400] =	vst v63  }
0x4e: {  	s6 =	rddreg [dreg:$0xd]  }
0x4f: {  	[tilespmem:s6], [sflag:$0x1] =	stream.indirect_vreg.gather [hbm4b:s5+s2], $0x80, v3, vm1, $0xb8;
	[tilespmem:$0xD400] =	vst v63  }
0x50: {  	v3 =	vld [tilespmem:s1+$0xFFFFFFF0];
	_ =	sdelay $0x4  }
0x51: {  	v59 =	vshrl.u32 v3, $0x3  }
0x52: {  	v4 =	vmul.u32 $0x18, v59  }
0x53: {  	v3 =	vand.u32 $0x7, v3  }
0x54: {  	v3 =	vor.u32 v3, v4  }
0x55: {  	v4 =	vperm.xlane v3, v0;
	_ =	sdelay $0x1  }
0x56: {  	v4 =	vadd.s32 v1, v4;
	_ =	sdelay $0x1  }
0x57: {  	v3 =	vperm.xlane v3, v2;
	_ =	sdelay $0x1  }
0x58: {  	v3 =	vadd.s32 v1, v3  }
0x59: {  	[tilespmem:s9], [sflag:$0x1] =	stream.indirect_vreg.gather [hbm4b:s3+s2], $0x80, v4, vm0, $0xb8;
	[tilespmem:$0xD400] =	vst v63  }
0x5a: {  	_ = 	snop  }
0x5b: {  	[tilespmem:s10], [sflag:$0x1] =	stream.indirect_vreg.gather [hbm4b:s5+s2], $0x80, v4, vm1, $0xb8;
	[tilespmem:$0xD400] =	vst v63  }
0x5c: {  	_ = 	snop  }
0x5d: {  	[tilespmem:s11], [sflag:$0x1] =	stream.indirect_vreg.gather [hbm4b:s3+s2], $0x80, v3, vm0, $0xb8;
	[tilespmem:$0xD400] =	vst v63  }
0x5e: {  	_ = 	snop  }
0x5f: {  	[tilespmem:s12], [sflag:$0x1] =	stream.indirect_vreg.gather [hbm4b:s5+s2], $0x80, v3, vm1, $0xb8;
	[tilespmem:$0xD400] =	vst v63  }
0x60: {  	v3 =	vld [tilespmem:s1+$0x0];
	_ =	sdelay $0x4  }
0x61: {  	v60 =	vshrl.u32 v3, $0x3  }
0x62: {  	v4 =	vmul.u32 $0x18, v60  }
0x63: {  	v3 =	vand.u32 $0x7, v3  }
0x64: {  	v3 =	vor.u32 v3, v4  }
0x65: {  	v4 =	vperm.xlane v3, v0;
	_ =	sdelay $0x1  }
0x66: {  	v4 =	vadd.s32 v1, v4;
	_ =	sdelay $0x1  }
0x67: {  	v3 =	vperm.xlane v3, v2;
	_ =	sdelay $0x1  }
0x68: {  	v3 =	vadd.s32 v1, v3  }
0x69: {  	[tilespmem:s13], [sflag:$0x1] =	stream.indirect_vreg.gather [hbm4b:s3+s2], $0x80, v4, vm0, $0xb8;
	[tilespmem:$0xD400] =	vst v63  }
0x6a: {  	_ = 	snop  }
0x6b: {  	[tilespmem:s14], [sflag:$0x1] =	stream.indirect_vreg.gather [hbm4b:s5+s2], $0x80, v4, vm1, $0xb8;
	[tilespmem:$0xD400] =	vst v63  }
0x6c: {  	_ = 	snop  }
0x6d: {  	[tilespmem:s15], [sflag:$0x1] =	stream.indirect_vreg.gather [hbm4b:s3+s2], $0x80, v3, vm0, $0xb8;
	[tilespmem:$0xD400] =	vst v63  }
0x6e: {  	_ = 	snop  }
0x6f: {  	[tilespmem:s16], [sflag:$0x1] =	stream.indirect_vreg.gather [hbm4b:s5+s2], $0x80, v3, vm1, $0xb8;
	[tilespmem:$0xD400] =	vst v63  }
0x70: {  	v3 =	vld [tilespmem:s1+$0x10];
	_ =	sdelay $0x4  }
0x71: {  	v61 =	vshrl.u32 v3, $0x3  }
0x72: {  	v4 =	vmul.u32 $0x18, v61  }
0x73: {  	v3 =	vand.u32 $0x7, v3  }
0x74: {  	v3 =	vor.u32 v3, v4  }
0x75: {  	v4 =	vperm.xlane v3, v0;
	_ =	sdelay $0x1  }
0x76: {  	v4 =	vadd.s32 v1, v4;
	_ =	sdelay $0x1  }
0x77: {  	v3 =	vperm.xlane v3, v2;
	_ =	sdelay $0x1  }
0x78: {  	v3 =	vadd.s32 v1, v3  }
0x79: {  	[tilespmem:s17], [sflag:$0x1] =	stream.indirect_vreg.gather [hbm4b:s3+s2], $0x80, v4, vm0, $0xb8;
	[tilespmem:$0xD400] =	vst v63  }
0x7a: {  	_ = 	snop  }
0x7b: {  	[tilespmem:s18], [sflag:$0x1] =	stream.indirect_vreg.gather [hbm4b:s5+s2], $0x80, v4, vm1, $0xb8;
	[tilespmem:$0xD400] =	vst v63  }
0x7c: {  	_ = 	snop  }
0x7d: {  	[tilespmem:s19], [sflag:$0x1] =	stream.indirect_vreg.gather [hbm4b:s3+s2], $0x80, v3, vm0, $0xb8;
	[tilespmem:$0xD400] =	vst v63  }
0x7e: {  	_ = 	snop  }
0x7f: {  	[tilespmem:s20], [sflag:$0x1] =	stream.indirect_vreg.gather [hbm4b:s5+s2], $0x80, v3, vm1, $0xb8;
	[tilespmem:$0xD400] =	vst v63  }
0x80: {  	v3 =	vld [tilespmem:s1+$0x20];
	_ =	sdelay $0x4  }
0x81: {  	v62 =	vshrl.u32 v3, $0x3  }
0x82: {  	v4 =	vmul.u32 $0x18, v62  }
0x83: {  	v3 =	vand.u32 $0x7, v3  }
0x84: {  	v3 =	vor.u32 v3, v4  }
0x85: {  	v4 =	vperm.xlane v3, v0;
	_ =	sdelay $0x1  }
0x86: {  	v4 =	vadd.s32 v1, v4;
	_ =	sdelay $0x1  }
0x87: {  	v3 =	vperm.xlane v3, v2;
	_ =	sdelay $0x1  }
0x88: {  	v3 =	vadd.s32 v1, v3  }
0x89: {  	[tilespmem:s21], [sflag:$0x1] =	stream.indirect_vreg.gather [hbm4b:s3+s2], $0x80, v4, vm0, $0xb8;
	[tilespmem:$0xD400] =	vst v63  }
0x8a: {  	_ = 	snop  }
0x8b: {  	[tilespmem:s22], [sflag:$0x1] =	stream.indirect_vreg.gather [hbm4b:s5+s2], $0x80, v4, vm1, $0xb8;
	[tilespmem:$0xD400] =	vst v63  }
0x8c: {  	_ = 	snop  }
0x8d: {  	[tilespmem:s23], [sflag:$0x1] =	stream.indirect_vreg.gather [hbm4b:s3+s2], $0x80, v3, vm0, $0xb8;
	[tilespmem:$0xD400] =	vst v63  }
0x8e: {  	_ = 	snop  }
0x8f: {  	[tilespmem:s24], [sflag:$0x1] =	stream.indirect_vreg.gather [hbm4b:s5+s2], $0x80, v3, vm1, $0xb8;
	[tilespmem:$0xD400] =	vst v63  }
0x90: {  	v3 =	vld [tilespmem:s1+$0x30];
	_ =	sdelay $0x4  }
0x91: {  	v63 =	vshrl.u32 v3, $0x3  }
0x92: {  	v4 =	vmul.u32 $0x18, v63  }
0x93: {  	v3 =	vand.u32 $0x7, v3  }
0x94: {  	v3 =	vor.u32 v3, v4  }
0x95: {  	v4 =	vperm.xlane v3, v0;
	_ =	sdelay $0x1  }
0x96: {  	v4 =	vadd.s32 v1, v4;
	_ =	sdelay $0x1  }
0x97: {  	v3 =	vperm.xlane v3, v2;
	_ =	sdelay $0x1  }
0x98: {  	v3 =	vadd.s32 v1, v3  }
0x99: {  	[tilespmem:s25], [sflag:$0x1] =	stream.indirect_vreg.gather [hbm4b:s3+s2], $0x80, v4, vm0, $0xb8;
	[tilespmem:$0xD400] =	vst v63  }
0x9a: {  	_ = 	snop  }
0x9b: {  	[tilespmem:s26], [sflag:$0x1] =	stream.indirect_vreg.gather [hbm4b:s5+s2], $0x80, v4, vm1, $0xb8;
	[tilespmem:$0xD400] =	vst v63  }
0x9c: {  	_ = 	snop  }
0x9d: {  	[tilespmem:s28], [sflag:$0x1] =	stream.indirect_vreg.gather [hbm4b:s3+s2], $0x80, v3, vm0, $0xb8;
	[tilespmem:$0xD400] =	vst v63  }
0x9e: {  	_ = 	snop  }
0x9f: {  	[tilespmem:s29], [sflag:$0x1] =	stream.indirect_vreg.gather [hbm4b:s5+s2], $0x80, v3, vm1, $0xb8;
	[tilespmem:$0xD400] =	vst v63  }
0xa0: {  	_ =	swait.ge [sflag:s30], $0xC000  }
0xa1: {  	p0 =	sne.s32 s0, $0x3A800;
	s6 =	rddreg [dreg:$0x2];
	[sflag:s30] =	ssyncset.done $0x0  }
.Ltmp0:
0xa2: {  	[sflag:s30] =	ssyncadd.s32 $0xFFFF4000;
	s4 =	sadd.s32 s0, s6;
	(pc) =	sbr.rel @p0 .LBB2_2-.Ltmp0, $4  }
0xa3: {  	[hbm4b:s4+s2] =	stream.linear.scatter [tilespmem:s8], [sflag:$0x2], $0xC000, $0x38;
	[tilespmem:$0xD400] =	vst v63  }
0xa4: {  	_ =	swait.ge [sflag:s7], $0xC000  }
0xa5: {  	[sflag:s7] =	ssyncset.done $0x0  }
0xa6: {  	s1 =	sadd.s32 $0x80, s1;
	s0 =	sadd.s32 $0x1800, s0;
	[sflag:s7] =	ssyncadd.s32 $0xFFFF4000  }
0xa7: {  	s31 =	sadd.s32 $0x1, s31;
	s0 =	rddreg [dreg:$0xf]  }
0xa8: {  	p0 =	sne.s32 s31, s0  }
.Ltmp1:
0xa9: {  	_ = 	snop;
	(pc) =	sbr.rel @p0 .LBB2_1-.Ltmp1, $1  }
0xaa: {  	_ =	sdelay $0x3  }
0xab: {  	_ =	sfence.sel $0x180000  }
0xac: {  	[bflag:$0x0] =	sbarrier.arrive $0xFFFF  }
0xad: {  	_ =	strace $0x9000004D  }
0xae: {  	s0 =	stileid.u32;
	[bflag:$0x2] =	sbarrier.arrive $0xFFFF  }
0xaf: {  	p0 =	sne.s32 s0, $0x0;
	s0 =	rddreg [dreg:$0x1]  }
0xb0: {  	s0 =	sadd.s32 @!p0 $0x100000, s0  }
0xb1: {  	[sflag:s0] =	ssyncadd.tile.s32 @!p0 $0x1;
	_ =	shalt  }
.Lfunc_end2:
_tile_overlayer_lowered:
.L_overlay_start_2:
0xb2: {  	(tag) =	ssettag $0x2  }
0xb3: {  	s0 =	rddreg [dreg:$0x0];
	s2 =	stileid.u32  }
0xb4: {  	s1 =	rddreg [dreg:$0x1];
	p0 =	sne.s32 s2, $0x0  }
0xb5: {  	s3 =	rddreg [dreg:$0x2];
	[bflag:$0x3] =	sbarrier.arrive $0xFFFF;
	s2 =	simm.s32 @!p0 $0x1C02  }
0xb6: {  	[timem:s3], [sflag:s2] =	dma.local @!p0 [hbm:s0], s1  }
0xb7: {  	s0 =	simm.s32 @!p0 $0x2  }
0xb8: {  	_ =	swait.ge @!p0 [sflag:s0], s1  }
0xb9: {  	s1 =	ssub.s32 @!p0 $0x0, s1;
	[sflag:s0] =	ssyncset.done @!p0 $0x0  }
0xba: {  	[sflag:s0] =	ssyncadd.s32 @!p0 s1  }
0xbb: {  	[bflag:$0x3] =	sbarrier.arrive $0xFFFF  }
0xbc: {  	_ =	shalt  }

// kernel: kernel.22.cloned.1.call-start
scs
__scs_entry_jumppad:
0x0: {  	(pc) =	sbr.rel $0x88, $3  }
0x1: {  	(tag) =	ssettag $0x0;
	lr =	simm.s32 $0x1  }
0x2: {  	[smem:$0x3F96] =	sst lr;
	_ =	strace $0xD0000000  }
0x3: {  	_ = 	snop  }
0x4: {  	_ = 	snop  }
0x5: {  	_ = 	snop  }
0x6: {  	_ = 	snop  }
0x7: {  	_ = 	snop  }
__scs_overlays_trampoline_lowered:
0x8: {  	[smem:$0x3FA5] =	sst s0  }
0x9: {  	[smem:$0x3FA6] =	sst s1  }
0xa: {  	[smem:$0x3FA7] =	sst s2  }
0xb: {  	[smem:$0x3FA8] =	sst s3  }
0xc: {  	[smem:$0x3FA9] =	sst s4  }
0xd: {  	[smem:$0x3FAA] =	sst s5  }
0xe: {  	[smem:$0x3FAB] =	sst s6  }
0xf: {  	[smem:$0x3FAC] =	sst s7  }
0x10: {  	[smem:$0x3FAD] =	sst s8  }
0x11: {  	[smem:$0x3FAE] =	sst s9;
	s0 =	simm.s32 @!p0 $0x0  }
0x12: {  	s1 =	sld [smem:$0x3F94];
	s0 =	simm.s32 @p0 $0x1  }
0x13: {  	[smem:$0x3FAF] =	sst s0;
	s0 =	simm.s32 @!p1 $0x0  }
0x14: {  	s2 =	sld [smem:$0x3F93];
	s0 =	simm.s32 @p1 $0x1  }
0x15: {  	[smem:$0x3FB0] =	sst s0;
	s0 =	simm.s32 @!p2 $0x0  }
0x16: {  	s3 =	sld [smem:$0x3FDB];
	s0 =	simm.s32 @p2 $0x1  }
0x17: {  	s4 =	simm.s32 $0x1BF5;
	[smem:$0x3FB2] =	sst s0  }
0x18: {  	s0 =	sld [smem:$0x3F95];
	_ =	swait.ge [sflag:s4], $0x0  }
0x19: {  	s7 =	sld [smem:$0x3F96]  }
0x1a: {  	s8 =	sadd.s32 $0xFFFFE003, lr  }
0x1b: {  	s9 =	sadd.s32 $0xFFFFFEF7, lr;
	s5 =	simm.s32 $0xFFFFFFFF;
	p2 =	slt.u32 s8, $0xFFFFF086  }
0x1c: {  	p1 =	slt.u32 s9, $0xF7A;
	s5 =	simm.s32 @!p2 $0x0  }
0x1d: {  	s5 =	simm.s32 @p1 $0x1;
	p0 =	seq.s32 s7, s2  }
0x1e: {  	s7 =	smul.u32 @!p0 $0xF7A, s2;
	p2 =	seq.s32 @!p0 s5, $0x0  }
0x1f: {  	s9 =	smul.u32 $0xF7A, s1;
	s8 =	simm.s32 @!p0 $0x1BF5;
	p2 =	por !p2, p0  }
0x20: {  	[sflag:s8] =	ssyncset.s32 @!p0 $0xFFFFF086;
	s6 =	sadd.s32 @!p0 s3, s7;
	s7 =	simm.s32 @!p0 $0x108  }
0x21: {  	s3 =	sadd.s32 s3, s9;
	s6 =	sadd.s32 @!p0 $0x88, s6;
	s7 =	simm.s32 @p2 $0x1082  }
0x22: {  	[simem:s7], [sflag:s8] =	dma.local @!p0 [hbm:s6], $0xF7A  }
0x23: {  	s9 =	sor.u32 $0xD0000000, s2;
	s6 =	simm.s32 $0x108;
	_ =	swait.ge @!p0 [sflag:s8], $0x0  }
0x24: {  	s3 =	sadd.s32 $0x88, s3;
	s6 =	simm.s32 @!p1 $0x1082;
	[sflag:s4] =	ssyncset.s32 $0xFFFFF086  }
0x25: {  	[simem:s6], [sflag:s4] =	dma.local [hbm:s3], $0xF7A  }
0x26: {  	[smem:$0x3F96] =	sst s1;
	(tag) =	ssettag s2;
	_ =	strace s9  }
0x27: {  	s1 =	sld [smem:$0x3FA6]  }
0x28: {  	s2 =	sld [smem:$0x3FA7]  }
0x29: {  	s4 =	sld [smem:$0x3FA9]  }
0x2a: {  	p0 =	seq.s32 s5, $0x0;
	s5 =	sld [smem:$0x3FAA]  }
0x2b: {  	s6 =	sld [smem:$0x3FAB]  }
0x2c: {  	s7 =	sld [smem:$0x3FAC]  }
0x2d: {  	s3 =	simm.s32 $0x108;
	s8 =	sld [smem:$0x3FAD]  }
0x2e: {  	s3 =	simm.s32 @!p0 $0x1082;
	s9 =	sld [smem:$0x3FAE]  }
0x2f: {  	lr =	sadd.s32 s0, s3;
	s0 =	sld [smem:$0x3FA5]  }
0x30: {  	s3 =	sld [smem:$0x3FA8]  }
0x31: {  	[smem:$0x3FB1] =	sst s10  }
0x32: {  	s10 =	sld [smem:$0x3FAF];
	_ =	sdelay $0x3  }
0x33: {  	p0 =	seq.s32 s10, $0x1;
	s10 =	sld [smem:$0x3FB1];
	_ =	sdelay $0x3  }
0x34: {  	[smem:$0x3FB1] =	sst s10  }
0x35: {  	s10 =	sld [smem:$0x3FB0];
	_ =	sdelay $0x3  }
0x36: {  	p1 =	seq.s32 s10, $0x1;
	s10 =	sld [smem:$0x3FB1];
	_ =	sdelay $0x3  }
0x37: {  	[smem:$0x3FB1] =	sst s10  }
0x38: {  	s10 =	sld [smem:$0x3FB2]  }
0x39: {  	_ = 	snop;
	(pc) =	sbr.ind lr, $3  }
0x3a: {  	_ = 	snop  }
0x3b: {  	_ = 	snop  }
0x3c: {  	p2 =	seq.s32 s10, $0x1;
	s10 =	sld [smem:$0x3FB1]  }
0x3d: {  	_ =	shalt  }
0x3e: {  	_ =	shalt  }
0x3f: {  	_ =	shalt  }
0x40: {  	_ =	shalt  }
0x41: {  	_ =	shalt  }
0x42: {  	_ =	shalt  }
0x43: {  	_ =	shalt  }
0x44: {  	_ =	shalt  }
0x45: {  	_ =	shalt  }
0x46: {  	_ =	shalt  }
0x47: {  	_ =	shalt  }
0x48: {  	_ =	shalt  }
0x49: {  	_ =	shalt  }
0x4a: {  	_ =	shalt  }
0x4b: {  	_ =	shalt  }
0x4c: {  	_ =	shalt  }
0x4d: {  	_ =	shalt  }
0x4e: {  	_ =	shalt  }
0x4f: {  	_ =	shalt  }
0x50: {  	_ =	shalt  }
0x51: {  	_ =	shalt  }
0x52: {  	_ =	shalt  }
0x53: {  	_ =	shalt  }
0x54: {  	_ =	shalt  }
0x55: {  	_ =	shalt  }
0x56: {  	_ =	shalt  }
0x57: {  	_ =	shalt  }
0x58: {  	_ =	shalt  }
0x59: {  	_ =	shalt  }
0x5a: {  	_ =	shalt  }
0x5b: {  	_ =	shalt  }
0x5c: {  	_ =	shalt  }
0x5d: {  	_ =	shalt  }
0x5e: {  	_ =	shalt  }
0x5f: {  	_ =	shalt  }
0x60: {  	_ =	shalt  }
0x61: {  	_ =	shalt  }
0x62: {  	_ =	shalt  }
0x63: {  	_ =	shalt  }
0x64: {  	_ =	shalt  }
0x65: {  	_ =	shalt  }
0x66: {  	_ =	shalt  }
0x67: {  	_ =	shalt  }
0x68: {  	_ =	shalt  }
0x69: {  	_ =	shalt  }
0x6a: {  	_ =	shalt  }
0x6b: {  	_ =	shalt  }
0x6c: {  	_ =	shalt  }
0x6d: {  	_ =	shalt  }
0x6e: {  	_ =	shalt  }
0x6f: {  	_ =	shalt  }
0x70: {  	_ =	shalt  }
0x71: {  	_ =	shalt  }
0x72: {  	_ =	shalt  }
0x73: {  	_ =	shalt  }
0x74: {  	_ =	shalt  }
0x75: {  	_ =	shalt  }
0x76: {  	_ =	shalt  }
0x77: {  	_ =	shalt  }
0x78: {  	_ =	shalt  }
0x79: {  	_ =	shalt  }
0x7a: {  	_ =	shalt  }
0x7b: {  	_ =	shalt  }
0x7c: {  	_ =	shalt  }
0x7d: {  	_ =	shalt  }
0x7e: {  	_ =	shalt  }
0x7f: {  	_ =	shalt  }
0x80: {  	_ =	shalt  }
0x81: {  	_ =	shalt  }
0x82: {  	_ =	shalt  }
0x83: {  	_ =	shalt  }
0x84: {  	_ =	shalt  }
0x85: {  	_ =	shalt  }
0x86: {  	_ =	shalt  }
0x87: {  	_ =	shalt  }
.Lfunc_end0:
.L_simem_size_0:
called_computation.3_lowered:
.L_overlay_start_0:
0x88: {  	s2 =	sld [smem:$0x3FD9]  }
0x89: {  	s3 =	sld [smem:$0x3FFE];
	_ =	sdelay $0x1  }
0x8a: {  	s1 =	srdreg.scid  }
0x8b: {  	s0 =	sand.u32 $0x1, s1  }
0x8c: {  	s16 =	sshll.u32 s0, $0xA;
	s2 =	sadd.s32 s3, s2  }
0x8d: {  	s2 =	sadd.s32 s2, s16  }
0x8e: {  	[smem:$0x3FBD] =	sst s2  }
0x8f: {  	_ = 	snop  }
0x90: {  	(tm) =	ssettm $0x1  }
0x91: {  	s17 =	sld [smem:$0x3FFB];
	_ =	sdelay $0x3  }
0x92: {  	_ =	strace s17  }
0x93: {  	s2 =	sld [smem:$0x3FFC];
	_ =	sdelay $0x3  }
0x94: {  	_ =	strace s2  }
0x95: {  	s2 =	sld [smem:$0x3FFD];
	_ =	sdelay $0x3  }
0x96: {  	_ =	strace s2  }
0x97: {  	_ =	strace $0x8FFFFFFF  }
0x98: {  	s18 =	sld [smem:$0x3FDB];
	_ =	sdelay $0x1  }
0x99: {  	s19 =	simm.s32 $_scs_section_size  }
0x9a: {  	s4 =	simm.s32 $_size__tile_overlayer_lowered;
	s5 =	simm.s32 $_tile_overlayer_lowered  }
0x9b: {  	s22 =	simm.s32 $0x1BFF;
	s21 =	sshll.u32 s5, $0x1;
	s2 =	sadd.s32 s19, s18  }
0x9c: {  	s6 =	simm.s32 $0x0;
	s20 =	sshll.u32 s4, $0x1;
	s4 =	sadd.s32 s21, s2  }
0x9d: {  	[timem:s6], [sflag:s22] =	dma.local [hbm:s4], s20  }
0x9e: {  	_ =	swait.ge [sflag:s22], s20  }
0x9f: {  	s3 =	ssub.s32 $0x0, s20;
	[sflag:s22] =	ssyncset.done $0x0  }
0xa0: {  	[sflag:s22] =	ssyncadd.s32 s3;
	_ =	sdelay $0x1  }
0xa1: {  	s23 =	simm.s32 $0x1B8B  }
0xa2: {  	_ =	swait.ge [sflag:s23], $0x1  }
0xa3: {  	[sflag:s23] =	ssyncset.done $0x0  }
0xa4: {  	s25 =	simm.s32 $0x1B8E;
	s24 =	sld [smem:$0x3FFE];
	[sflag:s23] =	ssyncadd.s32 $0xFFFFFFFF  }
0xa5: {  	s26 =	simm.s32 $execute0_lowered;
	[smem:$0x3FD2] =	sst s25  }
0xa6: {  	s4 =	sshll.u32 s26, $0x1;
	_ =	strace $0x8000004F;
	[dreg:$0x1] =	wrdreg $0xFFFFFFFF  }
0xa7: {  	s28 =	simm.s32 $_size_execute0_lowered;
	s2 =	sadd.s32 s2, s4;
	[dreg:$0x0] =	wrdreg $0x0  }
0xa8: {  	s4 =	sshll.u32 s28, $0x1;
	[dreg:$0x2] =	wrdreg s2  }
0xa9: {  	[dreg:$0x3] =	wrdreg s4  }
0xaa: {  	[dreg:$0x4] =	wrdreg $0xC0  }
0xab: {  	_ =	task [dreg:s6], $0x5FFFF  }
0xac: {  	[dreg:$0x1] =	wrdreg $0xFFFFFFFF  }
0xad: {  	[dreg:$0x0] =	wrdreg $0x60  }
0xae: {  	[dreg:$0x2] =	wrdreg s24  }
0xaf: {  	[dreg:$0x3] =	wrdreg $0x9  }
0xb0: {  	_ =	task.clear_ibuf [dreg:s6], $0x4FFFF;
	_ =	strace $0x9000004F  }
0xb1: {  	s29 =	simm.s32 $0x9;
	_ =	strace $0x80000051  }
0xb2: {  	_ =	swait.ge [sflag:s29], $0x1  }
0xb3: {  	[sflag:s29] =	ssyncadd.s32 $0xFFFFFFFF  }
0xb4: {  	_ =	strace $0x90000051  }
0xb5: {  	_ =	sfence  }
0xb6: {  	s30 =	sld [smem:$0x0];
	_ =	sdelay $0x2  }
0xb7: {  	s31 =	sshll.u32 s1, $0xD;
	s1 =	sshrl.u32 s1, $0x2  }
0xb8: {  	s3 =	sand.u32 $0x4000, s31;
	s1 =	sadd.s32 s1, s30  }
0xb9: {  	s0 =	sor.u32 s3, s0;
	s1 =	sshll.u32 s1, $0x11  }
0xba: {  	s0 =	sor.u32 s1, s0  }
0xbb: {  	s0 =	sadd.s32 $0x8F2B, s0  }
0xbc: {  	[sflag:s0] =	ssyncadd.remote.s32 $0x1  }
0xbd: {  	_ =	sfence.sel $0xFFFF  }
0xbe: {  	[dreg:$0x0] =	wrdreg $0xFFFFFFFF;
	(pc) =	sbr.abs _section_cstart, $3  }
0xbf: {  	[dreg:$0x1] =	wrdreg $0xFFFFFFFF  }
0xc0: {  	_ =	task.clear_ibuf [dreg:s6], $0x2FFFF;
	_ =	strace $0x9FFFFFFF  }
0xc1: {  	(tm) =	ssettm $0x7FFFFFFF  }
tec
execute0_lowered:
.L_overlay_start_1:
0x0: {  	(tag) =	ssettag $0x1  }
0x1: {  	s0 =	srdreg.scid  }
0x2: {  	s3 =	stileid.u32;
	s5 =	rddreg [dreg:$0x0]  }
0x3: {  	s16 =	simm.s32 $0x1C00;
	s17 =	simm.s32 $0x2000;
	s18 =	simm.s32 $0x2800  }
0x4: {  	s19 =	simm.s32 $0x2C00;
	s20 =	simm.s32 $0x3400;
	s21 =	simm.s32 $0x3800  }
0x5: {  	s22 =	simm.s32 $0x4000;
	s0 =	sand.u32 $0x1, s0;
	s1 =	smul.u32 $0x2800, s3  }
0x6: {  	s23 =	simm.s32 $0x4400;
	s24 =	simm.s32 $0x4C00;
	s2 =	smul.u32 $0x1400, s0  }
0x7: {  	s25 =	simm.s32 $0x5000;
	s7 =	simm.s32 $0x2;
	s26 =	simm.s32 $0x5800  }
0x8: {  	s8 =	simm.s32 $0x1400;
	s1 =	sadd.s32 s2, s1;
	s2 =	simm.s32 $0x0  }
0x9: {  	s9 =	simm.s32 $0x5C00;
	s10 =	simm.s32 $0x6400;
	[smem:$0x7FF] =	sst s2  }
0xa: {  	s11 =	simm.s32 $0x6800;
	_ =	strace $0x80000050;
	[dreg:$0x3] =	wrdreg s16  }
0xb: {  	s12 =	simm.s32 $0x7000;
	s13 =	simm.s32 $0x7400;
	[dreg:$0x4] =	wrdreg s17  }
0xc: {  	s14 =	simm.s32 $0x7C00;
	s15 =	simm.s32 $0x8000;
	[dreg:$0x5] =	wrdreg s18  }
0xd: {  	s28 =	simm.s32 $0xC800;
	s3 =	sshll.u32 s3, $0x1;
	[dreg:$0x6] =	wrdreg s19  }
0xe: {  	s3 =	sor.u32 s0, s3;
	s0 =	ssub.s32 $0x2, s0;
	[dreg:$0x7] =	wrdreg s20  }
0xf: {  	s29 =	simm.s32 $0xD000;
	s6 =	sshrl.u32 s0, $0x1;
	[dreg:$0x8] =	wrdreg s21  }
0x10: {  	s30 =	simm.s32 $0x1;
	s0 =	ssub.s32 s0, s6;
	[dreg:$0x9] =	wrdreg s22  }
0x11: {  	s4 =	smul.u32 $0x1400, s3;
	s0 =	smax.u32 s0, $0x1;
	[dreg:$0xa] =	wrdreg s23  }
0x12: {  	s31 =	simm.s32 $0x0;
	s3 =	sadd.s32 $0x6C600, s5;
	[dreg:$0xf] =	wrdreg s0  }
0x13: {  	s1 =	sshrl.u32 s1, $0x3;
	s4 =	sshrl.u32 s4, $0x3;
	[dreg:$0xb] =	wrdreg s24  }
0x14: {  	s1 =	smul.u32 $0x180, s1;
	s4 =	sadd.s32 s4, s5;
	[dreg:$0xc] =	wrdreg s25  }
0x15: {  	[dreg:$0xd] =	wrdreg s26;
	s16 =	simm.s32 $0x8800;
	s17 =	simm.s32 $0x8C00  }
0x16: {  	s18 =	simm.s32 $0x9400;
	s19 =	simm.s32 $0x9800;
	s20 =	simm.s32 $0xA000  }
0x17: {  	s21 =	simm.s32 $0xA400;
	s22 =	simm.s32 $0xAC00;
	s23 =	simm.s32 $0xB000  }
0x18: {  	v2 =	vlaneseq.u32;
	s24 =	simm.s32 $0xB800;
	s4 =	sadd.s32 $0xB400, s4;
	s1 =	sadd.s32 s1, s5  }
0x19: {  	vm0 =	vmmov $0xffff;
	vm1 =	vmmov $0xff;
	v1 =	vshrl.u32 v2, $0x3;
	s25 =	simm.s32 $0xBC00;
	[dreg:$0xe] =	wrdreg s4;
	s1 =	sadd.s32 $0x15C600, s1  }
0x1a: {  	v0 =	vand.u32 $0x7, v2;
	v2 =	vor.u32 $0x8, v2;
	v1 =	vmul.u32 $0x8, v1;
	s26 =	simm.s32 $0xC400;
	s5 =	sadd.s32 $0x6C700, s5;
	[dreg:$0x2] =	wrdreg s1  }
.LBB2_1:
0x1b: {  	s0 =	rddreg [dreg:$0xe]  }
0x1c: {  	[tilespmem:s2], [sflag:$0x2] =	stream.linear.gather [hbm4b:s0+s2], $0x1400, $0x38;
	[tilespmem:$0xD400] =	vst v63  }
0x1d: {  	_ =	swait.ge [sflag:s7], $0x1400  }
0x1e: {  	[sflag:s7] =	ssyncset.done $0x0  }
0x1f: {  	s1 =	simm.s32 $0x40;
	s0 =	simm.s32 $0x0;
	[sflag:s7] =	ssyncadd.s32 $0xFFFFEC00  }
.LBB2_2:
0x20: {  	v3 =	vld [tilespmem:s1+$0xFFFFFFC0];
	_ =	sdelay $0x4  }
0x21: {  	v4 =	vshrl.u32 v3, $0x3  }
0x22: {  	v4 =	vmul.u32 $0x18, v4  }
0x23: {  	v3 =	vand.u32 $0x7, v3  }
0x24: {  	v3 =	vor.u32 v3, v4  }
0x25: {  	v4 =	vperm.xlane v3, v0;
	_ =	sdelay $0x1  }
0x26: {  	v4 =	vadd.s32 v1, v4;
	_ =	sdelay $0x1  }
0x27: {  	v3 =	vperm.xlane v3, v2;
	_ =	sdelay $0x1  }
0x28: {  	v3 =	vadd.s32 v1, v3  }
0x29: {  	[tilespmem:s8], [sflag:$0x1] =	stream.indirect_vreg.gather [hbm4b:s3+s2], $0x80, v4, vm0, $0xb8;
	[tilespmem:$0xD400] =	vst v63  }
0x2a: {  	s4 =	rddreg [dreg:$0x3]  }
0x2b: {  	[tilespmem:s4], [sflag:$0x1] =	stream.indirect_vreg.gather [hbm4b:s5+s2], $0x80, v4, vm1, $0xb8;
	[tilespmem:$0xD400] =	vst v63  }
0x2c: {  	s6 =	rddreg [dreg:$0x4]  }
0x2d: {  	[tilespmem:s6], [sflag:$0x1] =	stream.indirect_vreg.gather [hbm4b:s3+s2], $0x80, v3, vm0, $0xb8;
	[tilespmem:$0xD400] =	vst v63  }
0x2e: {  	s4 =	rddreg [dreg:$0x5]  }
0x2f: {  	[tilespmem:s4], [sflag:$0x1] =	stream.indirect_vreg.gather [hbm4b:s5+s2], $0x80, v3, vm1, $0xb8;
	[tilespmem:$0xD400] =	vst v63  }
0x30: {  	v3 =	vld [tilespmem:s1+$0xFFFFFFD0];
	_ =	sdelay $0x4  }
0x31: {  	v57 =	vshrl.u32 v3, $0x3  }
0x32: {  	v4 =	vmul.u32 $0x18, v57  }
0x33: {  	v3 =	vand.u32 $0x7, v3  }
0x34: {  	v3 =	vor.u32 v3, v4  }
0x35: {  	v4 =	vperm.xlane v3, v0;
	_ =	sdelay $0x1  }
0x36: {  	v4 =	vadd.s32 v1, v4;
	_ =	sdelay $0x1  }
0x37: {  	v3 =	vperm.xlane v3, v2;
	_ =	sdelay $0x1  }
0x38: {  	s4 =	rddreg [dreg:$0x6];
	v3 =	vadd.s32 v1, v3  }
0x39: {  	[tilespmem:s4], [sflag:$0x1] =	stream.indirect_vreg.gather [hbm4b:s3+s2], $0x80, v4, vm0, $0xb8;
	[tilespmem:$0xD400] =	vst v63  }
0x3a: {  	s6 =	rddreg [dreg:$0x7]  }
0x3b: {  	[tilespmem:s6], [sflag:$0x1] =	stream.indirect_vreg.gather [hbm4b:s5+s2], $0x80, v4, vm1, $0xb8;
	[tilespmem:$0xD400] =	vst v63  }
0x3c: {  	s4 =	rddreg [dreg:$0x8]  }
0x3d: {  	[tilespmem:s4], [sflag:$0x1] =	stream.indirect_vreg.gather [hbm4b:s3+s2], $0x80, v3, vm0, $0xb8;
	[tilespmem:$0xD400] =	vst v63  }
0x3e: {  	s6 =	rddreg [dreg:$0x9]  }
0x3f: {  	[tilespmem:s6], [sflag:$0x1] =	stream.indirect_vreg.gather [hbm4b:s5+s2], $0x80, v3, vm1, $0xb8;
	[tilespmem:$0xD400] =	vst v63  }
0x40: {  	v3 =	vld [tilespmem:s1+$0xFFFFFFE0];
	_ =	sdelay $0x4  }
0x41: {  	v58 =	vshrl.u32 v3, $0x3  }
0x42: {  	v4 =	vmul.u32 $0x18, v58  }
0x43: {  	v3 =	vand.u32 $0x7, v3  }
0x44: {  	v3 =	vor.u32 v3, v4  }
0x45: {  	v4 =	vperm.xlane v3, v0;
	_ =	sdelay $0x1  }
0x46: {  	v4 =	vadd.s32 v1, v4;
	_ =	sdelay $0x1  }
0x47: {  	v3 =	vperm.xlane v3, v2;
	_ =	sdelay $0x1  }
0x48: {  	s4 =	rddreg [dreg:$0xa];
	v3 =	vadd.s32 v1, v3  }
0x49: {  	[tilespmem:s4], [sflag:$0x1] =	stream.indirect_vreg.gather [hbm4b:s3+s2], $0x80, v4, vm0, $0xb8;
	[tilespmem:$0xD400] =	vst v63  }
0x4a: {  	s6 =	rddreg [dreg:$0xb]  }
0x4b: {  	[tilespmem:s6], [sflag:$0x1] =	stream.indirect_vreg.gather [hbm4b:s5+s2], $0x80, v4, vm1, $0xb8;
	[tilespmem:$0xD400] =	vst v63  }
0x4c: {  	s4 =	rddreg [dreg:$0xc]  }
0x4d: {  	[tilespmem:s4], [sflag:$0x1] =	stream.indirect_vreg.gather [hbm4b:s3+s2], $0x80, v3, vm0, $0xb8;
	[tilespmem:$0xD400] =	vst v63  }
0x4e: {  	s6 =	rddreg [dreg:$0xd]  }
0x4f: {  	[tilespmem:s6], [sflag:$0x1] =	stream.indirect_vreg.gather [hbm4b:s5+s2], $0x80, v3, vm1, $0xb8;
	[tilespmem:$0xD400] =	vst v63  }
0x50: {  	v3 =	vld [tilespmem:s1+$0xFFFFFFF0];
	_ =	sdelay $0x4  }
0x51: {  	v59 =	vshrl.u32 v3, $0x3  }
0x52: {  	v4 =	vmul.u32 $0x18, v59  }
0x53: {  	v3 =	vand.u32 $0x7, v3  }
0x54: {  	v3 =	vor.u32 v3, v4  }
0x55: {  	v4 =	vperm.xlane v3, v0;
	_ =	sdelay $0x1  }
0x56: {  	v4 =	vadd.s32 v1, v4;
	_ =	sdelay $0x1  }
0x57: {  	v3 =	vperm.xlane v3, v2;
	_ =	sdelay $0x1  }
0x58: {  	v3 =	vadd.s32 v1, v3  }
0x59: {  	[tilespmem:s9], [sflag:$0x1] =	stream.indirect_vreg.gather [hbm4b:s3+s2], $0x80, v4, vm0, $0xb8;
	[tilespmem:$0xD400] =	vst v63  }
0x5a: {  	_ = 	snop  }
0x5b: {  	[tilespmem:s10], [sflag:$0x1] =	stream.indirect_vreg.gather [hbm4b:s5+s2], $0x80, v4, vm1, $0xb8;
	[tilespmem:$0xD400] =	vst v63  }
0x5c: {  	_ = 	snop  }
0x5d: {  	[tilespmem:s11], [sflag:$0x1] =	stream.indirect_vreg.gather [hbm4b:s3+s2], $0x80, v3, vm0, $0xb8;
	[tilespmem:$0xD400] =	vst v63  }
0x5e: {  	_ = 	snop  }
0x5f: {  	[tilespmem:s12], [sflag:$0x1] =	stream.indirect_vreg.gather [hbm4b:s5+s2], $0x80, v3, vm1, $0xb8;
	[tilespmem:$0xD400] =	vst v63  }
0x60: {  	v3 =	vld [tilespmem:s1+$0x0];
	_ =	sdelay $0x4  }
0x61: {  	v60 =	vshrl.u32 v3, $0x3  }
0x62: {  	v4 =	vmul.u32 $0x18, v60  }
0x63: {  	v3 =	vand.u32 $0x7, v3  }
0x64: {  	v3 =	vor.u32 v3, v4  }
0x65: {  	v4 =	vperm.xlane v3, v0;
	_ =	sdelay $0x1  }
0x66: {  	v4 =	vadd.s32 v1, v4;
	_ =	sdelay $0x1  }
0x67: {  	v3 =	vperm.xlane v3, v2;
	_ =	sdelay $0x1  }
0x68: {  	v3 =	vadd.s32 v1, v3  }
0x69: {  	[tilespmem:s13], [sflag:$0x1] =	stream.indirect_vreg.gather [hbm4b:s3+s2], $0x80, v4, vm0, $0xb8;
	[tilespmem:$0xD400] =	vst v63  }
0x6a: {  	_ = 	snop  }
0x6b: {  	[tilespmem:s14], [sflag:$0x1] =	stream.indirect_vreg.gather [hbm4b:s5+s2], $0x80, v4, vm1, $0xb8;
	[tilespmem:$0xD400] =	vst v63  }
0x6c: {  	_ = 	snop  }
0x6d: {  	[tilespmem:s15], [sflag:$0x1] =	stream.indirect_vreg.gather [hbm4b:s3+s2], $0x80, v3, vm0, $0xb8;
	[tilespmem:$0xD400] =	vst v63  }
0x6e: {  	_ = 	snop  }
0x6f: {  	[tilespmem:s16], [sflag:$0x1] =	stream.indirect_vreg.gather [hbm4b:s5+s2], $0x80, v3, vm1, $0xb8;
	[tilespmem:$0xD400] =	vst v63  }
0x70: {  	v3 =	vld [tilespmem:s1+$0x10];
	_ =	sdelay $0x4  }
0x71: {  	v61 =	vshrl.u32 v3, $0x3  }
0x72: {  	v4 =	vmul.u32 $0x18, v61  }
0x73: {  	v3 =	vand.u32 $0x7, v3  }
0x74: {  	v3 =	vor.u32 v3, v4  }
0x75: {  	v4 =	vperm.xlane v3, v0;
	_ =	sdelay $0x1  }
0x76: {  	v4 =	vadd.s32 v1, v4;
	_ =	sdelay $0x1  }
0x77: {  	v3 =	vperm.xlane v3, v2;
	_ =	sdelay $0x1  }
0x78: {  	v3 =	vadd.s32 v1, v3  }
0x79: {  	[tilespmem:s17], [sflag:$0x1] =	stream.indirect_vreg.gather [hbm4b:s3+s2], $0x80, v4, vm0, $0xb8;
	[tilespmem:$0xD400] =	vst v63  }
0x7a: {  	_ = 	snop  }
0x7b: {  	[tilespmem:s18], [sflag:$0x1] =	stream.indirect_vreg.gather [hbm4b:s5+s2], $0x80, v4, vm1, $0xb8;
	[tilespmem:$0xD400] =	vst v63  }
0x7c: {  	_ = 	snop  }
0x7d: {  	[tilespmem:s19], [sflag:$0x1] =	stream.indirect_vreg.gather [hbm4b:s3+s2], $0x80, v3, vm0, $0xb8;
	[tilespmem:$0xD400] =	vst v63  }
0x7e: {  	_ = 	snop  }
0x7f: {  	[tilespmem:s20], [sflag:$0x1] =	stream.indirect_vreg.gather [hbm4b:s5+s2], $0x80, v3, vm1, $0xb8;
	[tilespmem:$0xD400] =	vst v63  }
0x80: {  	v3 =	vld [tilespmem:s1+$0x20];
	_ =	sdelay $0x4  }
0x81: {  	v62 =	vshrl.u32 v3, $0x3  }
0x82: {  	v4 =	vmul.u32 $0x18, v62  }
0x83: {  	v3 =	vand.u32 $0x7, v3  }
0x84: {  	v3 =	vor.u32 v3, v4  }
0x85: {  	v4 =	vperm.xlane v3, v0;
	_ =	sdelay $0x1  }
0x86: {  	v4 =	vadd.s32 v1, v4;
	_ =	sdelay $0x1  }
0x87: {  	v3 =	vperm.xlane v3, v2;
	_ =	sdelay $0x1  }
0x88: {  	v3 =	vadd.s32 v1, v3  }
0x89: {  	[tilespmem:s21], [sflag:$0x1] =	stream.indirect_vreg.gather [hbm4b:s3+s2], $0x80, v4, vm0, $0xb8;
	[tilespmem:$0xD400] =	vst v63  }
0x8a: {  	_ = 	snop  }
0x8b: {  	[tilespmem:s22], [sflag:$0x1] =	stream.indirect_vreg.gather [hbm4b:s5+s2], $0x80, v4, vm1, $0xb8;
	[tilespmem:$0xD400] =	vst v63  }
0x8c: {  	_ = 	snop  }
0x8d: {  	[tilespmem:s23], [sflag:$0x1] =	stream.indirect_vreg.gather [hbm4b:s3+s2], $0x80, v3, vm0, $0xb8;
	[tilespmem:$0xD400] =	vst v63  }
0x8e: {  	_ = 	snop  }
0x8f: {  	[tilespmem:s24], [sflag:$0x1] =	stream.indirect_vreg.gather [hbm4b:s5+s2], $0x80, v3, vm1, $0xb8;
	[tilespmem:$0xD400] =	vst v63  }
0x90: {  	v3 =	vld [tilespmem:s1+$0x30];
	_ =	sdelay $0x4  }
0x91: {  	v63 =	vshrl.u32 v3, $0x3  }
0x92: {  	v4 =	vmul.u32 $0x18, v63  }
0x93: {  	v3 =	vand.u32 $0x7, v3  }
0x94: {  	v3 =	vor.u32 v3, v4  }
0x95: {  	v4 =	vperm.xlane v3, v0;
	_ =	sdelay $0x1  }
0x96: {  	v4 =	vadd.s32 v1, v4;
	_ =	sdelay $0x1  }
0x97: {  	v3 =	vperm.xlane v3, v2;
	_ =	sdelay $0x1  }
0x98: {  	v3 =	vadd.s32 v1, v3  }
0x99: {  	[tilespmem:s25], [sflag:$0x1] =	stream.indirect_vreg.gather [hbm4b:s3+s2], $0x80, v4, vm0, $0xb8;
	[tilespmem:$0xD400] =	vst v63  }
0x9a: {  	_ = 	snop  }
0x9b: {  	[tilespmem:s26], [sflag:$0x1] =	stream.indirect_vreg.gather [hbm4b:s5+s2], $0x80, v4, vm1, $0xb8;
	[tilespmem:$0xD400] =	vst v63  }
0x9c: {  	_ = 	snop  }
0x9d: {  	[tilespmem:s28], [sflag:$0x1] =	stream.indirect_vreg.gather [hbm4b:s3+s2], $0x80, v3, vm0, $0xb8;
	[tilespmem:$0xD400] =	vst v63  }
0x9e: {  	_ = 	snop  }
0x9f: {  	[tilespmem:s29], [sflag:$0x1] =	stream.indirect_vreg.gather [hbm4b:s5+s2], $0x80, v3, vm1, $0xb8;
	[tilespmem:$0xD400] =	vst v63  }
0xa0: {  	_ =	swait.ge [sflag:s30], $0xC000  }
0xa1: {  	p0 =	sne.s32 s0, $0x3A800;
	s6 =	rddreg [dreg:$0x2];
	[sflag:s30] =	ssyncset.done $0x0  }
.Ltmp0:
0xa2: {  	[sflag:s30] =	ssyncadd.s32 $0xFFFF4000;
	s4 =	sadd.s32 s0, s6;
	(pc) =	sbr.rel @p0 .LBB2_2-.Ltmp0, $4  }
0xa3: {  	[hbm4b:s4+s2] =	stream.linear.scatter [tilespmem:s8], [sflag:$0x2], $0xC000, $0x38;
	[tilespmem:$0xD400] =	vst v63  }
0xa4: {  	_ =	swait.ge [sflag:s7], $0xC000  }
0xa5: {  	[sflag:s7] =	ssyncset.done $0x0  }
0xa6: {  	s1 =	sadd.s32 $0x80, s1;
	s0 =	sadd.s32 $0x1800, s0;
	[sflag:s7] =	ssyncadd.s32 $0xFFFF4000  }
0xa7: {  	s31 =	sadd.s32 $0x1, s31;
	s0 =	rddreg [dreg:$0xf]  }
0xa8: {  	p0 =	sne.s32 s31, s0  }
.Ltmp1:
0xa9: {  	_ = 	snop;
	(pc) =	sbr.rel @p0 .LBB2_1-.Ltmp1, $1  }
0xaa: {  	_ =	sdelay $0x3  }
0xab: {  	_ =	sfence.sel $0x180000  }
0xac: {  	[bflag:$0x0] =	sbarrier.arrive $0xFFFF  }
0xad: {  	_ =	strace $0x90000050  }
0xae: {  	s0 =	stileid.u32;
	[bflag:$0x2] =	sbarrier.arrive $0xFFFF  }
0xaf: {  	p0 =	sne.s32 s0, $0x0;
	s0 =	rddreg [dreg:$0x1]  }
0xb0: {  	s0 =	sadd.s32 @!p0 $0x100000, s0  }
0xb1: {  	[sflag:s0] =	ssyncadd.tile.s32 @!p0 $0x1;
	_ =	shalt  }
.Lfunc_end2:
_tile_overlayer_lowered:
.L_overlay_start_2:
0xb2: {  	(tag) =	ssettag $0x2  }
0xb3: {  	s0 =	rddreg [dreg:$0x0];
	s2 =	stileid.u32  }
0xb4: {  	s1 =	rddreg [dreg:$0x1];
	p0 =	sne.s32 s2, $0x0  }
0xb5: {  	s3 =	rddreg [dreg:$0x2];
	[bflag:$0x3] =	sbarrier.arrive $0xFFFF;
	s2 =	simm.s32 @!p0 $0x1C02  }
0xb6: {  	[timem:s3], [sflag:s2] =	dma.local @!p0 [hbm:s0], s1  }
0xb7: {  	s0 =	simm.s32 @!p0 $0x2  }
0xb8: {  	_ =	swait.ge @!p0 [sflag:s0], s1  }
0xb9: {  	s1 =	ssub.s32 @!p0 $0x0, s1;
	[sflag:s0] =	ssyncset.done @!p0 $0x0  }
0xba: {  	[sflag:s0] =	ssyncadd.s32 @!p0 s1  }
0xbb: {  	[bflag:$0x3] =	sbarrier.arrive $0xFFFF  }
0xbc: {  	_ =	shalt  }

</sc_bundles>
